<compile_context>
chip_gen: v7x
topology: tpu7x:2x2x1
jax: 0.10.2.dev20260603
libtpu: 0.0.44.dev20260713+nightly
codegen_flags: <defaults>
</compile_context>

<pallas_src>
import functools

import jax
import jax.numpy as jnp
from jax import lax
from jax.experimental import pallas as pl
from jax.experimental.pallas import tpu as pltpu
from jax.experimental.pallas import tpu_sc as plsc

N = 10000
E = 160000
H = 128
D_IN = 768
N_CLASSES = 10

NC = 2
NS = 16
NW = NC * NS
CH = 128
K = 40
E_PAD = NW * K * CH
ROWS_PER_SUB = 632
N_ACC = NS * ROWS_PER_SUB

GCH = 128
K0 = 64
K1 = 16
PAIR = K0 + K1
NCH_G = E_PAD // GCH
NCH_G_PAD = 1328
NB = 4
NB_S = 2
NBAT_S = K // NB_S

ET = 2048
NT = 2000

_MESH = plsc.VectorSubcoreMesh(
    core_axis_name="c", subcore_axis_name="s", num_cores=NC, num_subcores=NS)



@functools.partial(
    pl.kernel,
    out_type=jax.ShapeDtypeStruct((E_PAD, H), jnp.float32),
    mesh=_MESH,
    scratch_types=[
        pltpu.VMEM((K0, GCH), jnp.int32),
        pltpu.VMEM((K0, GCH), jnp.int32),
        pltpu.VMEM((NB, GCH, H), jnp.float32),
        pltpu.SemaphoreType.DMA,
        pltpu.SemaphoreType.DMA,
    ],
    compiler_params=pltpu.CompilerParams(use_tc_tiling_on_sc=True),
)
def _gather_mix(tab_hbm, idxa_hbm, idxb_hbm, out, idxa, idxb, bufs, gsem, wsem):
    c = lax.axis_index("c")
    s = lax.axis_index("s")
    base = s * PAIR + c * K0
    nbat = jnp.where(c == 0, K0 // NB, K1 // NB)
    pltpu.sync_copy(idxa_hbm.at[pl.ds(base, K0)], idxa)
    pltpu.sync_copy(idxb_hbm.at[pl.ds(base, K0)], idxb)

    @pl.loop(0, nbat)
    def _batch(m):
        j0 = m * NB

        @pl.when(m > 0)
        def _drain_prev():
            for b in range(NB):
                pltpu.make_async_copy(
                    bufs.at[b], out.at[pl.ds(0, GCH)], wsem).wait()

        for b in range(NB):
            pltpu.async_copy(tab_hbm.at[idxa.at[j0 + b]], bufs.at[b], gsem)
        for b in range(NB):
            pltpu.make_async_copy(tab_hbm.at[idxa.at[0]], bufs.at[b], gsem).wait()
        for b in range(NB):
            pltpu.async_copy(tab_hbm.at[idxb.at[j0 + b]], bufs.at[b], gsem,
                             add=True)
        for b in range(NB):
            pltpu.make_async_copy(tab_hbm.at[idxb.at[0]], bufs.at[b], gsem).wait()
        for b in range(NB):
            pltpu.async_copy(
                bufs.at[b], out.at[pl.ds((base + j0 + b) * GCH, GCH)], wsem)

    for b in range(NB):
        pltpu.make_async_copy(bufs.at[b], out.at[pl.ds(0, GCH)], wsem).wait()


@functools.partial(
    pl.kernel,
    out_type=jax.ShapeDtypeStruct((2, N_ACC, H), jnp.float32),
    mesh=_MESH,
    scratch_types=[
        pltpu.VMEM((K, CH), jnp.int32),
        pltpu.VMEM((NB_S, CH, H), jnp.float32),
        pltpu.VMEM_SHARED((N_ACC, H), jnp.float32),
        pltpu.SemaphoreType.DMA,
        pltpu.SemaphoreType.DMA,
    ],
    compiler_params=pltpu.CompilerParams(use_tc_tiling_on_sc=True),
)
def _segsum(e_hbm, idx_hbm, z_hbm, out, idxv, bufs, acc, rsem, ssem):
    c = lax.axis_index("c")
    s = lax.axis_index("s")
    w = s * NC + c
    pltpu.sync_copy(z_hbm, acc.at[pl.ds(s * ROWS_PER_SUB, ROWS_PER_SUB)])
    pltpu.sync_copy(idx_hbm.at[w], idxv)
    plsc.subcore_barrier()

    @pl.loop(0, NBAT_S)
    def _batch(m):
        j0 = m * NB_S

        @pl.when(m > 0)
        def _drain_prev():
            for b in range(NB_S):
                pltpu.make_async_copy(bufs.at[b], acc.at[idxv.at[0]],
                                      ssem).wait()

        for b in range(NB_S):
            pltpu.async_copy(
                e_hbm.at[pl.ds((w * K + j0 + b) * CH, CH)], bufs.at[b], rsem)
        for b in range(NB_S):
            pltpu.make_async_copy(
                e_hbm.at[pl.ds(0, CH)], bufs.at[b], rsem).wait()
        for b in range(NB_S):
            pltpu.async_copy(bufs.at[b], acc.at[idxv.at[j0 + b]], ssem,
                             add=True)

    for b in range(NB_S):
        pltpu.make_async_copy(bufs.at[b], acc.at[idxv.at[0]], ssem).wait()
    plsc.subcore_barrier()
    pltpu.sync_copy(acc.at[pl.ds(s * ROWS_PER_SUB, ROWS_PER_SUB)],
                    out.at[c].at[pl.ds(s * ROWS_PER_SUB, ROWS_PER_SUB)])



def _ln(x, g, be):
    mu = jnp.mean(x, axis=1, keepdims=True)
    xc = x - mu
    var = jnp.mean(xc * xc, axis=1, keepdims=True)
    return xc * lax.rsqrt(var + 1e-5) * g + be


def _bcast(i):
    return (0, 0)


def _premix(h, Wab):
    nt = N // NT

    def body(h_ref, W_ref, out_ref):
        out_ref[...] = jnp.dot(h_ref[...], W_ref[0],
                               preferred_element_type=jnp.float32)

    return pl.pallas_call(
        body,
        grid=(2, nt),
        in_specs=[pl.BlockSpec((NT, H), lambda t, i: (i, 0)),
                  pl.BlockSpec((1, H, H), lambda t, i: (t, 0, 0))],
        out_specs=pl.BlockSpec((NT, H), lambda t, i: (t * (N // NT) + i, 0)),
        out_shape=jax.ShapeDtypeStruct((2 * N, H), jnp.float32),
    )(h, Wab)


def _edge_mlp(x0p, e, W0c, b0, W1, b1, W2, b2, g, be):
    def body(x0p_ref, e_ref, W0c_ref, b0_ref, W1_ref, b1_ref,
             W2_ref, b2_ref, g_ref, be_ref, out_ref):
        i = pl.program_id(0)
        x = (x0p_ref[...]
             + jnp.dot(e_ref[...], W0c_ref[...], preferred_element_type=jnp.float32)
             + b0_ref[...])
        x = jnp.maximum(x, 0.0)
        x = jnp.dot(x, W1_ref[...], preferred_element_type=jnp.float32) + b1_ref[...]
        x = jnp.maximum(x, 0.0)
        x = jnp.dot(x, W2_ref[...], preferred_element_type=jnp.float32) + b2_ref[...]
        y = e_ref[...] + _ln(x, g_ref[...], be_ref[...])
        row = i * ET + lax.broadcasted_iota(jnp.int32, (ET, 1), 0)
        out_ref[...] = jnp.where(row < E, y, 0.0)

    return pl.pallas_call(
        body,
        grid=(E_PAD // ET,),
        in_specs=[pl.BlockSpec((ET, H), lambda i: (i, 0))] * 2 + [
            pl.BlockSpec((H, H), _bcast), pl.BlockSpec((1, H), _bcast),
            pl.BlockSpec((H, H), _bcast), pl.BlockSpec((1, H), _bcast),
            pl.BlockSpec((H, H), _bcast), pl.BlockSpec((1, H), _bcast),
            pl.BlockSpec((1, H), _bcast), pl.BlockSpec((1, H), _bcast)],
        out_specs=pl.BlockSpec((ET, H), lambda i: (i, 0)),
        out_shape=jax.ShapeDtypeStruct((E_PAD, H), jnp.float32),
        input_output_aliases={1: 0},
    )(x0p, e, W0c, b0, W1, b1, W2, b2, g, be)


def _node_mlp(h, agg2, W0, b0, W1, b1, W2, b2, g, be):
    nt = N // NT

    def body(h_ref, a0_ref, a1_ref, W0_ref, b0_ref, W1_ref, b1_ref,
             W2_ref, b2_ref, g_ref, be_ref, out_ref):
        agg = a0_ref[0] + a1_ref[0]
        x = (jnp.dot(h_ref[...], W0_ref[0:H, :], preferred_element_type=jnp.float32)
             + jnp.dot(agg, W0_ref[H:2 * H, :], preferred_element_type=jnp.float32)
             + b0_ref[...])
        x = jnp.maximum(x, 0.0)
        x = jnp.dot(x, W1_ref[...], preferred_element_type=jnp.float32) + b1_ref[...]
        x = jnp.maximum(x, 0.0)
        x = jnp.dot(x, W2_ref[...], preferred_element_type=jnp.float32) + b2_ref[...]
        out_ref[...] = h_ref[...] + _ln(x, g_ref[...], be_ref[...])

    return pl.pallas_call(
        body,
        grid=(nt,),
        in_specs=[pl.BlockSpec((NT, H), lambda i: (i, 0)),
                  pl.BlockSpec((1, NT, H), lambda i: (0, i, 0)),
                  pl.BlockSpec((1, NT, H), lambda i: (1, i, 0)),
                  pl.BlockSpec((2 * H, H), _bcast), pl.BlockSpec((1, H), _bcast),
                  pl.BlockSpec((H, H), _bcast), pl.BlockSpec((1, H), _bcast),
                  pl.BlockSpec((H, H), _bcast), pl.BlockSpec((1, H), _bcast),
                  pl.BlockSpec((1, H), _bcast), pl.BlockSpec((1, H), _bcast)],
        out_specs=pl.BlockSpec((NT, H), lambda i: (i, 0)),
        out_shape=jax.ShapeDtypeStruct((N, H), jnp.float32),
        input_output_aliases={0: 0},
    )(h, agg2, agg2, W0, b0, W1, b1, W2, b2, g, be)


def _node_encoder(x, W0, b0, W1, b1, W2, b2, g, be):
    nt = N // 1000

    def body(x_ref, W0_ref, b0_ref, W1_ref, b1_ref, W2_ref, b2_ref,
             g_ref, be_ref, out_ref):
        v = jnp.dot(x_ref[...], W0_ref[...], preferred_element_type=jnp.float32) + b0_ref[...]
        v = jnp.maximum(v, 0.0)
        v = jnp.dot(v, W1_ref[...], preferred_element_type=jnp.float32) + b1_ref[...]
        v = jnp.maximum(v, 0.0)
        v = jnp.dot(v, W2_ref[...], preferred_element_type=jnp.float32) + b2_ref[...]
        out_ref[...] = _ln(v, g_ref[...], be_ref[...])

    return pl.pallas_call(
        body,
        grid=(nt,),
        in_specs=[pl.BlockSpec((1000, D_IN), lambda i: (i, 0)),
                  pl.BlockSpec((D_IN, H), _bcast), pl.BlockSpec((1, H), _bcast),
                  pl.BlockSpec((H, H), _bcast), pl.BlockSpec((1, H), _bcast),
                  pl.BlockSpec((H, H), _bcast), pl.BlockSpec((1, H), _bcast),
                  pl.BlockSpec((1, H), _bcast), pl.BlockSpec((1, H), _bcast)],
        out_specs=pl.BlockSpec((1000, H), lambda i: (i, 0)),
        out_shape=jax.ShapeDtypeStruct((N, H), jnp.float32),
    )(x, W0, b0, W1, b1, W2, b2, g, be)


def _edge_encoder(rel, W0, b0, W1, b1, W2, b2, g, be):
    def body(rel_ref, W0_ref, b0_ref, W1_ref, b1_ref, W2_ref, b2_ref,
             g_ref, be_ref, out_ref):
        r0 = rel_ref[:, 0:1]
        r1 = rel_ref[:, 1:2]
        dist = jnp.sqrt(r0 * r0 + r1 * r1 + 1e-12)
        v = (r0 * W0_ref[0:1, :] + r1 * W0_ref[1:2, :] + dist * W0_ref[2:3, :]
             + b0_ref[...])
        v = jnp.maximum(v, 0.0)
        v = jnp.dot(v, W1_ref[...], preferred_element_type=jnp.float32) + b1_ref[...]
        v = jnp.maximum(v, 0.0)
        v = jnp.dot(v, W2_ref[...], preferred_element_type=jnp.float32) + b2_ref[...]
        out_ref[...] = _ln(v, g_ref[...], be_ref[...])

    return pl.pallas_call(
        body,
        grid=(E_PAD // ET,),
        in_specs=[pl.BlockSpec((ET, H), lambda i: (i, 0)),
                  pl.BlockSpec((3, H), _bcast), pl.BlockSpec((1, H), _bcast),
                  pl.BlockSpec((H, H), _bcast), pl.BlockSpec((1, H), _bcast),
                  pl.BlockSpec((H, H), _bcast), pl.BlockSpec((1, H), _bcast),
                  pl.BlockSpec((1, H), _bcast), pl.BlockSpec((1, H), _bcast)],
        out_specs=pl.BlockSpec((ET, H), lambda i: (i, 0)),
        out_shape=jax.ShapeDtypeStruct((E_PAD, H), jnp.float32),
    )(rel, W0, b0, W1, b1, W2, b2, g, be)


def _decode_pool_cls(h, W0, b0, W1, b1, W2, b2, cW, cb):
    nt = N // NT

    def body(h_ref, W0_ref, b0_ref, W1_ref, b1_ref, W2_ref, b2_ref,
             cW_ref, cb_ref, out_ref, acc_ref):
        i = pl.program_id(0)
        v = jnp.dot(h_ref[...], W0_ref[...], preferred_element_type=jnp.float32) + b0_ref[...]
        v = jnp.maximum(v, 0.0)
        v = jnp.dot(v, W1_ref[...], preferred_element_type=jnp.float32) + b1_ref[...]
        v = jnp.maximum(v, 0.0)
        v = jnp.dot(v, W2_ref[...], preferred_element_type=jnp.float32) + b2_ref[...]
        part = jnp.sum(v, axis=0, keepdims=True)

        @pl.when(i == 0)
        def _init():
            acc_ref[...] = jnp.zeros_like(acc_ref)

        acc_ref[...] += part

        @pl.when(i == nt - 1)
        def _fin():
            pooled = acc_ref[...] * (1.0 / N)
            out_ref[...] = (jnp.dot(pooled, cW_ref[...],
                                    preferred_element_type=jnp.float32)
                            + cb_ref[...])

    return pl.pallas_call(
        body,
        grid=(nt,),
        in_specs=[pl.BlockSpec((NT, H), lambda i: (i, 0)),
                  pl.BlockSpec((H, H), _bcast), pl.BlockSpec((1, H), _bcast),
                  pl.BlockSpec((H, H), _bcast), pl.BlockSpec((1, H), _bcast),
                  pl.BlockSpec((H, H), _bcast), pl.BlockSpec((1, H), _bcast),
                  pl.BlockSpec((H, N_CLASSES), _bcast),
                  pl.BlockSpec((1, N_CLASSES), _bcast)],
        out_specs=pl.BlockSpec((1, N_CLASSES), _bcast),
        out_shape=jax.ShapeDtypeStruct((1, N_CLASSES), jnp.float32),
        scratch_shapes=[pltpu.VMEM((1, H), jnp.float32)],
    )(h, W0, b0, W1, b1, W2, b2, cW, cb)



def _mlp_args(p):
    out = [p["W"][0]]
    out.append(p["b"][0].reshape(1, H))
    out.append(p["W"][1])
    out.append(p["b"][1].reshape(1, H))
    out.append(p["W"][2])
    out.append(p["b"][2].reshape(1, H))
    if "g" in p:
        out.append(p["g"].reshape(1, H))
        out.append(p["be"].reshape(1, H))
    return out


def _chunked(idx):
    return jnp.concatenate(
        [idx, jnp.zeros((E_PAD - E,), jnp.int32)]).reshape(NW, K, CH)


def _chunked_flat(idx):
    return jnp.concatenate(
        [idx, jnp.zeros((NCH_G_PAD * GCH - E,), jnp.int32)]).reshape(
            NCH_G_PAD, GCH)


def kernel(x, node_coords, edge2nodes, params):
    idx = edge2nodes.astype(jnp.int32)
    src3 = _chunked_flat(idx[0])
    dstoff3 = _chunked_flat(idx[1] + N)
    dst3 = _chunked(idx[1])
    zeros_sub = jnp.zeros((ROWS_PER_SUB, H), jnp.float32)

    coords128 = jnp.zeros((N, H), jnp.float32).at[:, 0:2].set(node_coords)
    ctab = jnp.concatenate([-coords128, coords128], axis=0)

    rel = _gather_mix(ctab, src3, dstoff3)
    e = _edge_encoder(rel, *_mlp_args(params["enc_edge"]))
    h = _node_encoder(x, *_mlp_args(params["enc_node"]))

    blocks = params["blocks"]
    xs = {
        "Wab": jnp.stack([
            jnp.stack([b["edge"]["W"][0][0:H, :], b["edge"]["W"][0][H:2 * H, :]])
            for b in blocks]),
        "W0c": jnp.stack([b["edge"]["W"][0][2 * H:3 * H, :] for b in blocks]),
        "e": [jnp.stack([b["edge"]["b"][0].reshape(1, H) for b in blocks]),
              jnp.stack([b["edge"]["W"][1] for b in blocks]),
              jnp.stack([b["edge"]["b"][1].reshape(1, H) for b in blocks]),
              jnp.stack([b["edge"]["W"][2] for b in blocks]),
              jnp.stack([b["edge"]["b"][2].reshape(1, H) for b in blocks]),
              jnp.stack([b["edge"]["g"].reshape(1, H) for b in blocks]),
              jnp.stack([b["edge"]["be"].reshape(1, H) for b in blocks])],
        "n": [jnp.stack([b["node"]["W"][0] for b in blocks]),
              jnp.stack([b["node"]["b"][0].reshape(1, H) for b in blocks]),
              jnp.stack([b["node"]["W"][1] for b in blocks]),
              jnp.stack([b["node"]["b"][1].reshape(1, H) for b in blocks]),
              jnp.stack([b["node"]["W"][2] for b in blocks]),
              jnp.stack([b["node"]["b"][2].reshape(1, H) for b in blocks]),
              jnp.stack([b["node"]["g"].reshape(1, H) for b in blocks]),
              jnp.stack([b["node"]["be"].reshape(1, H) for b in blocks])],
    }

    def blk(carry, p):
        h, e = carry
        tab = _premix(h, p["Wab"])
        x0p = _gather_mix(tab, src3, dstoff3)
        e2 = _edge_mlp(x0p, e, p["W0c"], *p["e"])
        agg2 = _segsum(e2, dst3, zeros_sub)
        h2 = _node_mlp(h, agg2, *p["n"])
        return (h2, e2), None

    (h, e), _ = lax.scan(blk, (h, e), xs)

    out = _decode_pool_cls(h, *_mlp_args(params["dec"]),
                           params["cls_W"], params["cls_b"].reshape(1, N_CLASSES))
    return out.reshape(N_CLASSES)

# --- scband reference (transcript-rebuilt; emitter-appended) ---
"""Pipeline reference for scband-model-gnn-51969104281817 (READ-ONLY COPY).

The authoritative reference and input builder live on the scoring server;
editing this copy changes nothing except your own understanding.
"""

import jax, jax.numpy as jnp
import numpy as np

N_NODES = 10000
N_EDGES = 160000
D_IN = 768
H = 128
N_BLOCKS = 10
N_CLASSES = 10


def _init_mlp(key, dims, norm=True):
    ks = jax.random.split(key, len(dims) - 1)
    Ws, bs = [], []
    for i in range(len(dims) - 1):
        Ws.append(jax.random.normal(ks[i], (dims[i], dims[i + 1]), dtype=jnp.float32) / np.sqrt(dims[i]))
        bs.append(jnp.zeros((dims[i + 1],), dtype=jnp.float32))
    p = {"W": Ws, "b": bs}
    if norm:
        p["g"] = jnp.ones((dims[-1],), dtype=jnp.float32)
        p["be"] = jnp.zeros((dims[-1],), dtype=jnp.float32)
    return p


def _mlp(p, x):
    n = len(p["W"])
    for i in range(n):
        x = x @ p["W"][i] + p["b"][i]
        if i < n - 1:
            x = jax.nn.relu(x)
    if "g" in p:
        mu = jnp.mean(x, axis=-1, keepdims=True)
        var = jnp.var(x, axis=-1, keepdims=True)
        x = (x - mu) * jax.lax.rsqrt(var + 1e-5) * p["g"] + p["be"]
    return x


def _make_params(key):
    pk = jax.random.split(key, 2 * N_BLOCKS + 4)
    blocks = []
    for i in range(N_BLOCKS):
        blocks.append({
            "edge": _init_mlp(pk[2 * i], [3 * H, H, H, H], True),
            "node": _init_mlp(pk[2 * i + 1], [2 * H, H, H, H], True),
        })
    return {
        "enc_node": _init_mlp(pk[2 * N_BLOCKS], [D_IN, H, H, H], True),
        "enc_edge": _init_mlp(pk[2 * N_BLOCKS + 1], [3, H, H, H], True),
        "blocks": blocks,
        "dec": _init_mlp(pk[2 * N_BLOCKS + 2], [H, H, H, H], False),
        "cls_W": jax.random.normal(pk[2 * N_BLOCKS + 3], (H, N_CLASSES), dtype=jnp.float32) / np.sqrt(H),
        "cls_b": jnp.zeros((N_CLASSES,), dtype=jnp.float32),
    }


def setup_inputs(seed: int = 0):
    key = jax.random.key(seed)
    k0, k1, k2, k3 = jax.random.split(key, 4)
    x = jax.random.normal(k0, (N_NODES, D_IN), dtype=jnp.float32)
    node_coords = jax.random.uniform(k1, (N_NODES, 2), dtype=jnp.float32)
    edge2nodes = jax.random.randint(k2, (2, N_EDGES), 0, N_NODES)
    params = _make_params(k3)
    return {"x": x, "node_coords": node_coords, "edge2nodes": edge2nodes, "params": params}


def _forward(x, node_coords, edge2nodes, params):
    src = edge2nodes[0]
    dst = edge2nodes[1]
    # edge features from node coordinates: relative position + distance (space_dim=2 -> 3 feats)
    rel = node_coords[dst] - node_coords[src]
    dist = jnp.sqrt(jnp.sum(rel * rel, axis=-1, keepdims=True) + 1e-12)
    e = _mlp(params["enc_edge"], jnp.concatenate([rel, dist], axis=-1))
    h = _mlp(params["enc_node"], x)
    # GraphProcessor: n_blocks of EdgeProcessor + NodeProcessor with residuals
    for blk in params["blocks"]:
        e = e + _mlp(blk["edge"], jnp.concatenate([h[src], h[dst], e], axis=-1))
        agg = jax.ops.segment_sum(e, dst, num_segments=N_NODES)
        h = h + _mlp(blk["node"], jnp.concatenate([h, agg], axis=-1))
    out = _mlp(params["dec"], h)
    # CombinedModel: global mean pool + linear classifier head
    pooled = jnp.mean(out, axis=0)
    return pooled @ params["cls_W"] + params["cls_b"]


def reference(x, node_coords, edge2nodes, params):
    return _forward(x, node_coords, edge2nodes, params)

if __name__ == "__main__":
    import jax
    _d = setup_inputs()
    print(jax.jit(kernel)(*tuple(_d.values())))

</pallas_src>

<mosaic_0001>
#map = affine_map<(d0, d1) -> (0, 0)>
module attributes {stable_mosaic.version = 14 : i64} {
  func.func @_gather_mix(%arg0: i32, %arg1: i32, %arg2: memref<20000x128xf32, #tpu.memory_space<hbm>>, %arg3: memref<1328x128xi32, #tpu.memory_space<hbm>>, %arg4: memref<1328x128xi32, #tpu.memory_space<hbm>>, %arg5: memref<163840x128xf32, #tpu.memory_space<hbm>>, %arg6: memref<64x128xi32, #tpu.memory_space<vmem>>, %arg7: memref<64x128xi32, #tpu.memory_space<vmem>>, %arg8: memref<4x128x128xf32, #tpu.memory_space<vmem>>, %arg9: memref<!tpu.dma_semaphore, #tpu.memory_space<semaphore_mem>>, %arg10: memref<!tpu.dma_semaphore, #tpu.memory_space<semaphore_mem>>) attributes {dimension_semantics = [#tpu.dimension_semantics<core_parallel>, #tpu.dimension_semantics<subcore_parallel>], iteration_bounds = array<i64: 2, 16>, scalar_prefetch = 0 : i64, scratch_operands = 5 : i64, tpu.core_type = #tpu.core_type<sc_vector_subcore>, window_params = [{transform_indices = #map}, {transform_indices = #map}, {transform_indices = #map}, {transform_indices = #map}]} {
    %mul3A = arith.constant 80 : i32
    %mul3A_0 = arith.muli %arg1, %mul3A : i32
    %mul3A_1 = arith.constant 64 : i32
    %mul3A_2 = arith.muli %arg0, %mul3A_1 : i32
    %add3A = arith.addi %mul3A_0, %mul3A_2 : i32
    %eq3A = arith.constant 0 : i32
    %eq3A_3 = arith.cmpi eq, %arg0, %eq3A : i32
    %jit3A = arith.constant 16 : i32
    %jit3A_4 = arith.constant 4 : i32
    %select_n3A = arith.select %eq3A_3, %jit3A, %jit3A_4 : i32
    "tpu.region"() ({
      %run_scoped3A = tpu.sem_alloc : memref<!tpu.dma_semaphore, #tpu.memory_space<semaphore_mem>>
      %dma_start3A = arith.constant 0 : i32
      %dma_start3A_80 = tpu.memref_slice %arg3[%add3A, %dma_start3A] : memref<1328x128xi32, #tpu.memory_space<hbm>> -> memref<64x128xi32, #tpu.memory_space<hbm>>
      %dma_start3A_81 = arith.constant 0 : i32
      %dma_start3A_82 = tpu.memref_slice %arg3[%add3A, %dma_start3A_81] : memref<1328x128xi32, #tpu.memory_space<hbm>> -> memref<64x128xi32, #tpu.memory_space<hbm>>
      tpu.enqueue_dma source(%dma_start3A_82 : memref<64x128xi32, #tpu.memory_space<hbm>>) target(%arg6 : memref<64x128xi32, #tpu.memory_space<vmem>>) target_semaphore(%run_scoped3A : memref<!tpu.dma_semaphore, #tpu.memory_space<semaphore_mem>>)
      %dma_wait3A_83 = arith.constant 0 : i32
      %dma_wait3A_84 = tpu.memref_slice %arg3[%add3A, %dma_wait3A_83] : memref<1328x128xi32, #tpu.memory_space<hbm>> -> memref<64x128xi32, #tpu.memory_space<hbm>>
      %dma_wait3A_85 = arith.constant 0 : i32
      %dma_wait3A_86 = tpu.memref_slice %arg3[%add3A, %dma_wait3A_85] : memref<1328x128xi32, #tpu.memory_space<hbm>> -> memref<64x128xi32, #tpu.memory_space<hbm>>
      tpu.wait_dma2 semaphore(%run_scoped3A : memref<!tpu.dma_semaphore, #tpu.memory_space<semaphore_mem>>) src(%dma_wait3A_86 : memref<64x128xi32, #tpu.memory_space<hbm>>) dst(%arg6 : memref<64x128xi32, #tpu.memory_space<vmem>>)
      tpu.yield
    }) : () -> ()
    "tpu.region"() ({
      %run_scoped3A = tpu.sem_alloc : memref<!tpu.dma_semaphore, #tpu.memory_space<semaphore_mem>>
      %dma_start3A = arith.constant 0 : i32
      %dma_start3A_80 = tpu.memref_slice %arg4[%add3A, %dma_start3A] : memref<1328x128xi32, #tpu.memory_space<hbm>> -> memref<64x128xi32, #tpu.memory_space<hbm>>
      %dma_start3A_81 = arith.constant 0 : i32
      %dma_start3A_82 = tpu.memref_slice %arg4[%add3A, %dma_start3A_81] : memref<1328x128xi32, #tpu.memory_space<hbm>> -> memref<64x128xi32, #tpu.memory_space<hbm>>
      tpu.enqueue_dma source(%dma_start3A_82 : memref<64x128xi32, #tpu.memory_space<hbm>>) target(%arg7 : memref<64x128xi32, #tpu.memory_space<vmem>>) target_semaphore(%run_scoped3A : memref<!tpu.dma_semaphore, #tpu.memory_space<semaphore_mem>>)
      %dma_wait3A_83 = arith.constant 0 : i32
      %dma_wait3A_84 = tpu.memref_slice %arg4[%add3A, %dma_wait3A_83] : memref<1328x128xi32, #tpu.memory_space<hbm>> -> memref<64x128xi32, #tpu.memory_space<hbm>>
      %dma_wait3A_85 = arith.constant 0 : i32
      %dma_wait3A_86 = tpu.memref_slice %arg4[%add3A, %dma_wait3A_85] : memref<1328x128xi32, #tpu.memory_space<hbm>> -> memref<64x128xi32, #tpu.memory_space<hbm>>
      tpu.wait_dma2 semaphore(%run_scoped3A : memref<!tpu.dma_semaphore, #tpu.memory_space<semaphore_mem>>) src(%dma_wait3A_86 : memref<64x128xi32, #tpu.memory_space<hbm>>) dst(%arg7 : memref<64x128xi32, #tpu.memory_space<vmem>>)
      tpu.yield
    }) : () -> ()
    %sub3A = arith.constant 0 : i32
    %sub3A_5 = arith.subi %select_n3A, %sub3A : i32
    %sub3A_6 = arith.constant 1 : i32
    %sub3A_7 = arith.constant 1 : i32
    %sub3A_8 = arith.subi %sub3A_6, %sub3A_7 : i32
    %add3A_9 = arith.addi %sub3A_5, %sub3A_8 : i32
    %div3A = arith.constant 1 : i32
    %div3A_10 = arith.divsi %add3A_9, %div3A : i32
    %while3A = arith.constant 1 : i32
    %while3A_11 = arith.constant 0 : i32
    %while3A_12 = arith.constant 0 : i32
    %while3A_13 = arith.subi %div3A_10, %while3A_12 : i32
    %while3A_14 = arith.addi %while3A_12, %while3A_13 : i32
    %while3A_15 = arith.constant 1 : i32
    %while3A_16 = arith.divsi %while3A_13, %while3A_15 : i32
    %while3A_17 = arith.muli %while3A_16, %while3A_15 : i32
    %while3A_18 = arith.addi %while3A_12, %while3A_17 : i32
    %while3A_19 = arith.constant 1 : i32
    scf.for %while3A_80 = %while3A_12 to %while3A_18 step %while3A_19  : i32 {
      %mul3A_81 = arith.muli %while3A_80, %while3A : i32
      %add3A_82 = arith.addi %while3A_11, %mul3A_81 : i32
      %mul3A_83 = arith.constant 4 : i32
      %mul3A_84 = arith.muli %add3A_82, %mul3A_83 : i32
      %gt3A = arith.constant 0 : i32
      %gt3A_85 = arith.cmpi sgt, %add3A_82, %gt3A : i32
      %convert_element_type3A = arith.extui %gt3A_85 : i1 to i32
      %cond3A = arith.constant 0 : i32
      %cond3A_86 = arith.cmpi ne, %convert_element_type3A, %cond3A : i32
      scf.if %cond3A_86 {
        %dma_wait3A_358 = arith.constant 0 : i32
        %dma_wait3A_359 = arith.constant 0 : i32
        %dma_wait3A_360 = arith.constant 0 : i32
        %dma_wait3A_361 = tpu.memref_slice %arg8[%dma_wait3A_358, %dma_wait3A_359, %dma_wait3A_360] : memref<4x128x128xf32, #tpu.memory_space<vmem>> -> memref<1x128x128xf32, #tpu.memory_space<vmem>>
        %dma_wait3A_362 = tpu.memref_squeeze %dma_wait3A_361 : memref<1x128x128xf32, #tpu.memory_space<vmem>> -> memref<128x128xf32, #tpu.memory_space<vmem>>
        %dma_wait3A_363 = arith.constant 0 : i32
        %dma_wait3A_364 = arith.constant 0 : i32
        %dma_wait3A_365 = tpu.memref_slice %arg5[%dma_wait3A_363, %dma_wait3A_364] : memref<163840x128xf32, #tpu.memory_space<hbm>> -> memref<128x128xf32, #tpu.memory_space<hbm>>
        %dma_wait3A_366 = arith.constant 0 : i32
        %dma_wait3A_367 = arith.constant 0 : i32
        %dma_wait3A_368 = tpu.memref_slice %arg5[%dma_wait3A_366, %dma_wait3A_367] : memref<163840x128xf32, #tpu.memory_space<hbm>> -> memref<128x128xf32, #tpu.memory_space<hbm>>
        %dma_wait3A_369 = arith.constant 0 : i32
        %dma_wait3A_370 = arith.constant 0 : i32
        %dma_wait3A_371 = tpu.memref_slice %arg8[%dma_wait3A_358, %dma_wait3A_369, %dma_wait3A_370] : memref<4x128x128xf32, #tpu.memory_space<vmem>> -> memref<1x128x128xf32, #tpu.memory_space<vmem>>
        %dma_wait3A_372 = tpu.memref_squeeze %dma_wait3A_371 : memref<1x128x128xf32, #tpu.memory_space<vmem>> -> memref<128x128xf32, #tpu.memory_space<vmem>>
        tpu.wait_dma2 semaphore(%arg10 : memref<!tpu.dma_semaphore, #tpu.memory_space<semaphore_mem>>) src(%dma_wait3A_372 : memref<128x128xf32, #tpu.memory_space<vmem>>) dst(%dma_wait3A_368 : memref<128x128xf32, #tpu.memory_space<hbm>>)
        %dma_wait3A_373 = arith.constant 1 : i32
        %dma_wait3A_374 = arith.constant 0 : i32
        %dma_wait3A_375 = arith.constant 0 : i32
        %dma_wait3A_376 = tpu.memref_slice %arg8[%dma_wait3A_373, %dma_wait3A_374, %dma_wait3A_375] : memref<4x128x128xf32, #tpu.memory_space<vmem>> -> memref<1x128x128xf32, #tpu.memory_space<vmem>>
        %dma_wait3A_377 = tpu.memref_squeeze %dma_wait3A_376 : memref<1x128x128xf32, #tpu.memory_space<vmem>> -> memref<128x128xf32, #tpu.memory_space<vmem>>
        %dma_wait3A_378 = arith.constant 0 : i32
        %dma_wait3A_379 = arith.constant 0 : i32
        %dma_wait3A_380 = tpu.memref_slice %arg5[%dma_wait3A_378, %dma_wait3A_379] : memref<163840x128xf32, #tpu.memory_space<hbm>> -> memref<128x128xf32, #tpu.memory_space<hbm>>
        %dma_wait3A_381 = arith.constant 0 : i32
        %dma_wait3A_382 = arith.constant 0 : i32
        %dma_wait3A_383 = tpu.memref_slice %arg5[%dma_wait3A_381, %dma_wait3A_382] : memref<163840x128xf32, #tpu.memory_space<hbm>> -> memref<128x128xf32, #tpu.memory_space<hbm>>
        %dma_wait3A_384 = arith.constant 0 : i32
        %dma_wait3A_385 = arith.constant 0 : i32
        %dma_wait3A_386 = tpu.memref_slice %arg8[%dma_wait3A_373, %dma_wait3A_384, %dma_wait3A_385] : memref<4x128x128xf32, #tpu.memory_space<vmem>> -> memref<1x128x128xf32, #tpu.memory_space<vmem>>
        %dma_wait3A_387 = tpu.memref_squeeze %dma_wait3A_386 : memref<1x128x128xf32, #tpu.memory_space<vmem>> -> memref<128x128xf32, #tpu.memory_space<vmem>>
        tpu.wait_dma2 semaphore(%arg10 : memref<!tpu.dma_semaphore, #tpu.memory_space<semaphore_mem>>) src(%dma_wait3A_387 : memref<128x128xf32, #tpu.memory_space<vmem>>) dst(%dma_wait3A_383 : memref<128x128xf32, #tpu.memory_space<hbm>>)
        %dma_wait3A_388 = arith.constant 2 : i32
        %dma_wait3A_389 = arith.constant 0 : i32
        %dma_wait3A_390 = arith.constant 0 : i32
        %dma_wait3A_391 = tpu.memref_slice %arg8[%dma_wait3A_388, %dma_wait3A_389, %dma_wait3A_390] : memref<4x128x128xf32, #tpu.memory_space<vmem>> -> memref<1x128x128xf32, #tpu.memory_space<vmem>>
        %dma_wait3A_392 = tpu.memref_squeeze %dma_wait3A_391 : memref<1x128x128xf32, #tpu.memory_space<vmem>> -> memref<128x128xf32, #tpu.memory_space<vmem>>
        %dma_wait3A_393 = arith.constant 0 : i32
        %dma_wait3A_394 = arith.constant 0 : i32
        %dma_wait3A_395 = tpu.memref_slice %arg5[%dma_wait3A_393, %dma_wait3A_394] : memref<163840x128xf32, #tpu.memory_space<hbm>> -> memref<128x128xf32, #tpu.memory_space<hbm>>
        %dma_wait3A_396 = arith.constant 0 : i32
        %dma_wait3A_397 = arith.constant 0 : i32
        %dma_wait3A_398 = tpu.memref_slice %arg5[%dma_wait3A_396, %dma_wait3A_397] : memref<163840x128xf32, #tpu.memory_space<hbm>> -> memref<128x128xf32, #tpu.memory_space<hbm>>
        %dma_wait3A_399 = arith.constant 0 : i32
        %dma_wait3A_400 = arith.constant 0 : i32
        %dma_wait3A_401 = tpu.memref_slice %arg8[%dma_wait3A_388, %dma_wait3A_399, %dma_wait3A_400] : memref<4x128x128xf32, #tpu.memory_space<vmem>> -> memref<1x128x128xf32, #tpu.memory_space<vmem>>
        %dma_wait3A_402 = tpu.memref_squeeze %dma_wait3A_401 : memref<1x128x128xf32, #tpu.memory_space<vmem>> -> memref<128x128xf32, #tpu.memory_space<vmem>>
        tpu.wait_dma2 semaphore(%arg10 : memref<!tpu.dma_semaphore, #tpu.memory_space<semaphore_mem>>) src(%dma_wait3A_402 : memref<128x128xf32, #tpu.memory_space<vmem>>) dst(%dma_wait3A_398 : memref<128x128xf32, #tpu.memory_space<hbm>>)
        %dma_wait3A_403 = arith.constant 3 : i32
        %dma_wait3A_404 = arith.constant 0 : i32
        %dma_wait3A_405 = arith.constant 0 : i32
        %dma_wait3A_406 = tpu.memref_slice %arg8[%dma_wait3A_403, %dma_wait3A_404, %dma_wait3A_405] : memref<4x128x128xf32, #tpu.memory_space<vmem>> -> memref<1x128x128xf32, #tpu.memory_space<vmem>>
        %dma_wait3A_407 = tpu.memref_squeeze %dma_wait3A_406 : memref<1x128x128xf32, #tpu.memory_space<vmem>> -> memref<128x128xf32, #tpu.memory_space<vmem>>
        %dma_wait3A_408 = arith.constant 0 : i32
        %dma_wait3A_409 = arith.constant 0 : i32
        %dma_wait3A_410 = tpu.memref_slice %arg5[%dma_wait3A_408, %dma_wait3A_409] : memref<163840x128xf32, #tpu.memory_space<hbm>> -> memref<128x128xf32, #tpu.memory_space<hbm>>
        %dma_wait3A_411 = arith.constant 0 : i32
        %dma_wait3A_412 = arith.constant 0 : i32
        %dma_wait3A_413 = tpu.memref_slice %arg5[%dma_wait3A_411, %dma_wait3A_412] : memref<163840x128xf32, #tpu.memory_space<hbm>> -> memref<128x128xf32, #tpu.memory_space<hbm>>
        %dma_wait3A_414 = arith.constant 0 : i32
        %dma_wait3A_415 = arith.constant 0 : i32
        %dma_wait3A_416 = tpu.memref_slice %arg8[%dma_wait3A_403, %dma_wait3A_414, %dma_wait3A_415] : memref<4x128x128xf32, #tpu.memory_space<vmem>> -> memref<1x128x128xf32, #tpu.memory_space<vmem>>
        %dma_wait3A_417 = tpu.memref_squeeze %dma_wait3A_416 : memref<1x128x128xf32, #tpu.memory_space<vmem>> -> memref<128x128xf32, #tpu.memory_space<vmem>>
        tpu.wait_dma2 semaphore(%arg10 : memref<!tpu.dma_semaphore, #tpu.memory_space<semaphore_mem>>) src(%dma_wait3A_417 : memref<128x128xf32, #tpu.memory_space<vmem>>) dst(%dma_wait3A_413 : memref<128x128xf32, #tpu.memory_space<hbm>>)
      } else {
      }
      %add3A_87 = arith.constant 0 : i32
      %add3A_88 = arith.addi %mul3A_84, %add3A_87 : i32
      %dma_start3A = arith.constant 0 : i32
      %dma_start3A_89 = arith.constant 0 : i32
      %dma_start3A_90 = arith.constant 0 : i32
      %dma_start3A_91 = tpu.memref_slice %arg8[%dma_start3A, %dma_start3A_89, %dma_start3A_90] : memref<4x128x128xf32, #tpu.memory_space<vmem>> -> memref<1x128x128xf32, #tpu.memory_space<vmem>>
      %dma_start3A_92 = tpu.memref_squeeze %dma_start3A_91 : memref<1x128x128xf32, #tpu.memory_space<vmem>> -> memref<128x128xf32, #tpu.memory_space<vmem>>
      %dma_start3A_93 = arith.constant 0 : i32
      %dma_start3A_94 = tpu.memref_slice %arg6[%add3A_88, %dma_start3A_93] : memref<64x128xi32, #tpu.memory_space<vmem>> -> memref<1x128xi32, #tpu.memory_space<vmem>>
      %dma_start3A_95 = tpu.memref_squeeze %dma_start3A_94 : memref<1x128xi32, #tpu.memory_space<vmem>> -> memref<128xi32, #tpu.memory_space<vmem>>
      %dma_start3A_96 = arith.constant 0 : i32
      %dma_start3A_97 = arith.constant 0 : i32
      %dma_start3A_98 = tpu.memref_slice %arg2[%dma_start3A_96, %dma_start3A_97] : memref<20000x128xf32, #tpu.memory_space<hbm>> -> memref<20000x128xf32, #tpu.memory_space<hbm>>
      tpu.enqueue_indirect_dma source(%dma_start3A_98 : memref<20000x128xf32, #tpu.memory_space<hbm>>) target(%dma_start3A_92 : memref<128x128xf32, #tpu.memory_space<vmem>>) offsets(%dma_start3A_95 : memref<128xi32, #tpu.memory_space<vmem>>) semaphore(%arg9 : memref<!tpu.dma_semaphore, #tpu.memory_space<semaphore_mem>>)
      %add3A_99 = arith.constant 1 : i32
      %add3A_100 = arith.addi %mul3A_84, %add3A_99 : i32
      %dma_start3A_101 = arith.constant 1 : i32
      %dma_start3A_102 = arith.constant 0 : i32
      %dma_start3A_103 = arith.constant 0 : i32
      %dma_start3A_104 = tpu.memref_slice %arg8[%dma_start3A_101, %dma_start3A_102, %dma_start3A_103] : memref<4x128x128xf32, #tpu.memory_space<vmem>> -> memref<1x128x128xf32, #tpu.memory_space<vmem>>
      %dma_start3A_105 = tpu.memref_squeeze %dma_start3A_104 : memref<1x128x128xf32, #tpu.memory_space<vmem>> -> memref<128x128xf32, #tpu.memory_space<vmem>>
      %dma_start3A_106 = arith.constant 0 : i32
      %dma_start3A_107 = tpu.memref_slice %arg6[%add3A_100, %dma_start3A_106] : memref<64x128xi32, #tpu.memory_space<vmem>> -> memref<1x128xi32, #tpu.memory_space<vmem>>
      %dma_start3A_108 = tpu.memref_squeeze %dma_start3A_107 : memref<1x128xi32, #tpu.memory_space<vmem>> -> memref<128xi32, #tpu.memory_space<vmem>>
      %dma_start3A_109 = arith.constant 0 : i32
      %dma_start3A_110 = arith.constant 0 : i32
      %dma_start3A_111 = tpu.memref_slice %arg2[%dma_start3A_109, %dma_start3A_110] : memref<20000x128xf32, #tpu.memory_space<hbm>> -> memref<20000x128xf32, #tpu.memory_space<hbm>>
      tpu.enqueue_indirect_dma source(%dma_start3A_111 : memref<20000x128xf32, #tpu.memory_space<hbm>>) target(%dma_start3A_105 : memref<128x128xf32, #tpu.memory_space<vmem>>) offsets(%dma_start3A_108 : memref<128xi32, #tpu.memory_space<vmem>>) semaphore(%arg9 : memref<!tpu.dma_semaphore, #tpu.memory_space<semaphore_mem>>)
      %add3A_112 = arith.constant 2 : i32
      %add3A_113 = arith.addi %mul3A_84, %add3A_112 : i32
      %dma_start3A_114 = arith.constant 2 : i32
      %dma_start3A_115 = arith.constant 0 : i32
      %dma_start3A_116 = arith.constant 0 : i32
      %dma_start3A_117 = tpu.memref_slice %arg8[%dma_start3A_114, %dma_start3A_115, %dma_start3A_116] : memref<4x128x128xf32, #tpu.memory_space<vmem>> -> memref<1x128x128xf32, #tpu.memory_space<vmem>>
      %dma_start3A_118 = tpu.memref_squeeze %dma_start3A_117 : memref<1x128x128xf32, #tpu.memory_space<vmem>> -> memref<128x128xf32, #tpu.memory_space<vmem>>
      %dma_start3A_119 = arith.constant 0 : i32
      %dma_start3A_120 = tpu.memref_slice %arg6[%add3A_113, %dma_start3A_119] : memref<64x128xi32, #tpu.memory_space<vmem>> -> memref<1x128xi32, #tpu.memory_space<vmem>>
      %dma_start3A_121 = tpu.memref_squeeze %dma_start3A_120 : memref<1x128xi32, #tpu.memory_space<vmem>> -> memref<128xi32, #tpu.memory_space<vmem>>
      %dma_start3A_122 = arith.constant 0 : i32
      %dma_start3A_123 = arith.constant 0 : i32
      %dma_start3A_124 = tpu.memref_slice %arg2[%dma_start3A_122, %dma_start3A_123] : memref<20000x128xf32, #tpu.memory_space<hbm>> -> memref<20000x128xf32, #tpu.memory_space<hbm>>
      tpu.enqueue_indirect_dma source(%dma_start3A_124 : memref<20000x128xf32, #tpu.memory_space<hbm>>) target(%dma_start3A_118 : memref<128x128xf32, #tpu.memory_space<vmem>>) offsets(%dma_start3A_121 : memref<128xi32, #tpu.memory_space<vmem>>) semaphore(%arg9 : memref<!tpu.dma_semaphore, #tpu.memory_space<semaphore_mem>>)
      %add3A_125 = arith.constant 3 : i32
      %add3A_126 = arith.addi %mul3A_84, %add3A_125 : i32
      %dma_start3A_127 = arith.constant 3 : i32
      %dma_start3A_128 = arith.constant 0 : i32
      %dma_start3A_129 = arith.constant 0 : i32
      %dma_start3A_130 = tpu.memref_slice %arg8[%dma_start3A_127, %dma_start3A_128, %dma_start3A_129] : memref<4x128x128xf32, #tpu.memory_space<vmem>> -> memref<1x128x128xf32, #tpu.memory_space<vmem>>
      %dma_start3A_131 = tpu.memref_squeeze %dma_start3A_130 : memref<1x128x128xf32, #tpu.memory_space<vmem>> -> memref<128x128xf32, #tpu.memory_space<vmem>>
      %dma_start3A_132 = arith.constant 0 : i32
      %dma_start3A_133 = tpu.memref_slice %arg6[%add3A_126, %dma_start3A_132] : memref<64x128xi32, #tpu.memory_space<vmem>> -> memref<1x128xi32, #tpu.memory_space<vmem>>
      %dma_start3A_134 = tpu.memref_squeeze %dma_start3A_133 : memref<1x128xi32, #tpu.memory_space<vmem>> -> memref<128xi32, #tpu.memory_space<vmem>>
      %dma_start3A_135 = arith.constant 0 : i32
      %dma_start3A_136 = arith.constant 0 : i32
      %dma_start3A_137 = tpu.memref_slice %arg2[%dma_start3A_135, %dma_start3A_136] : memref<20000x128xf32, #tpu.memory_space<hbm>> -> memref<20000x128xf32, #tpu.memory_space<hbm>>
      tpu.enqueue_indirect_dma source(%dma_start3A_137 : memref<20000x128xf32, #tpu.memory_space<hbm>>) target(%dma_start3A_131 : memref<128x128xf32, #tpu.memory_space<vmem>>) offsets(%dma_start3A_134 : memref<128xi32, #tpu.memory_space<vmem>>) semaphore(%arg9 : memref<!tpu.dma_semaphore, #tpu.memory_space<semaphore_mem>>)
      %dma_wait3A_138 = arith.constant 0 : i32
      %dma_wait3A_139 = arith.constant 0 : i32
      %dma_wait3A_140 = arith.constant 0 : i32
      %dma_wait3A_141 = arith.constant 0 : i32
      %dma_wait3A_142 = tpu.memref_slice %arg8[%dma_wait3A_139, %dma_wait3A_140, %dma_wait3A_141] : memref<4x128x128xf32, #tpu.memory_space<vmem>> -> memref<1x128x128xf32, #tpu.memory_space<vmem>>
      %dma_wait3A_143 = tpu.memref_squeeze %dma_wait3A_142 : memref<1x128x128xf32, #tpu.memory_space<vmem>> -> memref<128x128xf32, #tpu.memory_space<vmem>>
      %dma_wait3A_144 = arith.constant 0 : i32
      %dma_wait3A_145 = tpu.memref_slice %arg6[%dma_wait3A_138, %dma_wait3A_144] : memref<64x128xi32, #tpu.memory_space<vmem>> -> memref<1x128xi32, #tpu.memory_space<vmem>>
      %dma_wait3A_146 = tpu.memref_squeeze %dma_wait3A_145 : memref<1x128xi32, #tpu.memory_space<vmem>> -> memref<128xi32, #tpu.memory_space<vmem>>
      %dma_wait3A_147 = arith.constant 0 : i32
      %dma_wait3A_148 = arith.constant 0 : i32
      %dma_wait3A_149 = tpu.memref_slice %arg2[%dma_wait3A_147, %dma_wait3A_148] : memref<20000x128xf32, #tpu.memory_space<hbm>> -> memref<20000x128xf32, #tpu.memory_space<hbm>>
      tpu.wait_indirect_dma semaphore(%arg9 : memref<!tpu.dma_semaphore, #tpu.memory_space<semaphore_mem>>) src(%dma_wait3A_149 : memref<20000x128xf32, #tpu.memory_space<hbm>>) dst(%dma_wait3A_143 : memref<128x128xf32, #tpu.memory_space<vmem>>)
      %dma_wait3A_150 = arith.constant 0 : i32
      %dma_wait3A_151 = arith.constant 1 : i32
      %dma_wait3A_152 = arith.constant 0 : i32
      %dma_wait3A_153 = arith.constant 0 : i32
      %dma_wait3A_154 = tpu.memref_slice %arg8[%dma_wait3A_151, %dma_wait3A_152, %dma_wait3A_153] : memref<4x128x128xf32, #tpu.memory_space<vmem>> -> memref<1x128x128xf32, #tpu.memory_space<vmem>>
      %dma_wait3A_155 = tpu.memref_squeeze %dma_wait3A_154 : memref<1x128x128xf32, #tpu.memory_space<vmem>> -> memref<128x128xf32, #tpu.memory_space<vmem>>
      %dma_wait3A_156 = arith.constant 0 : i32
      %dma_wait3A_157 = tpu.memref_slice %arg6[%dma_wait3A_150, %dma_wait3A_156] : memref<64x128xi32, #tpu.memory_space<vmem>> -> memref<1x128xi32, #tpu.memory_space<vmem>>
      %dma_wait3A_158 = tpu.memref_squeeze %dma_wait3A_157 : memref<1x128xi32, #tpu.memory_space<vmem>> -> memref<128xi32, #tpu.memory_space<vmem>>
      %dma_wait3A_159 = arith.constant 0 : i32
      %dma_wait3A_160 = arith.constant 0 : i32
      %dma_wait3A_161 = tpu.memref_slice %arg2[%dma_wait3A_159, %dma_wait3A_160] : memref<20000x128xf32, #tpu.memory_space<hbm>> -> memref<20000x128xf32, #tpu.memory_space<hbm>>
      tpu.wait_indirect_dma semaphore(%arg9 : memref<!tpu.dma_semaphore, #tpu.memory_space<semaphore_mem>>) src(%dma_wait3A_161 : memref<20000x128xf32, #tpu.memory_space<hbm>>) dst(%dma_wait3A_155 : memref<128x128xf32, #tpu.memory_space<vmem>>)
      %dma_wait3A_162 = arith.constant 0 : i32
      %dma_wait3A_163 = arith.constant 2 : i32
      %dma_wait3A_164 = arith.constant 0 : i32
      %dma_wait3A_165 = arith.constant 0 : i32
      %dma_wait3A_166 = tpu.memref_slice %arg8[%dma_wait3A_163, %dma_wait3A_164, %dma_wait3A_165] : memref<4x128x128xf32, #tpu.memory_space<vmem>> -> memref<1x128x128xf32, #tpu.memory_space<vmem>>
      %dma_wait3A_167 = tpu.memref_squeeze %dma_wait3A_166 : memref<1x128x128xf32, #tpu.memory_space<vmem>> -> memref<128x128xf32, #tpu.memory_space<vmem>>
      %dma_wait3A_168 = arith.constant 0 : i32
      %dma_wait3A_169 = tpu.memref_slice %arg6[%dma_wait3A_162, %dma_wait3A_168] : memref<64x128xi32, #tpu.memory_space<vmem>> -> memref<1x128xi32, #tpu.memory_space<vmem>>
      %dma_wait3A_170 = tpu.memref_squeeze %dma_wait3A_169 : memref<1x128xi32, #tpu.memory_space<vmem>> -> memref<128xi32, #tpu.memory_space<vmem>>
      %dma_wait3A_171 = arith.constant 0 : i32
      %dma_wait3A_172 = arith.constant 0 : i32
      %dma_wait3A_173 = tpu.memref_slice %arg2[%dma_wait3A_171, %dma_wait3A_172] : memref<20000x128xf32, #tpu.memory_space<hbm>> -> memref<20000x128xf32, #tpu.memory_space<hbm>>
      tpu.wait_indirect_dma semaphore(%arg9 : memref<!tpu.dma_semaphore, #tpu.memory_space<semaphore_mem>>) src(%dma_wait3A_173 : memref<20000x128xf32, #tpu.memory_space<hbm>>) dst(%dma_wait3A_167 : memref<128x128xf32, #tpu.memory_space<vmem>>)
      %dma_wait3A_174 = arith.constant 0 : i32
      %dma_wait3A_175 = arith.constant 3 : i32
      %dma_wait3A_176 = arith.constant 0 : i32
      %dma_wait3A_177 = arith.constant 0 : i32
      %dma_wait3A_178 = tpu.memref_slice %arg8[%dma_wait3A_175, %dma_wait3A_176, %dma_wait3A_177] : memref<4x128x128xf32, #tpu.memory_space<vmem>> -> memref<1x128x128xf32, #tpu.memory_space<vmem>>
      %dma_wait3A_179 = tpu.memref_squeeze %dma_wait3A_178 : memref<1x128x128xf32, #tpu.memory_space<vmem>> -> memref<128x128xf32, #tpu.memory_space<vmem>>
      %dma_wait3A_180 = arith.constant 0 : i32
      %dma_wait3A_181 = tpu.memref_slice %arg6[%dma_wait3A_174, %dma_wait3A_180] : memref<64x128xi32, #tpu.memory_space<vmem>> -> memref<1x128xi32, #tpu.memory_space<vmem>>
      %dma_wait3A_182 = tpu.memref_squeeze %dma_wait3A_181 : memref<1x128xi32, #tpu.memory_space<vmem>> -> memref<128xi32, #tpu.memory_space<vmem>>
      %dma_wait3A_183 = arith.constant 0 : i32
      %dma_wait3A_184 = arith.constant 0 : i32
      %dma_wait3A_185 = tpu.memref_slice %arg2[%dma_wait3A_183, %dma_wait3A_184] : memref<20000x128xf32, #tpu.memory_space<hbm>> -> memref<20000x128xf32, #tpu.memory_space<hbm>>
      tpu.wait_indirect_dma semaphore(%arg9 : memref<!tpu.dma_semaphore, #tpu.memory_space<semaphore_mem>>) src(%dma_wait3A_185 : memref<20000x128xf32, #tpu.memory_space<hbm>>) dst(%dma_wait3A_179 : memref<128x128xf32, #tpu.memory_space<vmem>>)
      %add3A_186 = arith.constant 0 : i32
      %add3A_187 = arith.addi %mul3A_84, %add3A_186 : i32
      %dma_start3A_188 = arith.constant 0 : i32
      %dma_start3A_189 = arith.constant 0 : i32
      %dma_start3A_190 = arith.constant 0 : i32
      %dma_start3A_191 = tpu.memref_slice %arg8[%dma_start3A_188, %dma_start3A_189, %dma_start3A_190] : memref<4x128x128xf32, #tpu.memory_space<vmem>> -> memref<1x128x128xf32, #tpu.memory_space<vmem>>
      %dma_start3A_192 = tpu.memref_squeeze %dma_start3A_191 : memref<1x128x128xf32, #tpu.memory_space<vmem>> -> memref<128x128xf32, #tpu.memory_space<vmem>>
      %dma_start3A_193 = arith.constant 0 : i32
      %dma_start3A_194 = tpu.memref_slice %arg7[%add3A_187, %dma_start3A_193] : memref<64x128xi32, #tpu.memory_space<vmem>> -> memref<1x128xi32, #tpu.memory_space<vmem>>
      %dma_start3A_195 = tpu.memref_squeeze %dma_start3A_194 : memref<1x128xi32, #tpu.memory_space<vmem>> -> memref<128xi32, #tpu.memory_space<vmem>>
      %dma_start3A_196 = arith.constant 0 : i32
      %dma_start3A_197 = arith.constant 0 : i32
      %dma_start3A_198 = tpu.memref_slice %arg2[%dma_start3A_196, %dma_start3A_197] : memref<20000x128xf32, #tpu.memory_space<hbm>> -> memref<20000x128xf32, #tpu.memory_space<hbm>>
      tpu.enqueue_indirect_dma source(%dma_start3A_198 : memref<20000x128xf32, #tpu.memory_space<hbm>>) target(%dma_start3A_192 : memref<128x128xf32, #tpu.memory_space<vmem>>) offsets(%dma_start3A_195 : memref<128xi32, #tpu.memory_space<vmem>>) semaphore(%arg9 : memref<!tpu.dma_semaphore, #tpu.memory_space<semaphore_mem>>) {add = true}
      %add3A_199 = arith.constant 1 : i32
      %add3A_200 = arith.addi %mul3A_84, %add3A_199 : i32
      %dma_start3A_201 = arith.constant 1 : i32
      %dma_start3A_202 = arith.constant 0 : i32
      %dma_start3A_203 = arith.constant 0 : i32
      %dma_start3A_204 = tpu.memref_slice %arg8[%dma_start3A_201, %dma_start3A_202, %dma_start3A_203] : memref<4x128x128xf32, #tpu.memory_space<vmem>> -> memref<1x128x128xf32, #tpu.memory_space<vmem>>
      %dma_start3A_205 = tpu.memref_squeeze %dma_start3A_204 : memref<1x128x128xf32, #tpu.memory_space<vmem>> -> memref<128x128xf32, #tpu.memory_space<vmem>>
      %dma_start3A_206 = arith.constant 0 : i32
      %dma_start3A_207 = tpu.memref_slice %arg7[%add3A_200, %dma_start3A_206] : memref<64x128xi32, #tpu.memory_space<vmem>> -> memref<1x128xi32, #tpu.memory_space<vmem>>
      %dma_start3A_208 = tpu.memref_squeeze %dma_start3A_207 : memref<1x128xi32, #tpu.memory_space<vmem>> -> memref<128xi32, #tpu.memory_space<vmem>>
      %dma_start3A_209 = arith.constant 0 : i32
      %dma_start3A_210 = arith.constant 0 : i32
      %dma_start3A_211 = tpu.memref_slice %arg2[%dma_start3A_209, %dma_start3A_210] : memref<20000x128xf32, #tpu.memory_space<hbm>> -> memref<20000x128xf32, #tpu.memory_space<hbm>>
      tpu.enqueue_indirect_dma source(%dma_start3A_211 : memref<20000x128xf32, #tpu.memory_space<hbm>>) target(%dma_start3A_205 : memref<128x128xf32, #tpu.memory_space<vmem>>) offsets(%dma_start3A_208 : memref<128xi32, #tpu.memory_space<vmem>>) semaphore(%arg9 : memref<!tpu.dma_semaphore, #tpu.memory_space<semaphore_mem>>) {add = true}
      %add3A_212 = arith.constant 2 : i32
      %add3A_213 = arith.addi %mul3A_84, %add3A_212 : i32
      %dma_start3A_214 = arith.constant 2 : i32
      %dma_start3A_215 = arith.constant 0 : i32
      %dma_start3A_216 = arith.constant 0 : i32
      %dma_start3A_217 = tpu.memref_slice %arg8[%dma_start3A_214, %dma_start3A_215, %dma_start3A_216] : memref<4x128x128xf32, #tpu.memory_space<vmem>> -> memref<1x128x128xf32, #tpu.memory_space<vmem>>
      %dma_start3A_218 = tpu.memref_squeeze %dma_start3A_217 : memref<1x128x128xf32, #tpu.memory_space<vmem>> -> memref<128x128xf32, #tpu.memory_space<vmem>>
      %dma_start3A_219 = arith.constant 0 : i32
      %dma_start3A_220 = tpu.memref_slice %arg7[%add3A_213, %dma_start3A_219] : memref<64x128xi32, #tpu.memory_space<vmem>> -> memref<1x128xi32, #tpu.memory_space<vmem>>
      %dma_start3A_221 = tpu.memref_squeeze %dma_start3A_220 : memref<1x128xi32, #tpu.memory_space<vmem>> -> memref<128xi32, #tpu.memory_space<vmem>>
      %dma_start3A_222 = arith.constant 0 : i32
      %dma_start3A_223 = arith.constant 0 : i32
      %dma_start3A_224 = tpu.memref_slice %arg2[%dma_start3A_222, %dma_start3A_223] : memref<20000x128xf32, #tpu.memory_space<hbm>> -> memref<20000x128xf32, #tpu.memory_space<hbm>>
      tpu.enqueue_indirect_dma source(%dma_start3A_224 : memref<20000x128xf32, #tpu.memory_space<hbm>>) target(%dma_start3A_218 : memref<128x128xf32, #tpu.memory_space<vmem>>) offsets(%dma_start3A_221 : memref<128xi32, #tpu.memory_space<vmem>>) semaphore(%arg9 : memref<!tpu.dma_semaphore, #tpu.memory_space<semaphore_mem>>) {add = true}
      %add3A_225 = arith.constant 3 : i32
      %add3A_226 = arith.addi %mul3A_84, %add3A_225 : i32
      %dma_start3A_227 = arith.constant 3 : i32
      %dma_start3A_228 = arith.constant 0 : i32
      %dma_start3A_229 = arith.constant 0 : i32
      %dma_start3A_230 = tpu.memref_slice %arg8[%dma_start3A_227, %dma_start3A_228, %dma_start3A_229] : memref<4x128x128xf32, #tpu.memory_space<vmem>> -> memref<1x128x128xf32, #tpu.memory_space<vmem>>
      %dma_start3A_231 = tpu.memref_squeeze %dma_start3A_230 : memref<1x128x128xf32, #tpu.memory_space<vmem>> -> memref<128x128xf32, #tpu.memory_space<vmem>>
      %dma_start3A_232 = arith.constant 0 : i32
      %dma_start3A_233 = tpu.memref_slice %arg7[%add3A_226, %dma_start3A_232] : memref<64x128xi32, #tpu.memory_space<vmem>> -> memref<1x128xi32, #tpu.memory_space<vmem>>
      %dma_start3A_234 = tpu.memref_squeeze %dma_start3A_233 : memref<1x128xi32, #tpu.memory_space<vmem>> -> memref<128xi32, #tpu.memory_space<vmem>>
      %dma_start3A_235 = arith.constant 0 : i32
      %dma_start3A_236 = arith.constant 0 : i32
      %dma_start3A_237 = tpu.memref_slice %arg2[%dma_start3A_235, %dma_start3A_236] : memref<20000x128xf32, #tpu.memory_space<hbm>> -> memref<20000x128xf32, #tpu.memory_space<hbm>>
      tpu.enqueue_indirect_dma source(%dma_start3A_237 : memref<20000x128xf32, #tpu.memory_space<hbm>>) target(%dma_start3A_231 : memref<128x128xf32, #tpu.memory_space<vmem>>) offsets(%dma_start3A_234 : memref<128xi32, #tpu.memory_space<vmem>>) semaphore(%arg9 : memref<!tpu.dma_semaphore, #tpu.memory_space<semaphore_mem>>) {add = true}
      %dma_wait3A_238 = arith.constant 0 : i32
      %dma_wait3A_239 = arith.constant 0 : i32
      %dma_wait3A_240 = arith.constant 0 : i32
      %dma_wait3A_241 = arith.constant 0 : i32
      %dma_wait3A_242 = tpu.memref_slice %arg8[%dma_wait3A_239, %dma_wait3A_240, %dma_wait3A_241] : memref<4x128x128xf32, #tpu.memory_space<vmem>> -> memref<1x128x128xf32, #tpu.memory_space<vmem>>
      %dma_wait3A_243 = tpu.memref_squeeze %dma_wait3A_242 : memref<1x128x128xf32, #tpu.memory_space<vmem>> -> memref<128x128xf32, #tpu.memory_space<vmem>>
      %dma_wait3A_244 = arith.constant 0 : i32
      %dma_wait3A_245 = tpu.memref_slice %arg7[%dma_wait3A_238, %dma_wait3A_244] : memref<64x128xi32, #tpu.memory_space<vmem>> -> memref<1x128xi32, #tpu.memory_space<vmem>>
      %dma_wait3A_246 = tpu.memref_squeeze %dma_wait3A_245 : memref<1x128xi32, #tpu.memory_space<vmem>> -> memref<128xi32, #tpu.memory_space<vmem>>
      %dma_wait3A_247 = arith.constant 0 : i32
      %dma_wait3A_248 = arith.constant 0 : i32
      %dma_wait3A_249 = tpu.memref_slice %arg2[%dma_wait3A_247, %dma_wait3A_248] : memref<20000x128xf32, #tpu.memory_space<hbm>> -> memref<20000x128xf32, #tpu.memory_space<hbm>>
      tpu.wait_indirect_dma semaphore(%arg9 : memref<!tpu.dma_semaphore, #tpu.memory_space<semaphore_mem>>) src(%dma_wait3A_249 : memref<20000x128xf32, #tpu.memory_space<hbm>>) dst(%dma_wait3A_243 : memref<128x128xf32, #tpu.memory_space<vmem>>)
      %dma_wait3A_250 = arith.constant 0 : i32
      %dma_wait3A_251 = arith.constant 1 : i32
      %dma_wait3A_252 = arith.constant 0 : i32
      %dma_wait3A_253 = arith.constant 0 : i32
      %dma_wait3A_254 = tpu.memref_slice %arg8[%dma_wait3A_251, %dma_wait3A_252, %dma_wait3A_253] : memref<4x128x128xf32, #tpu.memory_space<vmem>> -> memref<1x128x128xf32, #tpu.memory_space<vmem>>
      %dma_wait3A_255 = tpu.memref_squeeze %dma_wait3A_254 : memref<1x128x128xf32, #tpu.memory_space<vmem>> -> memref<128x128xf32, #tpu.memory_space<vmem>>
      %dma_wait3A_256 = arith.constant 0 : i32
      %dma_wait3A_257 = tpu.memref_slice %arg7[%dma_wait3A_250, %dma_wait3A_256] : memref<64x128xi32, #tpu.memory_space<vmem>> -> memref<1x128xi32, #tpu.memory_space<vmem>>
      %dma_wait3A_258 = tpu.memref_squeeze %dma_wait3A_257 : memref<1x128xi32, #tpu.memory_space<vmem>> -> memref<128xi32, #tpu.memory_space<vmem>>
      %dma_wait3A_259 = arith.constant 0 : i32
      %dma_wait3A_260 = arith.constant 0 : i32
      %dma_wait3A_261 = tpu.memref_slice %arg2[%dma_wait3A_259, %dma_wait3A_260] : memref<20000x128xf32, #tpu.memory_space<hbm>> -> memref<20000x128xf32, #tpu.memory_space<hbm>>
      tpu.wait_indirect_dma semaphore(%arg9 : memref<!tpu.dma_semaphore, #tpu.memory_space<semaphore_mem>>) src(%dma_wait3A_261 : memref<20000x128xf32, #tpu.memory_space<hbm>>) dst(%dma_wait3A_255 : memref<128x128xf32, #tpu.memory_space<vmem>>)
      %dma_wait3A_262 = arith.constant 0 : i32
      %dma_wait3A_263 = arith.constant 2 : i32
      %dma_wait3A_264 = arith.constant 0 : i32
      %dma_wait3A_265 = arith.constant 0 : i32
      %dma_wait3A_266 = tpu.memref_slice %arg8[%dma_wait3A_263, %dma_wait3A_264, %dma_wait3A_265] : memref<4x128x128xf32, #tpu.memory_space<vmem>> -> memref<1x128x128xf32, #tpu.memory_space<vmem>>
      %dma_wait3A_267 = tpu.memref_squeeze %dma_wait3A_266 : memref<1x128x128xf32, #tpu.memory_space<vmem>> -> memref<128x128xf32, #tpu.memory_space<vmem>>
      %dma_wait3A_268 = arith.constant 0 : i32
      %dma_wait3A_269 = tpu.memref_slice %arg7[%dma_wait3A_262, %dma_wait3A_268] : memref<64x128xi32, #tpu.memory_space<vmem>> -> memref<1x128xi32, #tpu.memory_space<vmem>>
      %dma_wait3A_270 = tpu.memref_squeeze %dma_wait3A_269 : memref<1x128xi32, #tpu.memory_space<vmem>> -> memref<128xi32, #tpu.memory_space<vmem>>
      %dma_wait3A_271 = arith.constant 0 : i32
      %dma_wait3A_272 = arith.constant 0 : i32
      %dma_wait3A_273 = tpu.memref_slice %arg2[%dma_wait3A_271, %dma_wait3A_272] : memref<20000x128xf32, #tpu.memory_space<hbm>> -> memref<20000x128xf32, #tpu.memory_space<hbm>>
      tpu.wait_indirect_dma semaphore(%arg9 : memref<!tpu.dma_semaphore, #tpu.memory_space<semaphore_mem>>) src(%dma_wait3A_273 : memref<20000x128xf32, #tpu.memory_space<hbm>>) dst(%dma_wait3A_267 : memref<128x128xf32, #tpu.memory_space<vmem>>)
      %dma_wait3A_274 = arith.constant 0 : i32
      %dma_wait3A_275 = arith.constant 3 : i32
      %dma_wait3A_276 = arith.constant 0 : i32
      %dma_wait3A_277 = arith.constant 0 : i32
      %dma_wait3A_278 = tpu.memref_slice %arg8[%dma_wait3A_275, %dma_wait3A_276, %dma_wait3A_277] : memref<4x128x128xf32, #tpu.memory_space<vmem>> -> memref<1x128x128xf32, #tpu.memory_space<vmem>>
      %dma_wait3A_279 = tpu.memref_squeeze %dma_wait3A_278 : memref<1x128x128xf32, #tpu.memory_space<vmem>> -> memref<128x128xf32, #tpu.memory_space<vmem>>
      %dma_wait3A_280 = arith.constant 0 : i32
      %dma_wait3A_281 = tpu.memref_slice %arg7[%dma_wait3A_274, %dma_wait3A_280] : memref<64x128xi32, #tpu.memory_space<vmem>> -> memref<1x128xi32, #tpu.memory_space<vmem>>
      %dma_wait3A_282 = tpu.memref_squeeze %dma_wait3A_281 : memref<1x128xi32, #tpu.memory_space<vmem>> -> memref<128xi32, #tpu.memory_space<vmem>>
      %dma_wait3A_283 = arith.constant 0 : i32
      %dma_wait3A_284 = arith.constant 0 : i32
      %dma_wait3A_285 = tpu.memref_slice %arg2[%dma_wait3A_283, %dma_wait3A_284] : memref<20000x128xf32, #tpu.memory_space<hbm>> -> memref<20000x128xf32, #tpu.memory_space<hbm>>
      tpu.wait_indirect_dma semaphore(%arg9 : memref<!tpu.dma_semaphore, #tpu.memory_space<semaphore_mem>>) src(%dma_wait3A_285 : memref<20000x128xf32, #tpu.memory_space<hbm>>) dst(%dma_wait3A_279 : memref<128x128xf32, #tpu.memory_space<vmem>>)
      %add3A_286 = arith.addi %add3A, %mul3A_84 : i32
      %add3A_287 = arith.constant 0 : i32
      %add3A_288 = arith.addi %add3A_286, %add3A_287 : i32
      %mul3A_289 = arith.constant 128 : i32
      %mul3A_290 = arith.muli %add3A_288, %mul3A_289 : i32
      %dma_start3A_291 = arith.constant 0 : i32
      %dma_start3A_292 = arith.constant 0 : i32
      %dma_start3A_293 = arith.constant 0 : i32
      %dma_start3A_294 = tpu.memref_slice %arg8[%dma_start3A_291, %dma_start3A_292, %dma_start3A_293] : memref<4x128x128xf32, #tpu.memory_space<vmem>> -> memref<1x128x128xf32, #tpu.memory_space<vmem>>
      %dma_start3A_295 = tpu.memref_squeeze %dma_start3A_294 : memref<1x128x128xf32, #tpu.memory_space<vmem>> -> memref<128x128xf32, #tpu.memory_space<vmem>>
      %dma_start3A_296 = arith.constant 0 : i32
      %dma_start3A_297 = tpu.memref_slice %arg5[%mul3A_290, %dma_start3A_296] : memref<163840x128xf32, #tpu.memory_space<hbm>> -> memref<128x128xf32, #tpu.memory_space<hbm>>
      %dma_start3A_298 = arith.constant 0 : i32
      %dma_start3A_299 = tpu.memref_slice %arg5[%mul3A_290, %dma_start3A_298] : memref<163840x128xf32, #tpu.memory_space<hbm>> -> memref<128x128xf32, #tpu.memory_space<hbm>>
      %dma_start3A_300 = arith.constant 0 : i32
      %dma_start3A_301 = arith.constant 0 : i32
      %dma_start3A_302 = tpu.memref_slice %arg8[%dma_start3A_291, %dma_start3A_300, %dma_start3A_301] : memref<4x128x128xf32, #tpu.memory_space<vmem>> -> memref<1x128x128xf32, #tpu.memory_space<vmem>>
      %dma_start3A_303 = tpu.memref_squeeze %dma_start3A_302 : memref<1x128x128xf32, #tpu.memory_space<vmem>> -> memref<128x128xf32, #tpu.memory_space<vmem>>
      tpu.enqueue_dma source(%dma_start3A_303 : memref<128x128xf32, #tpu.memory_space<vmem>>) target(%dma_start3A_299 : memref<128x128xf32, #tpu.memory_space<hbm>>) target_semaphore(%arg10 : memref<!tpu.dma_semaphore, #tpu.memory_space<semaphore_mem>>)
      %add3A_304 = arith.addi %add3A, %mul3A_84 : i32
      %add3A_305 = arith.constant 1 : i32
      %add3A_306 = arith.addi %add3A_304, %add3A_305 : i32
      %mul3A_307 = arith.constant 128 : i32
      %mul3A_308 = arith.muli %add3A_306, %mul3A_307 : i32
      %dma_start3A_309 = arith.constant 1 : i32
      %dma_start3A_310 = arith.constant 0 : i32
      %dma_start3A_311 = arith.constant 0 : i32
      %dma_start3A_312 = tpu.memref_slice %arg8[%dma_start3A_309, %dma_start3A_310, %dma_start3A_311] : memref<4x128x128xf32, #tpu.memory_space<vmem>> -> memref<1x128x128xf32, #tpu.memory_space<vmem>>
      %dma_start3A_313 = tpu.memref_squeeze %dma_start3A_312 : memref<1x128x128xf32, #tpu.memory_space<vmem>> -> memref<128x128xf32, #tpu.memory_space<vmem>>
      %dma_start3A_314 = arith.constant 0 : i32
      %dma_start3A_315 = tpu.memref_slice %arg5[%mul3A_308, %dma_start3A_314] : memref<163840x128xf32, #tpu.memory_space<hbm>> -> memref<128x128xf32, #tpu.memory_space<hbm>>
      %dma_start3A_316 = arith.constant 0 : i32
      %dma_start3A_317 = tpu.memref_slice %arg5[%mul3A_308, %dma_start3A_316] : memref<163840x128xf32, #tpu.memory_space<hbm>> -> memref<128x128xf32, #tpu.memory_space<hbm>>
      %dma_start3A_318 = arith.constant 0 : i32
      %dma_start3A_319 = arith.constant 0 : i32
      %dma_start3A_320 = tpu.memref_slice %arg8[%dma_start3A_309, %dma_start3A_318, %dma_start3A_319] : memref<4x128x128xf32, #tpu.memory_space<vmem>> -> memref<1x128x128xf32, #tpu.memory_space<vmem>>
      %dma_start3A_321 = tpu.memref_squeeze %dma_start3A_320 : memref<1x128x128xf32, #tpu.memory_space<vmem>> -> memref<128x128xf32, #tpu.memory_space<vmem>>
      tpu.enqueue_dma source(%dma_start3A_321 : memref<128x128xf32, #tpu.memory_space<vmem>>) target(%dma_start3A_317 : memref<128x128xf32, #tpu.memory_space<hbm>>) target_semaphore(%arg10 : memref<!tpu.dma_semaphore, #tpu.memory_space<semaphore_mem>>)
      %add3A_322 = arith.addi %add3A, %mul3A_84 : i32
      %add3A_323 = arith.constant 2 : i32
      %add3A_324 = arith.addi %add3A_322, %add3A_323 : i32
      %mul3A_325 = arith.constant 128 : i32
      %mul3A_326 = arith.muli %add3A_324, %mul3A_325 : i32
      %dma_start3A_327 = arith.constant 2 : i32
      %dma_start3A_328 = arith.constant 0 : i32
      %dma_start3A_329 = arith.constant 0 : i32
      %dma_start3A_330 = tpu.memref_slice %arg8[%dma_start3A_327, %dma_start3A_328, %dma_start3A_329] : memref<4x128x128xf32, #tpu.memory_space<vmem>> -> memref<1x128x128xf32, #tpu.memory_space<vmem>>
      %dma_start3A_331 = tpu.memref_squeeze %dma_start3A_330 : memref<1x128x128xf32, #tpu.memory_space<vmem>> -> memref<128x128xf32, #tpu.memory_space<vmem>>
      %dma_start3A_332 = arith.constant 0 : i32
      %dma_start3A_333 = tpu.memref_slice %arg5[%mul3A_326, %dma_start3A_332] : memref<163840x128xf32, #tpu.memory_space<hbm>> -> memref<128x128xf32, #tpu.memory_space<hbm>>
      %dma_start3A_334 = arith.constant 0 : i32
      %dma_start3A_335 = tpu.memref_slice %arg5[%mul3A_326, %dma_start3A_334] : memref<163840x128xf32, #tpu.memory_space<hbm>> -> memref<128x128xf32, #tpu.memory_space<hbm>>
      %dma_start3A_336 = arith.constant 0 : i32
      %dma_start3A_337 = arith.constant 0 : i32
      %dma_start3A_338 = tpu.memref_slice %arg8[%dma_start3A_327, %dma_start3A_336, %dma_start3A_337] : memref<4x128x128xf32, #tpu.memory_space<vmem>> -> memref<1x128x128xf32, #tpu.memory_space<vmem>>
      %dma_start3A_339 = tpu.memref_squeeze %dma_start3A_338 : memref<1x128x128xf32, #tpu.memory_space<vmem>> -> memref<128x128xf32, #tpu.memory_space<vmem>>
      tpu.enqueue_dma source(%dma_start3A_339 : memref<128x128xf32, #tpu.memory_space<vmem>>) target(%dma_start3A_335 : memref<128x128xf32, #tpu.memory_space<hbm>>) target_semaphore(%arg10 : memref<!tpu.dma_semaphore, #tpu.memory_space<semaphore_mem>>)
      %add3A_340 = arith.addi %add3A, %mul3A_84 : i32
      %add3A_341 = arith.constant 3 : i32
      %add3A_342 = arith.addi %add3A_340, %add3A_341 : i32
      %mul3A_343 = arith.constant 128 : i32
      %mul3A_344 = arith.muli %add3A_342, %mul3A_343 : i32
      %dma_start3A_345 = arith.constant 3 : i32
      %dma_start3A_346 = arith.constant 0 : i32
      %dma_start3A_347 = arith.constant 0 : i32
      %dma_start3A_348 = tpu.memref_slice %arg8[%dma_start3A_345, %dma_start3A_346, %dma_start3A_347] : memref<4x128x128xf32, #tpu.memory_space<vmem>> -> memref<1x128x128xf32, #tpu.memory_space<vmem>>
      %dma_start3A_349 = tpu.memref_squeeze %dma_start3A_348 : memref<1x128x128xf32, #tpu.memory_space<vmem>> -> memref<128x128xf32, #tpu.memory_space<vmem>>
      %dma_start3A_350 = arith.constant 0 : i32
      %dma_start3A_351 = tpu.memref_slice %arg5[%mul3A_344, %dma_start3A_350] : memref<163840x128xf32, #tpu.memory_space<hbm>> -> memref<128x128xf32, #tpu.memory_space<hbm>>
      %dma_start3A_352 = arith.constant 0 : i32
      %dma_start3A_353 = tpu.memref_slice %arg5[%mul3A_344, %dma_start3A_352] : memref<163840x128xf32, #tpu.memory_space<hbm>> -> memref<128x128xf32, #tpu.memory_space<hbm>>
      %dma_start3A_354 = arith.constant 0 : i32
      %dma_start3A_355 = arith.constant 0 : i32
      %dma_start3A_356 = tpu.memref_slice %arg8[%dma_start3A_345, %dma_start3A_354, %dma_start3A_355] : memref<4x128x128xf32, #tpu.memory_space<vmem>> -> memref<1x128x128xf32, #tpu.memory_space<vmem>>
      %dma_start3A_357 = tpu.memref_squeeze %dma_start3A_356 : memref<1x128x128xf32, #tpu.memory_space<vmem>> -> memref<128x128xf32, #tpu.memory_space<vmem>>
      tpu.enqueue_dma source(%dma_start3A_357 : memref<128x128xf32, #tpu.memory_space<vmem>>) target(%dma_start3A_353 : memref<128x128xf32, #tpu.memory_space<hbm>>) target_semaphore(%arg10 : memref<!tpu.dma_semaphore, #tpu.memory_space<semaphore_mem>>)
    }
    %while3A_20 = arith.constant 1 : i32
    scf.for %while3A_80 = %while3A_18 to %while3A_14 step %while3A_20  : i32 {
      %mul3A_81 = arith.muli %while3A_80, %while3A : i32
      %add3A_82 = arith.addi %while3A_11, %mul3A_81 : i32
      %mul3A_83 = arith.constant 4 : i32
      %mul3A_84 = arith.muli %add3A_82, %mul3A_83 : i32
      %gt3A = arith.constant 0 : i32
      %gt3A_85 = arith.cmpi sgt, %add3A_82, %gt3A : i32
      %convert_element_type3A = arith.extui %gt3A_85 : i1 to i32
      %cond3A = arith.constant 0 : i32
      %cond3A_86 = arith.cmpi ne, %convert_element_type3A, %cond3A : i32
      scf.if %cond3A_86 {
        %dma_wait3A_358 = arith.constant 0 : i32
        %dma_wait3A_359 = arith.constant 0 : i32
        %dma_wait3A_360 = arith.constant 0 : i32
        %dma_wait3A_361 = tpu.memref_slice %arg8[%dma_wait3A_358, %dma_wait3A_359, %dma_wait3A_360] : memref<4x128x128xf32, #tpu.memory_space<vmem>> -> memref<1x128x128xf32, #tpu.memory_space<vmem>>
        %dma_wait3A_362 = tpu.memref_squeeze %dma_wait3A_361 : memref<1x128x128xf32, #tpu.memory_space<vmem>> -> memref<128x128xf32, #tpu.memory_space<vmem>>
        %dma_wait3A_363 = arith.constant 0 : i32
        %dma_wait3A_364 = arith.constant 0 : i32
        %dma_wait3A_365 = tpu.memref_slice %arg5[%dma_wait3A_363, %dma_wait3A_364] : memref<163840x128xf32, #tpu.memory_space<hbm>> -> memref<128x128xf32, #tpu.memory_space<hbm>>
        %dma_wait3A_366 = arith.constant 0 : i32
        %dma_wait3A_367 = arith.constant 0 : i32
        %dma_wait3A_368 = tpu.memref_slice %arg5[%dma_wait3A_366, %dma_wait3A_367] : memref<163840x128xf32, #tpu.memory_space<hbm>> -> memref<128x128xf32, #tpu.memory_space<hbm>>
        %dma_wait3A_369 = arith.constant 0 : i32
        %dma_wait3A_370 = arith.constant 0 : i32
        %dma_wait3A_371 = tpu.memref_slice %arg8[%dma_wait3A_358, %dma_wait3A_369, %dma_wait3A_370] : memref<4x128x128xf32, #tpu.memory_space<vmem>> -> memref<1x128x128xf32, #tpu.memory_space<vmem>>
        %dma_wait3A_372 = tpu.memref_squeeze %dma_wait3A_371 : memref<1x128x128xf32, #tpu.memory_space<vmem>> -> memref<128x128xf32, #tpu.memory_space<vmem>>
        tpu.wait_dma2 semaphore(%arg10 : memref<!tpu.dma_semaphore, #tpu.memory_space<semaphore_mem>>) src(%dma_wait3A_372 : memref<128x128xf32, #tpu.memory_space<vmem>>) dst(%dma_wait3A_368 : memref<128x128xf32, #tpu.memory_space<hbm>>)
        %dma_wait3A_373 = arith.constant 1 : i32
        %dma_wait3A_374 = arith.constant 0 : i32
        %dma_wait3A_375 = arith.constant 0 : i32
        %dma_wait3A_376 = tpu.memref_slice %arg8[%dma_wait3A_373, %dma_wait3A_374, %dma_wait3A_375] : memref<4x128x128xf32, #tpu.memory_space<vmem>> -> memref<1x128x128xf32, #tpu.memory_space<vmem>>
        %dma_wait3A_377 = tpu.memref_squeeze %dma_wait3A_376 : memref<1x128x128xf32, #tpu.memory_space<vmem>> -> memref<128x128xf32, #tpu.memory_space<vmem>>
        %dma_wait3A_378 = arith.constant 0 : i32
        %dma_wait3A_379 = arith.constant 0 : i32
        %dma_wait3A_380 = tpu.memref_slice %arg5[%dma_wait3A_378, %dma_wait3A_379] : memref<163840x128xf32, #tpu.memory_space<hbm>> -> memref<128x128xf32, #tpu.memory_space<hbm>>
        %dma_wait3A_381 = arith.constant 0 : i32
        %dma_wait3A_382 = arith.constant 0 : i32
        %dma_wait3A_383 = tpu.memref_slice %arg5[%dma_wait3A_381, %dma_wait3A_382] : memref<163840x128xf32, #tpu.memory_space<hbm>> -> memref<128x128xf32, #tpu.memory_space<hbm>>
        %dma_wait3A_384 = arith.constant 0 : i32
        %dma_wait3A_385 = arith.constant 0 : i32
        %dma_wait3A_386 = tpu.memref_slice %arg8[%dma_wait3A_373, %dma_wait3A_384, %dma_wait3A_385] : memref<4x128x128xf32, #tpu.memory_space<vmem>> -> memref<1x128x128xf32, #tpu.memory_space<vmem>>
        %dma_wait3A_387 = tpu.memref_squeeze %dma_wait3A_386 : memref<1x128x128xf32, #tpu.memory_space<vmem>> -> memref<128x128xf32, #tpu.memory_space<vmem>>
        tpu.wait_dma2 semaphore(%arg10 : memref<!tpu.dma_semaphore, #tpu.memory_space<semaphore_mem>>) src(%dma_wait3A_387 : memref<128x128xf32, #tpu.memory_space<vmem>>) dst(%dma_wait3A_383 : memref<128x128xf32, #tpu.memory_space<hbm>>)
        %dma_wait3A_388 = arith.constant 2 : i32
        %dma_wait3A_389 = arith.constant 0 : i32
        %dma_wait3A_390 = arith.constant 0 : i32
        %dma_wait3A_391 = tpu.memref_slice %arg8[%dma_wait3A_388, %dma_wait3A_389, %dma_wait3A_390] : memref<4x128x128xf32, #tpu.memory_space<vmem>> -> memref<1x128x128xf32, #tpu.memory_space<vmem>>
        %dma_wait3A_392 = tpu.memref_squeeze %dma_wait3A_391 : memref<1x128x128xf32, #tpu.memory_space<vmem>> -> memref<128x128xf32, #tpu.memory_space<vmem>>
        %dma_wait3A_393 = arith.constant 0 : i32
        %dma_wait3A_394 = arith.constant 0 : i32
        %dma_wait3A_395 = tpu.memref_slice %arg5[%dma_wait3A_393, %dma_wait3A_394] : memref<163840x128xf32, #tpu.memory_space<hbm>> -> memref<128x128xf32, #tpu.memory_space<hbm>>
        %dma_wait3A_396 = arith.constant 0 : i32
        %dma_wait3A_397 = arith.constant 0 : i32
        %dma_wait3A_398 = tpu.memref_slice %arg5[%dma_wait3A_396, %dma_wait3A_397] : memref<163840x128xf32, #tpu.memory_space<hbm>> -> memref<128x128xf32, #tpu.memory_space<hbm>>
        %dma_wait3A_399 = arith.constant 0 : i32
        %dma_wait3A_400 = arith.constant 0 : i32
        %dma_wait3A_401 = tpu.memref_slice %arg8[%dma_wait3A_388, %dma_wait3A_399, %dma_wait3A_400] : memref<4x128x128xf32, #tpu.memory_space<vmem>> -> memref<1x128x128xf32, #tpu.memory_space<vmem>>
        %dma_wait3A_402 = tpu.memref_squeeze %dma_wait3A_401 : memref<1x128x128xf32, #tpu.memory_space<vmem>> -> memref<128x128xf32, #tpu.memory_space<vmem>>
        tpu.wait_dma2 semaphore(%arg10 : memref<!tpu.dma_semaphore, #tpu.memory_space<semaphore_mem>>) src(%dma_wait3A_402 : memref<128x128xf32, #tpu.memory_space<vmem>>) dst(%dma_wait3A_398 : memref<128x128xf32, #tpu.memory_space<hbm>>)
        %dma_wait3A_403 = arith.constant 3 : i32
        %dma_wait3A_404 = arith.constant 0 : i32
        %dma_wait3A_405 = arith.constant 0 : i32
        %dma_wait3A_406 = tpu.memref_slice %arg8[%dma_wait3A_403, %dma_wait3A_404, %dma_wait3A_405] : memref<4x128x128xf32, #tpu.memory_space<vmem>> -> memref<1x128x128xf32, #tpu.memory_space<vmem>>
        %dma_wait3A_407 = tpu.memref_squeeze %dma_wait3A_406 : memref<1x128x128xf32, #tpu.memory_space<vmem>> -> memref<128x128xf32, #tpu.memory_space<vmem>>
        %dma_wait3A_408 = arith.constant 0 : i32
        %dma_wait3A_409 = arith.constant 0 : i32
        %dma_wait3A_410 = tpu.memref_slice %arg5[%dma_wait3A_408, %dma_wait3A_409] : memref<163840x128xf32, #tpu.memory_space<hbm>> -> memref<128x128xf32, #tpu.memory_space<hbm>>
        %dma_wait3A_411 = arith.constant 0 : i32
        %dma_wait3A_412 = arith.constant 0 : i32
        %dma_wait3A_413 = tpu.memref_slice %arg5[%dma_wait3A_411, %dma_wait3A_412] : memref<163840x128xf32, #tpu.memory_space<hbm>> -> memref<128x128xf32, #tpu.memory_space<hbm>>
        %dma_wait3A_414 = arith.constant 0 : i32
        %dma_wait3A_415 = arith.constant 0 : i32
        %dma_wait3A_416 = tpu.memref_slice %arg8[%dma_wait3A_403, %dma_wait3A_414, %dma_wait3A_415] : memref<4x128x128xf32, #tpu.memory_space<vmem>> -> memref<1x128x128xf32, #tpu.memory_space<vmem>>
        %dma_wait3A_417 = tpu.memref_squeeze %dma_wait3A_416 : memref<1x128x128xf32, #tpu.memory_space<vmem>> -> memref<128x128xf32, #tpu.memory_space<vmem>>
        tpu.wait_dma2 semaphore(%arg10 : memref<!tpu.dma_semaphore, #tpu.memory_space<semaphore_mem>>) src(%dma_wait3A_417 : memref<128x128xf32, #tpu.memory_space<vmem>>) dst(%dma_wait3A_413 : memref<128x128xf32, #tpu.memory_space<hbm>>)
      } else {
      }
      %add3A_87 = arith.constant 0 : i32
      %add3A_88 = arith.addi %mul3A_84, %add3A_87 : i32
      %dma_start3A = arith.constant 0 : i32
      %dma_start3A_89 = arith.constant 0 : i32
      %dma_start3A_90 = arith.constant 0 : i32
      %dma_start3A_91 = tpu.memref_slice %arg8[%dma_start3A, %dma_start3A_89, %dma_start3A_90] : memref<4x128x128xf32, #tpu.memory_space<vmem>> -> memref<1x128x128xf32, #tpu.memory_space<vmem>>
      %dma_start3A_92 = tpu.memref_squeeze %dma_start3A_91 : memref<1x128x128xf32, #tpu.memory_space<vmem>> -> memref<128x128xf32, #tpu.memory_space<vmem>>
      %dma_start3A_93 = arith.constant 0 : i32
      %dma_start3A_94 = tpu.memref_slice %arg6[%add3A_88, %dma_start3A_93] : memref<64x128xi32, #tpu.memory_space<vmem>> -> memref<1x128xi32, #tpu.memory_space<vmem>>
      %dma_start3A_95 = tpu.memref_squeeze %dma_start3A_94 : memref<1x128xi32, #tpu.memory_space<vmem>> -> memref<128xi32, #tpu.memory_space<vmem>>
      %dma_start3A_96 = arith.constant 0 : i32
      %dma_start3A_97 = arith.constant 0 : i32
      %dma_start3A_98 = tpu.memref_slice %arg2[%dma_start3A_96, %dma_start3A_97] : memref<20000x128xf32, #tpu.memory_space<hbm>> -> memref<20000x128xf32, #tpu.memory_space<hbm>>
      tpu.enqueue_indirect_dma source(%dma_start3A_98 : memref<20000x128xf32, #tpu.memory_space<hbm>>) target(%dma_start3A_92 : memref<128x128xf32, #tpu.memory_space<vmem>>) offsets(%dma_start3A_95 : memref<128xi32, #tpu.memory_space<vmem>>) semaphore(%arg9 : memref<!tpu.dma_semaphore, #tpu.memory_space<semaphore_mem>>)
      %add3A_99 = arith.constant 1 : i32
      %add3A_100 = arith.addi %mul3A_84, %add3A_99 : i32
      %dma_start3A_101 = arith.constant 1 : i32
      %dma_start3A_102 = arith.constant 0 : i32
      %dma_start3A_103 = arith.constant 0 : i32
      %dma_start3A_104 = tpu.memref_slice %arg8[%dma_start3A_101, %dma_start3A_102, %dma_start3A_103] : memref<4x128x128xf32, #tpu.memory_space<vmem>> -> memref<1x128x128xf32, #tpu.memory_space<vmem>>
      %dma_start3A_105 = tpu.memref_squeeze %dma_start3A_104 : memref<1x128x128xf32, #tpu.memory_space<vmem>> -> memref<128x128xf32, #tpu.memory_space<vmem>>
      %dma_start3A_106 = arith.constant 0 : i32
      %dma_start3A_107 = tpu.memref_slice %arg6[%add3A_100, %dma_start3A_106] : memref<64x128xi32, #tpu.memory_space<vmem>> -> memref<1x128xi32, #tpu.memory_space<vmem>>
      %dma_start3A_108 = tpu.memref_squeeze %dma_start3A_107 : memref<1x128xi32, #tpu.memory_space<vmem>> -> memref<128xi32, #tpu.memory_space<vmem>>
      %dma_start3A_109 = arith.constant 0 : i32
      %dma_start3A_110 = arith.constant 0 : i32
      %dma_start3A_111 = tpu.memref_slice %arg2[%dma_start3A_109, %dma_start3A_110] : memref<20000x128xf32, #tpu.memory_space<hbm>> -> memref<20000x128xf32, #tpu.memory_space<hbm>>
      tpu.enqueue_indirect_dma source(%dma_start3A_111 : memref<20000x128xf32, #tpu.memory_space<hbm>>) target(%dma_start3A_105 : memref<128x128xf32, #tpu.memory_space<vmem>>) offsets(%dma_start3A_108 : memref<128xi32, #tpu.memory_space<vmem>>) semaphore(%arg9 : memref<!tpu.dma_semaphore, #tpu.memory_space<semaphore_mem>>)
      %add3A_112 = arith.constant 2 : i32
      %add3A_113 = arith.addi %mul3A_84, %add3A_112 : i32
      %dma_start3A_114 = arith.constant 2 : i32
      %dma_start3A_115 = arith.constant 0 : i32
      %dma_start3A_116 = arith.constant 0 : i32
      %dma_start3A_117 = tpu.memref_slice %arg8[%dma_start3A_114, %dma_start3A_115, %dma_start3A_116] : memref<4x128x128xf32, #tpu.memory_space<vmem>> -> memref<1x128x128xf32, #tpu.memory_space<vmem>>
      %dma_start3A_118 = tpu.memref_squeeze %dma_start3A_117 : memref<1x128x128xf32, #tpu.memory_space<vmem>> -> memref<128x128xf32, #tpu.memory_space<vmem>>
      %dma_start3A_119 = arith.constant 0 : i32
      %dma_start3A_120 = tpu.memref_slice %arg6[%add3A_113, %dma_start3A_119] : memref<64x128xi32, #tpu.memory_space<vmem>> -> memref<1x128xi32, #tpu.memory_space<vmem>>
      %dma_start3A_121 = tpu.memref_squeeze %dma_start3A_120 : memref<1x128xi32, #tpu.memory_space<vmem>> -> memref<128xi32, #tpu.memory_space<vmem>>
      %dma_start3A_122 = arith.constant 0 : i32
      %dma_start3A_123 = arith.constant 0 : i32
      %dma_start3A_124 = tpu.memref_slice %arg2[%dma_start3A_122, %dma_start3A_123] : memref<20000x128xf32, #tpu.memory_space<hbm>> -> memref<20000x128xf32, #tpu.memory_space<hbm>>
      tpu.enqueue_indirect_dma source(%dma_start3A_124 : memref<20000x128xf32, #tpu.memory_space<hbm>>) target(%dma_start3A_118 : memref<128x128xf32, #tpu.memory_space<vmem>>) offsets(%dma_start3A_121 : memref<128xi32, #tpu.memory_space<vmem>>) semaphore(%arg9 : memref<!tpu.dma_semaphore, #tpu.memory_space<semaphore_mem>>)
      %add3A_125 = arith.constant 3 : i32
      %add3A_126 = arith.addi %mul3A_84, %add3A_125 : i32
      %dma_start3A_127 = arith.constant 3 : i32
      %dma_start3A_128 = arith.constant 0 : i32
      %dma_start3A_129 = arith.constant 0 : i32
      %dma_start3A_130 = tpu.memref_slice %arg8[%dma_start3A_127, %dma_start3A_128, %dma_start3A_129] : memref<4x128x128xf32, #tpu.memory_space<vmem>> -> memref<1x128x128xf32, #tpu.memory_space<vmem>>
      %dma_start3A_131 = tpu.memref_squeeze %dma_start3A_130 : memref<1x128x128xf32, #tpu.memory_space<vmem>> -> memref<128x128xf32, #tpu.memory_space<vmem>>
      %dma_start3A_132 = arith.constant 0 : i32
      %dma_start3A_133 = tpu.memref_slice %arg6[%add3A_126, %dma_start3A_132] : memref<64x128xi32, #tpu.memory_space<vmem>> -> memref<1x128xi32, #tpu.memory_space<vmem>>
      %dma_start3A_134 = tpu.memref_squeeze %dma_start3A_133 : memref<1x128xi32, #tpu.memory_space<vmem>> -> memref<128xi32, #tpu.memory_space<vmem>>
      %dma_start3A_135 = arith.constant 0 : i32
      %dma_start3A_136 = arith.constant 0 : i32
      %dma_start3A_137 = tpu.memref_slice %arg2[%dma_start3A_135, %dma_start3A_136] : memref<20000x128xf32, #tpu.memory_space<hbm>> -> memref<20000x128xf32, #tpu.memory_space<hbm>>
      tpu.enqueue_indirect_dma source(%dma_start3A_137 : memref<20000x128xf32, #tpu.memory_space<hbm>>) target(%dma_start3A_131 : memref<128x128xf32, #tpu.memory_space<vmem>>) offsets(%dma_start3A_134 : memref<128xi32, #tpu.memory_space<vmem>>) semaphore(%arg9 : memref<!tpu.dma_semaphore, #tpu.memory_space<semaphore_mem>>)
      %dma_wait3A_138 = arith.constant 0 : i32
      %dma_wait3A_139 = arith.constant 0 : i32
      %dma_wait3A_140 = arith.constant 0 : i32
      %dma_wait3A_141 = arith.constant 0 : i32
      %dma_wait3A_142 = tpu.memref_slice %arg8[%dma_wait3A_139, %dma_wait3A_140, %dma_wait3A_141] : memref<4x128x128xf32, #tpu.memory_space<vmem>> -> memref<1x128x128xf32, #tpu.memory_space<vmem>>
      %dma_wait3A_143 = tpu.memref_squeeze %dma_wait3A_142 : memref<1x128x128xf32, #tpu.memory_space<vmem>> -> memref<128x128xf32, #tpu.memory_space<vmem>>
      %dma_wait3A_144 = arith.constant 0 : i32
      %dma_wait3A_145 = tpu.memref_slice %arg6[%dma_wait3A_138, %dma_wait3A_144] : memref<64x128xi32, #tpu.memory_space<vmem>> -> memref<1x128xi32, #tpu.memory_space<vmem>>
      %dma_wait3A_146 = tpu.memref_squeeze %dma_wait3A_145 : memref<1x128xi32, #tpu.memory_space<vmem>> -> memref<128xi32, #tpu.memory_space<vmem>>
      %dma_wait3A_147 = arith.constant 0 : i32
      %dma_wait3A_148 = arith.constant 0 : i32
      %dma_wait3A_149 = tpu.memref_slice %arg2[%dma_wait3A_147, %dma_wait3A_148] : memref<20000x128xf32, #tpu.memory_space<hbm>> -> memref<20000x128xf32, #tpu.memory_space<hbm>>
      tpu.wait_indirect_dma semaphore(%arg9 : memref<!tpu.dma_semaphore, #tpu.memory_space<semaphore_mem>>) src(%dma_wait3A_149 : memref<20000x128xf32, #tpu.memory_space<hbm>>) dst(%dma_wait3A_143 : memref<128x128xf32, #tpu.memory_space<vmem>>)
      %dma_wait3A_150 = arith.constant 0 : i32
      %dma_wait3A_151 = arith.constant 1 : i32
      %dma_wait3A_152 = arith.constant 0 : i32
      %dma_wait3A_153 = arith.constant 0 : i32
      %dma_wait3A_154 = tpu.memref_slice %arg8[%dma_wait3A_151, %dma_wait3A_152, %dma_wait3A_153] : memref<4x128x128xf32, #tpu.memory_space<vmem>> -> memref<1x128x128xf32, #tpu.memory_space<vmem>>
      %dma_wait3A_155 = tpu.memref_squeeze %dma_wait3A_154 : memref<1x128x128xf32, #tpu.memory_space<vmem>> -> memref<128x128xf32, #tpu.memory_space<vmem>>
      %dma_wait3A_156 = arith.constant 0 : i32
      %dma_wait3A_157 = tpu.memref_slice %arg6[%dma_wait3A_150, %dma_wait3A_156] : memref<64x128xi32, #tpu.memory_space<vmem>> -> memref<1x128xi32, #tpu.memory_space<vmem>>
      %dma_wait3A_158 = tpu.memref_squeeze %dma_wait3A_157 : memref<1x128xi32, #tpu.memory_space<vmem>> -> memref<128xi32, #tpu.memory_space<vmem>>
      %dma_wait3A_159 = arith.constant 0 : i32
      %dma_wait3A_160 = arith.constant 0 : i32
      %dma_wait3A_161 = tpu.memref_slice %arg2[%dma_wait3A_159, %dma_wait3A_160] : memref<20000x128xf32, #tpu.memory_space<hbm>> -> memref<20000x128xf32, #tpu.memory_space<hbm>>
      tpu.wait_indirect_dma semaphore(%arg9 : memref<!tpu.dma_semaphore, #tpu.memory_space<semaphore_mem>>) src(%dma_wait3A_161 : memref<20000x128xf32, #tpu.memory_space<hbm>>) dst(%dma_wait3A_155 : memref<128x128xf32, #tpu.memory_space<vmem>>)
      %dma_wait3A_162 = arith.constant 0 : i32
      %dma_wait3A_163 = arith.constant 2 : i32
      %dma_wait3A_164 = arith.constant 0 : i32
      %dma_wait3A_165 = arith.constant 0 : i32
      %dma_wait3A_166 = tpu.memref_slice %arg8[%dma_wait3A_163, %dma_wait3A_164, %dma_wait3A_165] : memref<4x128x128xf32, #tpu.memory_space<vmem>> -> memref<1x128x128xf32, #tpu.memory_space<vmem>>
      %dma_wait3A_167 = tpu.memref_squeeze %dma_wait3A_166 : memref<1x128x128xf32, #tpu.memory_space<vmem>> -> memref<128x128xf32, #tpu.memory_space<vmem>>
      %dma_wait3A_168 = arith.constant 0 : i32
      %dma_wait3A_169 = tpu.memref_slice %arg6[%dma_wait3A_162, %dma_wait3A_168] : memref<64x128xi32, #tpu.memory_space<vmem>> -> memref<1x128xi32, #tpu.memory_space<vmem>>
      %dma_wait3A_170 = tpu.memref_squeeze %dma_wait3A_169 : memref<1x128xi32, #tpu.memory_space<vmem>> -> memref<128xi32, #tpu.memory_space<vmem>>
      %dma_wait3A_171 = arith.constant 0 : i32
      %dma_wait3A_172 = arith.constant 0 : i32
      %dma_wait3A_173 = tpu.memref_slice %arg2[%dma_wait3A_171, %dma_wait3A_172] : memref<20000x128xf32, #tpu.memory_space<hbm>> -> memref<20000x128xf32, #tpu.memory_space<hbm>>
      tpu.wait_indirect_dma semaphore(%arg9 : memref<!tpu.dma_semaphore, #tpu.memory_space<semaphore_mem>>) src(%dma_wait3A_173 : memref<20000x128xf32, #tpu.memory_space<hbm>>) dst(%dma_wait3A_167 : memref<128x128xf32, #tpu.memory_space<vmem>>)
      %dma_wait3A_174 = arith.constant 0 : i32
      %dma_wait3A_175 = arith.constant 3 : i32
      %dma_wait3A_176 = arith.constant 0 : i32
      %dma_wait3A_177 = arith.constant 0 : i32
      %dma_wait3A_178 = tpu.memref_slice %arg8[%dma_wait3A_175, %dma_wait3A_176, %dma_wait3A_177] : memref<4x128x128xf32, #tpu.memory_space<vmem>> -> memref<1x128x128xf32, #tpu.memory_space<vmem>>
      %dma_wait3A_179 = tpu.memref_squeeze %dma_wait3A_178 : memref<1x128x128xf32, #tpu.memory_space<vmem>> -> memref<128x128xf32, #tpu.memory_space<vmem>>
      %dma_wait3A_180 = arith.constant 0 : i32
      %dma_wait3A_181 = tpu.memref_slice %arg6[%dma_wait3A_174, %dma_wait3A_180] : memref<64x128xi32, #tpu.memory_space<vmem>> -> memref<1x128xi32, #tpu.memory_space<vmem>>
      %dma_wait3A_182 = tpu.memref_squeeze %dma_wait3A_181 : memref<1x128xi32, #tpu.memory_space<vmem>> -> memref<128xi32, #tpu.memory_space<vmem>>
      %dma_wait3A_183 = arith.constant 0 : i32
      %dma_wait3A_184 = arith.constant 0 : i32
      %dma_wait3A_185 = tpu.memref_slice %arg2[%dma_wait3A_183, %dma_wait3A_184] : memref<20000x128xf32, #tpu.memory_space<hbm>> -> memref<20000x128xf32, #tpu.memory_space<hbm>>
      tpu.wait_indirect_dma semaphore(%arg9 : memref<!tpu.dma_semaphore, #tpu.memory_space<semaphore_mem>>) src(%dma_wait3A_185 : memref<20000x128xf32, #tpu.memory_space<hbm>>) dst(%dma_wait3A_179 : memref<128x128xf32, #tpu.memory_space<vmem>>)
      %add3A_186 = arith.constant 0 : i32
      %add3A_187 = arith.addi %mul3A_84, %add3A_186 : i32
      %dma_start3A_188 = arith.constant 0 : i32
      %dma_start3A_189 = arith.constant 0 : i32
      %dma_start3A_190 = arith.constant 0 : i32
      %dma_start3A_191 = tpu.memref_slice %arg8[%dma_start3A_188, %dma_start3A_189, %dma_start3A_190] : memref<4x128x128xf32, #tpu.memory_space<vmem>> -> memref<1x128x128xf32, #tpu.memory_space<vmem>>
      %dma_start3A_192 = tpu.memref_squeeze %dma_start3A_191 : memref<1x128x128xf32, #tpu.memory_space<vmem>> -> memref<128x128xf32, #tpu.memory_space<vmem>>
      %dma_start3A_193 = arith.constant 0 : i32
      %dma_start3A_194 = tpu.memref_slice %arg7[%add3A_187, %dma_start3A_193] : memref<64x128xi32, #tpu.memory_space<vmem>> -> memref<1x128xi32, #tpu.memory_space<vmem>>
      %dma_start3A_195 = tpu.memref_squeeze %dma_start3A_194 : memref<1x128xi32, #tpu.memory_space<vmem>> -> memref<128xi32, #tpu.memory_space<vmem>>
      %dma_start3A_196 = arith.constant 0 : i32
      %dma_start3A_197 = arith.constant 0 : i32
      %dma_start3A_198 = tpu.memref_slice %arg2[%dma_start3A_196, %dma_start3A_197] : memref<20000x128xf32, #tpu.memory_space<hbm>> -> memref<20000x128xf32, #tpu.memory_space<hbm>>
      tpu.enqueue_indirect_dma source(%dma_start3A_198 : memref<20000x128xf32, #tpu.memory_space<hbm>>) target(%dma_start3A_192 : memref<128x128xf32, #tpu.memory_space<vmem>>) offsets(%dma_start3A_195 : memref<128xi32, #tpu.memory_space<vmem>>) semaphore(%arg9 : memref<!tpu.dma_semaphore, #tpu.memory_space<semaphore_mem>>) {add = true}
      %add3A_199 = arith.constant 1 : i32
      %add3A_200 = arith.addi %mul3A_84, %add3A_199 : i32
      %dma_start3A_201 = arith.constant 1 : i32
      %dma_start3A_202 = arith.constant 0 : i32
      %dma_start3A_203 = arith.constant 0 : i32
      %dma_start3A_204 = tpu.memref_slice %arg8[%dma_start3A_201, %dma_start3A_202, %dma_start3A_203] : memref<4x128x128xf32, #tpu.memory_space<vmem>> -> memref<1x128x128xf32, #tpu.memory_space<vmem>>
      %dma_start3A_205 = tpu.memref_squeeze %dma_start3A_204 : memref<1x128x128xf32, #tpu.memory_space<vmem>> -> memref<128x128xf32, #tpu.memory_space<vmem>>
      %dma_start3A_206 = arith.constant 0 : i32
      %dma_start3A_207 = tpu.memref_slice %arg7[%add3A_200, %dma_start3A_206] : memref<64x128xi32, #tpu.memory_space<vmem>> -> memref<1x128xi32, #tpu.memory_space<vmem>>
      %dma_start3A_208 = tpu.memref_squeeze %dma_start3A_207 : memref<1x128xi32, #tpu.memory_space<vmem>> -> memref<128xi32, #tpu.memory_space<vmem>>
      %dma_start3A_209 = arith.constant 0 : i32
      %dma_start3A_210 = arith.constant 0 : i32
      %dma_start3A_211 = tpu.memref_slice %arg2[%dma_start3A_209, %dma_start3A_210] : memref<20000x128xf32, #tpu.memory_space<hbm>> -> memref<20000x128xf32, #tpu.memory_space<hbm>>
      tpu.enqueue_indirect_dma source(%dma_start3A_211 : memref<20000x128xf32, #tpu.memory_space<hbm>>) target(%dma_start3A_205 : memref<128x128xf32, #tpu.memory_space<vmem>>) offsets(%dma_start3A_208 : memref<128xi32, #tpu.memory_space<vmem>>) semaphore(%arg9 : memref<!tpu.dma_semaphore, #tpu.memory_space<semaphore_mem>>) {add = true}
      %add3A_212 = arith.constant 2 : i32
      %add3A_213 = arith.addi %mul3A_84, %add3A_212 : i32
      %dma_start3A_214 = arith.constant 2 : i32
      %dma_start3A_215 = arith.constant 0 : i32
      %dma_start3A_216 = arith.constant 0 : i32
      %dma_start3A_217 = tpu.memref_slice %arg8[%dma_start3A_214, %dma_start3A_215, %dma_start3A_216] : memref<4x128x128xf32, #tpu.memory_space<vmem>> -> memref<1x128x128xf32, #tpu.memory_space<vmem>>
      %dma_start3A_218 = tpu.memref_squeeze %dma_start3A_217 : memref<1x128x128xf32, #tpu.memory_space<vmem>> -> memref<128x128xf32, #tpu.memory_space<vmem>>
      %dma_start3A_219 = arith.constant 0 : i32
      %dma_start3A_220 = tpu.memref_slice %arg7[%add3A_213, %dma_start3A_219] : memref<64x128xi32, #tpu.memory_space<vmem>> -> memref<1x128xi32, #tpu.memory_space<vmem>>
      %dma_start3A_221 = tpu.memref_squeeze %dma_start3A_220 : memref<1x128xi32, #tpu.memory_space<vmem>> -> memref<128xi32, #tpu.memory_space<vmem>>
      %dma_start3A_222 = arith.constant 0 : i32
      %dma_start3A_223 = arith.constant 0 : i32
      %dma_start3A_224 = tpu.memref_slice %arg2[%dma_start3A_222, %dma_start3A_223] : memref<20000x128xf32, #tpu.memory_space<hbm>> -> memref<20000x128xf32, #tpu.memory_space<hbm>>
      tpu.enqueue_indirect_dma source(%dma_start3A_224 : memref<20000x128xf32, #tpu.memory_space<hbm>>) target(%dma_start3A_218 : memref<128x128xf32, #tpu.memory_space<vmem>>) offsets(%dma_start3A_221 : memref<128xi32, #tpu.memory_space<vmem>>) semaphore(%arg9 : memref<!tpu.dma_semaphore, #tpu.memory_space<semaphore_mem>>) {add = true}
      %add3A_225 = arith.constant 3 : i32
      %add3A_226 = arith.addi %mul3A_84, %add3A_225 : i32
      %dma_start3A_227 = arith.constant 3 : i32
      %dma_start3A_228 = arith.constant 0 : i32
      %dma_start3A_229 = arith.constant 0 : i32
      %dma_start3A_230 = tpu.memref_slice %arg8[%dma_start3A_227, %dma_start3A_228, %dma_start3A_229] : memref<4x128x128xf32, #tpu.memory_space<vmem>> -> memref<1x128x128xf32, #tpu.memory_space<vmem>>
      %dma_start3A_231 = tpu.memref_squeeze %dma_start3A_230 : memref<1x128x128xf32, #tpu.memory_space<vmem>> -> memref<128x128xf32, #tpu.memory_space<vmem>>
      %dma_start3A_232 = arith.constant 0 : i32
      %dma_start3A_233 = tpu.memref_slice %arg7[%add3A_226, %dma_start3A_232] : memref<64x128xi32, #tpu.memory_space<vmem>> -> memref<1x128xi32, #tpu.memory_space<vmem>>
      %dma_start3A_234 = tpu.memref_squeeze %dma_start3A_233 : memref<1x128xi32, #tpu.memory_space<vmem>> -> memref<128xi32, #tpu.memory_space<vmem>>
      %dma_start3A_235 = arith.constant 0 : i32
      %dma_start3A_236 = arith.constant 0 : i32
      %dma_start3A_237 = tpu.memref_slice %arg2[%dma_start3A_235, %dma_start3A_236] : memref<20000x128xf32, #tpu.memory_space<hbm>> -> memref<20000x128xf32, #tpu.memory_space<hbm>>
      tpu.enqueue_indirect_dma source(%dma_start3A_237 : memref<20000x128xf32, #tpu.memory_space<hbm>>) target(%dma_start3A_231 : memref<128x128xf32, #tpu.memory_space<vmem>>) offsets(%dma_start3A_234 : memref<128xi32, #tpu.memory_space<vmem>>) semaphore(%arg9 : memref<!tpu.dma_semaphore, #tpu.memory_space<semaphore_mem>>) {add = true}
      %dma_wait3A_238 = arith.constant 0 : i32
      %dma_wait3A_239 = arith.constant 0 : i32
      %dma_wait3A_240 = arith.constant 0 : i32
      %dma_wait3A_241 = arith.constant 0 : i32
      %dma_wait3A_242 = tpu.memref_slice %arg8[%dma_wait3A_239, %dma_wait3A_240, %dma_wait3A_241] : memref<4x128x128xf32, #tpu.memory_space<vmem>> -> memref<1x128x128xf32, #tpu.memory_space<vmem>>
      %dma_wait3A_243 = tpu.memref_squeeze %dma_wait3A_242 : memref<1x128x128xf32, #tpu.memory_space<vmem>> -> memref<128x128xf32, #tpu.memory_space<vmem>>
      %dma_wait3A_244 = arith.constant 0 : i32
      %dma_wait3A_245 = tpu.memref_slice %arg7[%dma_wait3A_238, %dma_wait3A_244] : memref<64x128xi32, #tpu.memory_space<vmem>> -> memref<1x128xi32, #tpu.memory_space<vmem>>
      %dma_wait3A_246 = tpu.memref_squeeze %dma_wait3A_245 : memref<1x128xi32, #tpu.memory_space<vmem>> -> memref<128xi32, #tpu.memory_space<vmem>>
      %dma_wait3A_247 = arith.constant 0 : i32
      %dma_wait3A_248 = arith.constant 0 : i32
      %dma_wait3A_249 = tpu.memref_slice %arg2[%dma_wait3A_247, %dma_wait3A_248] : memref<20000x128xf32, #tpu.memory_space<hbm>> -> memref<20000x128xf32, #tpu.memory_space<hbm>>
      tpu.wait_indirect_dma semaphore(%arg9 : memref<!tpu.dma_semaphore, #tpu.memory_space<semaphore_mem>>) src(%dma_wait3A_249 : memref<20000x128xf32, #tpu.memory_space<hbm>>) dst(%dma_wait3A_243 : memref<128x128xf32, #tpu.memory_space<vmem>>)
      %dma_wait3A_250 = arith.constant 0 : i32
      %dma_wait3A_251 = arith.constant 1 : i32
      %dma_wait3A_252 = arith.constant 0 : i32
      %dma_wait3A_253 = arith.constant 0 : i32
      %dma_wait3A_254 = tpu.memref_slice %arg8[%dma_wait3A_251, %dma_wait3A_252, %dma_wait3A_253] : memref<4x128x128xf32, #tpu.memory_space<vmem>> -> memref<1x128x128xf32, #tpu.memory_space<vmem>>
      %dma_wait3A_255 = tpu.memref_squeeze %dma_wait3A_254 : memref<1x128x128xf32, #tpu.memory_space<vmem>> -> memref<128x128xf32, #tpu.memory_space<vmem>>
      %dma_wait3A_256 = arith.constant 0 : i32
      %dma_wait3A_257 = tpu.memref_slice %arg7[%dma_wait3A_250, %dma_wait3A_256] : memref<64x128xi32, #tpu.memory_space<vmem>> -> memref<1x128xi32, #tpu.memory_space<vmem>>
      %dma_wait3A_258 = tpu.memref_squeeze %dma_wait3A_257 : memref<1x128xi32, #tpu.memory_space<vmem>> -> memref<128xi32, #tpu.memory_space<vmem>>
      %dma_wait3A_259 = arith.constant 0 : i32
      %dma_wait3A_260 = arith.constant 0 : i32
      %dma_wait3A_261 = tpu.memref_slice %arg2[%dma_wait3A_259, %dma_wait3A_260] : memref<20000x128xf32, #tpu.memory_space<hbm>> -> memref<20000x128xf32, #tpu.memory_space<hbm>>
      tpu.wait_indirect_dma semaphore(%arg9 : memref<!tpu.dma_semaphore, #tpu.memory_space<semaphore_mem>>) src(%dma_wait3A_261 : memref<20000x128xf32, #tpu.memory_space<hbm>>) dst(%dma_wait3A_255 : memref<128x128xf32, #tpu.memory_space<vmem>>)
      %dma_wait3A_262 = arith.constant 0 : i32
      %dma_wait3A_263 = arith.constant 2 : i32
      %dma_wait3A_264 = arith.constant 0 : i32
      %dma_wait3A_265 = arith.constant 0 : i32
      %dma_wait3A_266 = tpu.memref_slice %arg8[%dma_wait3A_263, %dma_wait3A_264, %dma_wait3A_265] : memref<4x128x128xf32, #tpu.memory_space<vmem>> -> memref<1x128x128xf32, #tpu.memory_space<vmem>>
      %dma_wait3A_267 = tpu.memref_squeeze %dma_wait3A_266 : memref<1x128x128xf32, #tpu.memory_space<vmem>> -> memref<128x128xf32, #tpu.memory_space<vmem>>
      %dma_wait3A_268 = arith.constant 0 : i32
      %dma_wait3A_269 = tpu.memref_slice %arg7[%dma_wait3A_262, %dma_wait3A_268] : memref<64x128xi32, #tpu.memory_space<vmem>> -> memref<1x128xi32, #tpu.memory_space<vmem>>
      %dma_wait3A_270 = tpu.memref_squeeze %dma_wait3A_269 : memref<1x128xi32, #tpu.memory_space<vmem>> -> memref<128xi32, #tpu.memory_space<vmem>>
      %dma_wait3A_271 = arith.constant 0 : i32
      %dma_wait3A_272 = arith.constant 0 : i32
      %dma_wait3A_273 = tpu.memref_slice %arg2[%dma_wait3A_271, %dma_wait3A_272] : memref<20000x128xf32, #tpu.memory_space<hbm>> -> memref<20000x128xf32, #tpu.memory_space<hbm>>
      tpu.wait_indirect_dma semaphore(%arg9 : memref<!tpu.dma_semaphore, #tpu.memory_space<semaphore_mem>>) src(%dma_wait3A_273 : memref<20000x128xf32, #tpu.memory_space<hbm>>) dst(%dma_wait3A_267 : memref<128x128xf32, #tpu.memory_space<vmem>>)
      %dma_wait3A_274 = arith.constant 0 : i32
      %dma_wait3A_275 = arith.constant 3 : i32
      %dma_wait3A_276 = arith.constant 0 : i32
      %dma_wait3A_277 = arith.constant 0 : i32
      %dma_wait3A_278 = tpu.memref_slice %arg8[%dma_wait3A_275, %dma_wait3A_276, %dma_wait3A_277] : memref<4x128x128xf32, #tpu.memory_space<vmem>> -> memref<1x128x128xf32, #tpu.memory_space<vmem>>
      %dma_wait3A_279 = tpu.memref_squeeze %dma_wait3A_278 : memref<1x128x128xf32, #tpu.memory_space<vmem>> -> memref<128x128xf32, #tpu.memory_space<vmem>>
      %dma_wait3A_280 = arith.constant 0 : i32
      %dma_wait3A_281 = tpu.memref_slice %arg7[%dma_wait3A_274, %dma_wait3A_280] : memref<64x128xi32, #tpu.memory_space<vmem>> -> memref<1x128xi32, #tpu.memory_space<vmem>>
      %dma_wait3A_282 = tpu.memref_squeeze %dma_wait3A_281 : memref<1x128xi32, #tpu.memory_space<vmem>> -> memref<128xi32, #tpu.memory_space<vmem>>
      %dma_wait3A_283 = arith.constant 0 : i32
      %dma_wait3A_284 = arith.constant 0 : i32
      %dma_wait3A_285 = tpu.memref_slice %arg2[%dma_wait3A_283, %dma_wait3A_284] : memref<20000x128xf32, #tpu.memory_space<hbm>> -> memref<20000x128xf32, #tpu.memory_space<hbm>>
      tpu.wait_indirect_dma semaphore(%arg9 : memref<!tpu.dma_semaphore, #tpu.memory_space<semaphore_mem>>) src(%dma_wait3A_285 : memref<20000x128xf32, #tpu.memory_space<hbm>>) dst(%dma_wait3A_279 : memref<128x128xf32, #tpu.memory_space<vmem>>)
      %add3A_286 = arith.addi %add3A, %mul3A_84 : i32
      %add3A_287 = arith.constant 0 : i32
      %add3A_288 = arith.addi %add3A_286, %add3A_287 : i32
      %mul3A_289 = arith.constant 128 : i32
      %mul3A_290 = arith.muli %add3A_288, %mul3A_289 : i32
      %dma_start3A_291 = arith.constant 0 : i32
      %dma_start3A_292 = arith.constant 0 : i32
      %dma_start3A_293 = arith.constant 0 : i32
      %dma_start3A_294 = tpu.memref_slice %arg8[%dma_start3A_291, %dma_start3A_292, %dma_start3A_293] : memref<4x128x128xf32, #tpu.memory_space<vmem>> -> memref<1x128x128xf32, #tpu.memory_space<vmem>>
      %dma_start3A_295 = tpu.memref_squeeze %dma_start3A_294 : memref<1x128x128xf32, #tpu.memory_space<vmem>> -> memref<128x128xf32, #tpu.memory_space<vmem>>
      %dma_start3A_296 = arith.constant 0 : i32
      %dma_start3A_297 = tpu.memref_slice %arg5[%mul3A_290, %dma_start3A_296] : memref<163840x128xf32, #tpu.memory_space<hbm>> -> memref<128x128xf32, #tpu.memory_space<hbm>>
      %dma_start3A_298 = arith.constant 0 : i32
      %dma_start3A_299 = tpu.memref_slice %arg5[%mul3A_290, %dma_start3A_298] : memref<163840x128xf32, #tpu.memory_space<hbm>> -> memref<128x128xf32, #tpu.memory_space<hbm>>
      %dma_start3A_300 = arith.constant 0 : i32
      %dma_start3A_301 = arith.constant 0 : i32
      %dma_start3A_302 = tpu.memref_slice %arg8[%dma_start3A_291, %dma_start3A_300, %dma_start3A_301] : memref<4x128x128xf32, #tpu.memory_space<vmem>> -> memref<1x128x128xf32, #tpu.memory_space<vmem>>
      %dma_start3A_303 = tpu.memref_squeeze %dma_start3A_302 : memref<1x128x128xf32, #tpu.memory_space<vmem>> -> memref<128x128xf32, #tpu.memory_space<vmem>>
      tpu.enqueue_dma source(%dma_start3A_303 : memref<128x128xf32, #tpu.memory_space<vmem>>) target(%dma_start3A_299 : memref<128x128xf32, #tpu.memory_space<hbm>>) target_semaphore(%arg10 : memref<!tpu.dma_semaphore, #tpu.memory_space<semaphore_mem>>)
      %add3A_304 = arith.addi %add3A, %mul3A_84 : i32
      %add3A_305 = arith.constant 1 : i32
      %add3A_306 = arith.addi %add3A_304, %add3A_305 : i32
      %mul3A_307 = arith.constant 128 : i32
      %mul3A_308 = arith.muli %add3A_306, %mul3A_307 : i32
      %dma_start3A_309 = arith.constant 1 : i32
      %dma_start3A_310 = arith.constant 0 : i32
      %dma_start3A_311 = arith.constant 0 : i32
      %dma_start3A_312 = tpu.memref_slice %arg8[%dma_start3A_309, %dma_start3A_310, %dma_start3A_311] : memref<4x128x128xf32, #tpu.memory_space<vmem>> -> memref<1x128x128xf32, #tpu.memory_space<vmem>>
      %dma_start3A_313 = tpu.memref_squeeze %dma_start3A_312 : memref<1x128x128xf32, #tpu.memory_space<vmem>> -> memref<128x128xf32, #tpu.memory_space<vmem>>
      %dma_start3A_314 = arith.constant 0 : i32
      %dma_start3A_315 = tpu.memref_slice %arg5[%mul3A_308, %dma_start3A_314] : memref<163840x128xf32, #tpu.memory_space<hbm>> -> memref<128x128xf32, #tpu.memory_space<hbm>>
      %dma_start3A_316 = arith.constant 0 : i32
      %dma_start3A_317 = tpu.memref_slice %arg5[%mul3A_308, %dma_start3A_316] : memref<163840x128xf32, #tpu.memory_space<hbm>> -> memref<128x128xf32, #tpu.memory_space<hbm>>
      %dma_start3A_318 = arith.constant 0 : i32
      %dma_start3A_319 = arith.constant 0 : i32
      %dma_start3A_320 = tpu.memref_slice %arg8[%dma_start3A_309, %dma_start3A_318, %dma_start3A_319] : memref<4x128x128xf32, #tpu.memory_space<vmem>> -> memref<1x128x128xf32, #tpu.memory_space<vmem>>
      %dma_start3A_321 = tpu.memref_squeeze %dma_start3A_320 : memref<1x128x128xf32, #tpu.memory_space<vmem>> -> memref<128x128xf32, #tpu.memory_space<vmem>>
      tpu.enqueue_dma source(%dma_start3A_321 : memref<128x128xf32, #tpu.memory_space<vmem>>) target(%dma_start3A_317 : memref<128x128xf32, #tpu.memory_space<hbm>>) target_semaphore(%arg10 : memref<!tpu.dma_semaphore, #tpu.memory_space<semaphore_mem>>)
      %add3A_322 = arith.addi %add3A, %mul3A_84 : i32
      %add3A_323 = arith.constant 2 : i32
      %add3A_324 = arith.addi %add3A_322, %add3A_323 : i32
      %mul3A_325 = arith.constant 128 : i32
      %mul3A_326 = arith.muli %add3A_324, %mul3A_325 : i32
      %dma_start3A_327 = arith.constant 2 : i32
      %dma_start3A_328 = arith.constant 0 : i32
      %dma_start3A_329 = arith.constant 0 : i32
      %dma_start3A_330 = tpu.memref_slice %arg8[%dma_start3A_327, %dma_start3A_328, %dma_start3A_329] : memref<4x128x128xf32, #tpu.memory_space<vmem>> -> memref<1x128x128xf32, #tpu.memory_space<vmem>>
      %dma_start3A_331 = tpu.memref_squeeze %dma_start3A_330 : memref<1x128x128xf32, #tpu.memory_space<vmem>> -> memref<128x128xf32, #tpu.memory_space<vmem>>
      %dma_start3A_332 = arith.constant 0 : i32
      %dma_start3A_333 = tpu.memref_slice %arg5[%mul3A_326, %dma_start3A_332] : memref<163840x128xf32, #tpu.memory_space<hbm>> -> memref<128x128xf32, #tpu.memory_space<hbm>>
      %dma_start3A_334 = arith.constant 0 : i32
      %dma_start3A_335 = tpu.memref_slice %arg5[%mul3A_326, %dma_start3A_334] : memref<163840x128xf32, #tpu.memory_space<hbm>> -> memref<128x128xf32, #tpu.memory_space<hbm>>
      %dma_start3A_336 = arith.constant 0 : i32
      %dma_start3A_337 = arith.constant 0 : i32
      %dma_start3A_338 = tpu.memref_slice %arg8[%dma_start3A_327, %dma_start3A_336, %dma_start3A_337] : memref<4x128x128xf32, #tpu.memory_space<vmem>> -> memref<1x128x128xf32, #tpu.memory_space<vmem>>
      %dma_start3A_339 = tpu.memref_squeeze %dma_start3A_338 : memref<1x128x128xf32, #tpu.memory_space<vmem>> -> memref<128x128xf32, #tpu.memory_space<vmem>>
      tpu.enqueue_dma source(%dma_start3A_339 : memref<128x128xf32, #tpu.memory_space<vmem>>) target(%dma_start3A_335 : memref<128x128xf32, #tpu.memory_space<hbm>>) target_semaphore(%arg10 : memref<!tpu.dma_semaphore, #tpu.memory_space<semaphore_mem>>)
      %add3A_340 = arith.addi %add3A, %mul3A_84 : i32
      %add3A_341 = arith.constant 3 : i32
      %add3A_342 = arith.addi %add3A_340, %add3A_341 : i32
      %mul3A_343 = arith.constant 128 : i32
      %mul3A_344 = arith.muli %add3A_342, %mul3A_343 : i32
      %dma_start3A_345 = arith.constant 3 : i32
      %dma_start3A_346 = arith.constant 0 : i32
      %dma_start3A_347 = arith.constant 0 : i32
      %dma_start3A_348 = tpu.memref_slice %arg8[%dma_start3A_345, %dma_start3A_346, %dma_start3A_347] : memref<4x128x128xf32, #tpu.memory_space<vmem>> -> memref<1x128x128xf32, #tpu.memory_space<vmem>>
      %dma_start3A_349 = tpu.memref_squeeze %dma_start3A_348 : memref<1x128x128xf32, #tpu.memory_space<vmem>> -> memref<128x128xf32, #tpu.memory_space<vmem>>
      %dma_start3A_350 = arith.constant 0 : i32
      %dma_start3A_351 = tpu.memref_slice %arg5[%mul3A_344, %dma_start3A_350] : memref<163840x128xf32, #tpu.memory_space<hbm>> -> memref<128x128xf32, #tpu.memory_space<hbm>>
      %dma_start3A_352 = arith.constant 0 : i32
      %dma_start3A_353 = tpu.memref_slice %arg5[%mul3A_344, %dma_start3A_352] : memref<163840x128xf32, #tpu.memory_space<hbm>> -> memref<128x128xf32, #tpu.memory_space<hbm>>
      %dma_start3A_354 = arith.constant 0 : i32
      %dma_start3A_355 = arith.constant 0 : i32
      %dma_start3A_356 = tpu.memref_slice %arg8[%dma_start3A_345, %dma_start3A_354, %dma_start3A_355] : memref<4x128x128xf32, #tpu.memory_space<vmem>> -> memref<1x128x128xf32, #tpu.memory_space<vmem>>
      %dma_start3A_357 = tpu.memref_squeeze %dma_start3A_356 : memref<1x128x128xf32, #tpu.memory_space<vmem>> -> memref<128x128xf32, #tpu.memory_space<vmem>>
      tpu.enqueue_dma source(%dma_start3A_357 : memref<128x128xf32, #tpu.memory_space<vmem>>) target(%dma_start3A_353 : memref<128x128xf32, #tpu.memory_space<hbm>>) target_semaphore(%arg10 : memref<!tpu.dma_semaphore, #tpu.memory_space<semaphore_mem>>)
    }
    %dma_wait3A = arith.constant 0 : i32
    %dma_wait3A_21 = arith.constant 0 : i32
    %dma_wait3A_22 = arith.constant 0 : i32
    %dma_wait3A_23 = tpu.memref_slice %arg8[%dma_wait3A, %dma_wait3A_21, %dma_wait3A_22] : memref<4x128x128xf32, #tpu.memory_space<vmem>> -> memref<1x128x128xf32, #tpu.memory_space<vmem>>
    %dma_wait3A_24 = tpu.memref_squeeze %dma_wait3A_23 : memref<1x128x128xf32, #tpu.memory_space<vmem>> -> memref<128x128xf32, #tpu.memory_space<vmem>>
    %dma_wait3A_25 = arith.constant 0 : i32
    %dma_wait3A_26 = arith.constant 0 : i32
    %dma_wait3A_27 = tpu.memref_slice %arg5[%dma_wait3A_25, %dma_wait3A_26] : memref<163840x128xf32, #tpu.memory_space<hbm>> -> memref<128x128xf32, #tpu.memory_space<hbm>>
    %dma_wait3A_28 = arith.constant 0 : i32
    %dma_wait3A_29 = arith.constant 0 : i32
    %dma_wait3A_30 = tpu.memref_slice %arg5[%dma_wait3A_28, %dma_wait3A_29] : memref<163840x128xf32, #tpu.memory_space<hbm>> -> memref<128x128xf32, #tpu.memory_space<hbm>>
    %dma_wait3A_31 = arith.constant 0 : i32
    %dma_wait3A_32 = arith.constant 0 : i32
    %dma_wait3A_33 = tpu.memref_slice %arg8[%dma_wait3A, %dma_wait3A_31, %dma_wait3A_32] : memref<4x128x128xf32, #tpu.memory_space<vmem>> -> memref<1x128x128xf32, #tpu.memory_space<vmem>>
    %dma_wait3A_34 = tpu.memref_squeeze %dma_wait3A_33 : memref<1x128x128xf32, #tpu.memory_space<vmem>> -> memref<128x128xf32, #tpu.memory_space<vmem>>
    tpu.wait_dma2 semaphore(%arg10 : memref<!tpu.dma_semaphore, #tpu.memory_space<semaphore_mem>>) src(%dma_wait3A_34 : memref<128x128xf32, #tpu.memory_space<vmem>>) dst(%dma_wait3A_30 : memref<128x128xf32, #tpu.memory_space<hbm>>)
    %dma_wait3A_35 = arith.constant 1 : i32
    %dma_wait3A_36 = arith.constant 0 : i32
    %dma_wait3A_37 = arith.constant 0 : i32
    %dma_wait3A_38 = tpu.memref_slice %arg8[%dma_wait3A_35, %dma_wait3A_36, %dma_wait3A_37] : memref<4x128x128xf32, #tpu.memory_space<vmem>> -> memref<1x128x128xf32, #tpu.memory_space<vmem>>
    %dma_wait3A_39 = tpu.memref_squeeze %dma_wait3A_38 : memref<1x128x128xf32, #tpu.memory_space<vmem>> -> memref<128x128xf32, #tpu.memory_space<vmem>>
    %dma_wait3A_40 = arith.constant 0 : i32
    %dma_wait3A_41 = arith.constant 0 : i32
    %dma_wait3A_42 = tpu.memref_slice %arg5[%dma_wait3A_40, %dma_wait3A_41] : memref<163840x128xf32, #tpu.memory_space<hbm>> -> memref<128x128xf32, #tpu.memory_space<hbm>>
    %dma_wait3A_43 = arith.constant 0 : i32
    %dma_wait3A_44 = arith.constant 0 : i32
    %dma_wait3A_45 = tpu.memref_slice %arg5[%dma_wait3A_43, %dma_wait3A_44] : memref<163840x128xf32, #tpu.memory_space<hbm>> -> memref<128x128xf32, #tpu.memory_space<hbm>>
    %dma_wait3A_46 = arith.constant 0 : i32
    %dma_wait3A_47 = arith.constant 0 : i32
    %dma_wait3A_48 = tpu.memref_slice %arg8[%dma_wait3A_35, %dma_wait3A_46, %dma_wait3A_47] : memref<4x128x128xf32, #tpu.memory_space<vmem>> -> memref<1x128x128xf32, #tpu.memory_space<vmem>>
    %dma_wait3A_49 = tpu.memref_squeeze %dma_wait3A_48 : memref<1x128x128xf32, #tpu.memory_space<vmem>> -> memref<128x128xf32, #tpu.memory_space<vmem>>
    tpu.wait_dma2 semaphore(%arg10 : memref<!tpu.dma_semaphore, #tpu.memory_space<semaphore_mem>>) src(%dma_wait3A_49 : memref<128x128xf32, #tpu.memory_space<vmem>>) dst(%dma_wait3A_45 : memref<128x128xf32, #tpu.memory_space<hbm>>)
    %dma_wait3A_50 = arith.constant 2 : i32
    %dma_wait3A_51 = arith.constant 0 : i32
    %dma_wait3A_52 = arith.constant 0 : i32
    %dma_wait3A_53 = tpu.memref_slice %arg8[%dma_wait3A_50, %dma_wait3A_51, %dma_wait3A_52] : memref<4x128x128xf32, #tpu.memory_space<vmem>> -> memref<1x128x128xf32, #tpu.memory_space<vmem>>
    %dma_wait3A_54 = tpu.memref_squeeze %dma_wait3A_53 : memref<1x128x128xf32, #tpu.memory_space<vmem>> -> memref<128x128xf32, #tpu.memory_space<vmem>>
    %dma_wait3A_55 = arith.constant 0 : i32
    %dma_wait3A_56 = arith.constant 0 : i32
    %dma_wait3A_57 = tpu.memref_slice %arg5[%dma_wait3A_55, %dma_wait3A_56] : memref<163840x128xf32, #tpu.memory_space<hbm>> -> memref<128x128xf32, #tpu.memory_space<hbm>>
    %dma_wait3A_58 = arith.constant 0 : i32
    %dma_wait3A_59 = arith.constant 0 : i32
    %dma_wait3A_60 = tpu.memref_slice %arg5[%dma_wait3A_58, %dma_wait3A_59] : memref<163840x128xf32, #tpu.memory_space<hbm>> -> memref<128x128xf32, #tpu.memory_space<hbm>>
    %dma_wait3A_61 = arith.constant 0 : i32
    %dma_wait3A_62 = arith.constant 0 : i32
    %dma_wait3A_63 = tpu.memref_slice %arg8[%dma_wait3A_50, %dma_wait3A_61, %dma_wait3A_62] : memref<4x128x128xf32, #tpu.memory_space<vmem>> -> memref<1x128x128xf32, #tpu.memory_space<vmem>>
    %dma_wait3A_64 = tpu.memref_squeeze %dma_wait3A_63 : memref<1x128x128xf32, #tpu.memory_space<vmem>> -> memref<128x128xf32, #tpu.memory_space<vmem>>
    tpu.wait_dma2 semaphore(%arg10 : memref<!tpu.dma_semaphore, #tpu.memory_space<semaphore_mem>>) src(%dma_wait3A_64 : memref<128x128xf32, #tpu.memory_space<vmem>>) dst(%dma_wait3A_60 : memref<128x128xf32, #tpu.memory_space<hbm>>)
    %dma_wait3A_65 = arith.constant 3 : i32
    %dma_wait3A_66 = arith.constant 0 : i32
    %dma_wait3A_67 = arith.constant 0 : i32
    %dma_wait3A_68 = tpu.memref_slice %arg8[%dma_wait3A_65, %dma_wait3A_66, %dma_wait3A_67] : memref<4x128x128xf32, #tpu.memory_space<vmem>> -> memref<1x128x128xf32, #tpu.memory_space<vmem>>
    %dma_wait3A_69 = tpu.memref_squeeze %dma_wait3A_68 : memref<1x128x128xf32, #tpu.memory_space<vmem>> -> memref<128x128xf32, #tpu.memory_space<vmem>>
    %dma_wait3A_70 = arith.constant 0 : i32
    %dma_wait3A_71 = arith.constant 0 : i32
    %dma_wait3A_72 = tpu.memref_slice %arg5[%dma_wait3A_70, %dma_wait3A_71] : memref<163840x128xf32, #tpu.memory_space<hbm>> -> memref<128x128xf32, #tpu.memory_space<hbm>>
    %dma_wait3A_73 = arith.constant 0 : i32
    %dma_wait3A_74 = arith.constant 0 : i32
    %dma_wait3A_75 = tpu.memref_slice %arg5[%dma_wait3A_73, %dma_wait3A_74] : memref<163840x128xf32, #tpu.memory_space<hbm>> -> memref<128x128xf32, #tpu.memory_space<hbm>>
    %dma_wait3A_76 = arith.constant 0 : i32
    %dma_wait3A_77 = arith.constant 0 : i32
    %dma_wait3A_78 = tpu.memref_slice %arg8[%dma_wait3A_65, %dma_wait3A_76, %dma_wait3A_77] : memref<4x128x128xf32, #tpu.memory_space<vmem>> -> memref<1x128x128xf32, #tpu.memory_space<vmem>>
    %dma_wait3A_79 = tpu.memref_squeeze %dma_wait3A_78 : memref<1x128x128xf32, #tpu.memory_space<vmem>> -> memref<128x128xf32, #tpu.memory_space<vmem>>
    tpu.wait_dma2 semaphore(%arg10 : memref<!tpu.dma_semaphore, #tpu.memory_space<semaphore_mem>>) src(%dma_wait3A_79 : memref<128x128xf32, #tpu.memory_space<vmem>>) dst(%dma_wait3A_75 : memref<128x128xf32, #tpu.memory_space<hbm>>)
    return
  }
}

#map = affine_map<(d0, d1) -> (0, 0)>
module attributes {stable_mosaic.version = 14 : i64} {
  func.func @_gather_mix(%arg0: i32, %arg1: i32, %arg2: memref<20000x128xf32, #tpu.memory_space<hbm>>, %arg3: memref<1328x128xi32, #tpu.memory_space<hbm>>, %arg4: memref<1328x128xi32, #tpu.memory_space<hbm>>, %arg5: memref<163840x128xf32, #tpu.memory_space<hbm>>, %arg6: memref<64x128xi32, #tpu.memory_space<vmem>>, %arg7: memref<64x128xi32, #tpu.memory_space<vmem>>, %arg8: memref<4x128x128xf32, #tpu.memory_space<vmem>>, %arg9: memref<!tpu.dma_semaphore, #tpu.memory_space<semaphore_mem>>, %arg10: memref<!tpu.dma_semaphore, #tpu.memory_space<semaphore_mem>>) attributes {dimension_semantics = [#tpu.dimension_semantics<core_parallel>, #tpu.dimension_semantics<subcore_parallel>], iteration_bounds = array<i64: 2, 16>, scalar_prefetch = 0 : i64, scratch_operands = 5 : i64, tpu.core_type = #tpu.core_type<sc_vector_subcore>, window_params = [{transform_indices = #map}, {transform_indices = #map}, {transform_indices = #map}, {transform_indices = #map}]} {
    %mul3A = arith.constant 80 : i32
    %mul3A_0 = arith.muli %arg1, %mul3A : i32
    %mul3A_1 = arith.constant 64 : i32
    %mul3A_2 = arith.muli %arg0, %mul3A_1 : i32
    %add3A = arith.addi %mul3A_0, %mul3A_2 : i32
    %eq3A = arith.constant 0 : i32
    %eq3A_3 = arith.cmpi eq, %arg0, %eq3A : i32
    %jit3A = arith.constant 16 : i32
    %jit3A_4 = arith.constant 4 : i32
    %select_n3A = arith.select %eq3A_3, %jit3A, %jit3A_4 : i32
    "tpu.region"() ({
      %run_scoped3A = tpu.sem_alloc : memref<!tpu.dma_semaphore, #tpu.memory_space<semaphore_mem>>
      %dma_start3A = arith.constant 0 : i32
      %dma_start3A_80 = tpu.memref_slice %arg3[%add3A, %dma_start3A] : memref<1328x128xi32, #tpu.memory_space<hbm>> -> memref<64x128xi32, #tpu.memory_space<hbm>>
      %dma_start3A_81 = arith.constant 0 : i32
      %dma_start3A_82 = tpu.memref_slice %arg3[%add3A, %dma_start3A_81] : memref<1328x128xi32, #tpu.memory_space<hbm>> -> memref<64x128xi32, #tpu.memory_space<hbm>>
      tpu.enqueue_dma source(%dma_start3A_82 : memref<64x128xi32, #tpu.memory_space<hbm>>) target(%arg6 : memref<64x128xi32, #tpu.memory_space<vmem>>) target_semaphore(%run_scoped3A : memref<!tpu.dma_semaphore, #tpu.memory_space<semaphore_mem>>)
      %dma_wait3A_83 = arith.constant 0 : i32
      %dma_wait3A_84 = tpu.memref_slice %arg3[%add3A, %dma_wait3A_83] : memref<1328x128xi32, #tpu.memory_space<hbm>> -> memref<64x128xi32, #tpu.memory_space<hbm>>
      %dma_wait3A_85 = arith.constant 0 : i32
      %dma_wait3A_86 = tpu.memref_slice %arg3[%add3A, %dma_wait3A_85] : memref<1328x128xi32, #tpu.memory_space<hbm>> -> memref<64x128xi32, #tpu.memory_space<hbm>>
      tpu.wait_dma2 semaphore(%run_scoped3A : memref<!tpu.dma_semaphore, #tpu.memory_space<semaphore_mem>>) src(%dma_wait3A_86 : memref<64x128xi32, #tpu.memory_space<hbm>>) dst(%arg6 : memref<64x128xi32, #tpu.memory_space<vmem>>)
      tpu.yield
    }) : () -> ()
    "tpu.region"() ({
      %run_scoped3A = tpu.sem_alloc : memref<!tpu.dma_semaphore, #tpu.memory_space<semaphore_mem>>
      %dma_start3A = arith.constant 0 : i32
      %dma_start3A_80 = tpu.memref_slice %arg4[%add3A, %dma_start3A] : memref<1328x128xi32, #tpu.memory_space<hbm>> -> memref<64x128xi32, #tpu.memory_space<hbm>>
      %dma_start3A_81 = arith.constant 0 : i32
      %dma_start3A_82 = tpu.memref_slice %arg4[%add3A, %dma_start3A_81] : memref<1328x128xi32, #tpu.memory_space<hbm>> -> memref<64x128xi32, #tpu.memory_space<hbm>>
      tpu.enqueue_dma source(%dma_start3A_82 : memref<64x128xi32, #tpu.memory_space<hbm>>) target(%arg7 : memref<64x128xi32, #tpu.memory_space<vmem>>) target_semaphore(%run_scoped3A : memref<!tpu.dma_semaphore, #tpu.memory_space<semaphore_mem>>)
      %dma_wait3A_83 = arith.constant 0 : i32
      %dma_wait3A_84 = tpu.memref_slice %arg4[%add3A, %dma_wait3A_83] : memref<1328x128xi32, #tpu.memory_space<hbm>> -> memref<64x128xi32, #tpu.memory_space<hbm>>
      %dma_wait3A_85 = arith.constant 0 : i32
      %dma_wait3A_86 = tpu.memref_slice %arg4[%add3A, %dma_wait3A_85] : memref<1328x128xi32, #tpu.memory_space<hbm>> -> memref<64x128xi32, #tpu.memory_space<hbm>>
      tpu.wait_dma2 semaphore(%run_scoped3A : memref<!tpu.dma_semaphore, #tpu.memory_space<semaphore_mem>>) src(%dma_wait3A_86 : memref<64x128xi32, #tpu.memory_space<hbm>>) dst(%arg7 : memref<64x128xi32, #tpu.memory_space<vmem>>)
      tpu.yield
    }) : () -> ()
    %sub3A = arith.constant 0 : i32
    %sub3A_5 = arith.subi %select_n3A, %sub3A : i32
    %sub3A_6 = arith.constant 1 : i32
    %sub3A_7 = arith.constant 1 : i32
    %sub3A_8 = arith.subi %sub3A_6, %sub3A_7 : i32
    %add3A_9 = arith.addi %sub3A_5, %sub3A_8 : i32
    %div3A = arith.constant 1 : i32
    %div3A_10 = arith.divsi %add3A_9, %div3A : i32
    %while3A = arith.constant 1 : i32
    %while3A_11 = arith.constant 0 : i32
    %while3A_12 = arith.constant 0 : i32
    %while3A_13 = arith.subi %div3A_10, %while3A_12 : i32
    %while3A_14 = arith.addi %while3A_12, %while3A_13 : i32
    %while3A_15 = arith.constant 1 : i32
    %while3A_16 = arith.divsi %while3A_13, %while3A_15 : i32
    %while3A_17 = arith.muli %while3A_16, %while3A_15 : i32
    %while3A_18 = arith.addi %while3A_12, %while3A_17 : i32
    %while3A_19 = arith.constant 1 : i32
    scf.for %while3A_80 = %while3A_12 to %while3A_18 step %while3A_19  : i32 {
      %mul3A_81 = arith.muli %while3A_80, %while3A : i32
      %add3A_82 = arith.addi %while3A_11, %mul3A_81 : i32
      %mul3A_83 = arith.constant 4 : i32
      %mul3A_84 = arith.muli %add3A_82, %mul3A_83 : i32
      %gt3A = arith.constant 0 : i32
      %gt3A_85 = arith.cmpi sgt, %add3A_82, %gt3A : i32
      %convert_element_type3A = arith.extui %gt3A_85 : i1 to i32
      %cond3A = arith.constant 0 : i32
      %cond3A_86 = arith.cmpi ne, %convert_element_type3A, %cond3A : i32
      scf.if %cond3A_86 {
        %dma_wait3A_358 = arith.constant 0 : i32
        %dma_wait3A_359 = arith.constant 0 : i32
        %dma_wait3A_360 = arith.constant 0 : i32
        %dma_wait3A_361 = tpu.memref_slice %arg8[%dma_wait3A_358, %dma_wait3A_359, %dma_wait3A_360] : memref<4x128x128xf32, #tpu.memory_space<vmem>> -> memref<1x128x128xf32, #tpu.memory_space<vmem>>
        %dma_wait3A_362 = tpu.memref_squeeze %dma_wait3A_361 : memref<1x128x128xf32, #tpu.memory_space<vmem>> -> memref<128x128xf32, #tpu.memory_space<vmem>>
        %dma_wait3A_363 = arith.constant 0 : i32
        %dma_wait3A_364 = arith.constant 0 : i32
        %dma_wait3A_365 = tpu.memref_slice %arg5[%dma_wait3A_363, %dma_wait3A_364] : memref<163840x128xf32, #tpu.memory_space<hbm>> -> memref<128x128xf32, #tpu.memory_space<hbm>>
        %dma_wait3A_366 = arith.constant 0 : i32
        %dma_wait3A_367 = arith.constant 0 : i32
        %dma_wait3A_368 = tpu.memref_slice %arg5[%dma_wait3A_366, %dma_wait3A_367] : memref<163840x128xf32, #tpu.memory_space<hbm>> -> memref<128x128xf32, #tpu.memory_space<hbm>>
        %dma_wait3A_369 = arith.constant 0 : i32
        %dma_wait3A_370 = arith.constant 0 : i32
        %dma_wait3A_371 = tpu.memref_slice %arg8[%dma_wait3A_358, %dma_wait3A_369, %dma_wait3A_370] : memref<4x128x128xf32, #tpu.memory_space<vmem>> -> memref<1x128x128xf32, #tpu.memory_space<vmem>>
        %dma_wait3A_372 = tpu.memref_squeeze %dma_wait3A_371 : memref<1x128x128xf32, #tpu.memory_space<vmem>> -> memref<128x128xf32, #tpu.memory_space<vmem>>
        tpu.wait_dma2 semaphore(%arg10 : memref<!tpu.dma_semaphore, #tpu.memory_space<semaphore_mem>>) src(%dma_wait3A_372 : memref<128x128xf32, #tpu.memory_space<vmem>>) dst(%dma_wait3A_368 : memref<128x128xf32, #tpu.memory_space<hbm>>)
        %dma_wait3A_373 = arith.constant 1 : i32
        %dma_wait3A_374 = arith.constant 0 : i32
        %dma_wait3A_375 = arith.constant 0 : i32
        %dma_wait3A_376 = tpu.memref_slice %arg8[%dma_wait3A_373, %dma_wait3A_374, %dma_wait3A_375] : memref<4x128x128xf32, #tpu.memory_space<vmem>> -> memref<1x128x128xf32, #tpu.memory_space<vmem>>
        %dma_wait3A_377 = tpu.memref_squeeze %dma_wait3A_376 : memref<1x128x128xf32, #tpu.memory_space<vmem>> -> memref<128x128xf32, #tpu.memory_space<vmem>>
        %dma_wait3A_378 = arith.constant 0 : i32
        %dma_wait3A_379 = arith.constant 0 : i32
        %dma_wait3A_380 = tpu.memref_slice %arg5[%dma_wait3A_378, %dma_wait3A_379] : memref<163840x128xf32, #tpu.memory_space<hbm>> -> memref<128x128xf32, #tpu.memory_space<hbm>>
        %dma_wait3A_381 = arith.constant 0 : i32
        %dma_wait3A_382 = arith.constant 0 : i32
        %dma_wait3A_383 = tpu.memref_slice %arg5[%dma_wait3A_381, %dma_wait3A_382] : memref<163840x128xf32, #tpu.memory_space<hbm>> -> memref<128x128xf32, #tpu.memory_space<hbm>>
        %dma_wait3A_384 = arith.constant 0 : i32
        %dma_wait3A_385 = arith.constant 0 : i32
        %dma_wait3A_386 = tpu.memref_slice %arg8[%dma_wait3A_373, %dma_wait3A_384, %dma_wait3A_385] : memref<4x128x128xf32, #tpu.memory_space<vmem>> -> memref<1x128x128xf32, #tpu.memory_space<vmem>>
        %dma_wait3A_387 = tpu.memref_squeeze %dma_wait3A_386 : memref<1x128x128xf32, #tpu.memory_space<vmem>> -> memref<128x128xf32, #tpu.memory_space<vmem>>
        tpu.wait_dma2 semaphore(%arg10 : memref<!tpu.dma_semaphore, #tpu.memory_space<semaphore_mem>>) src(%dma_wait3A_387 : memref<128x128xf32, #tpu.memory_space<vmem>>) dst(%dma_wait3A_383 : memref<128x128xf32, #tpu.memory_space<hbm>>)
        %dma_wait3A_388 = arith.constant 2 : i32
        %dma_wait3A_389 = arith.constant 0 : i32
        %dma_wait3A_390 = arith.constant 0 : i32
        %dma_wait3A_391 = tpu.memref_slice %arg8[%dma_wait3A_388, %dma_wait3A_389, %dma_wait3A_390] : memref<4x128x128xf32, #tpu.memory_space<vmem>> -> memref<1x128x128xf32, #tpu.memory_space<vmem>>
        %dma_wait3A_392 = tpu.memref_squeeze %dma_wait3A_391 : memref<1x128x128xf32, #tpu.memory_space<vmem>> -> memref<128x128xf32, #tpu.memory_space<vmem>>
        %dma_wait3A_393 = arith.constant 0 : i32
        %dma_wait3A_394 = arith.constant 0 : i32
        %dma_wait3A_395 = tpu.memref_slice %arg5[%dma_wait3A_393, %dma_wait3A_394] : memref<163840x128xf32, #tpu.memory_space<hbm>> -> memref<128x128xf32, #tpu.memory_space<hbm>>
        %dma_wait3A_396 = arith.constant 0 : i32
        %dma_wait3A_397 = arith.constant 0 : i32
        %dma_wait3A_398 = tpu.memref_slice %arg5[%dma_wait3A_396, %dma_wait3A_397] : memref<163840x128xf32, #tpu.memory_space<hbm>> -> memref<128x128xf32, #tpu.memory_space<hbm>>
        %dma_wait3A_399 = arith.constant 0 : i32
        %dma_wait3A_400 = arith.constant 0 : i32
        %dma_wait3A_401 = tpu.memref_slice %arg8[%dma_wait3A_388, %dma_wait3A_399, %dma_wait3A_400] : memref<4x128x128xf32, #tpu.memory_space<vmem>> -> memref<1x128x128xf32, #tpu.memory_space<vmem>>
        %dma_wait3A_402 = tpu.memref_squeeze %dma_wait3A_401 : memref<1x128x128xf32, #tpu.memory_space<vmem>> -> memref<128x128xf32, #tpu.memory_space<vmem>>
        tpu.wait_dma2 semaphore(%arg10 : memref<!tpu.dma_semaphore, #tpu.memory_space<semaphore_mem>>) src(%dma_wait3A_402 : memref<128x128xf32, #tpu.memory_space<vmem>>) dst(%dma_wait3A_398 : memref<128x128xf32, #tpu.memory_space<hbm>>)
        %dma_wait3A_403 = arith.constant 3 : i32
        %dma_wait3A_404 = arith.constant 0 : i32
        %dma_wait3A_405 = arith.constant 0 : i32
        %dma_wait3A_406 = tpu.memref_slice %arg8[%dma_wait3A_403, %dma_wait3A_404, %dma_wait3A_405] : memref<4x128x128xf32, #tpu.memory_space<vmem>> -> memref<1x128x128xf32, #tpu.memory_space<vmem>>
        %dma_wait3A_407 = tpu.memref_squeeze %dma_wait3A_406 : memref<1x128x128xf32, #tpu.memory_space<vmem>> -> memref<128x128xf32, #tpu.memory_space<vmem>>
        %dma_wait3A_408 = arith.constant 0 : i32
        %dma_wait3A_409 = arith.constant 0 : i32
        %dma_wait3A_410 = tpu.memref_slice %arg5[%dma_wait3A_408, %dma_wait3A_409] : memref<163840x128xf32, #tpu.memory_space<hbm>> -> memref<128x128xf32, #tpu.memory_space<hbm>>
        %dma_wait3A_411 = arith.constant 0 : i32
        %dma_wait3A_412 = arith.constant 0 : i32
        %dma_wait3A_413 = tpu.memref_slice %arg5[%dma_wait3A_411, %dma_wait3A_412] : memref<163840x128xf32, #tpu.memory_space<hbm>> -> memref<128x128xf32, #tpu.memory_space<hbm>>
        %dma_wait3A_414 = arith.constant 0 : i32
        %dma_wait3A_415 = arith.constant 0 : i32
        %dma_wait3A_416 = tpu.memref_slice %arg8[%dma_wait3A_403, %dma_wait3A_414, %dma_wait3A_415] : memref<4x128x128xf32, #tpu.memory_space<vmem>> -> memref<1x128x128xf32, #tpu.memory_space<vmem>>
        %dma_wait3A_417 = tpu.memref_squeeze %dma_wait3A_416 : memref<1x128x128xf32, #tpu.memory_space<vmem>> -> memref<128x128xf32, #tpu.memory_space<vmem>>
        tpu.wait_dma2 semaphore(%arg10 : memref<!tpu.dma_semaphore, #tpu.memory_space<semaphore_mem>>) src(%dma_wait3A_417 : memref<128x128xf32, #tpu.memory_space<vmem>>) dst(%dma_wait3A_413 : memref<128x128xf32, #tpu.memory_space<hbm>>)
      } else {
      }
      %add3A_87 = arith.constant 0 : i32
      %add3A_88 = arith.addi %mul3A_84, %add3A_87 : i32
      %dma_start3A = arith.constant 0 : i32
      %dma_start3A_89 = arith.constant 0 : i32
      %dma_start3A_90 = arith.constant 0 : i32
      %dma_start3A_91 = tpu.memref_slice %arg8[%dma_start3A, %dma_start3A_89, %dma_start3A_90] : memref<4x128x128xf32, #tpu.memory_space<vmem>> -> memref<1x128x128xf32, #tpu.memory_space<vmem>>
      %dma_start3A_92 = tpu.memref_squeeze %dma_start3A_91 : memref<1x128x128xf32, #tpu.memory_space<vmem>> -> memref<128x128xf32, #tpu.memory_space<vmem>>
      %dma_start3A_93 = arith.constant 0 : i32
      %dma_start3A_94 = tpu.memref_slice %arg6[%add3A_88, %dma_start3A_93] : memref<64x128xi32, #tpu.memory_space<vmem>> -> memref<1x128xi32, #tpu.memory_space<vmem>>
      %dma_start3A_95 = tpu.memref_squeeze %dma_start3A_94 : memref<1x128xi32, #tpu.memory_space<vmem>> -> memref<128xi32, #tpu.memory_space<vmem>>
      %dma_start3A_96 = arith.constant 0 : i32
      %dma_start3A_97 = arith.constant 0 : i32
      %dma_start3A_98 = tpu.memref_slice %arg2[%dma_start3A_96, %dma_start3A_97] : memref<20000x128xf32, #tpu.memory_space<hbm>> -> memref<20000x128xf32, #tpu.memory_space<hbm>>
      tpu.enqueue_indirect_dma source(%dma_start3A_98 : memref<20000x128xf32, #tpu.memory_space<hbm>>) target(%dma_start3A_92 : memref<128x128xf32, #tpu.memory_space<vmem>>) offsets(%dma_start3A_95 : memref<128xi32, #tpu.memory_space<vmem>>) semaphore(%arg9 : memref<!tpu.dma_semaphore, #tpu.memory_space<semaphore_mem>>)
      %add3A_99 = arith.constant 1 : i32
      %add3A_100 = arith.addi %mul3A_84, %add3A_99 : i32
      %dma_start3A_101 = arith.constant 1 : i32
      %dma_start3A_102 = arith.constant 0 : i32
      %dma_start3A_103 = arith.constant 0 : i32
      %dma_start3A_104 = tpu.memref_slice %arg8[%dma_start3A_101, %dma_start3A_102, %dma_start3A_103] : memref<4x128x128xf32, #tpu.memory_space<vmem>> -> memref<1x128x128xf32, #tpu.memory_space<vmem>>
      %dma_start3A_105 = tpu.memref_squeeze %dma_start3A_104 : memref<1x128x128xf32, #tpu.memory_space<vmem>> -> memref<128x128xf32, #tpu.memory_space<vmem>>
      %dma_start3A_106 = arith.constant 0 : i32
      %dma_start3A_107 = tpu.memref_slice %arg6[%add3A_100, %dma_start3A_106] : memref<64x128xi32, #tpu.memory_space<vmem>> -> memref<1x128xi32, #tpu.memory_space<vmem>>
      %dma_start3A_108 = tpu.memref_squeeze %dma_start3A_107 : memref<1x128xi32, #tpu.memory_space<vmem>> -> memref<128xi32, #tpu.memory_space<vmem>>
      %dma_start3A_109 = arith.constant 0 : i32
      %dma_start3A_110 = arith.constant 0 : i32
      %dma_start3A_111 = tpu.memref_slice %arg2[%dma_start3A_109, %dma_start3A_110] : memref<20000x128xf32, #tpu.memory_space<hbm>> -> memref<20000x128xf32, #tpu.memory_space<hbm>>
      tpu.enqueue_indirect_dma source(%dma_start3A_111 : memref<20000x128xf32, #tpu.memory_space<hbm>>) target(%dma_start3A_105 : memref<128x128xf32, #tpu.memory_space<vmem>>) offsets(%dma_start3A_108 : memref<128xi32, #tpu.memory_space<vmem>>) semaphore(%arg9 : memref<!tpu.dma_semaphore, #tpu.memory_space<semaphore_mem>>)
      %add3A_112 = arith.constant 2 : i32
      %add3A_113 = arith.addi %mul3A_84, %add3A_112 : i32
      %dma_start3A_114 = arith.constant 2 : i32
      %dma_start3A_115 = arith.constant 0 : i32
      %dma_start3A_116 = arith.constant 0 : i32
      %dma_start3A_117 = tpu.memref_slice %arg8[%dma_start3A_114, %dma_start3A_115, %dma_start3A_116] : memref<4x128x128xf32, #tpu.memory_space<vmem>> -> memref<1x128x128xf32, #tpu.memory_space<vmem>>
      %dma_start3A_118 = tpu.memref_squeeze %dma_start3A_117 : memref<1x128x128xf32, #tpu.memory_space<vmem>> -> memref<128x128xf32, #tpu.memory_space<vmem>>
      %dma_start3A_119 = arith.constant 0 : i32
      %dma_start3A_120 = tpu.memref_slice %arg6[%add3A_113, %dma_start3A_119] : memref<64x128xi32, #tpu.memory_space<vmem>> -> memref<1x128xi32, #tpu.memory_space<vmem>>
      %dma_start3A_121 = tpu.memref_squeeze %dma_start3A_120 : memref<1x128xi32, #tpu.memory_space<vmem>> -> memref<128xi32, #tpu.memory_space<vmem>>
      %dma_start3A_122 = arith.constant 0 : i32
      %dma_start3A_123 = arith.constant 0 : i32
      %dma_start3A_124 = tpu.memref_slice %arg2[%dma_start3A_122, %dma_start3A_123] : memref<20000x128xf32, #tpu.memory_space<hbm>> -> memref<20000x128xf32, #tpu.memory_space<hbm>>
      tpu.enqueue_indirect_dma source(%dma_start3A_124 : memref<20000x128xf32, #tpu.memory_space<hbm>>) target(%dma_start3A_118 : memref<128x128xf32, #tpu.memory_space<vmem>>) offsets(%dma_start3A_121 : memref<128xi32, #tpu.memory_space<vmem>>) semaphore(%arg9 : memref<!tpu.dma_semaphore, #tpu.memory_space<semaphore_mem>>)
      %add3A_125 = arith.constant 3 : i32
      %add3A_126 = arith.addi %mul3A_84, %add3A_125 : i32
      %dma_start3A_127 = arith.constant 3 : i32
      %dma_start3A_128 = arith.constant 0 : i32
      %dma_start3A_129 = arith.constant 0 : i32
      %dma_start3A_130 = tpu.memref_slice %arg8[%dma_start3A_127, %dma_start3A_128, %dma_start3A_129] : memref<4x128x128xf32, #tpu.memory_space<vmem>> -> memref<1x128x128xf32, #tpu.memory_space<vmem>>
      %dma_start3A_131 = tpu.memref_squeeze %dma_start3A_130 : memref<1x128x128xf32, #tpu.memory_space<vmem>> -> memref<128x128xf32, #tpu.memory_space<vmem>>
      %dma_start3A_132 = arith.constant 0 : i32
      %dma_start3A_133 = tpu.memref_slice %arg6[%add3A_126, %dma_start3A_132] : memref<64x128xi32, #tpu.memory_space<vmem>> -> memref<1x128xi32, #tpu.memory_space<vmem>>
      %dma_start3A_134 = tpu.memref_squeeze %dma_start3A_133 : memref<1x128xi32, #tpu.memory_space<vmem>> -> memref<128xi32, #tpu.memory_space<vmem>>
      %dma_start3A_135 = arith.constant 0 : i32
      %dma_start3A_136 = arith.constant 0 : i32
      %dma_start3A_137 = tpu.memref_slice %arg2[%dma_start3A_135, %dma_start3A_136] : memref<20000x128xf32, #tpu.memory_space<hbm>> -> memref<20000x128xf32, #tpu.memory_space<hbm>>
      tpu.enqueue_indirect_dma source(%dma_start3A_137 : memref<20000x128xf32, #tpu.memory_space<hbm>>) target(%dma_start3A_131 : memref<128x128xf32, #tpu.memory_space<vmem>>) offsets(%dma_start3A_134 : memref<128xi32, #tpu.memory_space<vmem>>) semaphore(%arg9 : memref<!tpu.dma_semaphore, #tpu.memory_space<semaphore_mem>>)
      %dma_wait3A_138 = arith.constant 0 : i32
      %dma_wait3A_139 = arith.constant 0 : i32
      %dma_wait3A_140 = arith.constant 0 : i32
      %dma_wait3A_141 = arith.constant 0 : i32
      %dma_wait3A_142 = tpu.memref_slice %arg8[%dma_wait3A_139, %dma_wait3A_140, %dma_wait3A_141] : memref<4x128x128xf32, #tpu.memory_space<vmem>> -> memref<1x128x128xf32, #tpu.memory_space<vmem>>
      %dma_wait3A_143 = tpu.memref_squeeze %dma_wait3A_142 : memref<1x128x128xf32, #tpu.memory_space<vmem>> -> memref<128x128xf32, #tpu.memory_space<vmem>>
      %dma_wait3A_144 = arith.constant 0 : i32
      %dma_wait3A_145 = tpu.memref_slice %arg6[%dma_wait3A_138, %dma_wait3A_144] : memref<64x128xi32, #tpu.memory_space<vmem>> -> memref<1x128xi32, #tpu.memory_space<vmem>>
      %dma_wait3A_146 = tpu.memref_squeeze %dma_wait3A_145 : memref<1x128xi32, #tpu.memory_space<vmem>> -> memref<128xi32, #tpu.memory_space<vmem>>
      %dma_wait3A_147 = arith.constant 0 : i32
      %dma_wait3A_148 = arith.constant 0 : i32
      %dma_wait3A_149 = tpu.memref_slice %arg2[%dma_wait3A_147, %dma_wait3A_148] : memref<20000x128xf32, #tpu.memory_space<hbm>> -> memref<20000x128xf32, #tpu.memory_space<hbm>>
      tpu.wait_indirect_dma semaphore(%arg9 : memref<!tpu.dma_semaphore, #tpu.memory_space<semaphore_mem>>) src(%dma_wait3A_149 : memref<20000x128xf32, #tpu.memory_space<hbm>>) dst(%dma_wait3A_143 : memref<128x128xf32, #tpu.memory_space<vmem>>)
      %dma_wait3A_150 = arith.constant 0 : i32
      %dma_wait3A_151 = arith.constant 1 : i32
      %dma_wait3A_152 = arith.constant 0 : i32
      %dma_wait3A_153 = arith.constant 0 : i32
      %dma_wait3A_154 = tpu.memref_slice %arg8[%dma_wait3A_151, %dma_wait3A_152, %dma_wait3A_153] : memref<4x128x128xf32, #tpu.memory_space<vmem>> -> memref<1x128x128xf32, #tpu.memory_space<vmem>>
      %dma_wait3A_155 = tpu.memref_squeeze %dma_wait3A_154 : memref<1x128x128xf32, #tpu.memory_space<vmem>> -> memref<128x128xf32, #tpu.memory_space<vmem>>
      %dma_wait3A_156 = arith.constant 0 : i32
      %dma_wait3A_157 = tpu.memref_slice %arg6[%dma_wait3A_150, %dma_wait3A_156] : memref<64x128xi32, #tpu.memory_space<vmem>> -> memref<1x128xi32, #tpu.memory_space<vmem>>
      %dma_wait3A_158 = tpu.memref_squeeze %dma_wait3A_157 : memref<1x128xi32, #tpu.memory_space<vmem>> -> memref<128xi32, #tpu.memory_space<vmem>>
      %dma_wait3A_159 = arith.constant 0 : i32
      %dma_wait3A_160 = arith.constant 0 : i32
      %dma_wait3A_161 = tpu.memref_slice %arg2[%dma_wait3A_159, %dma_wait3A_160] : memref<20000x128xf32, #tpu.memory_space<hbm>> -> memref<20000x128xf32, #tpu.memory_space<hbm>>
      tpu.wait_indirect_dma semaphore(%arg9 : memref<!tpu.dma_semaphore, #tpu.memory_space<semaphore_mem>>) src(%dma_wait3A_161 : memref<20000x128xf32, #tpu.memory_space<hbm>>) dst(%dma_wait3A_155 : memref<128x128xf32, #tpu.memory_space<vmem>>)
      %dma_wait3A_162 = arith.constant 0 : i32
      %dma_wait3A_163 = arith.constant 2 : i32
      %dma_wait3A_164 = arith.constant 0 : i32
      %dma_wait3A_165 = arith.constant 0 : i32
      %dma_wait3A_166 = tpu.memref_slice %arg8[%dma_wait3A_163, %dma_wait3A_164, %dma_wait3A_165] : memref<4x128x128xf32, #tpu.memory_space<vmem>> -> memref<1x128x128xf32, #tpu.memory_space<vmem>>
      %dma_wait3A_167 = tpu.memref_squeeze %dma_wait3A_166 : memref<1x128x128xf32, #tpu.memory_space<vmem>> -> memref<128x128xf32, #tpu.memory_space<vmem>>
      %dma_wait3A_168 = arith.constant 0 : i32
      %dma_wait3A_169 = tpu.memref_slice %arg6[%dma_wait3A_162, %dma_wait3A_168] : memref<64x128xi32, #tpu.memory_space<vmem>> -> memref<1x128xi32, #tpu.memory_space<vmem>>
      %dma_wait3A_170 = tpu.memref_squeeze %dma_wait3A_169 : memref<1x128xi32, #tpu.memory_space<vmem>> -> memref<128xi32, #tpu.memory_space<vmem>>
      %dma_wait3A_171 = arith.constant 0 : i32
      %dma_wait3A_172 = arith.constant 0 : i32
      %dma_wait3A_173 = tpu.memref_slice %arg2[%dma_wait3A_171, %dma_wait3A_172] : memref<20000x128xf32, #tpu.memory_space<hbm>> -> memref<20000x128xf32, #tpu.memory_space<hbm>>
      tpu.wait_indirect_dma semaphore(%arg9 : memref<!tpu.dma_semaphore, #tpu.memory_space<semaphore_mem>>) src(%dma_wait3A_173 : memref<20000x128xf32, #tpu.memory_space<hbm>>) dst(%dma_wait3A_167 : memref<128x128xf32, #tpu.memory_space<vmem>>)
      %dma_wait3A_174 = arith.constant 0 : i32
      %dma_wait3A_175 = arith.constant 3 : i32
      %dma_wait3A_176 = arith.constant 0 : i32
      %dma_wait3A_177 = arith.constant 0 : i32
      %dma_wait3A_178 = tpu.memref_slice %arg8[%dma_wait3A_175, %dma_wait3A_176, %dma_wait3A_177] : memref<4x128x128xf32, #tpu.memory_space<vmem>> -> memref<1x128x128xf32, #tpu.memory_space<vmem>>
      %dma_wait3A_179 = tpu.memref_squeeze %dma_wait3A_178 : memref<1x128x128xf32, #tpu.memory_space<vmem>> -> memref<128x128xf32, #tpu.memory_space<vmem>>
      %dma_wait3A_180 = arith.constant 0 : i32
      %dma_wait3A_181 = tpu.memref_slice %arg6[%dma_wait3A_174, %dma_wait3A_180] : memref<64x128xi32, #tpu.memory_space<vmem>> -> memref<1x128xi32, #tpu.memory_space<vmem>>
      %dma_wait3A_182 = tpu.memref_squeeze %dma_wait3A_181 : memref<1x128xi32, #tpu.memory_space<vmem>> -> memref<128xi32, #tpu.memory_space<vmem>>
      %dma_wait3A_183 = arith.constant 0 : i32
      %dma_wait3A_184 = arith.constant 0 : i32
      %dma_wait3A_185 = tpu.memref_slice %arg2[%dma_wait3A_183, %dma_wait3A_184] : memref<20000x128xf32, #tpu.memory_space<hbm>> -> memref<20000x128xf32, #tpu.memory_space<hbm>>
      tpu.wait_indirect_dma semaphore(%arg9 : memref<!tpu.dma_semaphore, #tpu.memory_space<semaphore_mem>>) src(%dma_wait3A_185 : memref<20000x128xf32, #tpu.memory_space<hbm>>) dst(%dma_wait3A_179 : memref<128x128xf32, #tpu.memory_space<vmem>>)
      %add3A_186 = arith.constant 0 : i32
      %add3A_187 = arith.addi %mul3A_84, %add3A_186 : i32
      %dma_start3A_188 = arith.constant 0 : i32
      %dma_start3A_189 = arith.constant 0 : i32
      %dma_start3A_190 = arith.constant 0 : i32
      %dma_start3A_191 = tpu.memref_slice %arg8[%dma_start3A_188, %dma_start3A_189, %dma_start3A_190] : memref<4x128x128xf32, #tpu.memory_space<vmem>> -> memref<1x128x128xf32, #tpu.memory_space<vmem>>
      %dma_start3A_192 = tpu.memref_squeeze %dma_start3A_191 : memref<1x128x128xf32, #tpu.memory_space<vmem>> -> memref<128x128xf32, #tpu.memory_space<vmem>>
      %dma_start3A_193 = arith.constant 0 : i32
      %dma_start3A_194 = tpu.memref_slice %arg7[%add3A_187, %dma_start3A_193] : memref<64x128xi32, #tpu.memory_space<vmem>> -> memref<1x128xi32, #tpu.memory_space<vmem>>
      %dma_start3A_195 = tpu.memref_squeeze %dma_start3A_194 : memref<1x128xi32, #tpu.memory_space<vmem>> -> memref<128xi32, #tpu.memory_space<vmem>>
      %dma_start3A_196 = arith.constant 0 : i32
      %dma_start3A_197 = arith.constant 0 : i32
      %dma_start3A_198 = tpu.memref_slice %arg2[%dma_start3A_196, %dma_start3A_197] : memref<20000x128xf32, #tpu.memory_space<hbm>> -> memref<20000x128xf32, #tpu.memory_space<hbm>>
      tpu.enqueue_indirect_dma source(%dma_start3A_198 : memref<20000x128xf32, #tpu.memory_space<hbm>>) target(%dma_start3A_192 : memref<128x128xf32, #tpu.memory_space<vmem>>) offsets(%dma_start3A_195 : memref<128xi32, #tpu.memory_space<vmem>>) semaphore(%arg9 : memref<!tpu.dma_semaphore, #tpu.memory_space<semaphore_mem>>) {add = true}
      %add3A_199 = arith.constant 1 : i32
      %add3A_200 = arith.addi %mul3A_84, %add3A_199 : i32
      %dma_start3A_201 = arith.constant 1 : i32
      %dma_start3A_202 = arith.constant 0 : i32
      %dma_start3A_203 = arith.constant 0 : i32
      %dma_start3A_204 = tpu.memref_slice %arg8[%dma_start3A_201, %dma_start3A_202, %dma_start3A_203] : memref<4x128x128xf32, #tpu.memory_space<vmem>> -> memref<1x128x128xf32, #tpu.memory_space<vmem>>
      %dma_start3A_205 = tpu.memref_squeeze %dma_start3A_204 : memref<1x128x128xf32, #tpu.memory_space<vmem>> -> memref<128x128xf32, #tpu.memory_space<vmem>>
      %dma_start3A_206 = arith.constant 0 : i32
      %dma_start3A_207 = tpu.memref_slice %arg7[%add3A_200, %dma_start3A_206] : memref<64x128xi32, #tpu.memory_space<vmem>> -> memref<1x128xi32, #tpu.memory_space<vmem>>
      %dma_start3A_208 = tpu.memref_squeeze %dma_start3A_207 : memref<1x128xi32, #tpu.memory_space<vmem>> -> memref<128xi32, #tpu.memory_space<vmem>>
      %dma_start3A_209 = arith.constant 0 : i32
      %dma_start3A_210 = arith.constant 0 : i32
      %dma_start3A_211 = tpu.memref_slice %arg2[%dma_start3A_209, %dma_start3A_210] : memref<20000x128xf32, #tpu.memory_space<hbm>> -> memref<20000x128xf32, #tpu.memory_space<hbm>>
      tpu.enqueue_indirect_dma source(%dma_start3A_211 : memref<20000x128xf32, #tpu.memory_space<hbm>>) target(%dma_start3A_205 : memref<128x128xf32, #tpu.memory_space<vmem>>) offsets(%dma_start3A_208 : memref<128xi32, #tpu.memory_space<vmem>>) semaphore(%arg9 : memref<!tpu.dma_semaphore, #tpu.memory_space<semaphore_mem>>) {add = true}
      %add3A_212 = arith.constant 2 : i32
      %add3A_213 = arith.addi %mul3A_84, %add3A_212 : i32
      %dma_start3A_214 = arith.constant 2 : i32
      %dma_start3A_215 = arith.constant 0 : i32
      %dma_start3A_216 = arith.constant 0 : i32
      %dma_start3A_217 = tpu.memref_slice %arg8[%dma_start3A_214, %dma_start3A_215, %dma_start3A_216] : memref<4x128x128xf32, #tpu.memory_space<vmem>> -> memref<1x128x128xf32, #tpu.memory_space<vmem>>
      %dma_start3A_218 = tpu.memref_squeeze %dma_start3A_217 : memref<1x128x128xf32, #tpu.memory_space<vmem>> -> memref<128x128xf32, #tpu.memory_space<vmem>>
      %dma_start3A_219 = arith.constant 0 : i32
      %dma_start3A_220 = tpu.memref_slice %arg7[%add3A_213, %dma_start3A_219] : memref<64x128xi32, #tpu.memory_space<vmem>> -> memref<1x128xi32, #tpu.memory_space<vmem>>
      %dma_start3A_221 = tpu.memref_squeeze %dma_start3A_220 : memref<1x128xi32, #tpu.memory_space<vmem>> -> memref<128xi32, #tpu.memory_space<vmem>>
      %dma_start3A_222 = arith.constant 0 : i32
      %dma_start3A_223 = arith.constant 0 : i32
      %dma_start3A_224 = tpu.memref_slice %arg2[%dma_start3A_222, %dma_start3A_223] : memref<20000x128xf32, #tpu.memory_space<hbm>> -> memref<20000x128xf32, #tpu.memory_space<hbm>>
      tpu.enqueue_indirect_dma source(%dma_start3A_224 : memref<20000x128xf32, #tpu.memory_space<hbm>>) target(%dma_start3A_218 : memref<128x128xf32, #tpu.memory_space<vmem>>) offsets(%dma_start3A_221 : memref<128xi32, #tpu.memory_space<vmem>>) semaphore(%arg9 : memref<!tpu.dma_semaphore, #tpu.memory_space<semaphore_mem>>) {add = true}
      %add3A_225 = arith.constant 3 : i32
      %add3A_226 = arith.addi %mul3A_84, %add3A_225 : i32
      %dma_start3A_227 = arith.constant 3 : i32
      %dma_start3A_228 = arith.constant 0 : i32
      %dma_start3A_229 = arith.constant 0 : i32
      %dma_start3A_230 = tpu.memref_slice %arg8[%dma_start3A_227, %dma_start3A_228, %dma_start3A_229] : memref<4x128x128xf32, #tpu.memory_space<vmem>> -> memref<1x128x128xf32, #tpu.memory_space<vmem>>
      %dma_start3A_231 = tpu.memref_squeeze %dma_start3A_230 : memref<1x128x128xf32, #tpu.memory_space<vmem>> -> memref<128x128xf32, #tpu.memory_space<vmem>>
      %dma_start3A_232 = arith.constant 0 : i32
      %dma_start3A_233 = tpu.memref_slice %arg7[%add3A_226, %dma_start3A_232] : memref<64x128xi32, #tpu.memory_space<vmem>> -> memref<1x128xi32, #tpu.memory_space<vmem>>
      %dma_start3A_234 = tpu.memref_squeeze %dma_start3A_233 : memref<1x128xi32, #tpu.memory_space<vmem>> -> memref<128xi32, #tpu.memory_space<vmem>>
      %dma_start3A_235 = arith.constant 0 : i32
      %dma_start3A_236 = arith.constant 0 : i32
      %dma_start3A_237 = tpu.memref_slice %arg2[%dma_start3A_235, %dma_start3A_236] : memref<20000x128xf32, #tpu.memory_space<hbm>> -> memref<20000x128xf32, #tpu.memory_space<hbm>>
      tpu.enqueue_indirect_dma source(%dma_start3A_237 : memref<20000x128xf32, #tpu.memory_space<hbm>>) target(%dma_start3A_231 : memref<128x128xf32, #tpu.memory_space<vmem>>) offsets(%dma_start3A_234 : memref<128xi32, #tpu.memory_space<vmem>>) semaphore(%arg9 : memref<!tpu.dma_semaphore, #tpu.memory_space<semaphore_mem>>) {add = true}
      %dma_wait3A_238 = arith.constant 0 : i32
      %dma_wait3A_239 = arith.constant 0 : i32
      %dma_wait3A_240 = arith.constant 0 : i32
      %dma_wait3A_241 = arith.constant 0 : i32
      %dma_wait3A_242 = tpu.memref_slice %arg8[%dma_wait3A_239, %dma_wait3A_240, %dma_wait3A_241] : memref<4x128x128xf32, #tpu.memory_space<vmem>> -> memref<1x128x128xf32, #tpu.memory_space<vmem>>
      %dma_wait3A_243 = tpu.memref_squeeze %dma_wait3A_242 : memref<1x128x128xf32, #tpu.memory_space<vmem>> -> memref<128x128xf32, #tpu.memory_space<vmem>>
      %dma_wait3A_244 = arith.constant 0 : i32
      %dma_wait3A_245 = tpu.memref_slice %arg7[%dma_wait3A_238, %dma_wait3A_244] : memref<64x128xi32, #tpu.memory_space<vmem>> -> memref<1x128xi32, #tpu.memory_space<vmem>>
      %dma_wait3A_246 = tpu.memref_squeeze %dma_wait3A_245 : memref<1x128xi32, #tpu.memory_space<vmem>> -> memref<128xi32, #tpu.memory_space<vmem>>
      %dma_wait3A_247 = arith.constant 0 : i32
      %dma_wait3A_248 = arith.constant 0 : i32
      %dma_wait3A_249 = tpu.memref_slice %arg2[%dma_wait3A_247, %dma_wait3A_248] : memref<20000x128xf32, #tpu.memory_space<hbm>> -> memref<20000x128xf32, #tpu.memory_space<hbm>>
      tpu.wait_indirect_dma semaphore(%arg9 : memref<!tpu.dma_semaphore, #tpu.memory_space<semaphore_mem>>) src(%dma_wait3A_249 : memref<20000x128xf32, #tpu.memory_space<hbm>>) dst(%dma_wait3A_243 : memref<128x128xf32, #tpu.memory_space<vmem>>)
      %dma_wait3A_250 = arith.constant 0 : i32
      %dma_wait3A_251 = arith.constant 1 : i32
      %dma_wait3A_252 = arith.constant 0 : i32
      %dma_wait3A_253 = arith.constant 0 : i32
      %dma_wait3A_254 = tpu.memref_slice %arg8[%dma_wait3A_251, %dma_wait3A_252, %dma_wait3A_253] : memref<4x128x128xf32, #tpu.memory_space<vmem>> -> memref<1x128x128xf32, #tpu.memory_space<vmem>>
      %dma_wait3A_255 = tpu.memref_squeeze %dma_wait3A_254 : memref<1x128x128xf32, #tpu.memory_space<vmem>> -> memref<128x128xf32, #tpu.memory_space<vmem>>
      %dma_wait3A_256 = arith.constant 0 : i32
      %dma_wait3A_257 = tpu.memref_slice %arg7[%dma_wait3A_250, %dma_wait3A_256] : memref<64x128xi32, #tpu.memory_space<vmem>> -> memref<1x128xi32, #tpu.memory_space<vmem>>
      %dma_wait3A_258 = tpu.memref_squeeze %dma_wait3A_257 : memref<1x128xi32, #tpu.memory_space<vmem>> -> memref<128xi32, #tpu.memory_space<vmem>>
      %dma_wait3A_259 = arith.constant 0 : i32
      %dma_wait3A_260 = arith.constant 0 : i32
      %dma_wait3A_261 = tpu.memref_slice %arg2[%dma_wait3A_259, %dma_wait3A_260] : memref<20000x128xf32, #tpu.memory_space<hbm>> -> memref<20000x128xf32, #tpu.memory_space<hbm>>
      tpu.wait_indirect_dma semaphore(%arg9 : memref<!tpu.dma_semaphore, #tpu.memory_space<semaphore_mem>>) src(%dma_wait3A_261 : memref<20000x128xf32, #tpu.memory_space<hbm>>) dst(%dma_wait3A_255 : memref<128x128xf32, #tpu.memory_space<vmem>>)
      %dma_wait3A_262 = arith.constant 0 : i32
      %dma_wait3A_263 = arith.constant 2 : i32
      %dma_wait3A_264 = arith.constant 0 : i32
      %dma_wait3A_265 = arith.constant 0 : i32
      %dma_wait3A_266 = tpu.memref_slice %arg8[%dma_wait3A_263, %dma_wait3A_264, %dma_wait3A_265] : memref<4x128x128xf32, #tpu.memory_space<vmem>> -> memref<1x128x128xf32, #tpu.memory_space<vmem>>
      %dma_wait3A_267 = tpu.memref_squeeze %dma_wait3A_266 : memref<1x128x128xf32, #tpu.memory_space<vmem>> -> memref<128x128xf32, #tpu.memory_space<vmem>>
      %dma_wait3A_268 = arith.constant 0 : i32
      %dma_wait3A_269 = tpu.memref_slice %arg7[%dma_wait3A_262, %dma_wait3A_268] : memref<64x128xi32, #tpu.memory_space<vmem>> -> memref<1x128xi32, #tpu.memory_space<vmem>>
      %dma_wait3A_270 = tpu.memref_squeeze %dma_wait3A_269 : memref<1x128xi32, #tpu.memory_space<vmem>> -> memref<128xi32, #tpu.memory_space<vmem>>
      %dma_wait3A_271 = arith.constant 0 : i32
      %dma_wait3A_272 = arith.constant 0 : i32
      %dma_wait3A_273 = tpu.memref_slice %arg2[%dma_wait3A_271, %dma_wait3A_272] : memref<20000x128xf32, #tpu.memory_space<hbm>> -> memref<20000x128xf32, #tpu.memory_space<hbm>>
      tpu.wait_indirect_dma semaphore(%arg9 : memref<!tpu.dma_semaphore, #tpu.memory_space<semaphore_mem>>) src(%dma_wait3A_273 : memref<20000x128xf32, #tpu.memory_space<hbm>>) dst(%dma_wait3A_267 : memref<128x128xf32, #tpu.memory_space<vmem>>)
      %dma_wait3A_274 = arith.constant 0 : i32
      %dma_wait3A_275 = arith.constant 3 : i32
      %dma_wait3A_276 = arith.constant 0 : i32
      %dma_wait3A_277 = arith.constant 0 : i32
      %dma_wait3A_278 = tpu.memref_slice %arg8[%dma_wait3A_275, %dma_wait3A_276, %dma_wait3A_277] : memref<4x128x128xf32, #tpu.memory_space<vmem>> -> memref<1x128x128xf32, #tpu.memory_space<vmem>>
      %dma_wait3A_279 = tpu.memref_squeeze %dma_wait3A_278 : memref<1x128x128xf32, #tpu.memory_space<vmem>> -> memref<128x128xf32, #tpu.memory_space<vmem>>
      %dma_wait3A_280 = arith.constant 0 : i32
      %dma_wait3A_281 = tpu.memref_slice %arg7[%dma_wait3A_274, %dma_wait3A_280] : memref<64x128xi32, #tpu.memory_space<vmem>> -> memref<1x128xi32, #tpu.memory_space<vmem>>
      %dma_wait3A_282 = tpu.memref_squeeze %dma_wait3A_281 : memref<1x128xi32, #tpu.memory_space<vmem>> -> memref<128xi32, #tpu.memory_space<vmem>>
      %dma_wait3A_283 = arith.constant 0 : i32
      %dma_wait3A_284 = arith.constant 0 : i32
      %dma_wait3A_285 = tpu.memref_slice %arg2[%dma_wait3A_283, %dma_wait3A_284] : memref<20000x128xf32, #tpu.memory_space<hbm>> -> memref<20000x128xf32, #tpu.memory_space<hbm>>
      tpu.wait_indirect_dma semaphore(%arg9 : memref<!tpu.dma_semaphore, #tpu.memory_space<semaphore_mem>>) src(%dma_wait3A_285 : memref<20000x128xf32, #tpu.memory_space<hbm>>) dst(%dma_wait3A_279 : memref<128x128xf32, #tpu.memory_space<vmem>>)
      %add3A_286 = arith.addi %add3A, %mul3A_84 : i32
      %add3A_287 = arith.constant 0 : i32
      %add3A_288 = arith.addi %add3A_286, %add3A_287 : i32
      %mul3A_289 = arith.constant 128 : i32
      %mul3A_290 = arith.muli %add3A_288, %mul3A_289 : i32
      %dma_start3A_291 = arith.constant 0 : i32
      %dma_start3A_292 = arith.constant 0 : i32
      %dma_start3A_293 = arith.constant 0 : i32
      %dma_start3A_294 = tpu.memref_slice %arg8[%dma_start3A_291, %dma_start3A_292, %dma_start3A_293] : memref<4x128x128xf32, #tpu.memory_space<vmem>> -> memref<1x128x128xf32, #tpu.memory_space<vmem>>
      %dma_start3A_295 = tpu.memref_squeeze %dma_start3A_294 : memref<1x128x128xf32, #tpu.memory_space<vmem>> -> memref<128x128xf32, #tpu.memory_space<vmem>>
      %dma_start3A_296 = arith.constant 0 : i32
      %dma_start3A_297 = tpu.memref_slice %arg5[%mul3A_290, %dma_start3A_296] : memref<163840x128xf32, #tpu.memory_space<hbm>> -> memref<128x128xf32, #tpu.memory_space<hbm>>
      %dma_start3A_298 = arith.constant 0 : i32
      %dma_start3A_299 = tpu.memref_slice %arg5[%mul3A_290, %dma_start3A_298] : memref<163840x128xf32, #tpu.memory_space<hbm>> -> memref<128x128xf32, #tpu.memory_space<hbm>>
      %dma_start3A_300 = arith.constant 0 : i32
      %dma_start3A_301 = arith.constant 0 : i32
      %dma_start3A_302 = tpu.memref_slice %arg8[%dma_start3A_291, %dma_start3A_300, %dma_start3A_301] : memref<4x128x128xf32, #tpu.memory_space<vmem>> -> memref<1x128x128xf32, #tpu.memory_space<vmem>>
      %dma_start3A_303 = tpu.memref_squeeze %dma_start3A_302 : memref<1x128x128xf32, #tpu.memory_space<vmem>> -> memref<128x128xf32, #tpu.memory_space<vmem>>
      tpu.enqueue_dma source(%dma_start3A_303 : memref<128x128xf32, #tpu.memory_space<vmem>>) target(%dma_start3A_299 : memref<128x128xf32, #tpu.memory_space<hbm>>) target_semaphore(%arg10 : memref<!tpu.dma_semaphore, #tpu.memory_space<semaphore_mem>>)
      %add3A_304 = arith.addi %add3A, %mul3A_84 : i32
      %add3A_305 = arith.constant 1 : i32
      %add3A_306 = arith.addi %add3A_304, %add3A_305 : i32
      %mul3A_307 = arith.constant 128 : i32
      %mul3A_308 = arith.muli %add3A_306, %mul3A_307 : i32
      %dma_start3A_309 = arith.constant 1 : i32
      %dma_start3A_310 = arith.constant 0 : i32
      %dma_start3A_311 = arith.constant 0 : i32
      %dma_start3A_312 = tpu.memref_slice %arg8[%dma_start3A_309, %dma_start3A_310, %dma_start3A_311] : memref<4x128x128xf32, #tpu.memory_space<vmem>> -> memref<1x128x128xf32, #tpu.memory_space<vmem>>
      %dma_start3A_313 = tpu.memref_squeeze %dma_start3A_312 : memref<1x128x128xf32, #tpu.memory_space<vmem>> -> memref<128x128xf32, #tpu.memory_space<vmem>>
      %dma_start3A_314 = arith.constant 0 : i32
      %dma_start3A_315 = tpu.memref_slice %arg5[%mul3A_308, %dma_start3A_314] : memref<163840x128xf32, #tpu.memory_space<hbm>> -> memref<128x128xf32, #tpu.memory_space<hbm>>
      %dma_start3A_316 = arith.constant 0 : i32
      %dma_start3A_317 = tpu.memref_slice %arg5[%mul3A_308, %dma_start3A_316] : memref<163840x128xf32, #tpu.memory_space<hbm>> -> memref<128x128xf32, #tpu.memory_space<hbm>>
      %dma_start3A_318 = arith.constant 0 : i32
      %dma_start3A_319 = arith.constant 0 : i32
      %dma_start3A_320 = tpu.memref_slice %arg8[%dma_start3A_309, %dma_start3A_318, %dma_start3A_319] : memref<4x128x128xf32, #tpu.memory_space<vmem>> -> memref<1x128x128xf32, #tpu.memory_space<vmem>>
      %dma_start3A_321 = tpu.memref_squeeze %dma_start3A_320 : memref<1x128x128xf32, #tpu.memory_space<vmem>> -> memref<128x128xf32, #tpu.memory_space<vmem>>
      tpu.enqueue_dma source(%dma_start3A_321 : memref<128x128xf32, #tpu.memory_space<vmem>>) target(%dma_start3A_317 : memref<128x128xf32, #tpu.memory_space<hbm>>) target_semaphore(%arg10 : memref<!tpu.dma_semaphore, #tpu.memory_space<semaphore_mem>>)
      %add3A_322 = arith.addi %add3A, %mul3A_84 : i32
      %add3A_323 = arith.constant 2 : i32
      %add3A_324 = arith.addi %add3A_322, %add3A_323 : i32
      %mul3A_325 = arith.constant 128 : i32
      %mul3A_326 = arith.muli %add3A_324, %mul3A_325 : i32
      %dma_start3A_327 = arith.constant 2 : i32
      %dma_start3A_328 = arith.constant 0 : i32
      %dma_start3A_329 = arith.constant 0 : i32
      %dma_start3A_330 = tpu.memref_slice %arg8[%dma_start3A_327, %dma_start3A_328, %dma_start3A_329] : memref<4x128x128xf32, #tpu.memory_space<vmem>> -> memref<1x128x128xf32, #tpu.memory_space<vmem>>
      %dma_start3A_331 = tpu.memref_squeeze %dma_start3A_330 : memref<1x128x128xf32, #tpu.memory_space<vmem>> -> memref<128x128xf32, #tpu.memory_space<vmem>>
      %dma_start3A_332 = arith.constant 0 : i32
      %dma_start3A_333 = tpu.memref_slice %arg5[%mul3A_326, %dma_start3A_332] : memref<163840x128xf32, #tpu.memory_space<hbm>> -> memref<128x128xf32, #tpu.memory_space<hbm>>
      %dma_start3A_334 = arith.constant 0 : i32
      %dma_start3A_335 = tpu.memref_slice %arg5[%mul3A_326, %dma_start3A_334] : memref<163840x128xf32, #tpu.memory_space<hbm>> -> memref<128x128xf32, #tpu.memory_space<hbm>>
      %dma_start3A_336 = arith.constant 0 : i32
      %dma_start3A_337 = arith.constant 0 : i32
      %dma_start3A_338 = tpu.memref_slice %arg8[%dma_start3A_327, %dma_start3A_336, %dma_start3A_337] : memref<4x128x128xf32, #tpu.memory_space<vmem>> -> memref<1x128x128xf32, #tpu.memory_space<vmem>>
      %dma_start3A_339 = tpu.memref_squeeze %dma_start3A_338 : memref<1x128x128xf32, #tpu.memory_space<vmem>> -> memref<128x128xf32, #tpu.memory_space<vmem>>
      tpu.enqueue_dma source(%dma_start3A_339 : memref<128x128xf32, #tpu.memory_space<vmem>>) target(%dma_start3A_335 : memref<128x128xf32, #tpu.memory_space<hbm>>) target_semaphore(%arg10 : memref<!tpu.dma_semaphore, #tpu.memory_space<semaphore_mem>>)
      %add3A_340 = arith.addi %add3A, %mul3A_84 : i32
      %add3A_341 = arith.constant 3 : i32
      %add3A_342 = arith.addi %add3A_340, %add3A_341 : i32
      %mul3A_343 = arith.constant 128 : i32
      %mul3A_344 = arith.muli %add3A_342, %mul3A_343 : i32
      %dma_start3A_345 = arith.constant 3 : i32
      %dma_start3A_346 = arith.constant 0 : i32
      %dma_start3A_347 = arith.constant 0 : i32
      %dma_start3A_348 = tpu.memref_slice %arg8[%dma_start3A_345, %dma_start3A_346, %dma_start3A_347] : memref<4x128x128xf32, #tpu.memory_space<vmem>> -> memref<1x128x128xf32, #tpu.memory_space<vmem>>
      %dma_start3A_349 = tpu.memref_squeeze %dma_start3A_348 : memref<1x128x128xf32, #tpu.memory_space<vmem>> -> memref<128x128xf32, #tpu.memory_space<vmem>>
      %dma_start3A_350 = arith.constant 0 : i32
      %dma_start3A_351 = tpu.memref_slice %arg5[%mul3A_344, %dma_start3A_350] : memref<163840x128xf32, #tpu.memory_space<hbm>> -> memref<128x128xf32, #tpu.memory_space<hbm>>
      %dma_start3A_352 = arith.constant 0 : i32
      %dma_start3A_353 = tpu.memref_slice %arg5[%mul3A_344, %dma_start3A_352] : memref<163840x128xf32, #tpu.memory_space<hbm>> -> memref<128x128xf32, #tpu.memory_space<hbm>>
      %dma_start3A_354 = arith.constant 0 : i32
      %dma_start3A_355 = arith.constant 0 : i32
      %dma_start3A_356 = tpu.memref_slice %arg8[%dma_start3A_345, %dma_start3A_354, %dma_start3A_355] : memref<4x128x128xf32, #tpu.memory_space<vmem>> -> memref<1x128x128xf32, #tpu.memory_space<vmem>>
      %dma_start3A_357 = tpu.memref_squeeze %dma_start3A_356 : memref<1x128x128xf32, #tpu.memory_space<vmem>> -> memref<128x128xf32, #tpu.memory_space<vmem>>
      tpu.enqueue_dma source(%dma_start3A_357 : memref<128x128xf32, #tpu.memory_space<vmem>>) target(%dma_start3A_353 : memref<128x128xf32, #tpu.memory_space<hbm>>) target_semaphore(%arg10 : memref<!tpu.dma_semaphore, #tpu.memory_space<semaphore_mem>>)
    }
    %while3A_20 = arith.constant 1 : i32
    scf.for %while3A_80 = %while3A_18 to %while3A_14 step %while3A_20  : i32 {
      %mul3A_81 = arith.muli %while3A_80, %while3A : i32
      %add3A_82 = arith.addi %while3A_11, %mul3A_81 : i32
      %mul3A_83 = arith.constant 4 : i32
      %mul3A_84 = arith.muli %add3A_82, %mul3A_83 : i32
      %gt3A = arith.constant 0 : i32
      %gt3A_85 = arith.cmpi sgt, %add3A_82, %gt3A : i32
      %convert_element_type3A = arith.extui %gt3A_85 : i1 to i32
      %cond3A = arith.constant 0 : i32
      %cond3A_86 = arith.cmpi ne, %convert_element_type3A, %cond3A : i32
      scf.if %cond3A_86 {
        %dma_wait3A_358 = arith.constant 0 : i32
        %dma_wait3A_359 = arith.constant 0 : i32
        %dma_wait3A_360 = arith.constant 0 : i32
        %dma_wait3A_361 = tpu.memref_slice %arg8[%dma_wait3A_358, %dma_wait3A_359, %dma_wait3A_360] : memref<4x128x128xf32, #tpu.memory_space<vmem>> -> memref<1x128x128xf32, #tpu.memory_space<vmem>>
        %dma_wait3A_362 = tpu.memref_squeeze %dma_wait3A_361 : memref<1x128x128xf32, #tpu.memory_space<vmem>> -> memref<128x128xf32, #tpu.memory_space<vmem>>
        %dma_wait3A_363 = arith.constant 0 : i32
        %dma_wait3A_364 = arith.constant 0 : i32
        %dma_wait3A_365 = tpu.memref_slice %arg5[%dma_wait3A_363, %dma_wait3A_364] : memref<163840x128xf32, #tpu.memory_space<hbm>> -> memref<128x128xf32, #tpu.memory_space<hbm>>
        %dma_wait3A_366 = arith.constant 0 : i32
        %dma_wait3A_367 = arith.constant 0 : i32
        %dma_wait3A_368 = tpu.memref_slice %arg5[%dma_wait3A_366, %dma_wait3A_367] : memref<163840x128xf32, #tpu.memory_space<hbm>> -> memref<128x128xf32, #tpu.memory_space<hbm>>
        %dma_wait3A_369 = arith.constant 0 : i32
        %dma_wait3A_370 = arith.constant 0 : i32
        %dma_wait3A_371 = tpu.memref_slice %arg8[%dma_wait3A_358, %dma_wait3A_369, %dma_wait3A_370] : memref<4x128x128xf32, #tpu.memory_space<vmem>> -> memref<1x128x128xf32, #tpu.memory_space<vmem>>
        %dma_wait3A_372 = tpu.memref_squeeze %dma_wait3A_371 : memref<1x128x128xf32, #tpu.memory_space<vmem>> -> memref<128x128xf32, #tpu.memory_space<vmem>>
        tpu.wait_dma2 semaphore(%arg10 : memref<!tpu.dma_semaphore, #tpu.memory_space<semaphore_mem>>) src(%dma_wait3A_372 : memref<128x128xf32, #tpu.memory_space<vmem>>) dst(%dma_wait3A_368 : memref<128x128xf32, #tpu.memory_space<hbm>>)
        %dma_wait3A_373 = arith.constant 1 : i32
        %dma_wait3A_374 = arith.constant 0 : i32
        %dma_wait3A_375 = arith.constant 0 : i32
        %dma_wait3A_376 = tpu.memref_slice %arg8[%dma_wait3A_373, %dma_wait3A_374, %dma_wait3A_375] : memref<4x128x128xf32, #tpu.memory_space<vmem>> -> memref<1x128x128xf32, #tpu.memory_space<vmem>>
        %dma_wait3A_377 = tpu.memref_squeeze %dma_wait3A_376 : memref<1x128x128xf32, #tpu.memory_space<vmem>> -> memref<128x128xf32, #tpu.memory_space<vmem>>
        %dma_wait3A_378 = arith.constant 0 : i32
        %dma_wait3A_379 = arith.constant 0 : i32
        %dma_wait3A_380 = tpu.memref_slice %arg5[%dma_wait3A_378, %dma_wait3A_379] : memref<163840x128xf32, #tpu.memory_space<hbm>> -> memref<128x128xf32, #tpu.memory_space<hbm>>
        %dma_wait3A_381 = arith.constant 0 : i32
        %dma_wait3A_382 = arith.constant 0 : i32
        %dma_wait3A_383 = tpu.memref_slice %arg5[%dma_wait3A_381, %dma_wait3A_382] : memref<163840x128xf32, #tpu.memory_space<hbm>> -> memref<128x128xf32, #tpu.memory_space<hbm>>
        %dma_wait3A_384 = arith.constant 0 : i32
        %dma_wait3A_385 = arith.constant 0 : i32
        %dma_wait3A_386 = tpu.memref_slice %arg8[%dma_wait3A_373, %dma_wait3A_384, %dma_wait3A_385] : memref<4x128x128xf32, #tpu.memory_space<vmem>> -> memref<1x128x128xf32, #tpu.memory_space<vmem>>
        %dma_wait3A_387 = tpu.memref_squeeze %dma_wait3A_386 : memref<1x128x128xf32, #tpu.memory_space<vmem>> -> memref<128x128xf32, #tpu.memory_space<vmem>>
        tpu.wait_dma2 semaphore(%arg10 : memref<!tpu.dma_semaphore, #tpu.memory_space<semaphore_mem>>) src(%dma_wait3A_387 : memref<128x128xf32, #tpu.memory_space<vmem>>) dst(%dma_wait3A_383 : memref<128x128xf32, #tpu.memory_space<hbm>>)
        %dma_wait3A_388 = arith.constant 2 : i32
        %dma_wait3A_389 = arith.constant 0 : i32
        %dma_wait3A_390 = arith.constant 0 : i32
        %dma_wait3A_391 = tpu.memref_slice %arg8[%dma_wait3A_388, %dma_wait3A_389, %dma_wait3A_390] : memref<4x128x128xf32, #tpu.memory_space<vmem>> -> memref<1x128x128xf32, #tpu.memory_space<vmem>>
        %dma_wait3A_392 = tpu.memref_squeeze %dma_wait3A_391 : memref<1x128x128xf32, #tpu.memory_space<vmem>> -> memref<128x128xf32, #tpu.memory_space<vmem>>
        %dma_wait3A_393 = arith.constant 0 : i32
        %dma_wait3A_394 = arith.constant 0 : i32
        %dma_wait3A_395 = tpu.memref_slice %arg5[%dma_wait3A_393, %dma_wait3A_394] : memref<163840x128xf32, #tpu.memory_space<hbm>> -> memref<128x128xf32, #tpu.memory_space<hbm>>
        %dma_wait3A_396 = arith.constant 0 : i32
        %dma_wait3A_397 = arith.constant 0 : i32
        %dma_wait3A_398 = tpu.memref_slice %arg5[%dma_wait3A_396, %dma_wait3A_397] : memref<163840x128xf32, #tpu.memory_space<hbm>> -> memref<128x128xf32, #tpu.memory_space<hbm>>
        %dma_wait3A_399 = arith.constant 0 : i32
        %dma_wait3A_400 = arith.constant 0 : i32
        %dma_wait3A_401 = tpu.memref_slice %arg8[%dma_wait3A_388, %dma_wait3A_399, %dma_wait3A_400] : memref<4x128x128xf32, #tpu.memory_space<vmem>> -> memref<1x128x128xf32, #tpu.memory_space<vmem>>
        %dma_wait3A_402 = tpu.memref_squeeze %dma_wait3A_401 : memref<1x128x128xf32, #tpu.memory_space<vmem>> -> memref<128x128xf32, #tpu.memory_space<vmem>>
        tpu.wait_dma2 semaphore(%arg10 : memref<!tpu.dma_semaphore, #tpu.memory_space<semaphore_mem>>) src(%dma_wait3A_402 : memref<128x128xf32, #tpu.memory_space<vmem>>) dst(%dma_wait3A_398 : memref<128x128xf32, #tpu.memory_space<hbm>>)
        %dma_wait3A_403 = arith.constant 3 : i32
        %dma_wait3A_404 = arith.constant 0 : i32
        %dma_wait3A_405 = arith.constant 0 : i32
        %dma_wait3A_406 = tpu.memref_slice %arg8[%dma_wait3A_403, %dma_wait3A_404, %dma_wait3A_405] : memref<4x128x128xf32, #tpu.memory_space<vmem>> -> memref<1x128x128xf32, #tpu.memory_space<vmem>>
        %dma_wait3A_407 = tpu.memref_squeeze %dma_wait3A_406 : memref<1x128x128xf32, #tpu.memory_space<vmem>> -> memref<128x128xf32, #tpu.memory_space<vmem>>
        %dma_wait3A_408 = arith.constant 0 : i32
        %dma_wait3A_409 = arith.constant 0 : i32
        %dma_wait3A_410 = tpu.memref_slice %arg5[%dma_wait3A_408, %dma_wait3A_409] : memref<163840x128xf32, #tpu.memory_space<hbm>> -> memref<128x128xf32, #tpu.memory_space<hbm>>
        %dma_wait3A_411 = arith.constant 0 : i32
        %dma_wait3A_412 = arith.constant 0 : i32
        %dma_wait3A_413 = tpu.memref_slice %arg5[%dma_wait3A_411, %dma_wait3A_412] : memref<163840x128xf32, #tpu.memory_space<hbm>> -> memref<128x128xf32, #tpu.memory_space<hbm>>
        %dma_wait3A_414 = arith.constant 0 : i32
        %dma_wait3A_415 = arith.constant 0 : i32
        %dma_wait3A_416 = tpu.memref_slice %arg8[%dma_wait3A_403, %dma_wait3A_414, %dma_wait3A_415] : memref<4x128x128xf32, #tpu.memory_space<vmem>> -> memref<1x128x128xf32, #tpu.memory_space<vmem>>
        %dma_wait3A_417 = tpu.memref_squeeze %dma_wait3A_416 : memref<1x128x128xf32, #tpu.memory_space<vmem>> -> memref<128x128xf32, #tpu.memory_space<vmem>>
        tpu.wait_dma2 semaphore(%arg10 : memref<!tpu.dma_semaphore, #tpu.memory_space<semaphore_mem>>) src(%dma_wait3A_417 : memref<128x128xf32, #tpu.memory_space<vmem>>) dst(%dma_wait3A_413 : memref<128x128xf32, #tpu.memory_space<hbm>>)
      } else {
      }
      %add3A_87 = arith.constant 0 : i32
      %add3A_88 = arith.addi %mul3A_84, %add3A_87 : i32
      %dma_start3A = arith.constant 0 : i32
      %dma_start3A_89 = arith.constant 0 : i32
      %dma_start3A_90 = arith.constant 0 : i32
      %dma_start3A_91 = tpu.memref_slice %arg8[%dma_start3A, %dma_start3A_89, %dma_start3A_90] : memref<4x128x128xf32, #tpu.memory_space<vmem>> -> memref<1x128x128xf32, #tpu.memory_space<vmem>>
      %dma_start3A_92 = tpu.memref_squeeze %dma_start3A_91 : memref<1x128x128xf32, #tpu.memory_space<vmem>> -> memref<128x128xf32, #tpu.memory_space<vmem>>
      %dma_start3A_93 = arith.constant 0 : i32
      %dma_start3A_94 = tpu.memref_slice %arg6[%add3A_88, %dma_start3A_93] : memref<64x128xi32, #tpu.memory_space<vmem>> -> memref<1x128xi32, #tpu.memory_space<vmem>>
      %dma_start3A_95 = tpu.memref_squeeze %dma_start3A_94 : memref<1x128xi32, #tpu.memory_space<vmem>> -> memref<128xi32, #tpu.memory_space<vmem>>
      %dma_start3A_96 = arith.constant 0 : i32
      %dma_start3A_97 = arith.constant 0 : i32
      %dma_start3A_98 = tpu.memref_slice %arg2[%dma_start3A_96, %dma_start3A_97] : memref<20000x128xf32, #tpu.memory_space<hbm>> -> memref<20000x128xf32, #tpu.memory_space<hbm>>
      tpu.enqueue_indirect_dma source(%dma_start3A_98 : memref<20000x128xf32, #tpu.memory_space<hbm>>) target(%dma_start3A_92 : memref<128x128xf32, #tpu.memory_space<vmem>>) offsets(%dma_start3A_95 : memref<128xi32, #tpu.memory_space<vmem>>) semaphore(%arg9 : memref<!tpu.dma_semaphore, #tpu.memory_space<semaphore_mem>>)
      %add3A_99 = arith.constant 1 : i32
      %add3A_100 = arith.addi %mul3A_84, %add3A_99 : i32
      %dma_start3A_101 = arith.constant 1 : i32
      %dma_start3A_102 = arith.constant 0 : i32
      %dma_start3A_103 = arith.constant 0 : i32
      %dma_start3A_104 = tpu.memref_slice %arg8[%dma_start3A_101, %dma_start3A_102, %dma_start3A_103] : memref<4x128x128xf32, #tpu.memory_space<vmem>> -> memref<1x128x128xf32, #tpu.memory_space<vmem>>
      %dma_start3A_105 = tpu.memref_squeeze %dma_start3A_104 : memref<1x128x128xf32, #tpu.memory_space<vmem>> -> memref<128x128xf32, #tpu.memory_space<vmem>>
      %dma_start3A_106 = arith.constant 0 : i32
      %dma_start3A_107 = tpu.memref_slice %arg6[%add3A_100, %dma_start3A_106] : memref<64x128xi32, #tpu.memory_space<vmem>> -> memref<1x128xi32, #tpu.memory_space<vmem>>
      %dma_start3A_108 = tpu.memref_squeeze %dma_start3A_107 : memref<1x128xi32, #tpu.memory_space<vmem>> -> memref<128xi32, #tpu.memory_space<vmem>>
      %dma_start3A_109 = arith.constant 0 : i32
      %dma_start3A_110 = arith.constant 0 : i32
      %dma_start3A_111 = tpu.memref_slice %arg2[%dma_start3A_109, %dma_start3A_110] : memref<20000x128xf32, #tpu.memory_space<hbm>> -> memref<20000x128xf32, #tpu.memory_space<hbm>>
      tpu.enqueue_indirect_dma source(%dma_start3A_111 : memref<20000x128xf32, #tpu.memory_space<hbm>>) target(%dma_start3A_105 : memref<128x128xf32, #tpu.memory_space<vmem>>) offsets(%dma_start3A_108 : memref<128xi32, #tpu.memory_space<vmem>>) semaphore(%arg9 : memref<!tpu.dma_semaphore, #tpu.memory_space<semaphore_mem>>)
      %add3A_112 = arith.constant 2 : i32
      %add3A_113 = arith.addi %mul3A_84, %add3A_112 : i32
      %dma_start3A_114 = arith.constant 2 : i32
      %dma_start3A_115 = arith.constant 0 : i32
      %dma_start3A_116 = arith.constant 0 : i32
      %dma_start3A_117 = tpu.memref_slice %arg8[%dma_start3A_114, %dma_start3A_115, %dma_start3A_116] : memref<4x128x128xf32, #tpu.memory_space<vmem>> -> memref<1x128x128xf32, #tpu.memory_space<vmem>>
      %dma_start3A_118 = tpu.memref_squeeze %dma_start3A_117 : memref<1x128x128xf32, #tpu.memory_space<vmem>> -> memref<128x128xf32, #tpu.memory_space<vmem>>
      %dma_start3A_119 = arith.constant 0 : i32
      %dma_start3A_120 = tpu.memref_slice %arg6[%add3A_113, %dma_start3A_119] : memref<64x128xi32, #tpu.memory_space<vmem>> -> memref<1x128xi32, #tpu.memory_space<vmem>>
      %dma_start3A_121 = tpu.memref_squeeze %dma_start3A_120 : memref<1x128xi32, #tpu.memory_space<vmem>> -> memref<128xi32, #tpu.memory_space<vmem>>
      %dma_start3A_122 = arith.constant 0 : i32
      %dma_start3A_123 = arith.constant 0 : i32
      %dma_start3A_124 = tpu.memref_slice %arg2[%dma_start3A_122, %dma_start3A_123] : memref<20000x128xf32, #tpu.memory_space<hbm>> -> memref<20000x128xf32, #tpu.memory_space<hbm>>
      tpu.enqueue_indirect_dma source(%dma_start3A_124 : memref<20000x128xf32, #tpu.memory_space<hbm>>) target(%dma_start3A_118 : memref<128x128xf32, #tpu.memory_space<vmem>>) offsets(%dma_start3A_121 : memref<128xi32, #tpu.memory_space<vmem>>) semaphore(%arg9 : memref<!tpu.dma_semaphore, #tpu.memory_space<semaphore_mem>>)
      %add3A_125 = arith.constant 3 : i32
      %add3A_126 = arith.addi %mul3A_84, %add3A_125 : i32
      %dma_start3A_127 = arith.constant 3 : i32
      %dma_start3A_128 = arith.constant 0 : i32
      %dma_start3A_129 = arith.constant 0 : i32
      %dma_start3A_130 = tpu.memref_slice %arg8[%dma_start3A_127, %dma_start3A_128, %dma_start3A_129] : memref<4x128x128xf32, #tpu.memory_space<vmem>> -> memref<1x128x128xf32, #tpu.memory_space<vmem>>
      %dma_start3A_131 = tpu.memref_squeeze %dma_start3A_130 : memref<1x128x128xf32, #tpu.memory_space<vmem>> -> memref<128x128xf32, #tpu.memory_space<vmem>>
      %dma_start3A_132 = arith.constant 0 : i32
      %dma_start3A_133 = tpu.memref_slice %arg6[%add3A_126, %dma_start3A_132] : memref<64x128xi32, #tpu.memory_space<vmem>> -> memref<1x128xi32, #tpu.memory_space<vmem>>
      %dma_start3A_134 = tpu.memref_squeeze %dma_start3A_133 : memref<1x128xi32, #tpu.memory_space<vmem>> -> memref<128xi32, #tpu.memory_space<vmem>>
      %dma_start3A_135 = arith.constant 0 : i32
      %dma_start3A_136 = arith.constant 0 : i32
      %dma_start3A_137 = tpu.memref_slice %arg2[%dma_start3A_135, %dma_start3A_136] : memref<20000x128xf32, #tpu.memory_space<hbm>> -> memref<20000x128xf32, #tpu.memory_space<hbm>>
      tpu.enqueue_indirect_dma source(%dma_start3A_137 : memref<20000x128xf32, #tpu.memory_space<hbm>>) target(%dma_start3A_131 : memref<128x128xf32, #tpu.memory_space<vmem>>) offsets(%dma_start3A_134 : memref<128xi32, #tpu.memory_space<vmem>>) semaphore(%arg9 : memref<!tpu.dma_semaphore, #tpu.memory_space<semaphore_mem>>)
      %dma_wait3A_138 = arith.constant 0 : i32
      %dma_wait3A_139 = arith.constant 0 : i32
      %dma_wait3A_140 = arith.constant 0 : i32
      %dma_wait3A_141 = arith.constant 0 : i32
      %dma_wait3A_142 = tpu.memref_slice %arg8[%dma_wait3A_139, %dma_wait3A_140, %dma_wait3A_141] : memref<4x128x128xf32, #tpu.memory_space<vmem>> -> memref<1x128x128xf32, #tpu.memory_space<vmem>>
      %dma_wait3A_143 = tpu.memref_squeeze %dma_wait3A_142 : memref<1x128x128xf32, #tpu.memory_space<vmem>> -> memref<128x128xf32, #tpu.memory_space<vmem>>
      %dma_wait3A_144 = arith.constant 0 : i32
      %dma_wait3A_145 = tpu.memref_slice %arg6[%dma_wait3A_138, %dma_wait3A_144] : memref<64x128xi32, #tpu.memory_space<vmem>> -> memref<1x128xi32, #tpu.memory_space<vmem>>
      %dma_wait3A_146 = tpu.memref_squeeze %dma_wait3A_145 : memref<1x128xi32, #tpu.memory_space<vmem>> -> memref<128xi32, #tpu.memory_space<vmem>>
      %dma_wait3A_147 = arith.constant 0 : i32
      %dma_wait3A_148 = arith.constant 0 : i32
      %dma_wait3A_149 = tpu.memref_slice %arg2[%dma_wait3A_147, %dma_wait3A_148] : memref<20000x128xf32, #tpu.memory_space<hbm>> -> memref<20000x128xf32, #tpu.memory_space<hbm>>
      tpu.wait_indirect_dma semaphore(%arg9 : memref<!tpu.dma_semaphore, #tpu.memory_space<semaphore_mem>>) src(%dma_wait3A_149 : memref<20000x128xf32, #tpu.memory_space<hbm>>) dst(%dma_wait3A_143 : memref<128x128xf32, #tpu.memory_space<vmem>>)
      %dma_wait3A_150 = arith.constant 0 : i32
      %dma_wait3A_151 = arith.constant 1 : i32
      %dma_wait3A_152 = arith.constant 0 : i32
      %dma_wait3A_153 = arith.constant 0 : i32
      %dma_wait3A_154 = tpu.memref_slice %arg8[%dma_wait3A_151, %dma_wait3A_152, %dma_wait3A_153] : memref<4x128x128xf32, #tpu.memory_space<vmem>> -> memref<1x128x128xf32, #tpu.memory_space<vmem>>
      %dma_wait3A_155 = tpu.memref_squeeze %dma_wait3A_154 : memref<1x128x128xf32, #tpu.memory_space<vmem>> -> memref<128x128xf32, #tpu.memory_space<vmem>>
      %dma_wait3A_156 = arith.constant 0 : i32
      %dma_wait3A_157 = tpu.memref_slice %arg6[%dma_wait3A_150, %dma_wait3A_156] : memref<64x128xi32, #tpu.memory_space<vmem>> -> memref<1x128xi32, #tpu.memory_space<vmem>>
      %dma_wait3A_158 = tpu.memref_squeeze %dma_wait3A_157 : memref<1x128xi32, #tpu.memory_space<vmem>> -> memref<128xi32, #tpu.memory_space<vmem>>
      %dma_wait3A_159 = arith.constant 0 : i32
      %dma_wait3A_160 = arith.constant 0 : i32
      %dma_wait3A_161 = tpu.memref_slice %arg2[%dma_wait3A_159, %dma_wait3A_160] : memref<20000x128xf32, #tpu.memory_space<hbm>> -> memref<20000x128xf32, #tpu.memory_space<hbm>>
      tpu.wait_indirect_dma semaphore(%arg9 : memref<!tpu.dma_semaphore, #tpu.memory_space<semaphore_mem>>) src(%dma_wait3A_161 : memref<20000x128xf32, #tpu.memory_space<hbm>>) dst(%dma_wait3A_155 : memref<128x128xf32, #tpu.memory_space<vmem>>)
      %dma_wait3A_162 = arith.constant 0 : i32
      %dma_wait3A_163 = arith.constant 2 : i32
      %dma_wait3A_164 = arith.constant 0 : i32
      %dma_wait3A_165 = arith.constant 0 : i32
      %dma_wait3A_166 = tpu.memref_slice %arg8[%dma_wait3A_163, %dma_wait3A_164, %dma_wait3A_165] : memref<4x128x128xf32, #tpu.memory_space<vmem>> -> memref<1x128x128xf32, #tpu.memory_space<vmem>>
      %dma_wait3A_167 = tpu.memref_squeeze %dma_wait3A_166 : memref<1x128x128xf32, #tpu.memory_space<vmem>> -> memref<128x128xf32, #tpu.memory_space<vmem>>
      %dma_wait3A_168 = arith.constant 0 : i32
      %dma_wait3A_169 = tpu.memref_slice %arg6[%dma_wait3A_162, %dma_wait3A_168] : memref<64x128xi32, #tpu.memory_space<vmem>> -> memref<1x128xi32, #tpu.memory_space<vmem>>
      %dma_wait3A_170 = tpu.memref_squeeze %dma_wait3A_169 : memref<1x128xi32, #tpu.memory_space<vmem>> -> memref<128xi32, #tpu.memory_space<vmem>>
      %dma_wait3A_171 = arith.constant 0 : i32
      %dma_wait3A_172 = arith.constant 0 : i32
      %dma_wait3A_173 = tpu.memref_slice %arg2[%dma_wait3A_171, %dma_wait3A_172] : memref<20000x128xf32, #tpu.memory_space<hbm>> -> memref<20000x128xf32, #tpu.memory_space<hbm>>
      tpu.wait_indirect_dma semaphore(%arg9 : memref<!tpu.dma_semaphore, #tpu.memory_space<semaphore_mem>>) src(%dma_wait3A_173 : memref<20000x128xf32, #tpu.memory_space<hbm>>) dst(%dma_wait3A_167 : memref<128x128xf32, #tpu.memory_space<vmem>>)
      %dma_wait3A_174 = arith.constant 0 : i32
      %dma_wait3A_175 = arith.constant 3 : i32
      %dma_wait3A_176 = arith.constant 0 : i32
      %dma_wait3A_177 = arith.constant 0 : i32
      %dma_wait3A_178 = tpu.memref_slice %arg8[%dma_wait3A_175, %dma_wait3A_176, %dma_wait3A_177] : memref<4x128x128xf32, #tpu.memory_space<vmem>> -> memref<1x128x128xf32, #tpu.memory_space<vmem>>
      %dma_wait3A_179 = tpu.memref_squeeze %dma_wait3A_178 : memref<1x128x128xf32, #tpu.memory_space<vmem>> -> memref<128x128xf32, #tpu.memory_space<vmem>>
      %dma_wait3A_180 = arith.constant 0 : i32
      %dma_wait3A_181 = tpu.memref_slice %arg6[%dma_wait3A_174, %dma_wait3A_180] : memref<64x128xi32, #tpu.memory_space<vmem>> -> memref<1x128xi32, #tpu.memory_space<vmem>>
      %dma_wait3A_182 = tpu.memref_squeeze %dma_wait3A_181 : memref<1x128xi32, #tpu.memory_space<vmem>> -> memref<128xi32, #tpu.memory_space<vmem>>
      %dma_wait3A_183 = arith.constant 0 : i32
      %dma_wait3A_184 = arith.constant 0 : i32
      %dma_wait3A_185 = tpu.memref_slice %arg2[%dma_wait3A_183, %dma_wait3A_184] : memref<20000x128xf32, #tpu.memory_space<hbm>> -> memref<20000x128xf32, #tpu.memory_space<hbm>>
      tpu.wait_indirect_dma semaphore(%arg9 : memref<!tpu.dma_semaphore, #tpu.memory_space<semaphore_mem>>) src(%dma_wait3A_185 : memref<20000x128xf32, #tpu.memory_space<hbm>>) dst(%dma_wait3A_179 : memref<128x128xf32, #tpu.memory_space<vmem>>)
      %add3A_186 = arith.constant 0 : i32
      %add3A_187 = arith.addi %mul3A_84, %add3A_186 : i32
      %dma_start3A_188 = arith.constant 0 : i32
      %dma_start3A_189 = arith.constant 0 : i32
      %dma_start3A_190 = arith.constant 0 : i32
      %dma_start3A_191 = tpu.memref_slice %arg8[%dma_start3A_188, %dma_start3A_189, %dma_start3A_190] : memref<4x128x128xf32, #tpu.memory_space<vmem>> -> memref<1x128x128xf32, #tpu.memory_space<vmem>>
      %dma_start3A_192 = tpu.memref_squeeze %dma_start3A_191 : memref<1x128x128xf32, #tpu.memory_space<vmem>> -> memref<128x128xf32, #tpu.memory_space<vmem>>
      %dma_start3A_193 = arith.constant 0 : i32
      %dma_start3A_194 = tpu.memref_slice %arg7[%add3A_187, %dma_start3A_193] : memref<64x128xi32, #tpu.memory_space<vmem>> -> memref<1x128xi32, #tpu.memory_space<vmem>>
      %dma_start3A_195 = tpu.memref_squeeze %dma_start3A_194 : memref<1x128xi32, #tpu.memory_space<vmem>> -> memref<128xi32, #tpu.memory_space<vmem>>
      %dma_start3A_196 = arith.constant 0 : i32
      %dma_start3A_197 = arith.constant 0 : i32
      %dma_start3A_198 = tpu.memref_slice %arg2[%dma_start3A_196, %dma_start3A_197] : memref<20000x128xf32, #tpu.memory_space<hbm>> -> memref<20000x128xf32, #tpu.memory_space<hbm>>
      tpu.enqueue_indirect_dma source(%dma_start3A_198 : memref<20000x128xf32, #tpu.memory_space<hbm>>) target(%dma_start3A_192 : memref<128x128xf32, #tpu.memory_space<vmem>>) offsets(%dma_start3A_195 : memref<128xi32, #tpu.memory_space<vmem>>) semaphore(%arg9 : memref<!tpu.dma_semaphore, #tpu.memory_space<semaphore_mem>>) {add = true}
      %add3A_199 = arith.constant 1 : i32
      %add3A_200 = arith.addi %mul3A_84, %add3A_199 : i32
      %dma_start3A_201 = arith.constant 1 : i32
      %dma_start3A_202 = arith.constant 0 : i32
      %dma_start3A_203 = arith.constant 0 : i32
      %dma_start3A_204 = tpu.memref_slice %arg8[%dma_start3A_201, %dma_start3A_202, %dma_start3A_203] : memref<4x128x128xf32, #tpu.memory_space<vmem>> -> memref<1x128x128xf32, #tpu.memory_space<vmem>>
      %dma_start3A_205 = tpu.memref_squeeze %dma_start3A_204 : memref<1x128x128xf32, #tpu.memory_space<vmem>> -> memref<128x128xf32, #tpu.memory_space<vmem>>
      %dma_start3A_206 = arith.constant 0 : i32
      %dma_start3A_207 = tpu.memref_slice %arg7[%add3A_200, %dma_start3A_206] : memref<64x128xi32, #tpu.memory_space<vmem>> -> memref<1x128xi32, #tpu.memory_space<vmem>>
      %dma_start3A_208 = tpu.memref_squeeze %dma_start3A_207 : memref<1x128xi32, #tpu.memory_space<vmem>> -> memref<128xi32, #tpu.memory_space<vmem>>
      %dma_start3A_209 = arith.constant 0 : i32
      %dma_start3A_210 = arith.constant 0 : i32
      %dma_start3A_211 = tpu.memref_slice %arg2[%dma_start3A_209, %dma_start3A_210] : memref<20000x128xf32, #tpu.memory_space<hbm>> -> memref<20000x128xf32, #tpu.memory_space<hbm>>
      tpu.enqueue_indirect_dma source(%dma_start3A_211 : memref<20000x128xf32, #tpu.memory_space<hbm>>) target(%dma_start3A_205 : memref<128x128xf32, #tpu.memory_space<vmem>>) offsets(%dma_start3A_208 : memref<128xi32, #tpu.memory_space<vmem>>) semaphore(%arg9 : memref<!tpu.dma_semaphore, #tpu.memory_space<semaphore_mem>>) {add = true}
      %add3A_212 = arith.constant 2 : i32
      %add3A_213 = arith.addi %mul3A_84, %add3A_212 : i32
      %dma_start3A_214 = arith.constant 2 : i32
      %dma_start3A_215 = arith.constant 0 : i32
      %dma_start3A_216 = arith.constant 0 : i32
      %dma_start3A_217 = tpu.memref_slice %arg8[%dma_start3A_214, %dma_start3A_215, %dma_start3A_216] : memref<4x128x128xf32, #tpu.memory_space<vmem>> -> memref<1x128x128xf32, #tpu.memory_space<vmem>>
      %dma_start3A_218 = tpu.memref_squeeze %dma_start3A_217 : memref<1x128x128xf32, #tpu.memory_space<vmem>> -> memref<128x128xf32, #tpu.memory_space<vmem>>
      %dma_start3A_219 = arith.constant 0 : i32
      %dma_start3A_220 = tpu.memref_slice %arg7[%add3A_213, %dma_start3A_219] : memref<64x128xi32, #tpu.memory_space<vmem>> -> memref<1x128xi32, #tpu.memory_space<vmem>>
      %dma_start3A_221 = tpu.memref_squeeze %dma_start3A_220 : memref<1x128xi32, #tpu.memory_space<vmem>> -> memref<128xi32, #tpu.memory_space<vmem>>
      %dma_start3A_222 = arith.constant 0 : i32
      %dma_start3A_223 = arith.constant 0 : i32
      %dma_start3A_224 = tpu.memref_slice %arg2[%dma_start3A_222, %dma_start3A_223] : memref<20000x128xf32, #tpu.memory_space<hbm>> -> memref<20000x128xf32, #tpu.memory_space<hbm>>
      tpu.enqueue_indirect_dma source(%dma_start3A_224 : memref<20000x128xf32, #tpu.memory_space<hbm>>) target(%dma_start3A_218 : memref<128x128xf32, #tpu.memory_space<vmem>>) offsets(%dma_start3A_221 : memref<128xi32, #tpu.memory_space<vmem>>) semaphore(%arg9 : memref<!tpu.dma_semaphore, #tpu.memory_space<semaphore_mem>>) {add = true}
      %add3A_225 = arith.constant 3 : i32
      %add3A_226 = arith.addi %mul3A_84, %add3A_225 : i32
      %dma_start3A_227 = arith.constant 3 : i32
      %dma_start3A_228 = arith.constant 0 : i32
      %dma_start3A_229 = arith.constant 0 : i32
      %dma_start3A_230 = tpu.memref_slice %arg8[%dma_start3A_227, %dma_start3A_228, %dma_start3A_229] : memref<4x128x128xf32, #tpu.memory_space<vmem>> -> memref<1x128x128xf32, #tpu.memory_space<vmem>>
      %dma_start3A_231 = tpu.memref_squeeze %dma_start3A_230 : memref<1x128x128xf32, #tpu.memory_space<vmem>> -> memref<128x128xf32, #tpu.memory_space<vmem>>
      %dma_start3A_232 = arith.constant 0 : i32
      %dma_start3A_233 = tpu.memref_slice %arg7[%add3A_226, %dma_start3A_232] : memref<64x128xi32, #tpu.memory_space<vmem>> -> memref<1x128xi32, #tpu.memory_space<vmem>>
      %dma_start3A_234 = tpu.memref_squeeze %dma_start3A_233 : memref<1x128xi32, #tpu.memory_space<vmem>> -> memref<128xi32, #tpu.memory_space<vmem>>
      %dma_start3A_235 = arith.constant 0 : i32
      %dma_start3A_236 = arith.constant 0 : i32
      %dma_start3A_237 = tpu.memref_slice %arg2[%dma_start3A_235, %dma_start3A_236] : memref<20000x128xf32, #tpu.memory_space<hbm>> -> memref<20000x128xf32, #tpu.memory_space<hbm>>
      tpu.enqueue_indirect_dma source(%dma_start3A_237 : memref<20000x128xf32, #tpu.memory_space<hbm>>) target(%dma_start3A_231 : memref<128x128xf32, #tpu.memory_space<vmem>>) offsets(%dma_start3A_234 : memref<128xi32, #tpu.memory_space<vmem>>) semaphore(%arg9 : memref<!tpu.dma_semaphore, #tpu.memory_space<semaphore_mem>>) {add = true}
      %dma_wait3A_238 = arith.constant 0 : i32
      %dma_wait3A_239 = arith.constant 0 : i32
      %dma_wait3A_240 = arith.constant 0 : i32
      %dma_wait3A_241 = arith.constant 0 : i32
      %dma_wait3A_242 = tpu.memref_slice %arg8[%dma_wait3A_239, %dma_wait3A_240, %dma_wait3A_241] : memref<4x128x128xf32, #tpu.memory_space<vmem>> -> memref<1x128x128xf32, #tpu.memory_space<vmem>>
      %dma_wait3A_243 = tpu.memref_squeeze %dma_wait3A_242 : memref<1x128x128xf32, #tpu.memory_space<vmem>> -> memref<128x128xf32, #tpu.memory_space<vmem>>
      %dma_wait3A_244 = arith.constant 0 : i32
      %dma_wait3A_245 = tpu.memref_slice %arg7[%dma_wait3A_238, %dma_wait3A_244] : memref<64x128xi32, #tpu.memory_space<vmem>> -> memref<1x128xi32, #tpu.memory_space<vmem>>
      %dma_wait3A_246 = tpu.memref_squeeze %dma_wait3A_245 : memref<1x128xi32, #tpu.memory_space<vmem>> -> memref<128xi32, #tpu.memory_space<vmem>>
      %dma_wait3A_247 = arith.constant 0 : i32
      %dma_wait3A_248 = arith.constant 0 : i32
      %dma_wait3A_249 = tpu.memref_slice %arg2[%dma_wait3A_247, %dma_wait3A_248] : memref<20000x128xf32, #tpu.memory_space<hbm>> -> memref<20000x128xf32, #tpu.memory_space<hbm>>
      tpu.wait_indirect_dma semaphore(%arg9 : memref<!tpu.dma_semaphore, #tpu.memory_space<semaphore_mem>>) src(%dma_wait3A_249 : memref<20000x128xf32, #tpu.memory_space<hbm>>) dst(%dma_wait3A_243 : memref<128x128xf32, #tpu.memory_space<vmem>>)
      %dma_wait3A_250 = arith.constant 0 : i32
      %dma_wait3A_251 = arith.constant 1 : i32
      %dma_wait3A_252 = arith.constant 0 : i32
      %dma_wait3A_253 = arith.constant 0 : i32
      %dma_wait3A_254 = tpu.memref_slice %arg8[%dma_wait3A_251, %dma_wait3A_252, %dma_wait3A_253] : memref<4x128x128xf32, #tpu.memory_space<vmem>> -> memref<1x128x128xf32, #tpu.memory_space<vmem>>
      %dma_wait3A_255 = tpu.memref_squeeze %dma_wait3A_254 : memref<1x128x128xf32, #tpu.memory_space<vmem>> -> memref<128x128xf32, #tpu.memory_space<vmem>>
      %dma_wait3A_256 = arith.constant 0 : i32
      %dma_wait3A_257 = tpu.memref_slice %arg7[%dma_wait3A_250, %dma_wait3A_256] : memref<64x128xi32, #tpu.memory_space<vmem>> -> memref<1x128xi32, #tpu.memory_space<vmem>>
      %dma_wait3A_258 = tpu.memref_squeeze %dma_wait3A_257 : memref<1x128xi32, #tpu.memory_space<vmem>> -> memref<128xi32, #tpu.memory_space<vmem>>
      %dma_wait3A_259 = arith.constant 0 : i32
      %dma_wait3A_260 = arith.constant 0 : i32
      %dma_wait3A_261 = tpu.memref_slice %arg2[%dma_wait3A_259, %dma_wait3A_260] : memref<20000x128xf32, #tpu.memory_space<hbm>> -> memref<20000x128xf32, #tpu.memory_space<hbm>>
      tpu.wait_indirect_dma semaphore(%arg9 : memref<!tpu.dma_semaphore, #tpu.memory_space<semaphore_mem>>) src(%dma_wait3A_261 : memref<20000x128xf32, #tpu.memory_space<hbm>>) dst(%dma_wait3A_255 : memref<128x128xf32, #tpu.memory_space<vmem>>)
      %dma_wait3A_262 = arith.constant 0 : i32
      %dma_wait3A_263 = arith.constant 2 : i32
      %dma_wait3A_264 = arith.constant 0 : i32
      %dma_wait3A_265 = arith.constant 0 : i32
      %dma_wait3A_266 = tpu.memref_slice %arg8[%dma_wait3A_263, %dma_wait3A_264, %dma_wait3A_265] : memref<4x128x128xf32, #tpu.memory_space<vmem>> -> memref<1x128x128xf32, #tpu.memory_space<vmem>>
      %dma_wait3A_267 = tpu.memref_squeeze %dma_wait3A_266 : memref<1x128x128xf32, #tpu.memory_space<vmem>> -> memref<128x128xf32, #tpu.memory_space<vmem>>
      %dma_wait3A_268 = arith.constant 0 : i32
      %dma_wait3A_269 = tpu.memref_slice %arg7[%dma_wait3A_262, %dma_wait3A_268] : memref<64x128xi32, #tpu.memory_space<vmem>> -> memref<1x128xi32, #tpu.memory_space<vmem>>
      %dma_wait3A_270 = tpu.memref_squeeze %dma_wait3A_269 : memref<1x128xi32, #tpu.memory_space<vmem>> -> memref<128xi32, #tpu.memory_space<vmem>>
      %dma_wait3A_271 = arith.constant 0 : i32
      %dma_wait3A_272 = arith.constant 0 : i32
      %dma_wait3A_273 = tpu.memref_slice %arg2[%dma_wait3A_271, %dma_wait3A_272] : memref<20000x128xf32, #tpu.memory_space<hbm>> -> memref<20000x128xf32, #tpu.memory_space<hbm>>
      tpu.wait_indirect_dma semaphore(%arg9 : memref<!tpu.dma_semaphore, #tpu.memory_space<semaphore_mem>>) src(%dma_wait3A_273 : memref<20000x128xf32, #tpu.memory_space<hbm>>) dst(%dma_wait3A_267 : memref<128x128xf32, #tpu.memory_space<vmem>>)
      %dma_wait3A_274 = arith.constant 0 : i32
      %dma_wait3A_275 = arith.constant 3 : i32
      %dma_wait3A_276 = arith.constant 0 : i32
      %dma_wait3A_277 = arith.constant 0 : i32
      %dma_wait3A_278 = tpu.memref_slice %arg8[%dma_wait3A_275, %dma_wait3A_276, %dma_wait3A_277] : memref<4x128x128xf32, #tpu.memory_space<vmem>> -> memref<1x128x128xf32, #tpu.memory_space<vmem>>
      %dma_wait3A_279 = tpu.memref_squeeze %dma_wait3A_278 : memref<1x128x128xf32, #tpu.memory_space<vmem>> -> memref<128x128xf32, #tpu.memory_space<vmem>>
      %dma_wait3A_280 = arith.constant 0 : i32
      %dma_wait3A_281 = tpu.memref_slice %arg7[%dma_wait3A_274, %dma_wait3A_280] : memref<64x128xi32, #tpu.memory_space<vmem>> -> memref<1x128xi32, #tpu.memory_space<vmem>>
      %dma_wait3A_282 = tpu.memref_squeeze %dma_wait3A_281 : memref<1x128xi32, #tpu.memory_space<vmem>> -> memref<128xi32, #tpu.memory_space<vmem>>
      %dma_wait3A_283 = arith.constant 0 : i32
      %dma_wait3A_284 = arith.constant 0 : i32
      %dma_wait3A_285 = tpu.memref_slice %arg2[%dma_wait3A_283, %dma_wait3A_284] : memref<20000x128xf32, #tpu.memory_space<hbm>> -> memref<20000x128xf32, #tpu.memory_space<hbm>>
      tpu.wait_indirect_dma semaphore(%arg9 : memref<!tpu.dma_semaphore, #tpu.memory_space<semaphore_mem>>) src(%dma_wait3A_285 : memref<20000x128xf32, #tpu.memory_space<hbm>>) dst(%dma_wait3A_279 : memref<128x128xf32, #tpu.memory_space<vmem>>)
      %add3A_286 = arith.addi %add3A, %mul3A_84 : i32
      %add3A_287 = arith.constant 0 : i32
      %add3A_288 = arith.addi %add3A_286, %add3A_287 : i32
      %mul3A_289 = arith.constant 128 : i32
      %mul3A_290 = arith.muli %add3A_288, %mul3A_289 : i32
      %dma_start3A_291 = arith.constant 0 : i32
      %dma_start3A_292 = arith.constant 0 : i32
      %dma_start3A_293 = arith.constant 0 : i32
      %dma_start3A_294 = tpu.memref_slice %arg8[%dma_start3A_291, %dma_start3A_292, %dma_start3A_293] : memref<4x128x128xf32, #tpu.memory_space<vmem>> -> memref<1x128x128xf32, #tpu.memory_space<vmem>>
      %dma_start3A_295 = tpu.memref_squeeze %dma_start3A_294 : memref<1x128x128xf32, #tpu.memory_space<vmem>> -> memref<128x128xf32, #tpu.memory_space<vmem>>
      %dma_start3A_296 = arith.constant 0 : i32
      %dma_start3A_297 = tpu.memref_slice %arg5[%mul3A_290, %dma_start3A_296] : memref<163840x128xf32, #tpu.memory_space<hbm>> -> memref<128x128xf32, #tpu.memory_space<hbm>>
      %dma_start3A_298 = arith.constant 0 : i32
      %dma_start3A_299 = tpu.memref_slice %arg5[%mul3A_290, %dma_start3A_298] : memref<163840x128xf32, #tpu.memory_space<hbm>> -> memref<128x128xf32, #tpu.memory_space<hbm>>
      %dma_start3A_300 = arith.constant 0 : i32
      %dma_start3A_301 = arith.constant 0 : i32
      %dma_start3A_302 = tpu.memref_slice %arg8[%dma_start3A_291, %dma_start3A_300, %dma_start3A_301] : memref<4x128x128xf32, #tpu.memory_space<vmem>> -> memref<1x128x128xf32, #tpu.memory_space<vmem>>
      %dma_start3A_303 = tpu.memref_squeeze %dma_start3A_302 : memref<1x128x128xf32, #tpu.memory_space<vmem>> -> memref<128x128xf32, #tpu.memory_space<vmem>>
      tpu.enqueue_dma source(%dma_start3A_303 : memref<128x128xf32, #tpu.memory_space<vmem>>) target(%dma_start3A_299 : memref<128x128xf32, #tpu.memory_space<hbm>>) target_semaphore(%arg10 : memref<!tpu.dma_semaphore, #tpu.memory_space<semaphore_mem>>)
      %add3A_304 = arith.addi %add3A, %mul3A_84 : i32
      %add3A_305 = arith.constant 1 : i32
      %add3A_306 = arith.addi %add3A_304, %add3A_305 : i32
      %mul3A_307 = arith.constant 128 : i32
      %mul3A_308 = arith.muli %add3A_306, %mul3A_307 : i32
      %dma_start3A_309 = arith.constant 1 : i32
      %dma_start3A_310 = arith.constant 0 : i32
      %dma_start3A_311 = arith.constant 0 : i32
      %dma_start3A_312 = tpu.memref_slice %arg8[%dma_start3A_309, %dma_start3A_310, %dma_start3A_311] : memref<4x128x128xf32, #tpu.memory_space<vmem>> -> memref<1x128x128xf32, #tpu.memory_space<vmem>>
      %dma_start3A_313 = tpu.memref_squeeze %dma_start3A_312 : memref<1x128x128xf32, #tpu.memory_space<vmem>> -> memref<128x128xf32, #tpu.memory_space<vmem>>
      %dma_start3A_314 = arith.constant 0 : i32
      %dma_start3A_315 = tpu.memref_slice %arg5[%mul3A_308, %dma_start3A_314] : memref<163840x128xf32, #tpu.memory_space<hbm>> -> memref<128x128xf32, #tpu.memory_space<hbm>>
      %dma_start3A_316 = arith.constant 0 : i32
      %dma_start3A_317 = tpu.memref_slice %arg5[%mul3A_308, %dma_start3A_316] : memref<163840x128xf32, #tpu.memory_space<hbm>> -> memref<128x128xf32, #tpu.memory_space<hbm>>
      %dma_start3A_318 = arith.constant 0 : i32
      %dma_start3A_319 = arith.constant 0 : i32
      %dma_start3A_320 = tpu.memref_slice %arg8[%dma_start3A_309, %dma_start3A_318, %dma_start3A_319] : memref<4x128x128xf32, #tpu.memory_space<vmem>> -> memref<1x128x128xf32, #tpu.memory_space<vmem>>
      %dma_start3A_321 = tpu.memref_squeeze %dma_start3A_320 : memref<1x128x128xf32, #tpu.memory_space<vmem>> -> memref<128x128xf32, #tpu.memory_space<vmem>>
      tpu.enqueue_dma source(%dma_start3A_321 : memref<128x128xf32, #tpu.memory_space<vmem>>) target(%dma_start3A_317 : memref<128x128xf32, #tpu.memory_space<hbm>>) target_semaphore(%arg10 : memref<!tpu.dma_semaphore, #tpu.memory_space<semaphore_mem>>)
      %add3A_322 = arith.addi %add3A, %mul3A_84 : i32
      %add3A_323 = arith.constant 2 : i32
      %add3A_324 = arith.addi %add3A_322, %add3A_323 : i32
      %mul3A_325 = arith.constant 128 : i32
      %mul3A_326 = arith.muli %add3A_324, %mul3A_325 : i32
      %dma_start3A_327 = arith.constant 2 : i32
      %dma_start3A_328 = arith.constant 0 : i32
      %dma_start3A_329 = arith.constant 0 : i32
      %dma_start3A_330 = tpu.memref_slice %arg8[%dma_start3A_327, %dma_start3A_328, %dma_start3A_329] : memref<4x128x128xf32, #tpu.memory_space<vmem>> -> memref<1x128x128xf32, #tpu.memory_space<vmem>>
      %dma_start3A_331 = tpu.memref_squeeze %dma_start3A_330 : memref<1x128x128xf32, #tpu.memory_space<vmem>> -> memref<128x128xf32, #tpu.memory_space<vmem>>
      %dma_start3A_332 = arith.constant 0 : i32
      %dma_start3A_333 = tpu.memref_slice %arg5[%mul3A_326, %dma_start3A_332] : memref<163840x128xf32, #tpu.memory_space<hbm>> -> memref<128x128xf32, #tpu.memory_space<hbm>>
      %dma_start3A_334 = arith.constant 0 : i32
      %dma_start3A_335 = tpu.memref_slice %arg5[%mul3A_326, %dma_start3A_334] : memref<163840x128xf32, #tpu.memory_space<hbm>> -> memref<128x128xf32, #tpu.memory_space<hbm>>
      %dma_start3A_336 = arith.constant 0 : i32
      %dma_start3A_337 = arith.constant 0 : i32
      %dma_start3A_338 = tpu.memref_slice %arg8[%dma_start3A_327, %dma_start3A_336, %dma_start3A_337] : memref<4x128x128xf32, #tpu.memory_space<vmem>> -> memref<1x128x128xf32, #tpu.memory_space<vmem>>
      %dma_start3A_339 = tpu.memref_squeeze %dma_start3A_338 : memref<1x128x128xf32, #tpu.memory_space<vmem>> -> memref<128x128xf32, #tpu.memory_space<vmem>>
      tpu.enqueue_dma source(%dma_start3A_339 : memref<128x128xf32, #tpu.memory_space<vmem>>) target(%dma_start3A_335 : memref<128x128xf32, #tpu.memory_space<hbm>>) target_semaphore(%arg10 : memref<!tpu.dma_semaphore, #tpu.memory_space<semaphore_mem>>)
      %add3A_340 = arith.addi %add3A, %mul3A_84 : i32
      %add3A_341 = arith.constant 3 : i32
      %add3A_342 = arith.addi %add3A_340, %add3A_341 : i32
      %mul3A_343 = arith.constant 128 : i32
      %mul3A_344 = arith.muli %add3A_342, %mul3A_343 : i32
      %dma_start3A_345 = arith.constant 3 : i32
      %dma_start3A_346 = arith.constant 0 : i32
      %dma_start3A_347 = arith.constant 0 : i32
      %dma_start3A_348 = tpu.memref_slice %arg8[%dma_start3A_345, %dma_start3A_346, %dma_start3A_347] : memref<4x128x128xf32, #tpu.memory_space<vmem>> -> memref<1x128x128xf32, #tpu.memory_space<vmem>>
      %dma_start3A_349 = tpu.memref_squeeze %dma_start3A_348 : memref<1x128x128xf32, #tpu.memory_space<vmem>> -> memref<128x128xf32, #tpu.memory_space<vmem>>
      %dma_start3A_350 = arith.constant 0 : i32
      %dma_start3A_351 = tpu.memref_slice %arg5[%mul3A_344, %dma_start3A_350] : memref<163840x128xf32, #tpu.memory_space<hbm>> -> memref<128x128xf32, #tpu.memory_space<hbm>>
      %dma_start3A_352 = arith.constant 0 : i32
      %dma_start3A_353 = tpu.memref_slice %arg5[%mul3A_344, %dma_start3A_352] : memref<163840x128xf32, #tpu.memory_space<hbm>> -> memref<128x128xf32, #tpu.memory_space<hbm>>
      %dma_start3A_354 = arith.constant 0 : i32
      %dma_start3A_355 = arith.constant 0 : i32
      %dma_start3A_356 = tpu.memref_slice %arg8[%dma_start3A_345, %dma_start3A_354, %dma_start3A_355] : memref<4x128x128xf32, #tpu.memory_space<vmem>> -> memref<1x128x128xf32, #tpu.memory_space<vmem>>
      %dma_start3A_357 = tpu.memref_squeeze %dma_start3A_356 : memref<1x128x128xf32, #tpu.memory_space<vmem>> -> memref<128x128xf32, #tpu.memory_space<vmem>>
      tpu.enqueue_dma source(%dma_start3A_357 : memref<128x128xf32, #tpu.memory_space<vmem>>) target(%dma_start3A_353 : memref<128x128xf32, #tpu.memory_space<hbm>>) target_semaphore(%arg10 : memref<!tpu.dma_semaphore, #tpu.memory_space<semaphore_mem>>)
    }
    %dma_wait3A = arith.constant 0 : i32
    %dma_wait3A_21 = arith.constant 0 : i32
    %dma_wait3A_22 = arith.constant 0 : i32
    %dma_wait3A_23 = tpu.memref_slice %arg8[%dma_wait3A, %dma_wait3A_21, %dma_wait3A_22] : memref<4x128x128xf32, #tpu.memory_space<vmem>> -> memref<1x128x128xf32, #tpu.memory_space<vmem>>
    %dma_wait3A_24 = tpu.memref_squeeze %dma_wait3A_23 : memref<1x128x128xf32, #tpu.memory_space<vmem>> -> memref<128x128xf32, #tpu.memory_space<vmem>>
    %dma_wait3A_25 = arith.constant 0 : i32
    %dma_wait3A_26 = arith.constant 0 : i32
    %dma_wait3A_27 = tpu.memref_slice %arg5[%dma_wait3A_25, %dma_wait3A_26] : memref<163840x128xf32, #tpu.memory_space<hbm>> -> memref<128x128xf32, #tpu.memory_space<hbm>>
    %dma_wait3A_28 = arith.constant 0 : i32
    %dma_wait3A_29 = arith.constant 0 : i32
    %dma_wait3A_30 = tpu.memref_slice %arg5[%dma_wait3A_28, %dma_wait3A_29] : memref<163840x128xf32, #tpu.memory_space<hbm>> -> memref<128x128xf32, #tpu.memory_space<hbm>>
    %dma_wait3A_31 = arith.constant 0 : i32
    %dma_wait3A_32 = arith.constant 0 : i32
    %dma_wait3A_33 = tpu.memref_slice %arg8[%dma_wait3A, %dma_wait3A_31, %dma_wait3A_32] : memref<4x128x128xf32, #tpu.memory_space<vmem>> -> memref<1x128x128xf32, #tpu.memory_space<vmem>>
    %dma_wait3A_34 = tpu.memref_squeeze %dma_wait3A_33 : memref<1x128x128xf32, #tpu.memory_space<vmem>> -> memref<128x128xf32, #tpu.memory_space<vmem>>
    tpu.wait_dma2 semaphore(%arg10 : memref<!tpu.dma_semaphore, #tpu.memory_space<semaphore_mem>>) src(%dma_wait3A_34 : memref<128x128xf32, #tpu.memory_space<vmem>>) dst(%dma_wait3A_30 : memref<128x128xf32, #tpu.memory_space<hbm>>)
    %dma_wait3A_35 = arith.constant 1 : i32
    %dma_wait3A_36 = arith.constant 0 : i32
    %dma_wait3A_37 = arith.constant 0 : i32
    %dma_wait3A_38 = tpu.memref_slice %arg8[%dma_wait3A_35, %dma_wait3A_36, %dma_wait3A_37] : memref<4x128x128xf32, #tpu.memory_space<vmem>> -> memref<1x128x128xf32, #tpu.memory_space<vmem>>
    %dma_wait3A_39 = tpu.memref_squeeze %dma_wait3A_38 : memref<1x128x128xf32, #tpu.memory_space<vmem>> -> memref<128x128xf32, #tpu.memory_space<vmem>>
    %dma_wait3A_40 = arith.constant 0 : i32
    %dma_wait3A_41 = arith.constant 0 : i32
    %dma_wait3A_42 = tpu.memref_slice %arg5[%dma_wait3A_40, %dma_wait3A_41] : memref<163840x128xf32, #tpu.memory_space<hbm>> -> memref<128x128xf32, #tpu.memory_space<hbm>>
    %dma_wait3A_43 = arith.constant 0 : i32
    %dma_wait3A_44 = arith.constant 0 : i32
    %dma_wait3A_45 = tpu.memref_slice %arg5[%dma_wait3A_43, %dma_wait3A_44] : memref<163840x128xf32, #tpu.memory_space<hbm>> -> memref<128x128xf32, #tpu.memory_space<hbm>>
    %dma_wait3A_46 = arith.constant 0 : i32
    %dma_wait3A_47 = arith.constant 0 : i32
    %dma_wait3A_48 = tpu.memref_slice %arg8[%dma_wait3A_35, %dma_wait3A_46, %dma_wait3A_47] : memref<4x128x128xf32, #tpu.memory_space<vmem>> -> memref<1x128x128xf32, #tpu.memory_space<vmem>>
    %dma_wait3A_49 = tpu.memref_squeeze %dma_wait3A_48 : memref<1x128x128xf32, #tpu.memory_space<vmem>> -> memref<128x128xf32, #tpu.memory_space<vmem>>
    tpu.wait_dma2 semaphore(%arg10 : memref<!tpu.dma_semaphore, #tpu.memory_space<semaphore_mem>>) src(%dma_wait3A_49 : memref<128x128xf32, #tpu.memory_space<vmem>>) dst(%dma_wait3A_45 : memref<128x128xf32, #tpu.memory_space<hbm>>)
    %dma_wait3A_50 = arith.constant 2 : i32
    %dma_wait3A_51 = arith.constant 0 : i32
    %dma_wait3A_52 = arith.constant 0 : i32
    %dma_wait3A_53 = tpu.memref_slice %arg8[%dma_wait3A_50, %dma_wait3A_51, %dma_wait3A_52] : memref<4x128x128xf32, #tpu.memory_space<vmem>> -> memref<1x128x128xf32, #tpu.memory_space<vmem>>
    %dma_wait3A_54 = tpu.memref_squeeze %dma_wait3A_53 : memref<1x128x128xf32, #tpu.memory_space<vmem>> -> memref<128x128xf32, #tpu.memory_space<vmem>>
    %dma_wait3A_55 = arith.constant 0 : i32
    %dma_wait3A_56 = arith.constant 0 : i32
    %dma_wait3A_57 = tpu.memref_slice %arg5[%dma_wait3A_55, %dma_wait3A_56] : memref<163840x128xf32, #tpu.memory_space<hbm>> -> memref<128x128xf32, #tpu.memory_space<hbm>>
    %dma_wait3A_58 = arith.constant 0 : i32
    %dma_wait3A_59 = arith.constant 0 : i32
    %dma_wait3A_60 = tpu.memref_slice %arg5[%dma_wait3A_58, %dma_wait3A_59] : memref<163840x128xf32, #tpu.memory_space<hbm>> -> memref<128x128xf32, #tpu.memory_space<hbm>>
    %dma_wait3A_61 = arith.constant 0 : i32
    %dma_wait3A_62 = arith.constant 0 : i32
    %dma_wait3A_63 = tpu.memref_slice %arg8[%dma_wait3A_50, %dma_wait3A_61, %dma_wait3A_62] : memref<4x128x128xf32, #tpu.memory_space<vmem>> -> memref<1x128x128xf32, #tpu.memory_space<vmem>>
    %dma_wait3A_64 = tpu.memref_squeeze %dma_wait3A_63 : memref<1x128x128xf32, #tpu.memory_space<vmem>> -> memref<128x128xf32, #tpu.memory_space<vmem>>
    tpu.wait_dma2 semaphore(%arg10 : memref<!tpu.dma_semaphore, #tpu.memory_space<semaphore_mem>>) src(%dma_wait3A_64 : memref<128x128xf32, #tpu.memory_space<vmem>>) dst(%dma_wait3A_60 : memref<128x128xf32, #tpu.memory_space<hbm>>)
    %dma_wait3A_65 = arith.constant 3 : i32
    %dma_wait3A_66 = arith.constant 0 : i32
    %dma_wait3A_67 = arith.constant 0 : i32
    %dma_wait3A_68 = tpu.memref_slice %arg8[%dma_wait3A_65, %dma_wait3A_66, %dma_wait3A_67] : memref<4x128x128xf32, #tpu.memory_space<vmem>> -> memref<1x128x128xf32, #tpu.memory_space<vmem>>
    %dma_wait3A_69 = tpu.memref_squeeze %dma_wait3A_68 : memref<1x128x128xf32, #tpu.memory_space<vmem>> -> memref<128x128xf32, #tpu.memory_space<vmem>>
    %dma_wait3A_70 = arith.constant 0 : i32
    %dma_wait3A_71 = arith.constant 0 : i32
    %dma_wait3A_72 = tpu.memref_slice %arg5[%dma_wait3A_70, %dma_wait3A_71] : memref<163840x128xf32, #tpu.memory_space<hbm>> -> memref<128x128xf32, #tpu.memory_space<hbm>>
    %dma_wait3A_73 = arith.constant 0 : i32
    %dma_wait3A_74 = arith.constant 0 : i32
    %dma_wait3A_75 = tpu.memref_slice %arg5[%dma_wait3A_73, %dma_wait3A_74] : memref<163840x128xf32, #tpu.memory_space<hbm>> -> memref<128x128xf32, #tpu.memory_space<hbm>>
    %dma_wait3A_76 = arith.constant 0 : i32
    %dma_wait3A_77 = arith.constant 0 : i32
    %dma_wait3A_78 = tpu.memref_slice %arg8[%dma_wait3A_65, %dma_wait3A_76, %dma_wait3A_77] : memref<4x128x128xf32, #tpu.memory_space<vmem>> -> memref<1x128x128xf32, #tpu.memory_space<vmem>>
    %dma_wait3A_79 = tpu.memref_squeeze %dma_wait3A_78 : memref<1x128x128xf32, #tpu.memory_space<vmem>> -> memref<128x128xf32, #tpu.memory_space<vmem>>
    tpu.wait_dma2 semaphore(%arg10 : memref<!tpu.dma_semaphore, #tpu.memory_space<semaphore_mem>>) src(%dma_wait3A_79 : memref<128x128xf32, #tpu.memory_space<vmem>>) dst(%dma_wait3A_75 : memref<128x128xf32, #tpu.memory_space<hbm>>)
    return
  }
}

#map = affine_map<(d0, d1) -> (0, 0)>
#map1 = affine_map<(d0, d1) -> (0, 0, 0)>
module attributes {stable_mosaic.version = 14 : i64} {
  func.func @_segsum(%arg0: i32, %arg1: i32, %arg2: memref<163840x128xf32, #tpu.memory_space<hbm>>, %arg3: memref<32x40x128xi32, #tpu.memory_space<hbm>>, %arg4: memref<632x128xf32, #tpu.memory_space<hbm>>, %arg5: memref<2x10112x128xf32, #tpu.memory_space<hbm>>, %arg6: memref<40x128xi32, #tpu.memory_space<vmem>>, %arg7: memref<2x128x128xf32, #tpu.memory_space<vmem>>, %arg8: memref<10112x128xf32, #tpu.memory_space<vmem_shared>>, %arg9: memref<!tpu.dma_semaphore, #tpu.memory_space<semaphore_mem>>, %arg10: memref<!tpu.dma_semaphore, #tpu.memory_space<semaphore_mem>>) attributes {dimension_semantics = [#tpu.dimension_semantics<core_parallel>, #tpu.dimension_semantics<subcore_parallel>], iteration_bounds = array<i64: 2, 16>, scalar_prefetch = 0 : i64, scratch_operands = 5 : i64, tpu.core_type = #tpu.core_type<sc_vector_subcore>, window_params = [{transform_indices = #map}, {transform_indices = #map1}, {transform_indices = #map}, {transform_indices = #map1}]} {
    %mul3A = arith.constant 2 : i32
    %mul3A_0 = arith.muli %arg1, %mul3A : i32
    %add3A = arith.addi %mul3A_0, %arg0 : i32
    %mul3A_1 = arith.constant 632 : i32
    %mul3A_2 = arith.muli %arg1, %mul3A_1 : i32
    "tpu.region"() ({
      %run_scoped3A = tpu.sem_alloc : memref<!tpu.dma_semaphore, #tpu.memory_space<semaphore_mem>>
      %dma_start3A = arith.constant 0 : i32
      %dma_start3A_35 = tpu.memref_slice %arg8[%mul3A_2, %dma_start3A] : memref<10112x128xf32, #tpu.memory_space<vmem_shared>> -> memref<632x128xf32, #tpu.memory_space<vmem_shared>>
      tpu.enqueue_dma source(%arg4 : memref<632x128xf32, #tpu.memory_space<hbm>>) target(%dma_start3A_35 : memref<632x128xf32, #tpu.memory_space<vmem_shared>>) target_semaphore(%run_scoped3A : memref<!tpu.dma_semaphore, #tpu.memory_space<semaphore_mem>>)
      %dma_wait3A_36 = arith.constant 0 : i32
      %dma_wait3A_37 = tpu.memref_slice %arg8[%mul3A_2, %dma_wait3A_36] : memref<10112x128xf32, #tpu.memory_space<vmem_shared>> -> memref<632x128xf32, #tpu.memory_space<vmem_shared>>
      tpu.wait_dma2 semaphore(%run_scoped3A : memref<!tpu.dma_semaphore, #tpu.memory_space<semaphore_mem>>) src(%arg4 : memref<632x128xf32, #tpu.memory_space<hbm>>) dst(%dma_wait3A_37 : memref<632x128xf32, #tpu.memory_space<vmem_shared>>)
      tpu.yield
    }) : () -> ()
    "tpu.region"() ({
      %run_scoped3A = tpu.sem_alloc : memref<!tpu.dma_semaphore, #tpu.memory_space<semaphore_mem>>
      %dma_start3A = arith.constant 0 : i32
      %dma_start3A_35 = arith.constant 0 : i32
      %dma_start3A_36 = tpu.memref_slice %arg3[%add3A, %dma_start3A, %dma_start3A_35] : memref<32x40x128xi32, #tpu.memory_space<hbm>> -> memref<1x40x128xi32, #tpu.memory_space<hbm>>
      %dma_start3A_37 = tpu.memref_squeeze %dma_start3A_36 : memref<1x40x128xi32, #tpu.memory_space<hbm>> -> memref<40x128xi32, #tpu.memory_space<hbm>>
      %dma_start3A_38 = arith.constant 0 : i32
      %dma_start3A_39 = arith.constant 0 : i32
      %dma_start3A_40 = tpu.memref_slice %arg3[%add3A, %dma_start3A_38, %dma_start3A_39] : memref<32x40x128xi32, #tpu.memory_space<hbm>> -> memref<1x40x128xi32, #tpu.memory_space<hbm>>
      %dma_start3A_41 = tpu.memref_squeeze %dma_start3A_40 : memref<1x40x128xi32, #tpu.memory_space<hbm>> -> memref<40x128xi32, #tpu.memory_space<hbm>>
      tpu.enqueue_dma source(%dma_start3A_41 : memref<40x128xi32, #tpu.memory_space<hbm>>) target(%arg6 : memref<40x128xi32, #tpu.memory_space<vmem>>) target_semaphore(%run_scoped3A : memref<!tpu.dma_semaphore, #tpu.memory_space<semaphore_mem>>)
      %dma_wait3A_42 = arith.constant 0 : i32
      %dma_wait3A_43 = arith.constant 0 : i32
      %dma_wait3A_44 = tpu.memref_slice %arg3[%add3A, %dma_wait3A_42, %dma_wait3A_43] : memref<32x40x128xi32, #tpu.memory_space<hbm>> -> memref<1x40x128xi32, #tpu.memory_space<hbm>>
      %dma_wait3A_45 = tpu.memref_squeeze %dma_wait3A_44 : memref<1x40x128xi32, #tpu.memory_space<hbm>> -> memref<40x128xi32, #tpu.memory_space<hbm>>
      %dma_wait3A_46 = arith.constant 0 : i32
      %dma_wait3A_47 = arith.constant 0 : i32
      %dma_wait3A_48 = tpu.memref_slice %arg3[%add3A, %dma_wait3A_46, %dma_wait3A_47] : memref<32x40x128xi32, #tpu.memory_space<hbm>> -> memref<1x40x128xi32, #tpu.memory_space<hbm>>
      %dma_wait3A_49 = tpu.memref_squeeze %dma_wait3A_48 : memref<1x40x128xi32, #tpu.memory_space<hbm>> -> memref<40x128xi32, #tpu.memory_space<hbm>>
      tpu.wait_dma2 semaphore(%run_scoped3A : memref<!tpu.dma_semaphore, #tpu.memory_space<semaphore_mem>>) src(%dma_wait3A_49 : memref<40x128xi32, #tpu.memory_space<hbm>>) dst(%arg6 : memref<40x128xi32, #tpu.memory_space<vmem>>)
      tpu.yield
    }) : () -> ()
    %barrier3A = arith.constant 0 : index
    tpu.barrier barrier_id(%barrier3A)
    %scan3A = arith.constant 0 : i32
    %scan3A_3 = arith.constant 20 : i32
    %scan3A_4 = arith.addi %scan3A, %scan3A_3 : i32
    %scan3A_5 = arith.constant 1 : i32
    scf.for %scan3A_35 = %scan3A to %scan3A_4 step %scan3A_5  : i32 {
      %mul3A_36 = arith.constant 1 : i32
      %mul3A_37 = arith.muli %scan3A_35, %mul3A_36 : i32
      %add3A_38 = arith.constant 0 : i32
      %add3A_39 = arith.addi %add3A_38, %mul3A_37 : i32
      %mul3A_40 = arith.constant 2 : i32
      %mul3A_41 = arith.muli %add3A_39, %mul3A_40 : i32
      %gt3A = arith.constant 0 : i32
      %gt3A_42 = arith.cmpi sgt, %add3A_39, %gt3A : i32
      %convert_element_type3A = arith.extui %gt3A_42 : i1 to i32
      %cond3A = arith.constant 0 : i32
      %cond3A_43 = arith.cmpi ne, %convert_element_type3A, %cond3A : i32
      scf.if %cond3A_43 {
        %dma_wait3A_139 = arith.constant 0 : i32
        %dma_wait3A_140 = arith.constant 0 : i32
        %dma_wait3A_141 = arith.constant 0 : i32
        %dma_wait3A_142 = arith.constant 0 : i32
        %dma_wait3A_143 = tpu.memref_slice %arg7[%dma_wait3A_139, %dma_wait3A_141, %dma_wait3A_142] : memref<2x128x128xf32, #tpu.memory_space<vmem>> -> memref<1x128x128xf32, #tpu.memory_space<vmem>>
        %dma_wait3A_144 = tpu.memref_squeeze %dma_wait3A_143 : memref<1x128x128xf32, #tpu.memory_space<vmem>> -> memref<128x128xf32, #tpu.memory_space<vmem>>
        %dma_wait3A_145 = arith.constant 0 : i32
        %dma_wait3A_146 = tpu.memref_slice %arg6[%dma_wait3A_140, %dma_wait3A_145] : memref<40x128xi32, #tpu.memory_space<vmem>> -> memref<1x128xi32, #tpu.memory_space<vmem>>
        %dma_wait3A_147 = tpu.memref_squeeze %dma_wait3A_146 : memref<1x128xi32, #tpu.memory_space<vmem>> -> memref<128xi32, #tpu.memory_space<vmem>>
        %dma_wait3A_148 = arith.constant 0 : i32
        %dma_wait3A_149 = arith.constant 0 : i32
        %dma_wait3A_150 = tpu.memref_slice %arg8[%dma_wait3A_148, %dma_wait3A_149] : memref<10112x128xf32, #tpu.memory_space<vmem_shared>> -> memref<10112x128xf32, #tpu.memory_space<vmem_shared>>
        tpu.wait_indirect_dma semaphore(%arg10 : memref<!tpu.dma_semaphore, #tpu.memory_space<semaphore_mem>>) src(%dma_wait3A_144 : memref<128x128xf32, #tpu.memory_space<vmem>>) dst(%dma_wait3A_150 : memref<10112x128xf32, #tpu.memory_space<vmem_shared>>)
        %dma_wait3A_151 = arith.constant 1 : i32
        %dma_wait3A_152 = arith.constant 0 : i32
        %dma_wait3A_153 = arith.constant 0 : i32
        %dma_wait3A_154 = arith.constant 0 : i32
        %dma_wait3A_155 = tpu.memref_slice %arg7[%dma_wait3A_151, %dma_wait3A_153, %dma_wait3A_154] : memref<2x128x128xf32, #tpu.memory_space<vmem>> -> memref<1x128x128xf32, #tpu.memory_space<vmem>>
        %dma_wait3A_156 = tpu.memref_squeeze %dma_wait3A_155 : memref<1x128x128xf32, #tpu.memory_space<vmem>> -> memref<128x128xf32, #tpu.memory_space<vmem>>
        %dma_wait3A_157 = arith.constant 0 : i32
        %dma_wait3A_158 = tpu.memref_slice %arg6[%dma_wait3A_152, %dma_wait3A_157] : memref<40x128xi32, #tpu.memory_space<vmem>> -> memref<1x128xi32, #tpu.memory_space<vmem>>
        %dma_wait3A_159 = tpu.memref_squeeze %dma_wait3A_158 : memref<1x128xi32, #tpu.memory_space<vmem>> -> memref<128xi32, #tpu.memory_space<vmem>>
        %dma_wait3A_160 = arith.constant 0 : i32
        %dma_wait3A_161 = arith.constant 0 : i32
        %dma_wait3A_162 = tpu.memref_slice %arg8[%dma_wait3A_160, %dma_wait3A_161] : memref<10112x128xf32, #tpu.memory_space<vmem_shared>> -> memref<10112x128xf32, #tpu.memory_space<vmem_shared>>
        tpu.wait_indirect_dma semaphore(%arg10 : memref<!tpu.dma_semaphore, #tpu.memory_space<semaphore_mem>>) src(%dma_wait3A_156 : memref<128x128xf32, #tpu.memory_space<vmem>>) dst(%dma_wait3A_162 : memref<10112x128xf32, #tpu.memory_space<vmem_shared>>)
      } else {
      }
      %mul3A_44 = arith.constant 40 : i32
      %mul3A_45 = arith.muli %add3A, %mul3A_44 : i32
      %add3A_46 = arith.addi %mul3A_45, %mul3A_41 : i32
      %add3A_47 = arith.constant 0 : i32
      %add3A_48 = arith.addi %add3A_46, %add3A_47 : i32
      %mul3A_49 = arith.constant 128 : i32
      %mul3A_50 = arith.muli %add3A_48, %mul3A_49 : i32
      %dma_start3A = arith.constant 0 : i32
      %dma_start3A_51 = arith.constant 0 : i32
      %dma_start3A_52 = arith.constant 0 : i32
      %dma_start3A_53 = tpu.memref_slice %arg7[%dma_start3A, %dma_start3A_51, %dma_start3A_52] : memref<2x128x128xf32, #tpu.memory_space<vmem>> -> memref<1x128x128xf32, #tpu.memory_space<vmem>>
      %dma_start3A_54 = tpu.memref_squeeze %dma_start3A_53 : memref<1x128x128xf32, #tpu.memory_space<vmem>> -> memref<128x128xf32, #tpu.memory_space<vmem>>
      %dma_start3A_55 = arith.constant 0 : i32
      %dma_start3A_56 = tpu.memref_slice %arg2[%mul3A_50, %dma_start3A_55] : memref<163840x128xf32, #tpu.memory_space<hbm>> -> memref<128x128xf32, #tpu.memory_space<hbm>>
      %dma_start3A_57 = arith.constant 0 : i32
      %dma_start3A_58 = arith.constant 0 : i32
      %dma_start3A_59 = tpu.memref_slice %arg7[%dma_start3A, %dma_start3A_57, %dma_start3A_58] : memref<2x128x128xf32, #tpu.memory_space<vmem>> -> memref<1x128x128xf32, #tpu.memory_space<vmem>>
      %dma_start3A_60 = tpu.memref_squeeze %dma_start3A_59 : memref<1x128x128xf32, #tpu.memory_space<vmem>> -> memref<128x128xf32, #tpu.memory_space<vmem>>
      %dma_start3A_61 = arith.constant 0 : i32
      %dma_start3A_62 = tpu.memref_slice %arg2[%mul3A_50, %dma_start3A_61] : memref<163840x128xf32, #tpu.memory_space<hbm>> -> memref<128x128xf32, #tpu.memory_space<hbm>>
      tpu.enqueue_dma source(%dma_start3A_62 : memref<128x128xf32, #tpu.memory_space<hbm>>) target(%dma_start3A_60 : memref<128x128xf32, #tpu.memory_space<vmem>>) target_semaphore(%arg9 : memref<!tpu.dma_semaphore, #tpu.memory_space<semaphore_mem>>)
      %mul3A_63 = arith.constant 40 : i32
      %mul3A_64 = arith.muli %add3A, %mul3A_63 : i32
      %add3A_65 = arith.addi %mul3A_64, %mul3A_41 : i32
      %add3A_66 = arith.constant 1 : i32
      %add3A_67 = arith.addi %add3A_65, %add3A_66 : i32
      %mul3A_68 = arith.constant 128 : i32
      %mul3A_69 = arith.muli %add3A_67, %mul3A_68 : i32
      %dma_start3A_70 = arith.constant 1 : i32
      %dma_start3A_71 = arith.constant 0 : i32
      %dma_start3A_72 = arith.constant 0 : i32
      %dma_start3A_73 = tpu.memref_slice %arg7[%dma_start3A_70, %dma_start3A_71, %dma_start3A_72] : memref<2x128x128xf32, #tpu.memory_space<vmem>> -> memref<1x128x128xf32, #tpu.memory_space<vmem>>
      %dma_start3A_74 = tpu.memref_squeeze %dma_start3A_73 : memref<1x128x128xf32, #tpu.memory_space<vmem>> -> memref<128x128xf32, #tpu.memory_space<vmem>>
      %dma_start3A_75 = arith.constant 0 : i32
      %dma_start3A_76 = tpu.memref_slice %arg2[%mul3A_69, %dma_start3A_75] : memref<163840x128xf32, #tpu.memory_space<hbm>> -> memref<128x128xf32, #tpu.memory_space<hbm>>
      %dma_start3A_77 = arith.constant 0 : i32
      %dma_start3A_78 = arith.constant 0 : i32
      %dma_start3A_79 = tpu.memref_slice %arg7[%dma_start3A_70, %dma_start3A_77, %dma_start3A_78] : memref<2x128x128xf32, #tpu.memory_space<vmem>> -> memref<1x128x128xf32, #tpu.memory_space<vmem>>
      %dma_start3A_80 = tpu.memref_squeeze %dma_start3A_79 : memref<1x128x128xf32, #tpu.memory_space<vmem>> -> memref<128x128xf32, #tpu.memory_space<vmem>>
      %dma_start3A_81 = arith.constant 0 : i32
      %dma_start3A_82 = tpu.memref_slice %arg2[%mul3A_69, %dma_start3A_81] : memref<163840x128xf32, #tpu.memory_space<hbm>> -> memref<128x128xf32, #tpu.memory_space<hbm>>
      tpu.enqueue_dma source(%dma_start3A_82 : memref<128x128xf32, #tpu.memory_space<hbm>>) target(%dma_start3A_80 : memref<128x128xf32, #tpu.memory_space<vmem>>) target_semaphore(%arg9 : memref<!tpu.dma_semaphore, #tpu.memory_space<semaphore_mem>>)
      %dma_wait3A_83 = arith.constant 0 : i32
      %dma_wait3A_84 = arith.constant 0 : i32
      %dma_wait3A_85 = arith.constant 0 : i32
      %dma_wait3A_86 = tpu.memref_slice %arg7[%dma_wait3A_83, %dma_wait3A_84, %dma_wait3A_85] : memref<2x128x128xf32, #tpu.memory_space<vmem>> -> memref<1x128x128xf32, #tpu.memory_space<vmem>>
      %dma_wait3A_87 = tpu.memref_squeeze %dma_wait3A_86 : memref<1x128x128xf32, #tpu.memory_space<vmem>> -> memref<128x128xf32, #tpu.memory_space<vmem>>
      %dma_wait3A_88 = arith.constant 0 : i32
      %dma_wait3A_89 = arith.constant 0 : i32
      %dma_wait3A_90 = tpu.memref_slice %arg2[%dma_wait3A_88, %dma_wait3A_89] : memref<163840x128xf32, #tpu.memory_space<hbm>> -> memref<128x128xf32, #tpu.memory_space<hbm>>
      %dma_wait3A_91 = arith.constant 0 : i32
      %dma_wait3A_92 = arith.constant 0 : i32
      %dma_wait3A_93 = tpu.memref_slice %arg7[%dma_wait3A_83, %dma_wait3A_91, %dma_wait3A_92] : memref<2x128x128xf32, #tpu.memory_space<vmem>> -> memref<1x128x128xf32, #tpu.memory_space<vmem>>
      %dma_wait3A_94 = tpu.memref_squeeze %dma_wait3A_93 : memref<1x128x128xf32, #tpu.memory_space<vmem>> -> memref<128x128xf32, #tpu.memory_space<vmem>>
      %dma_wait3A_95 = arith.constant 0 : i32
      %dma_wait3A_96 = arith.constant 0 : i32
      %dma_wait3A_97 = tpu.memref_slice %arg2[%dma_wait3A_95, %dma_wait3A_96] : memref<163840x128xf32, #tpu.memory_space<hbm>> -> memref<128x128xf32, #tpu.memory_space<hbm>>
      tpu.wait_dma2 semaphore(%arg9 : memref<!tpu.dma_semaphore, #tpu.memory_space<semaphore_mem>>) src(%dma_wait3A_97 : memref<128x128xf32, #tpu.memory_space<hbm>>) dst(%dma_wait3A_94 : memref<128x128xf32, #tpu.memory_space<vmem>>)
      %dma_wait3A_98 = arith.constant 1 : i32
      %dma_wait3A_99 = arith.constant 0 : i32
      %dma_wait3A_100 = arith.constant 0 : i32
      %dma_wait3A_101 = tpu.memref_slice %arg7[%dma_wait3A_98, %dma_wait3A_99, %dma_wait3A_100] : memref<2x128x128xf32, #tpu.memory_space<vmem>> -> memref<1x128x128xf32, #tpu.memory_space<vmem>>
      %dma_wait3A_102 = tpu.memref_squeeze %dma_wait3A_101 : memref<1x128x128xf32, #tpu.memory_space<vmem>> -> memref<128x128xf32, #tpu.memory_space<vmem>>
      %dma_wait3A_103 = arith.constant 0 : i32
      %dma_wait3A_104 = arith.constant 0 : i32
      %dma_wait3A_105 = tpu.memref_slice %arg2[%dma_wait3A_103, %dma_wait3A_104] : memref<163840x128xf32, #tpu.memory_space<hbm>> -> memref<128x128xf32, #tpu.memory_space<hbm>>
      %dma_wait3A_106 = arith.constant 0 : i32
      %dma_wait3A_107 = arith.constant 0 : i32
      %dma_wait3A_108 = tpu.memref_slice %arg7[%dma_wait3A_98, %dma_wait3A_106, %dma_wait3A_107] : memref<2x128x128xf32, #tpu.memory_space<vmem>> -> memref<1x128x128xf32, #tpu.memory_space<vmem>>
      %dma_wait3A_109 = tpu.memref_squeeze %dma_wait3A_108 : memref<1x128x128xf32, #tpu.memory_space<vmem>> -> memref<128x128xf32, #tpu.memory_space<vmem>>
      %dma_wait3A_110 = arith.constant 0 : i32
      %dma_wait3A_111 = arith.constant 0 : i32
      %dma_wait3A_112 = tpu.memref_slice %arg2[%dma_wait3A_110, %dma_wait3A_111] : memref<163840x128xf32, #tpu.memory_space<hbm>> -> memref<128x128xf32, #tpu.memory_space<hbm>>
      tpu.wait_dma2 semaphore(%arg9 : memref<!tpu.dma_semaphore, #tpu.memory_space<semaphore_mem>>) src(%dma_wait3A_112 : memref<128x128xf32, #tpu.memory_space<hbm>>) dst(%dma_wait3A_109 : memref<128x128xf32, #tpu.memory_space<vmem>>)
      %add3A_113 = arith.constant 0 : i32
      %add3A_114 = arith.addi %mul3A_41, %add3A_113 : i32
      %dma_start3A_115 = arith.constant 0 : i32
      %dma_start3A_116 = arith.constant 0 : i32
      %dma_start3A_117 = arith.constant 0 : i32
      %dma_start3A_118 = tpu.memref_slice %arg7[%dma_start3A_115, %dma_start3A_116, %dma_start3A_117] : memref<2x128x128xf32, #tpu.memory_space<vmem>> -> memref<1x128x128xf32, #tpu.memory_space<vmem>>
      %dma_start3A_119 = tpu.memref_squeeze %dma_start3A_118 : memref<1x128x128xf32, #tpu.memory_space<vmem>> -> memref<128x128xf32, #tpu.memory_space<vmem>>
      %dma_start3A_120 = arith.constant 0 : i32
      %dma_start3A_121 = tpu.memref_slice %arg6[%add3A_114, %dma_start3A_120] : memref<40x128xi32, #tpu.memory_space<vmem>> -> memref<1x128xi32, #tpu.memory_space<vmem>>
      %dma_start3A_122 = tpu.memref_squeeze %dma_start3A_121 : memref<1x128xi32, #tpu.memory_space<vmem>> -> memref<128xi32, #tpu.memory_space<vmem>>
      %dma_start3A_123 = arith.constant 0 : i32
      %dma_start3A_124 = arith.constant 0 : i32
      %dma_start3A_125 = tpu.memref_slice %arg8[%dma_start3A_123, %dma_start3A_124] : memref<10112x128xf32, #tpu.memory_space<vmem_shared>> -> memref<10112x128xf32, #tpu.memory_space<vmem_shared>>
      tpu.enqueue_indirect_dma source(%dma_start3A_119 : memref<128x128xf32, #tpu.memory_space<vmem>>) target(%dma_start3A_125 : memref<10112x128xf32, #tpu.memory_space<vmem_shared>>) offsets(%dma_start3A_122 : memref<128xi32, #tpu.memory_space<vmem>>) semaphore(%arg10 : memref<!tpu.dma_semaphore, #tpu.memory_space<semaphore_mem>>) {add = true}
      %add3A_126 = arith.constant 1 : i32
      %add3A_127 = arith.addi %mul3A_41, %add3A_126 : i32
      %dma_start3A_128 = arith.constant 1 : i32
      %dma_start3A_129 = arith.constant 0 : i32
      %dma_start3A_130 = arith.constant 0 : i32
      %dma_start3A_131 = tpu.memref_slice %arg7[%dma_start3A_128, %dma_start3A_129, %dma_start3A_130] : memref<2x128x128xf32, #tpu.memory_space<vmem>> -> memref<1x128x128xf32, #tpu.memory_space<vmem>>
      %dma_start3A_132 = tpu.memref_squeeze %dma_start3A_131 : memref<1x128x128xf32, #tpu.memory_space<vmem>> -> memref<128x128xf32, #tpu.memory_space<vmem>>
      %dma_start3A_133 = arith.constant 0 : i32
      %dma_start3A_134 = tpu.memref_slice %arg6[%add3A_127, %dma_start3A_133] : memref<40x128xi32, #tpu.memory_space<vmem>> -> memref<1x128xi32, #tpu.memory_space<vmem>>
      %dma_start3A_135 = tpu.memref_squeeze %dma_start3A_134 : memref<1x128xi32, #tpu.memory_space<vmem>> -> memref<128xi32, #tpu.memory_space<vmem>>
      %dma_start3A_136 = arith.constant 0 : i32
      %dma_start3A_137 = arith.constant 0 : i32
      %dma_start3A_138 = tpu.memref_slice %arg8[%dma_start3A_136, %dma_start3A_137] : memref<10112x128xf32, #tpu.memory_space<vmem_shared>> -> memref<10112x128xf32, #tpu.memory_space<vmem_shared>>
      tpu.enqueue_indirect_dma source(%dma_start3A_132 : memref<128x128xf32, #tpu.memory_space<vmem>>) target(%dma_start3A_138 : memref<10112x128xf32, #tpu.memory_space<vmem_shared>>) offsets(%dma_start3A_135 : memref<128xi32, #tpu.memory_space<vmem>>) semaphore(%arg10 : memref<!tpu.dma_semaphore, #tpu.memory_space<semaphore_mem>>) {add = true}
    }
    %scan3A_6 = arith.constant 20 : i32
    %dma_wait3A = arith.constant 0 : i32
    %dma_wait3A_7 = arith.constant 0 : i32
    %dma_wait3A_8 = arith.constant 0 : i32
    %dma_wait3A_9 = arith.constant 0 : i32
    %dma_wait3A_10 = tpu.memref_slice %arg7[%dma_wait3A, %dma_wait3A_8, %dma_wait3A_9] : memref<2x128x128xf32, #tpu.memory_space<vmem>> -> memref<1x128x128xf32, #tpu.memory_space<vmem>>
    %dma_wait3A_11 = tpu.memref_squeeze %dma_wait3A_10 : memref<1x128x128xf32, #tpu.memory_space<vmem>> -> memref<128x128xf32, #tpu.memory_space<vmem>>
    %dma_wait3A_12 = arith.constant 0 : i32
    %dma_wait3A_13 = tpu.memref_slice %arg6[%dma_wait3A_7, %dma_wait3A_12] : memref<40x128xi32, #tpu.memory_space<vmem>> -> memref<1x128xi32, #tpu.memory_space<vmem>>
    %dma_wait3A_14 = tpu.memref_squeeze %dma_wait3A_13 : memref<1x128xi32, #tpu.memory_space<vmem>> -> memref<128xi32, #tpu.memory_space<vmem>>
    %dma_wait3A_15 = arith.constant 0 : i32
    %dma_wait3A_16 = arith.constant 0 : i32
    %dma_wait3A_17 = tpu.memref_slice %arg8[%dma_wait3A_15, %dma_wait3A_16] : memref<10112x128xf32, #tpu.memory_space<vmem_shared>> -> memref<10112x128xf32, #tpu.memory_space<vmem_shared>>
    tpu.wait_indirect_dma semaphore(%arg10 : memref<!tpu.dma_semaphore, #tpu.memory_space<semaphore_mem>>) src(%dma_wait3A_11 : memref<128x128xf32, #tpu.memory_space<vmem>>) dst(%dma_wait3A_17 : memref<10112x128xf32, #tpu.memory_space<vmem_shared>>)
    %dma_wait3A_18 = arith.constant 1 : i32
    %dma_wait3A_19 = arith.constant 0 : i32
    %dma_wait3A_20 = arith.constant 0 : i32
    %dma_wait3A_21 = arith.constant 0 : i32
    %dma_wait3A_22 = tpu.memref_slice %arg7[%dma_wait3A_18, %dma_wait3A_20, %dma_wait3A_21] : memref<2x128x128xf32, #tpu.memory_space<vmem>> -> memref<1x128x128xf32, #tpu.memory_space<vmem>>
    %dma_wait3A_23 = tpu.memref_squeeze %dma_wait3A_22 : memref<1x128x128xf32, #tpu.memory_space<vmem>> -> memref<128x128xf32, #tpu.memory_space<vmem>>
    %dma_wait3A_24 = arith.constant 0 : i32
    %dma_wait3A_25 = tpu.memref_slice %arg6[%dma_wait3A_19, %dma_wait3A_24] : memref<40x128xi32, #tpu.memory_space<vmem>> -> memref<1x128xi32, #tpu.memory_space<vmem>>
    %dma_wait3A_26 = tpu.memref_squeeze %dma_wait3A_25 : memref<1x128xi32, #tpu.memory_space<vmem>> -> memref<128xi32, #tpu.memory_space<vmem>>
    %dma_wait3A_27 = arith.constant 0 : i32
    %dma_wait3A_28 = arith.constant 0 : i32
    %dma_wait3A_29 = tpu.memref_slice %arg8[%dma_wait3A_27, %dma_wait3A_28] : memref<10112x128xf32, #tpu.memory_space<vmem_shared>> -> memref<10112x128xf32, #tpu.memory_space<vmem_shared>>
    tpu.wait_indirect_dma semaphore(%arg10 : memref<!tpu.dma_semaphore, #tpu.memory_space<semaphore_mem>>) src(%dma_wait3A_23 : memref<128x128xf32, #tpu.memory_space<vmem>>) dst(%dma_wait3A_29 : memref<10112x128xf32, #tpu.memory_space<vmem_shared>>)
    %barrier3A_30 = arith.constant 0 : index
    tpu.barrier barrier_id(%barrier3A_30)
    %mul3A_31 = arith.constant 632 : i32
    %mul3A_32 = arith.muli %arg1, %mul3A_31 : i32
    %mul3A_33 = arith.constant 632 : i32
    %mul3A_34 = arith.muli %arg1, %mul3A_33 : i32
    "tpu.region"() ({
      %run_scoped3A = tpu.sem_alloc : memref<!tpu.dma_semaphore, #tpu.memory_space<semaphore_mem>>
      %dma_start3A = arith.constant 0 : i32
      %dma_start3A_35 = arith.constant 0 : i32
      %dma_start3A_36 = tpu.memref_slice %arg5[%arg0, %dma_start3A, %dma_start3A_35] : memref<2x10112x128xf32, #tpu.memory_space<hbm>> -> memref<1x10112x128xf32, #tpu.memory_space<hbm>>
      %dma_start3A_37 = tpu.memref_squeeze %dma_start3A_36 : memref<1x10112x128xf32, #tpu.memory_space<hbm>> -> memref<10112x128xf32, #tpu.memory_space<hbm>>
      %dma_start3A_38 = arith.constant 0 : i32
      %dma_start3A_39 = tpu.memref_slice %dma_start3A_37[%mul3A_34, %dma_start3A_38] : memref<10112x128xf32, #tpu.memory_space<hbm>> -> memref<632x128xf32, #tpu.memory_space<hbm>>
      %dma_start3A_40 = arith.constant 0 : i32
      %dma_start3A_41 = tpu.memref_slice %arg8[%mul3A_32, %dma_start3A_40] : memref<10112x128xf32, #tpu.memory_space<vmem_shared>> -> memref<632x128xf32, #tpu.memory_space<vmem_shared>>
      tpu.enqueue_dma source(%dma_start3A_41 : memref<632x128xf32, #tpu.memory_space<vmem_shared>>) target(%dma_start3A_39 : memref<632x128xf32, #tpu.memory_space<hbm>>) target_semaphore(%run_scoped3A : memref<!tpu.dma_semaphore, #tpu.memory_space<semaphore_mem>>)
      %dma_wait3A_42 = arith.constant 0 : i32
      %dma_wait3A_43 = arith.constant 0 : i32
      %dma_wait3A_44 = tpu.memref_slice %arg5[%arg0, %dma_wait3A_42, %dma_wait3A_43] : memref<2x10112x128xf32, #tpu.memory_space<hbm>> -> memref<1x10112x128xf32, #tpu.memory_space<hbm>>
      %dma_wait3A_45 = tpu.memref_squeeze %dma_wait3A_44 : memref<1x10112x128xf32, #tpu.memory_space<hbm>> -> memref<10112x128xf32, #tpu.memory_space<hbm>>
      %dma_wait3A_46 = arith.constant 0 : i32
      %dma_wait3A_47 = tpu.memref_slice %dma_wait3A_45[%mul3A_34, %dma_wait3A_46] : memref<10112x128xf32, #tpu.memory_space<hbm>> -> memref<632x128xf32, #tpu.memory_space<hbm>>
      %dma_wait3A_48 = arith.constant 0 : i32
      %dma_wait3A_49 = tpu.memref_slice %arg8[%mul3A_32, %dma_wait3A_48] : memref<10112x128xf32, #tpu.memory_space<vmem_shared>> -> memref<632x128xf32, #tpu.memory_space<vmem_shared>>
      tpu.wait_dma2 semaphore(%run_scoped3A : memref<!tpu.dma_semaphore, #tpu.memory_space<semaphore_mem>>) src(%dma_wait3A_49 : memref<632x128xf32, #tpu.memory_space<vmem_shared>>) dst(%dma_wait3A_47 : memref<632x128xf32, #tpu.memory_space<hbm>>)
      tpu.yield
    }) : () -> ()
    return
  }
}

module attributes {stable_mosaic.version = 14 : i64} {
  func.func @body(%arg0: i32, %arg1: memref<1000x768xf32, #tpu.memory_space<vmem>>, %arg2: memref<768x128xf32, #tpu.memory_space<vmem>>, %arg3: memref<1x128xf32, #tpu.memory_space<vmem>>, %arg4: memref<128x128xf32, #tpu.memory_space<vmem>>, %arg5: memref<1x128xf32, #tpu.memory_space<vmem>>, %arg6: memref<128x128xf32, #tpu.memory_space<vmem>>, %arg7: memref<1x128xf32, #tpu.memory_space<vmem>>, %arg8: memref<1x128xf32, #tpu.memory_space<vmem>>, %arg9: memref<1x128xf32, #tpu.memory_space<vmem>>, %arg10: memref<1000x128xf32, #tpu.memory_space<vmem>>) attributes {dimension_semantics = [#tpu.dimension_semantics<arbitrary>], iteration_bounds = array<i64: 10>, scalar_prefetch = 0 : i64, scratch_operands = 0 : i64, tpu.core_type = #tpu.core_type<tc>, window_params = [{transform_indices = @transform_0, window_bounds = array<i64: 1000, 768>}, {pipeline_mode = #tpu.pipeline_mode<synchronous>, transform_indices = @transform_1, window_bounds = array<i64: 768, 128>}, {pipeline_mode = #tpu.pipeline_mode<synchronous>, transform_indices = @transform_2, window_bounds = array<i64: 1, 128>}, {pipeline_mode = #tpu.pipeline_mode<synchronous>, transform_indices = @transform_3, window_bounds = array<i64: 128, 128>}, {pipeline_mode = #tpu.pipeline_mode<synchronous>, transform_indices = @transform_4, window_bounds = array<i64: 1, 128>}, {pipeline_mode = #tpu.pipeline_mode<synchronous>, transform_indices = @transform_5, window_bounds = array<i64: 128, 128>}, {pipeline_mode = #tpu.pipeline_mode<synchronous>, transform_indices = @transform_6, window_bounds = array<i64: 1, 128>}, {pipeline_mode = #tpu.pipeline_mode<synchronous>, transform_indices = @transform_7, window_bounds = array<i64: 1, 128>}, {pipeline_mode = #tpu.pipeline_mode<synchronous>, transform_indices = @transform_8, window_bounds = array<i64: 1, 128>}, {transform_indices = @transform_9, window_bounds = array<i64: 1000, 128>}]} {
    %get3A = arith.constant 0 : index
    %get3A_0 = arith.constant 0 : index
    %get3A_1 = vector.load %arg1[%get3A, %get3A_0] : memref<1000x768xf32, #tpu.memory_space<vmem>>, vector<1000x768xf32>
    %get3A_2 = arith.constant 0 : index
    %get3A_3 = arith.constant 0 : index
    %get3A_4 = vector.load %arg2[%get3A_2, %get3A_3] : memref<768x128xf32, #tpu.memory_space<vmem>>, vector<768x128xf32>
    %dot_general3A = arith.constant dense<0.000000e+00> : vector<1000x128xf32>
    %dot_general3A_5 = tpu.matmul %get3A_1, %get3A_4, %dot_general3A {dimension_numbers = #tpu.dot_dimension_numbers<[1], [0], [0], [1], [0, 0, 1, 1], [], []>, transpose_lhs_hint = false} : vector<1000x768xf32>, vector<768x128xf32>, vector<1000x128xf32> -> vector<1000x128xf32>
    %get3A_6 = arith.constant 0 : index
    %get3A_7 = arith.constant 0 : index
    %get3A_8 = vector.load %arg3[%get3A_6, %get3A_7] : memref<1x128xf32, #tpu.memory_space<vmem>>, vector<1x128xf32>
    %add3A = vector.broadcast %get3A_8 : vector<1x128xf32> to vector<1000x128xf32>
    %add3A_9 = arith.addf %dot_general3A_5, %add3A : vector<1000x128xf32>
    %max3A = arith.constant 0.000000e+00 : f32
    %max3A_10 = vector.broadcast %max3A : f32 to vector<1000x128xf32>
    %max3A_11 = arith.maximumf %add3A_9, %max3A_10 : vector<1000x128xf32>
    %get3A_12 = arith.constant 0 : index
    %get3A_13 = arith.constant 0 : index
    %get3A_14 = vector.load %arg4[%get3A_12, %get3A_13] : memref<128x128xf32, #tpu.memory_space<vmem>>, vector<128x128xf32>
    %dot_general3A_15 = arith.constant dense<0.000000e+00> : vector<1000x128xf32>
    %dot_general3A_16 = tpu.matmul %max3A_11, %get3A_14, %dot_general3A_15 {dimension_numbers = #tpu.dot_dimension_numbers<[1], [0], [0], [1], [0, 0, 1, 1], [], []>, transpose_lhs_hint = false} : vector<1000x128xf32>, vector<128x128xf32>, vector<1000x128xf32> -> vector<1000x128xf32>
    %get3A_17 = arith.constant 0 : index
    %get3A_18 = arith.constant 0 : index
    %get3A_19 = vector.load %arg5[%get3A_17, %get3A_18] : memref<1x128xf32, #tpu.memory_space<vmem>>, vector<1x128xf32>
    %add3A_20 = vector.broadcast %get3A_19 : vector<1x128xf32> to vector<1000x128xf32>
    %add3A_21 = arith.addf %dot_general3A_16, %add3A_20 : vector<1000x128xf32>
    %max3A_22 = arith.constant 0.000000e+00 : f32
    %max3A_23 = vector.broadcast %max3A_22 : f32 to vector<1000x128xf32>
    %max3A_24 = arith.maximumf %add3A_21, %max3A_23 : vector<1000x128xf32>
    %get3A_25 = arith.constant 0 : index
    %get3A_26 = arith.constant 0 : index
    %get3A_27 = vector.load %arg6[%get3A_25, %get3A_26] : memref<128x128xf32, #tpu.memory_space<vmem>>, vector<128x128xf32>
    %dot_general3A_28 = arith.constant dense<0.000000e+00> : vector<1000x128xf32>
    %dot_general3A_29 = tpu.matmul %max3A_24, %get3A_27, %dot_general3A_28 {dimension_numbers = #tpu.dot_dimension_numbers<[1], [0], [0], [1], [0, 0, 1, 1], [], []>, transpose_lhs_hint = false} : vector<1000x128xf32>, vector<128x128xf32>, vector<1000x128xf32> -> vector<1000x128xf32>
    %get3A_30 = arith.constant 0 : index
    %get3A_31 = arith.constant 0 : index
    %get3A_32 = vector.load %arg7[%get3A_30, %get3A_31] : memref<1x128xf32, #tpu.memory_space<vmem>>, vector<1x128xf32>
    %add3A_33 = vector.broadcast %get3A_32 : vector<1x128xf32> to vector<1000x128xf32>
    %add3A_34 = arith.addf %dot_general3A_29, %add3A_33 : vector<1000x128xf32>
    %get3A_35 = arith.constant 0 : index
    %get3A_36 = arith.constant 0 : index
    %get3A_37 = vector.load %arg8[%get3A_35, %get3A_36] : memref<1x128xf32, #tpu.memory_space<vmem>>, vector<1x128xf32>
    %get3A_38 = arith.constant 0 : index
    %get3A_39 = arith.constant 0 : index
    %get3A_40 = vector.load %arg9[%get3A_38, %get3A_39] : memref<1x128xf32, #tpu.memory_space<vmem>>, vector<1x128xf32>
    %reduce_sum3A = arith.constant dense<0.000000e+00> : vector<1000xf32>
    %reduce_sum3A_41 = vector.multi_reduction <add>, %add3A_34, %reduce_sum3A [1] : vector<1000x128xf32> to vector<1000xf32>
    %broadcast_in_dim3A = vector.shape_cast %reduce_sum3A_41 : vector<1000xf32> to vector<1000x1xf32>
    %div3A = arith.constant 1.280000e+02 : f32
    %div3A_42 = vector.broadcast %div3A : f32 to vector<1000x1xf32>
    %div3A_43 = arith.divf %broadcast_in_dim3A, %div3A_42 : vector<1000x1xf32>
    %sub3A = vector.broadcast %div3A_43 : vector<1000x1xf32> to vector<1000x128xf32>
    %sub3A_44 = arith.subf %add3A_34, %sub3A : vector<1000x128xf32>
    %mul3A = arith.mulf %sub3A_44, %sub3A_44 : vector<1000x128xf32>
    %reduce_sum3A_45 = arith.constant dense<0.000000e+00> : vector<1000xf32>
    %reduce_sum3A_46 = vector.multi_reduction <add>, %mul3A, %reduce_sum3A_45 [1] : vector<1000x128xf32> to vector<1000xf32>
    %broadcast_in_dim3A_47 = vector.shape_cast %reduce_sum3A_46 : vector<1000xf32> to vector<1000x1xf32>
    %div3A_48 = arith.constant 1.280000e+02 : f32
    %div3A_49 = vector.broadcast %div3A_48 : f32 to vector<1000x1xf32>
    %div3A_50 = arith.divf %broadcast_in_dim3A_47, %div3A_49 : vector<1000x1xf32>
    %add3A_51 = arith.constant 9.99999974E-6 : f32
    %add3A_52 = vector.broadcast %add3A_51 : f32 to vector<1000x1xf32>
    %add3A_53 = arith.addf %div3A_50, %add3A_52 : vector<1000x1xf32>
    %rsqrt3A = math.rsqrt %add3A_53 : vector<1000x1xf32>
    %mul3A_54 = vector.broadcast %rsqrt3A : vector<1000x1xf32> to vector<1000x128xf32>
    %mul3A_55 = arith.mulf %sub3A_44, %mul3A_54 : vector<1000x128xf32>
    %mul3A_56 = vector.broadcast %get3A_37 : vector<1x128xf32> to vector<1000x128xf32>
    %mul3A_57 = arith.mulf %mul3A_55, %mul3A_56 : vector<1000x128xf32>
    %add3A_58 = vector.broadcast %get3A_40 : vector<1x128xf32> to vector<1000x128xf32>
    %add3A_59 = arith.addf %mul3A_57, %add3A_58 : vector<1000x128xf32>
    %swap3A = arith.constant 0 : index
    %swap3A_60 = arith.constant 0 : index
    %swap3A_61 = vector.load %arg10[%swap3A, %swap3A_60] : memref<1000x128xf32, #tpu.memory_space<vmem>>, vector<1000x128xf32>
    tpu.vector_store %arg10[%swap3A, %swap3A_60], %add3A_59 {strides = array<i32>} : memref<1000x128xf32, #tpu.memory_space<vmem>>, vector<1000x128xf32>,
    return
  }
  func.func @transform_0(%arg0: i32) -> (i32, i32) {
    %c0_i32 = arith.constant 0 : i32
    %c0_i32_0 = arith.constant 0 : i32
    return %arg0, %c0_i32 : i32, i32
  }
  func.func @transform_1(%arg0: i32) -> (i32, i32) {
    %c0_i32 = arith.constant 0 : i32
    %c0_i32_0 = arith.constant 0 : i32
    %c0_i32_1 = arith.constant 0 : i32
    return %c0_i32, %c0_i32_0 : i32, i32
  }
  func.func @transform_2(%arg0: i32) -> (i32, i32) {
    %c0_i32 = arith.constant 0 : i32
    %c0_i32_0 = arith.constant 0 : i32
    %c0_i32_1 = arith.constant 0 : i32
    return %c0_i32, %c0_i32_0 : i32, i32
  }
  func.func @transform_3(%arg0: i32) -> (i32, i32) {
    %c0_i32 = arith.constant 0 : i32
    %c0_i32_0 = arith.constant 0 : i32
    %c0_i32_1 = arith.constant 0 : i32
    return %c0_i32, %c0_i32_0 : i32, i32
  }
  func.func @transform_4(%arg0: i32) -> (i32, i32) {
    %c0_i32 = arith.constant 0 : i32
    %c0_i32_0 = arith.constant 0 : i32
    %c0_i32_1 = arith.constant 0 : i32
    return %c0_i32, %c0_i32_0 : i32, i32
  }
  func.func @transform_5(%arg0: i32) -> (i32, i32) {
    %c0_i32 = arith.constant 0 : i32
    %c0_i32_0 = arith.constant 0 : i32
    %c0_i32_1 = arith.constant 0 : i32
    return %c0_i32, %c0_i32_0 : i32, i32
  }
  func.func @transform_6(%arg0: i32) -> (i32, i32) {
    %c0_i32 = arith.constant 0 : i32
    %c0_i32_0 = arith.constant 0 : i32
    %c0_i32_1 = arith.constant 0 : i32
    return %c0_i32, %c0_i32_0 : i32, i32
  }
  func.func @transform_7(%arg0: i32) -> (i32, i32) {
    %c0_i32 = arith.constant 0 : i32
    %c0_i32_0 = arith.constant 0 : i32
    %c0_i32_1 = arith.constant 0 : i32
    return %c0_i32, %c0_i32_0 : i32, i32
  }
  func.func @transform_8(%arg0: i32) -> (i32, i32) {
    %c0_i32 = arith.constant 0 : i32
    %c0_i32_0 = arith.constant 0 : i32
    %c0_i32_1 = arith.constant 0 : i32
    return %c0_i32, %c0_i32_0 : i32, i32
  }
  func.func @transform_9(%arg0: i32) -> (i32, i32) {
    %c0_i32 = arith.constant 0 : i32
    %c0_i32_0 = arith.constant 0 : i32
    return %arg0, %c0_i32 : i32, i32
  }
}

module attributes {stable_mosaic.version = 14 : i64} {
  func.func @body(%arg0: i32, %arg1: memref<2048x128xf32, #tpu.memory_space<vmem>>, %arg2: memref<3x128xf32, #tpu.memory_space<vmem>>, %arg3: memref<1x128xf32, #tpu.memory_space<vmem>>, %arg4: memref<128x128xf32, #tpu.memory_space<vmem>>, %arg5: memref<1x128xf32, #tpu.memory_space<vmem>>, %arg6: memref<128x128xf32, #tpu.memory_space<vmem>>, %arg7: memref<1x128xf32, #tpu.memory_space<vmem>>, %arg8: memref<1x128xf32, #tpu.memory_space<vmem>>, %arg9: memref<1x128xf32, #tpu.memory_space<vmem>>, %arg10: memref<2048x128xf32, #tpu.memory_space<vmem>>) attributes {dimension_semantics = [#tpu.dimension_semantics<arbitrary>], iteration_bounds = array<i64: 80>, scalar_prefetch = 0 : i64, scratch_operands = 0 : i64, tpu.core_type = #tpu.core_type<tc>, window_params = [{transform_indices = @transform_0, window_bounds = array<i64: 2048, 128>}, {pipeline_mode = #tpu.pipeline_mode<synchronous>, transform_indices = @transform_1, window_bounds = array<i64: 3, 128>}, {pipeline_mode = #tpu.pipeline_mode<synchronous>, transform_indices = @transform_2, window_bounds = array<i64: 1, 128>}, {pipeline_mode = #tpu.pipeline_mode<synchronous>, transform_indices = @transform_3, window_bounds = array<i64: 128, 128>}, {pipeline_mode = #tpu.pipeline_mode<synchronous>, transform_indices = @transform_4, window_bounds = array<i64: 1, 128>}, {pipeline_mode = #tpu.pipeline_mode<synchronous>, transform_indices = @transform_5, window_bounds = array<i64: 128, 128>}, {pipeline_mode = #tpu.pipeline_mode<synchronous>, transform_indices = @transform_6, window_bounds = array<i64: 1, 128>}, {pipeline_mode = #tpu.pipeline_mode<synchronous>, transform_indices = @transform_7, window_bounds = array<i64: 1, 128>}, {pipeline_mode = #tpu.pipeline_mode<synchronous>, transform_indices = @transform_8, window_bounds = array<i64: 1, 128>}, {transform_indices = @transform_9, window_bounds = array<i64: 2048, 128>}]} {
    %get3A = arith.constant 0 : index
    %get3A_0 = arith.constant 0 : index
    %get3A_1 = vector.load %arg1[%get3A, %get3A_0] : memref<2048x128xf32, #tpu.memory_space<vmem>>, vector<2048x1xf32>
    %get3A_2 = arith.constant 0 : index
    %get3A_3 = arith.constant 1 : index
    %get3A_4 = vector.load %arg1[%get3A_2, %get3A_3] : memref<2048x128xf32, #tpu.memory_space<vmem>>, vector<2048x1xf32>
    %mul3A = arith.mulf %get3A_1, %get3A_1 : vector<2048x1xf32>
    %mul3A_5 = arith.mulf %get3A_4, %get3A_4 : vector<2048x1xf32>
    %add3A = arith.addf %mul3A, %mul3A_5 : vector<2048x1xf32>
    %add3A_6 = arith.constant 9.99999996E-13 : f32
    %add3A_7 = vector.broadcast %add3A_6 : f32 to vector<2048x1xf32>
    %add3A_8 = arith.addf %add3A, %add3A_7 : vector<2048x1xf32>
    %sqrt3A = math.sqrt %add3A_8 : vector<2048x1xf32>
    %get3A_9 = arith.constant 0 : index
    %get3A_10 = arith.constant 0 : index
    %get3A_11 = vector.load %arg2[%get3A_9, %get3A_10] : memref<3x128xf32, #tpu.memory_space<vmem>>, vector<1x128xf32>
    %mul3A_12 = vector.broadcast %get3A_1 : vector<2048x1xf32> to vector<2048x128xf32>
    %mul3A_13 = vector.broadcast %get3A_11 : vector<1x128xf32> to vector<2048x128xf32>
    %mul3A_14 = arith.mulf %mul3A_12, %mul3A_13 : vector<2048x128xf32>
    %get3A_15 = arith.constant 1 : index
    %get3A_16 = arith.constant 0 : index
    %get3A_17 = vector.load %arg2[%get3A_15, %get3A_16] : memref<3x128xf32, #tpu.memory_space<vmem>>, vector<1x128xf32>
    %mul3A_18 = vector.broadcast %get3A_4 : vector<2048x1xf32> to vector<2048x128xf32>
    %mul3A_19 = vector.broadcast %get3A_17 : vector<1x128xf32> to vector<2048x128xf32>
    %mul3A_20 = arith.mulf %mul3A_18, %mul3A_19 : vector<2048x128xf32>
    %add3A_21 = arith.addf %mul3A_14, %mul3A_20 : vector<2048x128xf32>
    %get3A_22 = arith.constant 2 : index
    %get3A_23 = arith.constant 0 : index
    %get3A_24 = vector.load %arg2[%get3A_22, %get3A_23] : memref<3x128xf32, #tpu.memory_space<vmem>>, vector<1x128xf32>
    %mul3A_25 = vector.broadcast %sqrt3A : vector<2048x1xf32> to vector<2048x128xf32>
    %mul3A_26 = vector.broadcast %get3A_24 : vector<1x128xf32> to vector<2048x128xf32>
    %mul3A_27 = arith.mulf %mul3A_25, %mul3A_26 : vector<2048x128xf32>
    %add3A_28 = arith.addf %add3A_21, %mul3A_27 : vector<2048x128xf32>
    %get3A_29 = arith.constant 0 : index
    %get3A_30 = arith.constant 0 : index
    %get3A_31 = vector.load %arg3[%get3A_29, %get3A_30] : memref<1x128xf32, #tpu.memory_space<vmem>>, vector<1x128xf32>
    %add3A_32 = vector.broadcast %get3A_31 : vector<1x128xf32> to vector<2048x128xf32>
    %add3A_33 = arith.addf %add3A_28, %add3A_32 : vector<2048x128xf32>
    %max3A = arith.constant 0.000000e+00 : f32
    %max3A_34 = vector.broadcast %max3A : f32 to vector<2048x128xf32>
    %max3A_35 = arith.maximumf %add3A_33, %max3A_34 : vector<2048x128xf32>
    %get3A_36 = arith.constant 0 : index
    %get3A_37 = arith.constant 0 : index
    %get3A_38 = vector.load %arg4[%get3A_36, %get3A_37] : memref<128x128xf32, #tpu.memory_space<vmem>>, vector<128x128xf32>
    %dot_general3A = arith.constant dense<0.000000e+00> : vector<2048x128xf32>
    %dot_general3A_39 = tpu.matmul %max3A_35, %get3A_38, %dot_general3A {dimension_numbers = #tpu.dot_dimension_numbers<[1], [0], [0], [1], [0, 0, 1, 1], [], []>, transpose_lhs_hint = false} : vector<2048x128xf32>, vector<128x128xf32>, vector<2048x128xf32> -> vector<2048x128xf32>
    %get3A_40 = arith.constant 0 : index
    %get3A_41 = arith.constant 0 : index
    %get3A_42 = vector.load %arg5[%get3A_40, %get3A_41] : memref<1x128xf32, #tpu.memory_space<vmem>>, vector<1x128xf32>
    %add3A_43 = vector.broadcast %get3A_42 : vector<1x128xf32> to vector<2048x128xf32>
    %add3A_44 = arith.addf %dot_general3A_39, %add3A_43 : vector<2048x128xf32>
    %max3A_45 = arith.constant 0.000000e+00 : f32
    %max3A_46 = vector.broadcast %max3A_45 : f32 to vector<2048x128xf32>
    %max3A_47 = arith.maximumf %add3A_44, %max3A_46 : vector<2048x128xf32>
    %get3A_48 = arith.constant 0 : index
    %get3A_49 = arith.constant 0 : index
    %get3A_50 = vector.load %arg6[%get3A_48, %get3A_49] : memref<128x128xf32, #tpu.memory_space<vmem>>, vector<128x128xf32>
    %dot_general3A_51 = arith.constant dense<0.000000e+00> : vector<2048x128xf32>
    %dot_general3A_52 = tpu.matmul %max3A_47, %get3A_50, %dot_general3A_51 {dimension_numbers = #tpu.dot_dimension_numbers<[1], [0], [0], [1], [0, 0, 1, 1], [], []>, transpose_lhs_hint = false} : vector<2048x128xf32>, vector<128x128xf32>, vector<2048x128xf32> -> vector<2048x128xf32>
    %get3A_53 = arith.constant 0 : index
    %get3A_54 = arith.constant 0 : index
    %get3A_55 = vector.load %arg7[%get3A_53, %get3A_54] : memref<1x128xf32, #tpu.memory_space<vmem>>, vector<1x128xf32>
    %add3A_56 = vector.broadcast %get3A_55 : vector<1x128xf32> to vector<2048x128xf32>
    %add3A_57 = arith.addf %dot_general3A_52, %add3A_56 : vector<2048x128xf32>
    %get3A_58 = arith.constant 0 : index
    %get3A_59 = arith.constant 0 : index
    %get3A_60 = vector.load %arg8[%get3A_58, %get3A_59] : memref<1x128xf32, #tpu.memory_space<vmem>>, vector<1x128xf32>
    %get3A_61 = arith.constant 0 : index
    %get3A_62 = arith.constant 0 : index
    %get3A_63 = vector.load %arg9[%get3A_61, %get3A_62] : memref<1x128xf32, #tpu.memory_space<vmem>>, vector<1x128xf32>
    %reduce_sum3A = arith.constant dense<0.000000e+00> : vector<2048xf32>
    %reduce_sum3A_64 = vector.multi_reduction <add>, %add3A_57, %reduce_sum3A [1] : vector<2048x128xf32> to vector<2048xf32>
    %broadcast_in_dim3A = vector.shape_cast %reduce_sum3A_64 : vector<2048xf32> to vector<2048x1xf32>
    %div3A = arith.constant 1.280000e+02 : f32
    %div3A_65 = vector.broadcast %div3A : f32 to vector<2048x1xf32>
    %div3A_66 = arith.divf %broadcast_in_dim3A, %div3A_65 : vector<2048x1xf32>
    %sub3A = vector.broadcast %div3A_66 : vector<2048x1xf32> to vector<2048x128xf32>
    %sub3A_67 = arith.subf %add3A_57, %sub3A : vector<2048x128xf32>
    %mul3A_68 = arith.mulf %sub3A_67, %sub3A_67 : vector<2048x128xf32>
    %reduce_sum3A_69 = arith.constant dense<0.000000e+00> : vector<2048xf32>
    %reduce_sum3A_70 = vector.multi_reduction <add>, %mul3A_68, %reduce_sum3A_69 [1] : vector<2048x128xf32> to vector<2048xf32>
    %broadcast_in_dim3A_71 = vector.shape_cast %reduce_sum3A_70 : vector<2048xf32> to vector<2048x1xf32>
    %div3A_72 = arith.constant 1.280000e+02 : f32
    %div3A_73 = vector.broadcast %div3A_72 : f32 to vector<2048x1xf32>
    %div3A_74 = arith.divf %broadcast_in_dim3A_71, %div3A_73 : vector<2048x1xf32>
    %add3A_75 = arith.constant 9.99999974E-6 : f32
    %add3A_76 = vector.broadcast %add3A_75 : f32 to vector<2048x1xf32>
    %add3A_77 = arith.addf %div3A_74, %add3A_76 : vector<2048x1xf32>
    %rsqrt3A = math.rsqrt %add3A_77 : vector<2048x1xf32>
    %mul3A_78 = vector.broadcast %rsqrt3A : vector<2048x1xf32> to vector<2048x128xf32>
    %mul3A_79 = arith.mulf %sub3A_67, %mul3A_78 : vector<2048x128xf32>
    %mul3A_80 = vector.broadcast %get3A_60 : vector<1x128xf32> to vector<2048x128xf32>
    %mul3A_81 = arith.mulf %mul3A_79, %mul3A_80 : vector<2048x128xf32>
    %add3A_82 = vector.broadcast %get3A_63 : vector<1x128xf32> to vector<2048x128xf32>
    %add3A_83 = arith.addf %mul3A_81, %add3A_82 : vector<2048x128xf32>
    %swap3A = arith.constant 0 : index
    %swap3A_84 = arith.constant 0 : index
    %swap3A_85 = vector.load %arg10[%swap3A, %swap3A_84] : memref<2048x128xf32, #tpu.memory_space<vmem>>, vector<2048x128xf32>
    tpu.vector_store %arg10[%swap3A, %swap3A_84], %add3A_83 {strides = array<i32>} : memref<2048x128xf32, #tpu.memory_space<vmem>>, vector<2048x128xf32>,
    return
  }
  func.func @transform_0(%arg0: i32) -> (i32, i32) {
    %c0_i32 = arith.constant 0 : i32
    %c0_i32_0 = arith.constant 0 : i32
    return %arg0, %c0_i32 : i32, i32
  }
  func.func @transform_1(%arg0: i32) -> (i32, i32) {
    %c0_i32 = arith.constant 0 : i32
    %c0_i32_0 = arith.constant 0 : i32
    %c0_i32_1 = arith.constant 0 : i32
    return %c0_i32, %c0_i32_0 : i32, i32
  }
  func.func @transform_2(%arg0: i32) -> (i32, i32) {
    %c0_i32 = arith.constant 0 : i32
    %c0_i32_0 = arith.constant 0 : i32
    %c0_i32_1 = arith.constant 0 : i32
    return %c0_i32, %c0_i32_0 : i32, i32
  }
  func.func @transform_3(%arg0: i32) -> (i32, i32) {
    %c0_i32 = arith.constant 0 : i32
    %c0_i32_0 = arith.constant 0 : i32
    %c0_i32_1 = arith.constant 0 : i32
    return %c0_i32, %c0_i32_0 : i32, i32
  }
  func.func @transform_4(%arg0: i32) -> (i32, i32) {
    %c0_i32 = arith.constant 0 : i32
    %c0_i32_0 = arith.constant 0 : i32
    %c0_i32_1 = arith.constant 0 : i32
    return %c0_i32, %c0_i32_0 : i32, i32
  }
  func.func @transform_5(%arg0: i32) -> (i32, i32) {
    %c0_i32 = arith.constant 0 : i32
    %c0_i32_0 = arith.constant 0 : i32
    %c0_i32_1 = arith.constant 0 : i32
    return %c0_i32, %c0_i32_0 : i32, i32
  }
  func.func @transform_6(%arg0: i32) -> (i32, i32) {
    %c0_i32 = arith.constant 0 : i32
    %c0_i32_0 = arith.constant 0 : i32
    %c0_i32_1 = arith.constant 0 : i32
    return %c0_i32, %c0_i32_0 : i32, i32
  }
  func.func @transform_7(%arg0: i32) -> (i32, i32) {
    %c0_i32 = arith.constant 0 : i32
    %c0_i32_0 = arith.constant 0 : i32
    %c0_i32_1 = arith.constant 0 : i32
    return %c0_i32, %c0_i32_0 : i32, i32
  }
  func.func @transform_8(%arg0: i32) -> (i32, i32) {
    %c0_i32 = arith.constant 0 : i32
    %c0_i32_0 = arith.constant 0 : i32
    %c0_i32_1 = arith.constant 0 : i32
    return %c0_i32, %c0_i32_0 : i32, i32
  }
  func.func @transform_9(%arg0: i32) -> (i32, i32) {
    %c0_i32 = arith.constant 0 : i32
    %c0_i32_0 = arith.constant 0 : i32
    return %arg0, %c0_i32 : i32, i32
  }
}

module attributes {stable_mosaic.version = 14 : i64} {
  func.func @body(%arg0: i32, %arg1: i32, %arg2: memref<2000x128xf32, #tpu.memory_space<vmem>>, %arg3: memref<1x128x128xf32, #tpu.memory_space<vmem>>, %arg4: memref<2000x128xf32, #tpu.memory_space<vmem>>) attributes {dimension_semantics = [#tpu.dimension_semantics<arbitrary>, #tpu.dimension_semantics<arbitrary>], iteration_bounds = array<i64: 2, 5>, scalar_prefetch = 0 : i64, scratch_operands = 0 : i64, tpu.core_type = #tpu.core_type<tc>, window_params = [{transform_indices = @transform_0, window_bounds = array<i64: 2000, 128>}, {transform_indices = @transform_1, window_bounds = array<i64: 1, 128, 128>}, {transform_indices = @transform_2, window_bounds = array<i64: 2000, 128>}]} {
    %get3A = arith.constant 0 : index
    %get3A_0 = arith.constant 0 : index
    %get3A_1 = vector.load %arg2[%get3A, %get3A_0] : memref<2000x128xf32, #tpu.memory_space<vmem>>, vector<2000x128xf32>
    %get3A_2 = arith.constant 0 : index
    %get3A_3 = arith.constant 0 : index
    %get3A_4 = arith.constant 0 : index
    %get3A_5 = vector.load %arg3[%get3A_2, %get3A_3, %get3A_4] : memref<1x128x128xf32, #tpu.memory_space<vmem>>, vector<1x128x128xf32>
    %get3A_6 = vector.shape_cast %get3A_5 : vector<1x128x128xf32> to vector<128x128xf32>
    %dot_general3A = arith.constant dense<0.000000e+00> : vector<2000x128xf32>
    %dot_general3A_7 = tpu.matmul %get3A_1, %get3A_6, %dot_general3A {dimension_numbers = #tpu.dot_dimension_numbers<[1], [0], [0], [1], [0, 0, 1, 1], [], []>, transpose_lhs_hint = false} : vector<2000x128xf32>, vector<128x128xf32>, vector<2000x128xf32> -> vector<2000x128xf32>
    %swap3A = arith.constant 0 : index
    %swap3A_8 = arith.constant 0 : index
    %swap3A_9 = vector.load %arg4[%swap3A, %swap3A_8] : memref<2000x128xf32, #tpu.memory_space<vmem>>, vector<2000x128xf32>
    tpu.vector_store %arg4[%swap3A, %swap3A_8], %dot_general3A_7 {strides = array<i32>} : memref<2000x128xf32, #tpu.memory_space<vmem>>, vector<2000x128xf32>,
    return
  }
  func.func @transform_0(%arg0: i32, %arg1: i32) -> (i32, i32) {
    %c0_i32 = arith.constant 0 : i32
    %c0_i32_0 = arith.constant 0 : i32
    return %arg1, %c0_i32 : i32, i32
  }
  func.func @transform_1(%arg0: i32, %arg1: i32) -> (i32, i32, i32) {
    %c0_i32 = arith.constant 0 : i32
    %c0_i32_0 = arith.constant 0 : i32
    %c0_i32_1 = arith.constant 0 : i32
    return %arg0, %c0_i32, %c0_i32_0 : i32, i32, i32
  }
  func.func @transform_2(%arg0: i32, %arg1: i32) -> (i32, i32) {
    %mul3A = arith.constant 5 : i32
    %mul3A_0 = arith.muli %arg0, %mul3A : i32
    %add3A = arith.addi %mul3A_0, %arg1 : i32
    %c0_i32 = arith.constant 0 : i32
    %c0_i32_1 = arith.constant 0 : i32
    return %add3A, %c0_i32 : i32, i32
  }
}

module attributes {stable_mosaic.version = 14 : i64} {
  func.func @body(%arg0: i32, %arg1: memref<2048x128xf32, #tpu.memory_space<vmem>>, %arg2: memref<2048x128xf32, #tpu.memory_space<vmem>>, %arg3: memref<128x128xf32, #tpu.memory_space<vmem>>, %arg4: memref<1x128xf32, #tpu.memory_space<vmem>>, %arg5: memref<128x128xf32, #tpu.memory_space<vmem>>, %arg6: memref<1x128xf32, #tpu.memory_space<vmem>>, %arg7: memref<128x128xf32, #tpu.memory_space<vmem>>, %arg8: memref<1x128xf32, #tpu.memory_space<vmem>>, %arg9: memref<1x128xf32, #tpu.memory_space<vmem>>, %arg10: memref<1x128xf32, #tpu.memory_space<vmem>>, %arg11: memref<2048x128xf32, #tpu.memory_space<vmem>>) attributes {dimension_semantics = [#tpu.dimension_semantics<arbitrary>], iteration_bounds = array<i64: 80>, scalar_prefetch = 0 : i64, scratch_operands = 0 : i64, tpu.core_type = #tpu.core_type<tc>, window_params = [{transform_indices = @transform_0, window_bounds = array<i64: 2048, 128>}, {transform_indices = @transform_1, window_bounds = array<i64: 2048, 128>}, {pipeline_mode = #tpu.pipeline_mode<synchronous>, transform_indices = @transform_2, window_bounds = array<i64: 128, 128>}, {pipeline_mode = #tpu.pipeline_mode<synchronous>, transform_indices = @transform_3, window_bounds = array<i64: 1, 128>}, {pipeline_mode = #tpu.pipeline_mode<synchronous>, transform_indices = @transform_4, window_bounds = array<i64: 128, 128>}, {pipeline_mode = #tpu.pipeline_mode<synchronous>, transform_indices = @transform_5, window_bounds = array<i64: 1, 128>}, {pipeline_mode = #tpu.pipeline_mode<synchronous>, transform_indices = @transform_6, window_bounds = array<i64: 128, 128>}, {pipeline_mode = #tpu.pipeline_mode<synchronous>, transform_indices = @transform_7, window_bounds = array<i64: 1, 128>}, {pipeline_mode = #tpu.pipeline_mode<synchronous>, transform_indices = @transform_8, window_bounds = array<i64: 1, 128>}, {pipeline_mode = #tpu.pipeline_mode<synchronous>, transform_indices = @transform_9, window_bounds = array<i64: 1, 128>}, {transform_indices = @transform_10, window_bounds = array<i64: 2048, 128>}]} {
    %get3A = arith.constant 0 : index
    %get3A_0 = arith.constant 0 : index
    %get3A_1 = vector.load %arg1[%get3A, %get3A_0] : memref<2048x128xf32, #tpu.memory_space<vmem>>, vector<2048x128xf32>
    %get3A_2 = arith.constant 0 : index
    %get3A_3 = arith.constant 0 : index
    %get3A_4 = vector.load %arg2[%get3A_2, %get3A_3] : memref<2048x128xf32, #tpu.memory_space<vmem>>, vector<2048x128xf32>
    %get3A_5 = arith.constant 0 : index
    %get3A_6 = arith.constant 0 : index
    %get3A_7 = vector.load %arg3[%get3A_5, %get3A_6] : memref<128x128xf32, #tpu.memory_space<vmem>>, vector<128x128xf32>
    %dot_general3A = arith.constant dense<0.000000e+00> : vector<2048x128xf32>
    %dot_general3A_8 = tpu.matmul %get3A_4, %get3A_7, %dot_general3A {dimension_numbers = #tpu.dot_dimension_numbers<[1], [0], [0], [1], [0, 0, 1, 1], [], []>, transpose_lhs_hint = false} : vector<2048x128xf32>, vector<128x128xf32>, vector<2048x128xf32> -> vector<2048x128xf32>
    %add3A = arith.addf %get3A_1, %dot_general3A_8 : vector<2048x128xf32>
    %get3A_9 = arith.constant 0 : index
    %get3A_10 = arith.constant 0 : index
    %get3A_11 = vector.load %arg4[%get3A_9, %get3A_10] : memref<1x128xf32, #tpu.memory_space<vmem>>, vector<1x128xf32>
    %add3A_12 = vector.broadcast %get3A_11 : vector<1x128xf32> to vector<2048x128xf32>
    %add3A_13 = arith.addf %add3A, %add3A_12 : vector<2048x128xf32>
    %max3A = arith.constant 0.000000e+00 : f32
    %max3A_14 = vector.broadcast %max3A : f32 to vector<2048x128xf32>
    %max3A_15 = arith.maximumf %add3A_13, %max3A_14 : vector<2048x128xf32>
    %get3A_16 = arith.constant 0 : index
    %get3A_17 = arith.constant 0 : index
    %get3A_18 = vector.load %arg5[%get3A_16, %get3A_17] : memref<128x128xf32, #tpu.memory_space<vmem>>, vector<128x128xf32>
    %dot_general3A_19 = arith.constant dense<0.000000e+00> : vector<2048x128xf32>
    %dot_general3A_20 = tpu.matmul %max3A_15, %get3A_18, %dot_general3A_19 {dimension_numbers = #tpu.dot_dimension_numbers<[1], [0], [0], [1], [0, 0, 1, 1], [], []>, transpose_lhs_hint = false} : vector<2048x128xf32>, vector<128x128xf32>, vector<2048x128xf32> -> vector<2048x128xf32>
    %get3A_21 = arith.constant 0 : index
    %get3A_22 = arith.constant 0 : index
    %get3A_23 = vector.load %arg6[%get3A_21, %get3A_22] : memref<1x128xf32, #tpu.memory_space<vmem>>, vector<1x128xf32>
    %add3A_24 = vector.broadcast %get3A_23 : vector<1x128xf32> to vector<2048x128xf32>
    %add3A_25 = arith.addf %dot_general3A_20, %add3A_24 : vector<2048x128xf32>
    %max3A_26 = arith.constant 0.000000e+00 : f32
    %max3A_27 = vector.broadcast %max3A_26 : f32 to vector<2048x128xf32>
    %max3A_28 = arith.maximumf %add3A_25, %max3A_27 : vector<2048x128xf32>
    %get3A_29 = arith.constant 0 : index
    %get3A_30 = arith.constant 0 : index
    %get3A_31 = vector.load %arg7[%get3A_29, %get3A_30] : memref<128x128xf32, #tpu.memory_space<vmem>>, vector<128x128xf32>
    %dot_general3A_32 = arith.constant dense<0.000000e+00> : vector<2048x128xf32>
    %dot_general3A_33 = tpu.matmul %max3A_28, %get3A_31, %dot_general3A_32 {dimension_numbers = #tpu.dot_dimension_numbers<[1], [0], [0], [1], [0, 0, 1, 1], [], []>, transpose_lhs_hint = false} : vector<2048x128xf32>, vector<128x128xf32>, vector<2048x128xf32> -> vector<2048x128xf32>
    %get3A_34 = arith.constant 0 : index
    %get3A_35 = arith.constant 0 : index
    %get3A_36 = vector.load %arg8[%get3A_34, %get3A_35] : memref<1x128xf32, #tpu.memory_space<vmem>>, vector<1x128xf32>
    %add3A_37 = vector.broadcast %get3A_36 : vector<1x128xf32> to vector<2048x128xf32>
    %add3A_38 = arith.addf %dot_general3A_33, %add3A_37 : vector<2048x128xf32>
    %get3A_39 = arith.constant 0 : index
    %get3A_40 = arith.constant 0 : index
    %get3A_41 = vector.load %arg2[%get3A_39, %get3A_40] : memref<2048x128xf32, #tpu.memory_space<vmem>>, vector<2048x128xf32>
    %get3A_42 = arith.constant 0 : index
    %get3A_43 = arith.constant 0 : index
    %get3A_44 = vector.load %arg9[%get3A_42, %get3A_43] : memref<1x128xf32, #tpu.memory_space<vmem>>, vector<1x128xf32>
    %get3A_45 = arith.constant 0 : index
    %get3A_46 = arith.constant 0 : index
    %get3A_47 = vector.load %arg10[%get3A_45, %get3A_46] : memref<1x128xf32, #tpu.memory_space<vmem>>, vector<1x128xf32>
    %reduce_sum3A = arith.constant dense<0.000000e+00> : vector<2048xf32>
    %reduce_sum3A_48 = vector.multi_reduction <add>, %add3A_38, %reduce_sum3A [1] : vector<2048x128xf32> to vector<2048xf32>
    %broadcast_in_dim3A = vector.shape_cast %reduce_sum3A_48 : vector<2048xf32> to vector<2048x1xf32>
    %div3A = arith.constant 1.280000e+02 : f32
    %div3A_49 = vector.broadcast %div3A : f32 to vector<2048x1xf32>
    %div3A_50 = arith.divf %broadcast_in_dim3A, %div3A_49 : vector<2048x1xf32>
    %sub3A = vector.broadcast %div3A_50 : vector<2048x1xf32> to vector<2048x128xf32>
    %sub3A_51 = arith.subf %add3A_38, %sub3A : vector<2048x128xf32>
    %mul3A = arith.mulf %sub3A_51, %sub3A_51 : vector<2048x128xf32>
    %reduce_sum3A_52 = arith.constant dense<0.000000e+00> : vector<2048xf32>
    %reduce_sum3A_53 = vector.multi_reduction <add>, %mul3A, %reduce_sum3A_52 [1] : vector<2048x128xf32> to vector<2048xf32>
    %broadcast_in_dim3A_54 = vector.shape_cast %reduce_sum3A_53 : vector<2048xf32> to vector<2048x1xf32>
    %div3A_55 = arith.constant 1.280000e+02 : f32
    %div3A_56 = vector.broadcast %div3A_55 : f32 to vector<2048x1xf32>
    %div3A_57 = arith.divf %broadcast_in_dim3A_54, %div3A_56 : vector<2048x1xf32>
    %add3A_58 = arith.constant 9.99999974E-6 : f32
    %add3A_59 = vector.broadcast %add3A_58 : f32 to vector<2048x1xf32>
    %add3A_60 = arith.addf %div3A_57, %add3A_59 : vector<2048x1xf32>
    %rsqrt3A = math.rsqrt %add3A_60 : vector<2048x1xf32>
    %mul3A_61 = vector.broadcast %rsqrt3A : vector<2048x1xf32> to vector<2048x128xf32>
    %mul3A_62 = arith.mulf %sub3A_51, %mul3A_61 : vector<2048x128xf32>
    %mul3A_63 = vector.broadcast %get3A_44 : vector<1x128xf32> to vector<2048x128xf32>
    %mul3A_64 = arith.mulf %mul3A_62, %mul3A_63 : vector<2048x128xf32>
    %add3A_65 = vector.broadcast %get3A_47 : vector<1x128xf32> to vector<2048x128xf32>
    %add3A_66 = arith.addf %mul3A_64, %add3A_65 : vector<2048x128xf32>
    %add3A_67 = arith.addf %get3A_41, %add3A_66 : vector<2048x128xf32>
    %mul3A_68 = arith.constant 2048 : i32
    %mul3A_69 = arith.muli %arg0, %mul3A_68 : i32
    %iota3A = tpu.iota {dimensions = array<i32: 0>} : vector<2048x1xi32>
    %add3A_70 = vector.broadcast %mul3A_69 : i32 to vector<2048x1xi32>
    %add3A_71 = arith.addi %add3A_70, %iota3A : vector<2048x1xi32>
    %lt3A = arith.constant 160000 : i32
    %lt3A_72 = vector.broadcast %lt3A : i32 to vector<2048x1xi32>
    %lt3A_73 = arith.cmpi slt, %add3A_71, %lt3A_72 : vector<2048x1xi32>
    %jit3A = arith.constant 0.000000e+00 : f32
    %broadcast_in_dim3A_74 = vector.shape_cast %lt3A_73 : vector<2048x1xi1> to vector<2048x1xi1>
    %broadcast_in_dim3A_75 = vector.broadcast %broadcast_in_dim3A_74 : vector<2048x1xi1> to vector<2048x128xi1>
    %broadcast_in_dim3A_76 = vector.broadcast %jit3A : f32 to vector<2048x128xf32>
    %select_n3A = arith.select %broadcast_in_dim3A_75, %add3A_67, %broadcast_in_dim3A_76 : vector<2048x128xi1>, vector<2048x128xf32>
    %swap3A = arith.constant 0 : index
    %swap3A_77 = arith.constant 0 : index
    %swap3A_78 = vector.load %arg11[%swap3A, %swap3A_77] : memref<2048x128xf32, #tpu.memory_space<vmem>>, vector<2048x128xf32>
    tpu.vector_store %arg11[%swap3A, %swap3A_77], %select_n3A {strides = array<i32>} : memref<2048x128xf32, #tpu.memory_space<vmem>>, vector<2048x128xf32>,
    return
  }
  func.func @transform_0(%arg0: i32) -> (i32, i32) {
    %c0_i32 = arith.constant 0 : i32
    %c0_i32_0 = arith.constant 0 : i32
    return %arg0, %c0_i32 : i32, i32
  }
  func.func @transform_1(%arg0: i32) -> (i32, i32) {
    %c0_i32 = arith.constant 0 : i32
    %c0_i32_0 = arith.constant 0 : i32
    return %arg0, %c0_i32 : i32, i32
  }
  func.func @transform_2(%arg0: i32) -> (i32, i32) {
    %c0_i32 = arith.constant 0 : i32
    %c0_i32_0 = arith.constant 0 : i32
    %c0_i32_1 = arith.constant 0 : i32
    return %c0_i32, %c0_i32_0 : i32, i32
  }
  func.func @transform_3(%arg0: i32) -> (i32, i32) {
    %c0_i32 = arith.constant 0 : i32
    %c0_i32_0 = arith.constant 0 : i32
    %c0_i32_1 = arith.constant 0 : i32
    return %c0_i32, %c0_i32_0 : i32, i32
  }
  func.func @transform_4(%arg0: i32) -> (i32, i32) {
    %c0_i32 = arith.constant 0 : i32
    %c0_i32_0 = arith.constant 0 : i32
    %c0_i32_1 = arith.constant 0 : i32
    return %c0_i32, %c0_i32_0 : i32, i32
  }
  func.func @transform_5(%arg0: i32) -> (i32, i32) {
    %c0_i32 = arith.constant 0 : i32
    %c0_i32_0 = arith.constant 0 : i32
    %c0_i32_1 = arith.constant 0 : i32
    return %c0_i32, %c0_i32_0 : i32, i32
  }
  func.func @transform_6(%arg0: i32) -> (i32, i32) {
    %c0_i32 = arith.constant 0 : i32
    %c0_i32_0 = arith.constant 0 : i32
    %c0_i32_1 = arith.constant 0 : i32
    return %c0_i32, %c0_i32_0 : i32, i32
  }
  func.func @transform_7(%arg0: i32) -> (i32, i32) {
    %c0_i32 = arith.constant 0 : i32
    %c0_i32_0 = arith.constant 0 : i32
    %c0_i32_1 = arith.constant 0 : i32
    return %c0_i32, %c0_i32_0 : i32, i32
  }
  func.func @transform_8(%arg0: i32) -> (i32, i32) {
    %c0_i32 = arith.constant 0 : i32
    %c0_i32_0 = arith.constant 0 : i32
    %c0_i32_1 = arith.constant 0 : i32
    return %c0_i32, %c0_i32_0 : i32, i32
  }
  func.func @transform_9(%arg0: i32) -> (i32, i32) {
    %c0_i32 = arith.constant 0 : i32
    %c0_i32_0 = arith.constant 0 : i32
    %c0_i32_1 = arith.constant 0 : i32
    return %c0_i32, %c0_i32_0 : i32, i32
  }
  func.func @transform_10(%arg0: i32) -> (i32, i32) {
    %c0_i32 = arith.constant 0 : i32
    %c0_i32_0 = arith.constant 0 : i32
    return %arg0, %c0_i32 : i32, i32
  }
}

module attributes {stable_mosaic.version = 14 : i64} {
  func.func @body(%arg0: i32, %arg1: memref<2000x128xf32, #tpu.memory_space<vmem>>, %arg2: memref<1x2000x128xf32, #tpu.memory_space<vmem>>, %arg3: memref<1x2000x128xf32, #tpu.memory_space<vmem>>, %arg4: memref<256x128xf32, #tpu.memory_space<vmem>>, %arg5: memref<1x128xf32, #tpu.memory_space<vmem>>, %arg6: memref<128x128xf32, #tpu.memory_space<vmem>>, %arg7: memref<1x128xf32, #tpu.memory_space<vmem>>, %arg8: memref<128x128xf32, #tpu.memory_space<vmem>>, %arg9: memref<1x128xf32, #tpu.memory_space<vmem>>, %arg10: memref<1x128xf32, #tpu.memory_space<vmem>>, %arg11: memref<1x128xf32, #tpu.memory_space<vmem>>, %arg12: memref<2000x128xf32, #tpu.memory_space<vmem>>) attributes {dimension_semantics = [#tpu.dimension_semantics<arbitrary>], iteration_bounds = array<i64: 5>, scalar_prefetch = 0 : i64, scratch_operands = 0 : i64, tpu.core_type = #tpu.core_type<tc>, window_params = [{transform_indices = @transform_0, window_bounds = array<i64: 2000, 128>}, {transform_indices = @transform_1, window_bounds = array<i64: 1, 2000, 128>}, {transform_indices = @transform_2, window_bounds = array<i64: 1, 2000, 128>}, {pipeline_mode = #tpu.pipeline_mode<synchronous>, transform_indices = @transform_3, window_bounds = array<i64: 256, 128>}, {pipeline_mode = #tpu.pipeline_mode<synchronous>, transform_indices = @transform_4, window_bounds = array<i64: 1, 128>}, {pipeline_mode = #tpu.pipeline_mode<synchronous>, transform_indices = @transform_5, window_bounds = array<i64: 128, 128>}, {pipeline_mode = #tpu.pipeline_mode<synchronous>, transform_indices = @transform_6, window_bounds = array<i64: 1, 128>}, {pipeline_mode = #tpu.pipeline_mode<synchronous>, transform_indices = @transform_7, window_bounds = array<i64: 128, 128>}, {pipeline_mode = #tpu.pipeline_mode<synchronous>, transform_indices = @transform_8, window_bounds = array<i64: 1, 128>}, {pipeline_mode = #tpu.pipeline_mode<synchronous>, transform_indices = @transform_9, window_bounds = array<i64: 1, 128>}, {pipeline_mode = #tpu.pipeline_mode<synchronous>, transform_indices = @transform_10, window_bounds = array<i64: 1, 128>}, {transform_indices = @transform_11, window_bounds = array<i64: 2000, 128>}]} {
    %get3A = arith.constant 0 : index
    %get3A_0 = arith.constant 0 : index
    %get3A_1 = arith.constant 0 : index
    %get3A_2 = vector.load %arg2[%get3A, %get3A_0, %get3A_1] : memref<1x2000x128xf32, #tpu.memory_space<vmem>>, vector<1x2000x128xf32>
    %get3A_3 = vector.shape_cast %get3A_2 : vector<1x2000x128xf32> to vector<2000x128xf32>
    %get3A_4 = arith.constant 0 : index
    %get3A_5 = arith.constant 0 : index
    %get3A_6 = arith.constant 0 : index
    %get3A_7 = vector.load %arg3[%get3A_4, %get3A_5, %get3A_6] : memref<1x2000x128xf32, #tpu.memory_space<vmem>>, vector<1x2000x128xf32>
    %get3A_8 = vector.shape_cast %get3A_7 : vector<1x2000x128xf32> to vector<2000x128xf32>
    %add3A = arith.addf %get3A_3, %get3A_8 : vector<2000x128xf32>
    %get3A_9 = arith.constant 0 : index
    %get3A_10 = arith.constant 0 : index
    %get3A_11 = vector.load %arg1[%get3A_9, %get3A_10] : memref<2000x128xf32, #tpu.memory_space<vmem>>, vector<2000x128xf32>
    %get3A_12 = arith.constant 0 : index
    %get3A_13 = arith.constant 0 : index
    %get3A_14 = vector.load %arg4[%get3A_12, %get3A_13] : memref<256x128xf32, #tpu.memory_space<vmem>>, vector<128x128xf32>
    %dot_general3A = arith.constant dense<0.000000e+00> : vector<2000x128xf32>
    %dot_general3A_15 = tpu.matmul %get3A_11, %get3A_14, %dot_general3A {dimension_numbers = #tpu.dot_dimension_numbers<[1], [0], [0], [1], [0, 0, 1, 1], [], []>, transpose_lhs_hint = false} : vector<2000x128xf32>, vector<128x128xf32>, vector<2000x128xf32> -> vector<2000x128xf32>
    %get3A_16 = arith.constant 128 : index
    %get3A_17 = arith.constant 0 : index
    %get3A_18 = vector.load %arg4[%get3A_16, %get3A_17] : memref<256x128xf32, #tpu.memory_space<vmem>>, vector<128x128xf32>
    %dot_general3A_19 = arith.constant dense<0.000000e+00> : vector<2000x128xf32>
    %dot_general3A_20 = tpu.matmul %add3A, %get3A_18, %dot_general3A_19 {dimension_numbers = #tpu.dot_dimension_numbers<[1], [0], [0], [1], [0, 0, 1, 1], [], []>, transpose_lhs_hint = false} : vector<2000x128xf32>, vector<128x128xf32>, vector<2000x128xf32> -> vector<2000x128xf32>
    %add3A_21 = arith.addf %dot_general3A_15, %dot_general3A_20 : vector<2000x128xf32>
    %get3A_22 = arith.constant 0 : index
    %get3A_23 = arith.constant 0 : index
    %get3A_24 = vector.load %arg5[%get3A_22, %get3A_23] : memref<1x128xf32, #tpu.memory_space<vmem>>, vector<1x128xf32>
    %add3A_25 = vector.broadcast %get3A_24 : vector<1x128xf32> to vector<2000x128xf32>
    %add3A_26 = arith.addf %add3A_21, %add3A_25 : vector<2000x128xf32>
    %max3A = arith.constant 0.000000e+00 : f32
    %max3A_27 = vector.broadcast %max3A : f32 to vector<2000x128xf32>
    %max3A_28 = arith.maximumf %add3A_26, %max3A_27 : vector<2000x128xf32>
    %get3A_29 = arith.constant 0 : index
    %get3A_30 = arith.constant 0 : index
    %get3A_31 = vector.load %arg6[%get3A_29, %get3A_30] : memref<128x128xf32, #tpu.memory_space<vmem>>, vector<128x128xf32>
    %dot_general3A_32 = arith.constant dense<0.000000e+00> : vector<2000x128xf32>
    %dot_general3A_33 = tpu.matmul %max3A_28, %get3A_31, %dot_general3A_32 {dimension_numbers = #tpu.dot_dimension_numbers<[1], [0], [0], [1], [0, 0, 1, 1], [], []>, transpose_lhs_hint = false} : vector<2000x128xf32>, vector<128x128xf32>, vector<2000x128xf32> -> vector<2000x128xf32>
    %get3A_34 = arith.constant 0 : index
    %get3A_35 = arith.constant 0 : index
    %get3A_36 = vector.load %arg7[%get3A_34, %get3A_35] : memref<1x128xf32, #tpu.memory_space<vmem>>, vector<1x128xf32>
    %add3A_37 = vector.broadcast %get3A_36 : vector<1x128xf32> to vector<2000x128xf32>
    %add3A_38 = arith.addf %dot_general3A_33, %add3A_37 : vector<2000x128xf32>
    %max3A_39 = arith.constant 0.000000e+00 : f32
    %max3A_40 = vector.broadcast %max3A_39 : f32 to vector<2000x128xf32>
    %max3A_41 = arith.maximumf %add3A_38, %max3A_40 : vector<2000x128xf32>
    %get3A_42 = arith.constant 0 : index
    %get3A_43 = arith.constant 0 : index
    %get3A_44 = vector.load %arg8[%get3A_42, %get3A_43] : memref<128x128xf32, #tpu.memory_space<vmem>>, vector<128x128xf32>
    %dot_general3A_45 = arith.constant dense<0.000000e+00> : vector<2000x128xf32>
    %dot_general3A_46 = tpu.matmul %max3A_41, %get3A_44, %dot_general3A_45 {dimension_numbers = #tpu.dot_dimension_numbers<[1], [0], [0], [1], [0, 0, 1, 1], [], []>, transpose_lhs_hint = false} : vector<2000x128xf32>, vector<128x128xf32>, vector<2000x128xf32> -> vector<2000x128xf32>
    %get3A_47 = arith.constant 0 : index
    %get3A_48 = arith.constant 0 : index
    %get3A_49 = vector.load %arg9[%get3A_47, %get3A_48] : memref<1x128xf32, #tpu.memory_space<vmem>>, vector<1x128xf32>
    %add3A_50 = vector.broadcast %get3A_49 : vector<1x128xf32> to vector<2000x128xf32>
    %add3A_51 = arith.addf %dot_general3A_46, %add3A_50 : vector<2000x128xf32>
    %get3A_52 = arith.constant 0 : index
    %get3A_53 = arith.constant 0 : index
    %get3A_54 = vector.load %arg1[%get3A_52, %get3A_53] : memref<2000x128xf32, #tpu.memory_space<vmem>>, vector<2000x128xf32>
    %get3A_55 = arith.constant 0 : index
    %get3A_56 = arith.constant 0 : index
    %get3A_57 = vector.load %arg10[%get3A_55, %get3A_56] : memref<1x128xf32, #tpu.memory_space<vmem>>, vector<1x128xf32>
    %get3A_58 = arith.constant 0 : index
    %get3A_59 = arith.constant 0 : index
    %get3A_60 = vector.load %arg11[%get3A_58, %get3A_59] : memref<1x128xf32, #tpu.memory_space<vmem>>, vector<1x128xf32>
    %reduce_sum3A = arith.constant dense<0.000000e+00> : vector<2000xf32>
    %reduce_sum3A_61 = vector.multi_reduction <add>, %add3A_51, %reduce_sum3A [1] : vector<2000x128xf32> to vector<2000xf32>
    %broadcast_in_dim3A = vector.shape_cast %reduce_sum3A_61 : vector<2000xf32> to vector<2000x1xf32>
    %div3A = arith.constant 1.280000e+02 : f32
    %div3A_62 = vector.broadcast %div3A : f32 to vector<2000x1xf32>
    %div3A_63 = arith.divf %broadcast_in_dim3A, %div3A_62 : vector<2000x1xf32>
    %sub3A = vector.broadcast %div3A_63 : vector<2000x1xf32> to vector<2000x128xf32>
    %sub3A_64 = arith.subf %add3A_51, %sub3A : vector<2000x128xf32>
    %mul3A = arith.mulf %sub3A_64, %sub3A_64 : vector<2000x128xf32>
    %reduce_sum3A_65 = arith.constant dense<0.000000e+00> : vector<2000xf32>
    %reduce_sum3A_66 = vector.multi_reduction <add>, %mul3A, %reduce_sum3A_65 [1] : vector<2000x128xf32> to vector<2000xf32>
    %broadcast_in_dim3A_67 = vector.shape_cast %reduce_sum3A_66 : vector<2000xf32> to vector<2000x1xf32>
    %div3A_68 = arith.constant 1.280000e+02 : f32
    %div3A_69 = vector.broadcast %div3A_68 : f32 to vector<2000x1xf32>
    %div3A_70 = arith.divf %broadcast_in_dim3A_67, %div3A_69 : vector<2000x1xf32>
    %add3A_71 = arith.constant 9.99999974E-6 : f32
    %add3A_72 = vector.broadcast %add3A_71 : f32 to vector<2000x1xf32>
    %add3A_73 = arith.addf %div3A_70, %add3A_72 : vector<2000x1xf32>
    %rsqrt3A = math.rsqrt %add3A_73 : vector<2000x1xf32>
    %mul3A_74 = vector.broadcast %rsqrt3A : vector<2000x1xf32> to vector<2000x128xf32>
    %mul3A_75 = arith.mulf %sub3A_64, %mul3A_74 : vector<2000x128xf32>
    %mul3A_76 = vector.broadcast %get3A_57 : vector<1x128xf32> to vector<2000x128xf32>
    %mul3A_77 = arith.mulf %mul3A_75, %mul3A_76 : vector<2000x128xf32>
    %add3A_78 = vector.broadcast %get3A_60 : vector<1x128xf32> to vector<2000x128xf32>
    %add3A_79 = arith.addf %mul3A_77, %add3A_78 : vector<2000x128xf32>
    %add3A_80 = arith.addf %get3A_54, %add3A_79 : vector<2000x128xf32>
    %swap3A = arith.constant 0 : index
    %swap3A_81 = arith.constant 0 : index
    %swap3A_82 = vector.load %arg12[%swap3A, %swap3A_81] : memref<2000x128xf32, #tpu.memory_space<vmem>>, vector<2000x128xf32>
    tpu.vector_store %arg12[%swap3A, %swap3A_81], %add3A_80 {strides = array<i32>} : memref<2000x128xf32, #tpu.memory_space<vmem>>, vector<2000x128xf32>,
    return
  }
  func.func @transform_0(%arg0: i32) -> (i32, i32) {
    %c0_i32 = arith.constant 0 : i32
    %c0_i32_0 = arith.constant 0 : i32
    return %arg0, %c0_i32 : i32, i32
  }
  func.func @transform_1(%arg0: i32) -> (i32, i32, i32) {
    %c0_i32 = arith.constant 0 : i32
    %c0_i32_0 = arith.constant 0 : i32
    %c0_i32_1 = arith.constant 0 : i32
    return %c0_i32, %arg0, %c0_i32_0 : i32, i32, i32
  }
  func.func @transform_2(%arg0: i32) -> (i32, i32, i32) {
    %c1_i32 = arith.constant 1 : i32
    %c0_i32 = arith.constant 0 : i32
    %c0_i32_0 = arith.constant 0 : i32
    return %c1_i32, %arg0, %c0_i32 : i32, i32, i32
  }
  func.func @transform_3(%arg0: i32) -> (i32, i32) {
    %c0_i32 = arith.constant 0 : i32
    %c0_i32_0 = arith.constant 0 : i32
    %c0_i32_1 = arith.constant 0 : i32
    return %c0_i32, %c0_i32_0 : i32, i32
  }
  func.func @transform_4(%arg0: i32) -> (i32, i32) {
    %c0_i32 = arith.constant 0 : i32
    %c0_i32_0 = arith.constant 0 : i32
    %c0_i32_1 = arith.constant 0 : i32
    return %c0_i32, %c0_i32_0 : i32, i32
  }
  func.func @transform_5(%arg0: i32) -> (i32, i32) {
    %c0_i32 = arith.constant 0 : i32
    %c0_i32_0 = arith.constant 0 : i32
    %c0_i32_1 = arith.constant 0 : i32
    return %c0_i32, %c0_i32_0 : i32, i32
  }
  func.func @transform_6(%arg0: i32) -> (i32, i32) {
    %c0_i32 = arith.constant 0 : i32
    %c0_i32_0 = arith.constant 0 : i32
    %c0_i32_1 = arith.constant 0 : i32
    return %c0_i32, %c0_i32_0 : i32, i32
  }
  func.func @transform_7(%arg0: i32) -> (i32, i32) {
    %c0_i32 = arith.constant 0 : i32
    %c0_i32_0 = arith.constant 0 : i32
    %c0_i32_1 = arith.constant 0 : i32
    return %c0_i32, %c0_i32_0 : i32, i32
  }
  func.func @transform_8(%arg0: i32) -> (i32, i32) {
    %c0_i32 = arith.constant 0 : i32
    %c0_i32_0 = arith.constant 0 : i32
    %c0_i32_1 = arith.constant 0 : i32
    return %c0_i32, %c0_i32_0 : i32, i32
  }
  func.func @transform_9(%arg0: i32) -> (i32, i32) {
    %c0_i32 = arith.constant 0 : i32
    %c0_i32_0 = arith.constant 0 : i32
    %c0_i32_1 = arith.constant 0 : i32
    return %c0_i32, %c0_i32_0 : i32, i32
  }
  func.func @transform_10(%arg0: i32) -> (i32, i32) {
    %c0_i32 = arith.constant 0 : i32
    %c0_i32_0 = arith.constant 0 : i32
    %c0_i32_1 = arith.constant 0 : i32
    return %c0_i32, %c0_i32_0 : i32, i32
  }
  func.func @transform_11(%arg0: i32) -> (i32, i32) {
    %c0_i32 = arith.constant 0 : i32
    %c0_i32_0 = arith.constant 0 : i32
    return %arg0, %c0_i32 : i32, i32
  }
}

module attributes {stable_mosaic.version = 14 : i64} {
  func.func @body(%arg0: i32, %arg1: memref<2000x128xf32, #tpu.memory_space<vmem>>, %arg2: memref<128x128xf32, #tpu.memory_space<vmem>>, %arg3: memref<1x128xf32, #tpu.memory_space<vmem>>, %arg4: memref<128x128xf32, #tpu.memory_space<vmem>>, %arg5: memref<1x128xf32, #tpu.memory_space<vmem>>, %arg6: memref<128x128xf32, #tpu.memory_space<vmem>>, %arg7: memref<1x128xf32, #tpu.memory_space<vmem>>, %arg8: memref<128x10xf32, #tpu.memory_space<vmem>>, %arg9: memref<1x10xf32, #tpu.memory_space<vmem>>, %arg10: memref<1x10xf32, #tpu.memory_space<vmem>>, %arg11: memref<1x128xf32, #tpu.memory_space<vmem>>) attributes {dimension_semantics = [#tpu.dimension_semantics<arbitrary>], iteration_bounds = array<i64: 5>, scalar_prefetch = 0 : i64, scratch_operands = 1 : i64, tpu.core_type = #tpu.core_type<tc>, window_params = [{transform_indices = @transform_0, window_bounds = array<i64: 2000, 128>}, {pipeline_mode = #tpu.pipeline_mode<synchronous>, transform_indices = @transform_1, window_bounds = array<i64: 128, 128>}, {pipeline_mode = #tpu.pipeline_mode<synchronous>, transform_indices = @transform_2, window_bounds = array<i64: 1, 128>}, {pipeline_mode = #tpu.pipeline_mode<synchronous>, transform_indices = @transform_3, window_bounds = array<i64: 128, 128>}, {pipeline_mode = #tpu.pipeline_mode<synchronous>, transform_indices = @transform_4, window_bounds = array<i64: 1, 128>}, {pipeline_mode = #tpu.pipeline_mode<synchronous>, transform_indices = @transform_5, window_bounds = array<i64: 128, 128>}, {pipeline_mode = #tpu.pipeline_mode<synchronous>, transform_indices = @transform_6, window_bounds = array<i64: 1, 128>}, {pipeline_mode = #tpu.pipeline_mode<synchronous>, transform_indices = @transform_7, window_bounds = array<i64: 128, 10>}, {pipeline_mode = #tpu.pipeline_mode<synchronous>, transform_indices = @transform_8, window_bounds = array<i64: 1, 10>}, {pipeline_mode = #tpu.pipeline_mode<synchronous>, transform_indices = @transform_9, window_bounds = array<i64: 1, 10>}]} {
    %get3A = arith.constant 0 : index
    %get3A_0 = arith.constant 0 : index
    %get3A_1 = vector.load %arg1[%get3A, %get3A_0] : memref<2000x128xf32, #tpu.memory_space<vmem>>, vector<2000x128xf32>
    %get3A_2 = arith.constant 0 : index
    %get3A_3 = arith.constant 0 : index
    %get3A_4 = vector.load %arg2[%get3A_2, %get3A_3] : memref<128x128xf32, #tpu.memory_space<vmem>>, vector<128x128xf32>
    %dot_general3A = arith.constant dense<0.000000e+00> : vector<2000x128xf32>
    %dot_general3A_5 = tpu.matmul %get3A_1, %get3A_4, %dot_general3A {dimension_numbers = #tpu.dot_dimension_numbers<[1], [0], [0], [1], [0, 0, 1, 1], [], []>, transpose_lhs_hint = false} : vector<2000x128xf32>, vector<128x128xf32>, vector<2000x128xf32> -> vector<2000x128xf32>
    %get3A_6 = arith.constant 0 : index
    %get3A_7 = arith.constant 0 : index
    %get3A_8 = vector.load %arg3[%get3A_6, %get3A_7] : memref<1x128xf32, #tpu.memory_space<vmem>>, vector<1x128xf32>
    %add3A = vector.broadcast %get3A_8 : vector<1x128xf32> to vector<2000x128xf32>
    %add3A_9 = arith.addf %dot_general3A_5, %add3A : vector<2000x128xf32>
    %max3A = arith.constant 0.000000e+00 : f32
    %max3A_10 = vector.broadcast %max3A : f32 to vector<2000x128xf32>
    %max3A_11 = arith.maximumf %add3A_9, %max3A_10 : vector<2000x128xf32>
    %get3A_12 = arith.constant 0 : index
    %get3A_13 = arith.constant 0 : index
    %get3A_14 = vector.load %arg4[%get3A_12, %get3A_13] : memref<128x128xf32, #tpu.memory_space<vmem>>, vector<128x128xf32>
    %dot_general3A_15 = arith.constant dense<0.000000e+00> : vector<2000x128xf32>
    %dot_general3A_16 = tpu.matmul %max3A_11, %get3A_14, %dot_general3A_15 {dimension_numbers = #tpu.dot_dimension_numbers<[1], [0], [0], [1], [0, 0, 1, 1], [], []>, transpose_lhs_hint = false} : vector<2000x128xf32>, vector<128x128xf32>, vector<2000x128xf32> -> vector<2000x128xf32>
    %get3A_17 = arith.constant 0 : index
    %get3A_18 = arith.constant 0 : index
    %get3A_19 = vector.load %arg5[%get3A_17, %get3A_18] : memref<1x128xf32, #tpu.memory_space<vmem>>, vector<1x128xf32>
    %add3A_20 = vector.broadcast %get3A_19 : vector<1x128xf32> to vector<2000x128xf32>
    %add3A_21 = arith.addf %dot_general3A_16, %add3A_20 : vector<2000x128xf32>
    %max3A_22 = arith.constant 0.000000e+00 : f32
    %max3A_23 = vector.broadcast %max3A_22 : f32 to vector<2000x128xf32>
    %max3A_24 = arith.maximumf %add3A_21, %max3A_23 : vector<2000x128xf32>
    %get3A_25 = arith.constant 0 : index
    %get3A_26 = arith.constant 0 : index
    %get3A_27 = vector.load %arg6[%get3A_25, %get3A_26] : memref<128x128xf32, #tpu.memory_space<vmem>>, vector<128x128xf32>
    %dot_general3A_28 = arith.constant dense<0.000000e+00> : vector<2000x128xf32>
    %dot_general3A_29 = tpu.matmul %max3A_24, %get3A_27, %dot_general3A_28 {dimension_numbers = #tpu.dot_dimension_numbers<[1], [0], [0], [1], [0, 0, 1, 1], [], []>, transpose_lhs_hint = false} : vector<2000x128xf32>, vector<128x128xf32>, vector<2000x128xf32> -> vector<2000x128xf32>
    %get3A_30 = arith.constant 0 : index
    %get3A_31 = arith.constant 0 : index
    %get3A_32 = vector.load %arg7[%get3A_30, %get3A_31] : memref<1x128xf32, #tpu.memory_space<vmem>>, vector<1x128xf32>
    %add3A_33 = vector.broadcast %get3A_32 : vector<1x128xf32> to vector<2000x128xf32>
    %add3A_34 = arith.addf %dot_general3A_29, %add3A_33 : vector<2000x128xf32>
    %reduce_sum3A = arith.constant dense<0.000000e+00> : vector<128xf32>
    %reduce_sum3A_35 = vector.multi_reduction <add>, %add3A_34, %reduce_sum3A [0] : vector<2000x128xf32> to vector<128xf32>
    %broadcast_in_dim3A = vector.shape_cast %reduce_sum3A_35 : vector<128xf32> to vector<1x128xf32>
    %eq3A = arith.constant 0 : i32
    %eq3A_36 = arith.cmpi eq, %arg0, %eq3A : i32
    %convert_element_type3A = arith.extui %eq3A_36 : i1 to i32
    %cond3A = arith.constant 0 : i32
    %cond3A_37 = arith.cmpi ne, %convert_element_type3A, %cond3A : i32
    scf.if %cond3A_37 {
      %broadcast_in_dim3A_49 = arith.constant 0.000000e+00 : f32
      %broadcast_in_dim3A_50 = vector.broadcast %broadcast_in_dim3A_49 : f32 to vector<1x128xf32>
      %swap3A_51 = arith.constant 0 : index
      %swap3A_52 = arith.constant 0 : index
      %swap3A_53 = vector.load %arg11[%swap3A_51, %swap3A_52] : memref<1x128xf32, #tpu.memory_space<vmem>>, vector<1x128xf32>
      tpu.vector_store %arg11[%swap3A_51, %swap3A_52], %broadcast_in_dim3A_50 {strides = array<i32>} : memref<1x128xf32, #tpu.memory_space<vmem>>, vector<1x128xf32>,
    } else {
    }
    %get3A_38 = arith.constant 0 : index
    %get3A_39 = arith.constant 0 : index
    %get3A_40 = vector.load %arg11[%get3A_38, %get3A_39] : memref<1x128xf32, #tpu.memory_space<vmem>>, vector<1x128xf32>
    %add3A_41 = arith.addf %get3A_40, %broadcast_in_dim3A : vector<1x128xf32>
    %swap3A = arith.constant 0 : index
    %swap3A_42 = arith.constant 0 : index
    %swap3A_43 = vector.load %arg11[%swap3A, %swap3A_42] : memref<1x128xf32, #tpu.memory_space<vmem>>, vector<1x128xf32>
    tpu.vector_store %arg11[%swap3A, %swap3A_42], %add3A_41 {strides = array<i32>} : memref<1x128xf32, #tpu.memory_space<vmem>>, vector<1x128xf32>,
    %eq3A_44 = arith.constant 4 : i32
    %eq3A_45 = arith.cmpi eq, %arg0, %eq3A_44 : i32
    %convert_element_type3A_46 = arith.extui %eq3A_45 : i1 to i32
    %cond3A_47 = arith.constant 0 : i32
    %cond3A_48 = arith.cmpi ne, %convert_element_type3A_46, %cond3A_47 : i32
    scf.if %cond3A_48 {
      %get3A_49 = arith.constant 0 : index
      %get3A_50 = arith.constant 0 : index
      %get3A_51 = vector.load %arg11[%get3A_49, %get3A_50] : memref<1x128xf32, #tpu.memory_space<vmem>>, vector<1x128xf32>
      %mul3A = arith.constant 9.99999974E-5 : f32
      %mul3A_52 = vector.broadcast %mul3A : f32 to vector<1x128xf32>
      %mul3A_53 = arith.mulf %get3A_51, %mul3A_52 : vector<1x128xf32>
      %get3A_54 = arith.constant 0 : index
      %get3A_55 = arith.constant 0 : index
      %get3A_56 = vector.load %arg8[%get3A_54, %get3A_55] : memref<128x10xf32, #tpu.memory_space<vmem>>, vector<128x10xf32>
      %dot_general3A_57 = arith.constant dense<0.000000e+00> : vector<1x10xf32>
      %dot_general3A_58 = tpu.matmul %mul3A_53, %get3A_56, %dot_general3A_57 {dimension_numbers = #tpu.dot_dimension_numbers<[1], [0], [0], [1], [0, 0, 1, 1], [], []>, transpose_lhs_hint = false} : vector<1x128xf32>, vector<128x10xf32>, vector<1x10xf32> -> vector<1x10xf32>
      %get3A_59 = arith.constant 0 : index
      %get3A_60 = arith.constant 0 : index
      %get3A_61 = vector.load %arg9[%get3A_59, %get3A_60] : memref<1x10xf32, #tpu.memory_space<vmem>>, vector<1x10xf32>
      %add3A_62 = arith.addf %dot_general3A_58, %get3A_61 : vector<1x10xf32>
      %swap3A_63 = arith.constant 0 : index
      %swap3A_64 = arith.constant 0 : index
      %swap3A_65 = vector.load %arg10[%swap3A_63, %swap3A_64] : memref<1x10xf32, #tpu.memory_space<vmem>>, vector<1x10xf32>
      tpu.vector_store %arg10[%swap3A_63, %swap3A_64], %add3A_62 {strides = array<i32>} : memref<1x10xf32, #tpu.memory_space<vmem>>, vector<1x10xf32>,
    } else {
    }
    return
  }
  func.func @transform_0(%arg0: i32) -> (i32, i32) {
    %c0_i32 = arith.constant 0 : i32
    %c0_i32_0 = arith.constant 0 : i32
    return %arg0, %c0_i32 : i32, i32
  }
  func.func @transform_1(%arg0: i32) -> (i32, i32) {
    %c0_i32 = arith.constant 0 : i32
    %c0_i32_0 = arith.constant 0 : i32
    %c0_i32_1 = arith.constant 0 : i32
    return %c0_i32, %c0_i32_0 : i32, i32
  }
  func.func @transform_2(%arg0: i32) -> (i32, i32) {
    %c0_i32 = arith.constant 0 : i32
    %c0_i32_0 = arith.constant 0 : i32
    %c0_i32_1 = arith.constant 0 : i32
    return %c0_i32, %c0_i32_0 : i32, i32
  }
  func.func @transform_3(%arg0: i32) -> (i32, i32) {
    %c0_i32 = arith.constant 0 : i32
    %c0_i32_0 = arith.constant 0 : i32
    %c0_i32_1 = arith.constant 0 : i32
    return %c0_i32, %c0_i32_0 : i32, i32
  }
  func.func @transform_4(%arg0: i32) -> (i32, i32) {
    %c0_i32 = arith.constant 0 : i32
    %c0_i32_0 = arith.constant 0 : i32
    %c0_i32_1 = arith.constant 0 : i32
    return %c0_i32, %c0_i32_0 : i32, i32
  }
  func.func @transform_5(%arg0: i32) -> (i32, i32) {
    %c0_i32 = arith.constant 0 : i32
    %c0_i32_0 = arith.constant 0 : i32
    %c0_i32_1 = arith.constant 0 : i32
    return %c0_i32, %c0_i32_0 : i32, i32
  }
  func.func @transform_6(%arg0: i32) -> (i32, i32) {
    %c0_i32 = arith.constant 0 : i32
    %c0_i32_0 = arith.constant 0 : i32
    %c0_i32_1 = arith.constant 0 : i32
    return %c0_i32, %c0_i32_0 : i32, i32
  }
  func.func @transform_7(%arg0: i32) -> (i32, i32) {
    %c0_i32 = arith.constant 0 : i32
    %c0_i32_0 = arith.constant 0 : i32
    %c0_i32_1 = arith.constant 0 : i32
    return %c0_i32, %c0_i32_0 : i32, i32
  }
  func.func @transform_8(%arg0: i32) -> (i32, i32) {
    %c0_i32 = arith.constant 0 : i32
    %c0_i32_0 = arith.constant 0 : i32
    %c0_i32_1 = arith.constant 0 : i32
    return %c0_i32, %c0_i32_0 : i32, i32
  }
  func.func @transform_9(%arg0: i32) -> (i32, i32) {
    %c0_i32 = arith.constant 0 : i32
    %c0_i32_0 = arith.constant 0 : i32
    %c0_i32_1 = arith.constant 0 : i32
    return %c0_i32, %c0_i32_0 : i32, i32
  }
}

</mosaic_0001>

<sc_bundles>
// kernel: closed_call.20.cloned.1.call-start
scs
__scs_entry_jumppad:
0x0: {  	(pc) =	sbr.rel $0x88, $3  }
0x1: {  	(tag) =	ssettag $0x0;
	lr =	simm.s32 $0x1  }
0x2: {  	[smem:$0x3EE6] =	sst lr;
	_ =	strace $0xD0000000  }
0x3: {  	_ = 	snop  }
0x4: {  	_ = 	snop  }
0x5: {  	_ = 	snop  }
0x6: {  	_ = 	snop  }
0x7: {  	_ = 	snop  }
__scs_overlays_trampoline_lowered:
0x8: {  	[smem:$0x3EF5] =	sst s0  }
0x9: {  	[smem:$0x3EF6] =	sst s1  }
0xa: {  	[smem:$0x3EF7] =	sst s2  }
0xb: {  	[smem:$0x3EF8] =	sst s3  }
0xc: {  	[smem:$0x3EF9] =	sst s4  }
0xd: {  	[smem:$0x3EFA] =	sst s5  }
0xe: {  	[smem:$0x3EFB] =	sst s6  }
0xf: {  	[smem:$0x3EFC] =	sst s7  }
0x10: {  	[smem:$0x3EFD] =	sst s8  }
0x11: {  	[smem:$0x3EFE] =	sst s9;
	s0 =	simm.s32 @!p0 $0x0  }
0x12: {  	s1 =	sld [smem:$0x3EE4];
	s0 =	simm.s32 @p0 $0x1  }
0x13: {  	[smem:$0x3EFF] =	sst s0;
	s0 =	simm.s32 @!p1 $0x0  }
0x14: {  	s2 =	sld [smem:$0x3EE3];
	s0 =	simm.s32 @p1 $0x1  }
0x15: {  	[smem:$0x3F00] =	sst s0;
	s0 =	simm.s32 @!p2 $0x0  }
0x16: {  	s3 =	sld [smem:$0x3FDB];
	s0 =	simm.s32 @p2 $0x1  }
0x17: {  	s4 =	simm.s32 $0x1BF5;
	[smem:$0x3F02] =	sst s0  }
0x18: {  	s0 =	sld [smem:$0x3EE5];
	_ =	swait.ge [sflag:s4], $0x0  }
0x19: {  	s7 =	sld [smem:$0x3EE6]  }
0x1a: {  	s8 =	sadd.s32 $0xFFFFE003, lr  }
0x1b: {  	s9 =	sadd.s32 $0xFFFFFEF7, lr;
	s5 =	simm.s32 $0xFFFFFFFF;
	p2 =	slt.u32 s8, $0xFFFFF086  }
0x1c: {  	p1 =	slt.u32 s9, $0xF7A;
	s5 =	simm.s32 @!p2 $0x0  }
0x1d: {  	s5 =	simm.s32 @p1 $0x1;
	p0 =	seq.s32 s7, s2  }
0x1e: {  	s7 =	smul.u32 @!p0 $0xF7A, s2;
	p2 =	seq.s32 @!p0 s5, $0x0  }
0x1f: {  	s9 =	smul.u32 $0xF7A, s1;
	s8 =	simm.s32 @!p0 $0x1BF5;
	p2 =	por !p2, p0  }
0x20: {  	[sflag:s8] =	ssyncset.s32 @!p0 $0xFFFFF086;
	s6 =	sadd.s32 @!p0 s3, s7;
	s7 =	simm.s32 @!p0 $0x108  }
0x21: {  	s3 =	sadd.s32 s3, s9;
	s6 =	sadd.s32 @!p0 $0x88, s6;
	s7 =	simm.s32 @p2 $0x1082  }
0x22: {  	[simem:s7], [sflag:s8] =	dma.local @!p0 [hbm:s6], $0xF7A  }
0x23: {  	s9 =	sor.u32 $0xD0000000, s2;
	s6 =	simm.s32 $0x108;
	_ =	swait.ge @!p0 [sflag:s8], $0x0  }
0x24: {  	s3 =	sadd.s32 $0x88, s3;
	s6 =	simm.s32 @!p1 $0x1082;
	[sflag:s4] =	ssyncset.s32 $0xFFFFF086  }
0x25: {  	[simem:s6], [sflag:s4] =	dma.local [hbm:s3], $0xF7A  }
0x26: {  	[smem:$0x3EE6] =	sst s1;
	(tag) =	ssettag s2;
	_ =	strace s9  }
0x27: {  	s1 =	sld [smem:$0x3EF6]  }
0x28: {  	s2 =	sld [smem:$0x3EF7]  }
0x29: {  	s4 =	sld [smem:$0x3EF9]  }
0x2a: {  	p0 =	seq.s32 s5, $0x0;
	s5 =	sld [smem:$0x3EFA]  }
0x2b: {  	s6 =	sld [smem:$0x3EFB]  }
0x2c: {  	s7 =	sld [smem:$0x3EFC]  }
0x2d: {  	s3 =	simm.s32 $0x108;
	s8 =	sld [smem:$0x3EFD]  }
0x2e: {  	s3 =	simm.s32 @!p0 $0x1082;
	s9 =	sld [smem:$0x3EFE]  }
0x2f: {  	lr =	sadd.s32 s0, s3;
	s0 =	sld [smem:$0x3EF5]  }
0x30: {  	s3 =	sld [smem:$0x3EF8]  }
0x31: {  	[smem:$0x3F01] =	sst s10  }
0x32: {  	s10 =	sld [smem:$0x3EFF];
	_ =	sdelay $0x3  }
0x33: {  	p0 =	seq.s32 s10, $0x1;
	s10 =	sld [smem:$0x3F01];
	_ =	sdelay $0x3  }
0x34: {  	[smem:$0x3F01] =	sst s10  }
0x35: {  	s10 =	sld [smem:$0x3F00];
	_ =	sdelay $0x3  }
0x36: {  	p1 =	seq.s32 s10, $0x1;
	s10 =	sld [smem:$0x3F01];
	_ =	sdelay $0x3  }
0x37: {  	[smem:$0x3F01] =	sst s10  }
0x38: {  	s10 =	sld [smem:$0x3F02]  }
0x39: {  	_ = 	snop;
	(pc) =	sbr.ind lr, $3  }
0x3a: {  	_ = 	snop  }
0x3b: {  	_ = 	snop  }
0x3c: {  	p2 =	seq.s32 s10, $0x1;
	s10 =	sld [smem:$0x3F01]  }
0x3d: {  	_ =	shalt  }
0x3e: {  	_ =	shalt  }
0x3f: {  	_ =	shalt  }
0x40: {  	_ =	shalt  }
0x41: {  	_ =	shalt  }
0x42: {  	_ =	shalt  }
0x43: {  	_ =	shalt  }
0x44: {  	_ =	shalt  }
0x45: {  	_ =	shalt  }
0x46: {  	_ =	shalt  }
0x47: {  	_ =	shalt  }
0x48: {  	_ =	shalt  }
0x49: {  	_ =	shalt  }
0x4a: {  	_ =	shalt  }
0x4b: {  	_ =	shalt  }
0x4c: {  	_ =	shalt  }
0x4d: {  	_ =	shalt  }
0x4e: {  	_ =	shalt  }
0x4f: {  	_ =	shalt  }
0x50: {  	_ =	shalt  }
0x51: {  	_ =	shalt  }
0x52: {  	_ =	shalt  }
0x53: {  	_ =	shalt  }
0x54: {  	_ =	shalt  }
0x55: {  	_ =	shalt  }
0x56: {  	_ =	shalt  }
0x57: {  	_ =	shalt  }
0x58: {  	_ =	shalt  }
0x59: {  	_ =	shalt  }
0x5a: {  	_ =	shalt  }
0x5b: {  	_ =	shalt  }
0x5c: {  	_ =	shalt  }
0x5d: {  	_ =	shalt  }
0x5e: {  	_ =	shalt  }
0x5f: {  	_ =	shalt  }
0x60: {  	_ =	shalt  }
0x61: {  	_ =	shalt  }
0x62: {  	_ =	shalt  }
0x63: {  	_ =	shalt  }
0x64: {  	_ =	shalt  }
0x65: {  	_ =	shalt  }
0x66: {  	_ =	shalt  }
0x67: {  	_ =	shalt  }
0x68: {  	_ =	shalt  }
0x69: {  	_ =	shalt  }
0x6a: {  	_ =	shalt  }
0x6b: {  	_ =	shalt  }
0x6c: {  	_ =	shalt  }
0x6d: {  	_ =	shalt  }
0x6e: {  	_ =	shalt  }
0x6f: {  	_ =	shalt  }
0x70: {  	_ =	shalt  }
0x71: {  	_ =	shalt  }
0x72: {  	_ =	shalt  }
0x73: {  	_ =	shalt  }
0x74: {  	_ =	shalt  }
0x75: {  	_ =	shalt  }
0x76: {  	_ =	shalt  }
0x77: {  	_ =	shalt  }
0x78: {  	_ =	shalt  }
0x79: {  	_ =	shalt  }
0x7a: {  	_ =	shalt  }
0x7b: {  	_ =	shalt  }
0x7c: {  	_ =	shalt  }
0x7d: {  	_ =	shalt  }
0x7e: {  	_ =	shalt  }
0x7f: {  	_ =	shalt  }
0x80: {  	_ =	shalt  }
0x81: {  	_ =	shalt  }
0x82: {  	_ =	shalt  }
0x83: {  	_ =	shalt  }
0x84: {  	_ =	shalt  }
0x85: {  	_ =	shalt  }
0x86: {  	_ =	shalt  }
0x87: {  	_ =	shalt  }
.Lfunc_end0:
.L_simem_size_0:
called_computation_lowered:
.L_overlay_start_0:
0x88: {  	s2 =	sld [smem:$0x3FD9]  }
0x89: {  	s3 =	sld [smem:$0x3FFE];
	_ =	sdelay $0x1  }
0x8a: {  	s1 =	srdreg.scid  }
0x8b: {  	s0 =	sand.u32 $0x1, s1  }
0x8c: {  	s16 =	sshll.u32 s0, $0xA;
	s2 =	sadd.s32 s3, s2  }
0x8d: {  	s2 =	sadd.s32 s2, s16  }
0x8e: {  	[smem:$0x3F0D] =	sst s2  }
0x8f: {  	_ = 	snop  }
0x90: {  	(tm) =	ssettm $0x1  }
0x91: {  	s17 =	sld [smem:$0x3FFB];
	_ =	sdelay $0x3  }
0x92: {  	_ =	strace s17  }
0x93: {  	s2 =	sld [smem:$0x3FFC];
	_ =	sdelay $0x3  }
0x94: {  	_ =	strace s2  }
0x95: {  	s2 =	sld [smem:$0x3FFD];
	_ =	sdelay $0x3  }
0x96: {  	_ =	strace s2  }
0x97: {  	_ =	strace $0x8FFFFFFF  }
0x98: {  	s18 =	sld [smem:$0x3FDB];
	_ =	sdelay $0x1  }
0x99: {  	s19 =	simm.s32 $_scs_section_size  }
0x9a: {  	s4 =	simm.s32 $_size__tile_overlayer_lowered;
	s5 =	simm.s32 $_tile_overlayer_lowered  }
0x9b: {  	s22 =	simm.s32 $0x1BFF;
	s21 =	sshll.u32 s5, $0x1;
	s2 =	sadd.s32 s19, s18  }
0x9c: {  	s6 =	simm.s32 $0x0;
	s20 =	sshll.u32 s4, $0x1;
	s4 =	sadd.s32 s21, s2  }
0x9d: {  	[timem:s6], [sflag:s22] =	dma.local [hbm:s4], s20  }
0x9e: {  	_ =	swait.ge [sflag:s22], s20  }
0x9f: {  	s3 =	ssub.s32 $0x0, s20;
	[sflag:s22] =	ssyncset.done $0x0  }
0xa0: {  	[sflag:s22] =	ssyncadd.s32 s3;
	_ =	sdelay $0x1  }
0xa1: {  	s23 =	simm.s32 $0x1B8B  }
0xa2: {  	_ =	swait.ge [sflag:s23], $0x1  }
0xa3: {  	[sflag:s23] =	ssyncset.done $0x0  }
0xa4: {  	s25 =	simm.s32 $0x1B8E;
	s24 =	sld [smem:$0x3FFE];
	[sflag:s23] =	ssyncadd.s32 $0xFFFFFFFF  }
0xa5: {  	s26 =	simm.s32 $execute0_lowered;
	[smem:$0x3FD2] =	sst s25  }
0xa6: {  	s4 =	sshll.u32 s26, $0x1;
	_ =	strace $0x80000049;
	[dreg:$0x1] =	wrdreg $0xFFFFFFFF  }
0xa7: {  	s28 =	simm.s32 $_size_execute0_lowered;
	s2 =	sadd.s32 s2, s4;
	[dreg:$0x0] =	wrdreg $0x0  }
0xa8: {  	s4 =	sshll.u32 s28, $0x1;
	[dreg:$0x2] =	wrdreg s2  }
0xa9: {  	[dreg:$0x3] =	wrdreg s4  }
0xaa: {  	[dreg:$0x4] =	wrdreg $0xC0  }
0xab: {  	_ =	task [dreg:s6], $0x5FFFF  }
0xac: {  	[dreg:$0x1] =	wrdreg $0xFFFFFFFF  }
0xad: {  	[dreg:$0x0] =	wrdreg $0x60  }
0xae: {  	[dreg:$0x2] =	wrdreg s24  }
0xaf: {  	[dreg:$0x3] =	wrdreg $0x9  }
0xb0: {  	_ =	task.clear_ibuf [dreg:s6], $0x4FFFF;
	_ =	strace $0x90000049  }
0xb1: {  	s29 =	simm.s32 $0x9;
	_ =	strace $0x8000004B  }
0xb2: {  	_ =	swait.ge [sflag:s29], $0x1  }
0xb3: {  	[sflag:s29] =	ssyncadd.s32 $0xFFFFFFFF  }
0xb4: {  	_ =	strace $0x9000004B  }
0xb5: {  	_ =	sfence  }
0xb6: {  	s30 =	sld [smem:$0x0];
	_ =	sdelay $0x2  }
0xb7: {  	s31 =	sshll.u32 s1, $0xD;
	s1 =	sshrl.u32 s1, $0x2  }
0xb8: {  	s3 =	sand.u32 $0x4000, s31;
	s1 =	sadd.s32 s1, s30  }
0xb9: {  	s0 =	sor.u32 s3, s0;
	s1 =	sshll.u32 s1, $0x11  }
0xba: {  	s0 =	sor.u32 s1, s0  }
0xbb: {  	s0 =	sadd.s32 $0x8F2B, s0  }
0xbc: {  	[sflag:s0] =	ssyncadd.remote.s32 $0x1  }
0xbd: {  	_ =	sfence.sel $0xFFFF  }
0xbe: {  	[dreg:$0x0] =	wrdreg $0xFFFFFFFF;
	(pc) =	sbr.abs _section_cstart, $3  }
0xbf: {  	[dreg:$0x1] =	wrdreg $0xFFFFFFFF  }
0xc0: {  	_ =	task.clear_ibuf [dreg:s6], $0x2FFFF;
	_ =	strace $0x9FFFFFFF  }
0xc1: {  	(tm) =	ssettm $0x7FFFFFFF  }
tec
execute0_lowered:
.L_overlay_start_1:
0x0: {  	(tag) =	ssettag $0x1  }
0x1: {  	s1 =	srdreg.scid;
	s0 =	stileid.u32  }
0x2: {  	s4 =	rddreg [dreg:$0x0];
	s2 =	simm.s32 $0x0;
	s10 =	simm.s32 $0x2000  }
0x3: {  	s11 =	simm.s32 $0x80;
	s12 =	simm.s32 $0x4000;
	s13 =	simm.s32 $0x8000  }
0x4: {  	s14 =	simm.s32 $0xC000;
	s15 =	simm.s32 $0x10000;
	s16 =	simm.s32 $0x1  }
0x5: {  	s17 =	simm.s32 $0x2;
	s5 =	sand.u32 $0x1, s1;
	s1 =	rddreg [dreg:$0x1]  }
0x6: {  	s18 =	simm.s32 $0x0;
	s3 =	smul.u32 $0x50, s0;
	[smem:$0x7FF] =	sst s2  }
0x7: {  	s7 =	smul.u32 $0x28000, s0;
	s6 =	sshll.u32 s5, $0x6;
	_ =	strace $0x8000004A  }
0x8: {  	s8 =	ssub.s32 $0x2, s5;
	p0 =	seq.s32 s5, $0x0;
	s31 =	sshll.u32 s5, $0x11  }
0x9: {  	s6 =	sadd.s32 s6, s3;
	s3 =	sadd.s32 $0x44C00, s4;
	s9 =	sshrl.u32 s8, $0x1  }
0xa: {  	s7 =	sadd.s32 s7, s4;
	s6 =	sshll.u32 s6, $0x4;
	s8 =	ssub.s32 s8, s9  }
0xb: {  	s9 =	sadd.s32 s31, s7;
	s6 =	sadd.s32 s6, s4;
	s4 =	simm.s32 $0xFFFFFFF0  }
0xc: {  	s7 =	smax.u32 s8, $0x1;
	s8 =	sadd.s32 $0x59F800, s9;
	s9 =	simm.s32 $0x3  }
0xd: {  	s4 =	simm.s32 @!p0 $0xFFFFFFFC;
	s5 =	sadd.s32 $0x18600, s6;
	s6 =	sadd.s32 $0x13200, s6  }
.LBB2_1:
0xe: {  	[tilespmem:s2], [sflag:$0x3] =	stream.linear.gather [hbm4b:s5+s2], $0x2000, $0x38;
	[tilespmem:$0x14000] =	vst v63  }
0xf: {  	_ =	swait.ge [sflag:s9], $0x2000  }
0x10: {  	p2 =	sne.s32 s4, $0xFFFFFFFF;
	[sflag:s9] =	ssyncset.done $0x0  }
.Ltmp0:
0x11: {  	[sflag:s9] =	ssyncadd.s32 $0xFFFFE000;
	(pc) =	sbr.rel @!p2 .LBB2_2-.Ltmp0, $4  }
0x12: {  	[tilespmem:s10], [sflag:$0x3] =	stream.linear.gather [hbm4b:s6+s2], $0x2000, $0x38;
	[tilespmem:$0x14000] =	vst v63  }
0x13: {  	_ =	swait.ge [sflag:s9], $0x2000  }
0x14: {  	p0 =	por $0x1, $0x1;
	[sflag:s9] =	ssyncset.done $0x0  }
0x15: {  	p1 =	por $0x0, $0x0;
	p0 =	por p0, p0;
	[sflag:s9] =	ssyncadd.s32 $0xFFFFE000  }
0x16: {  	s19 =	simm.s32 @!p0 $0x2  }
0x17: {  	_ =	swait.ge @!p0 [sflag:s19], $0x4000  }
0x18: {  	[sflag:s19] =	ssyncset.done @!p0 $0x0  }
0x19: {  	[sflag:s19] =	ssyncadd.s32 @!p0 $0xFFFFC000  }
0x1a: {  	_ =	swait.ge @!p0 [sflag:s19], $0x4000  }
0x1b: {  	[sflag:s19] =	ssyncset.done @!p0 $0x0  }
0x1c: {  	[sflag:s19] =	ssyncadd.s32 @!p0 $0xFFFFC000  }
0x1d: {  	_ =	swait.ge @!p0 [sflag:s19], $0x4000  }
0x1e: {  	[sflag:s19] =	ssyncset.done @!p0 $0x0  }
0x1f: {  	[sflag:s19] =	ssyncadd.s32 @!p0 $0xFFFFC000  }
0x20: {  	_ =	swait.ge @!p0 [sflag:s19], $0x4000  }
0x21: {  	[sflag:s19] =	ssyncset.done @!p0 $0x0  }
0x22: {  	s21 =	simm.s32 $0x0;
	[sflag:s19] =	ssyncadd.s32 @!p0 $0xFFFFC000  }
0x23: {  	[tilespmem:s12], [sflag:$0x1] =	stream.indirect.gather [hbm4b:s3+s11], $0x80, s21, s11, $0xb8;
	[tilespmem:$0x14000] =	vst v63  }
0x24: {  	s22 =	simm.s32 $0x80  }
0x25: {  	[tilespmem:s13], [sflag:$0x1] =	stream.indirect.gather [hbm4b:s3+s11], $0x80, s22, s11, $0xb8;
	[tilespmem:$0x14000] =	vst v63  }
0x26: {  	s23 =	simm.s32 $0x100  }
0x27: {  	[tilespmem:s14], [sflag:$0x1] =	stream.indirect.gather [hbm4b:s3+s11], $0x80, s23, s11, $0xb8;
	[tilespmem:$0x14000] =	vst v63  }
0x28: {  	s24 =	simm.s32 $0x180  }
0x29: {  	[tilespmem:s15], [sflag:$0x1] =	stream.indirect.gather [hbm4b:s3+s11], $0x80, s24, s11, $0xb8;
	[tilespmem:$0x14000] =	vst v63  }
0x2a: {  	_ =	swait.ge [sflag:s16], $0x4000  }
0x2b: {  	[sflag:s16] =	ssyncset.done $0x0  }
0x2c: {  	[sflag:s16] =	ssyncadd.s32 $0xFFFFC000  }
0x2d: {  	_ =	swait.ge [sflag:s16], $0x4000  }
0x2e: {  	[sflag:s16] =	ssyncset.done $0x0  }
0x2f: {  	[sflag:s16] =	ssyncadd.s32 $0xFFFFC000  }
0x30: {  	_ =	swait.ge [sflag:s16], $0x4000  }
0x31: {  	[sflag:s16] =	ssyncset.done $0x0  }
0x32: {  	[sflag:s16] =	ssyncadd.s32 $0xFFFFC000  }
0x33: {  	_ =	swait.ge [sflag:s16], $0x4000  }
0x34: {  	[sflag:s16] =	ssyncset.done $0x0  }
0x35: {  	s25 =	simm.s32 $0x2000;
	[sflag:s16] =	ssyncadd.s32 $0xFFFFC000  }
0x36: {  	[tilespmem:s12], [sflag:$0x1] =	stream.indirect.gather.add.f32 [hbm:s3], $0x80, s25, s11, $0xb8;
	[tilespmem:$0x14000] =	vst v63  }
0x37: {  	s26 =	simm.s32 $0x2080  }
0x38: {  	[tilespmem:s13], [sflag:$0x1] =	stream.indirect.gather.add.f32 [hbm:s3], $0x80, s26, s11, $0xb8;
	[tilespmem:$0x14000] =	vst v63  }
0x39: {  	s28 =	simm.s32 $0x2100  }
0x3a: {  	[tilespmem:s14], [sflag:$0x1] =	stream.indirect.gather.add.f32 [hbm:s3], $0x80, s28, s11, $0xb8;
	[tilespmem:$0x14000] =	vst v63  }
0x3b: {  	s29 =	simm.s32 $0x2180  }
0x3c: {  	[tilespmem:s15], [sflag:$0x1] =	stream.indirect.gather.add.f32 [hbm:s3], $0x80, s29, s11, $0xb8;
	[tilespmem:$0x14000] =	vst v63  }
0x3d: {  	_ =	swait.ge [sflag:s16], $0x4000  }
0x3e: {  	[sflag:s16] =	ssyncset.done $0x0  }
0x3f: {  	[sflag:s16] =	ssyncadd.s32 $0xFFFFC000  }
0x40: {  	_ =	swait.ge [sflag:s16], $0x4000  }
0x41: {  	[sflag:s16] =	ssyncset.done $0x0  }
0x42: {  	[sflag:s16] =	ssyncadd.s32 $0xFFFFC000  }
0x43: {  	_ =	swait.ge [sflag:s16], $0x4000  }
0x44: {  	[sflag:s16] =	ssyncset.done $0x0  }
0x45: {  	[sflag:s16] =	ssyncadd.s32 $0xFFFFC000  }
0x46: {  	_ =	swait.ge [sflag:s16], $0x4000  }
0x47: {  	[sflag:s16] =	ssyncset.done $0x0  }
0x48: {  	s30 =	sadd.s32 $0x800, s8;
	p2 =	sne.s32 s4, $0xFFFFFFFE;
	[sflag:s16] =	ssyncadd.s32 $0xFFFFC000  }
0x49: {  	[hbm4b:s8+s2] =	stream.linear.scatter [tilespmem:s12], [sflag:$0x2], $0x4000, $0x38;
	[tilespmem:$0x14000] =	vst v63  }
.Ltmp1:
0x4a: {  	p6 =	por $0x0, $0x0;
	s31 =	sadd.s32 $0x1000, s8;
	(pc) =	sbr.rel @!p2 .LBB2_5-.Ltmp1, $4  }
0x4b: {  	s20 =	simm.s32 $0x800;
	p1 =	por $0x1, $0x1;
	p0 =	por p6, p6  }
0x4c: {  	[hbm4b:s30+s2] =	stream.linear.scatter [tilespmem:s13], [sflag:$0x2], $0x4000, $0x38;
	[tilespmem:$0x14000] =	vst v63  }
0x4d: {  	s19 =	sadd.s32 $0x2000, s8;
	s21 =	simm.s32 $0xFFFFFFFE;
	s22 =	sadd.s32 $0x1800, s8  }
0x4e: {  	[hbm4b:s31+s2] =	stream.linear.scatter [tilespmem:s14], [sflag:$0x2], $0x4000, $0x38;
	[tilespmem:$0x14000] =	vst v63  }
.LBB2_4:
0x4f: {  	[hbm4b:s22+s2] =	stream.linear.scatter [tilespmem:s15], [sflag:$0x2], $0x4000, $0x38;
	[tilespmem:$0x14000] =	vst v63  }
0x50: {  	p3 =	seq.s32 s21, $0x0;
	s21 =	sadd.s32 $0xFFFFFFFF, s21;
	s22 =	simm.s32 @!p0 $0x2  }
0x51: {  	p2 =	sne.s32 s4, s21;
	_ =	swait.ge @!p0 [sflag:s22], $0x4000  }
0x52: {  	[sflag:s22] =	ssyncset.done @!p0 $0x0  }
0x53: {  	[sflag:s22] =	ssyncadd.s32 @!p0 $0xFFFFC000  }
0x54: {  	_ =	swait.ge @!p0 [sflag:s22], $0x4000  }
0x55: {  	[sflag:s22] =	ssyncset.done @!p0 $0x0  }
0x56: {  	[sflag:s22] =	ssyncadd.s32 @!p0 $0xFFFFC000  }
0x57: {  	_ =	swait.ge @!p0 [sflag:s22], $0x4000  }
0x58: {  	[sflag:s22] =	ssyncset.done @!p0 $0x0  }
0x59: {  	[sflag:s22] =	ssyncadd.s32 @!p0 $0xFFFFC000  }
0x5a: {  	_ =	swait.ge @!p0 [sflag:s22], $0x4000  }
0x5b: {  	[sflag:s22] =	ssyncset.done @!p0 $0x0  }
0x5c: {  	[sflag:s22] =	ssyncadd.s32 @!p0 $0xFFFFC000;
	s22 =	sshra.s32 s20, $0x2;
	p0 =	por p3, p3  }
0x5d: {  	[tilespmem:s12], [sflag:$0x1] =	stream.indirect.gather [hbm4b:s3+s11], $0x80, s22, s11, $0xb8;
	[tilespmem:$0x14000] =	vst v63  }
0x5e: {  	s23 =	sadd.s32 $0x80, s22  }
0x5f: {  	[tilespmem:s13], [sflag:$0x1] =	stream.indirect.gather [hbm4b:s3+s11], $0x80, s23, s11, $0xb8;
	[tilespmem:$0x14000] =	vst v63  }
0x60: {  	s23 =	sadd.s32 $0x100, s22  }
0x61: {  	[tilespmem:s14], [sflag:$0x1] =	stream.indirect.gather [hbm4b:s3+s11], $0x80, s23, s11, $0xb8;
	[tilespmem:$0x14000] =	vst v63  }
0x62: {  	s23 =	sadd.s32 $0x180, s22  }
0x63: {  	[tilespmem:s15], [sflag:$0x1] =	stream.indirect.gather [hbm4b:s3+s11], $0x80, s23, s11, $0xb8;
	[tilespmem:$0x14000] =	vst v63  }
0x64: {  	_ =	swait.ge [sflag:s16], $0x4000  }
0x65: {  	[sflag:s16] =	ssyncset.done $0x0  }
0x66: {  	[sflag:s16] =	ssyncadd.s32 $0xFFFFC000  }
0x67: {  	_ =	swait.ge [sflag:s16], $0x4000  }
0x68: {  	[sflag:s16] =	ssyncset.done $0x0  }
0x69: {  	[sflag:s16] =	ssyncadd.s32 $0xFFFFC000  }
0x6a: {  	_ =	swait.ge [sflag:s16], $0x4000  }
0x6b: {  	[sflag:s16] =	ssyncset.done $0x0  }
0x6c: {  	[sflag:s16] =	ssyncadd.s32 $0xFFFFC000  }
0x6d: {  	_ =	swait.ge [sflag:s16], $0x4000  }
0x6e: {  	[sflag:s16] =	ssyncset.done $0x0  }
0x6f: {  	s23 =	sadd.s32 $0x2000, s22;
	[sflag:s16] =	ssyncadd.s32 $0xFFFFC000  }
0x70: {  	[tilespmem:s12], [sflag:$0x1] =	stream.indirect.gather.add.f32 [hbm:s3], $0x80, s23, s11, $0xb8;
	[tilespmem:$0x14000] =	vst v63  }
0x71: {  	s23 =	sadd.s32 $0x2080, s22  }
0x72: {  	[tilespmem:s13], [sflag:$0x1] =	stream.indirect.gather.add.f32 [hbm:s3], $0x80, s23, s11, $0xb8;
	[tilespmem:$0x14000] =	vst v63  }
0x73: {  	s23 =	sadd.s32 $0x2100, s22  }
0x74: {  	[tilespmem:s14], [sflag:$0x1] =	stream.indirect.gather.add.f32 [hbm:s3], $0x80, s23, s11, $0xb8;
	[tilespmem:$0x14000] =	vst v63  }
0x75: {  	s22 =	sadd.s32 $0x2180, s22  }
0x76: {  	[tilespmem:s15], [sflag:$0x1] =	stream.indirect.gather.add.f32 [hbm:s3], $0x80, s22, s11, $0xb8;
	[tilespmem:$0x14000] =	vst v63  }
0x77: {  	_ =	swait.ge [sflag:s16], $0x4000  }
0x78: {  	[sflag:s16] =	ssyncset.done $0x0  }
0x79: {  	[sflag:s16] =	ssyncadd.s32 $0xFFFFC000  }
0x7a: {  	_ =	swait.ge [sflag:s16], $0x4000  }
0x7b: {  	[sflag:s16] =	ssyncset.done $0x0  }
0x7c: {  	[sflag:s16] =	ssyncadd.s32 $0xFFFFC000  }
0x7d: {  	_ =	swait.ge [sflag:s16], $0x4000  }
0x7e: {  	[sflag:s16] =	ssyncset.done $0x0  }
0x7f: {  	[sflag:s16] =	ssyncadd.s32 $0xFFFFC000  }
0x80: {  	_ =	swait.ge [sflag:s16], $0x4000  }
0x81: {  	[sflag:s16] =	ssyncset.done $0x0  }
0x82: {  	[sflag:s16] =	ssyncadd.s32 $0xFFFFC000  }
0x83: {  	[hbm4b:s19+s2] =	stream.linear.scatter [tilespmem:s12], [sflag:$0x2], $0x4000, $0x38;
	[tilespmem:$0x14000] =	vst v63  }
.Ltmp2:
0x84: {  	s22 =	sadd.s32 $0x800, s19;
	(pc) =	sbr.rel @p2 .LBB2_4-.Ltmp2, $4  }
0x85: {  	[hbm4b:s22+s2] =	stream.linear.scatter [tilespmem:s13], [sflag:$0x2], $0x4000, $0x38;
	[tilespmem:$0x14000] =	vst v63  }
0x86: {  	s22 =	sadd.s32 $0x1000, s19  }
0x87: {  	[hbm4b:s22+s2] =	stream.linear.scatter [tilespmem:s14], [sflag:$0x2], $0x4000, $0x38;
	[tilespmem:$0x14000] =	vst v63  }
0x88: {  	s20 =	sadd.s32 $0x800, s20;
	s22 =	sadd.s32 $0x1800, s19;
	s19 =	sadd.s32 $0x2000, s19  }
.LBB2_5:
0x89: {  	[hbm4b:s22+s2] =	stream.linear.scatter @p1 [tilespmem:s15], [sflag:$0x2], $0x4000, $0x38;
	[tilespmem:$0x14000] =	vst v63  }
0x8a: {  	s21 =	simm.s32 @!p0 $0x2  }
0x8b: {  	_ =	swait.ge @!p0 [sflag:s21], $0x4000  }
0x8c: {  	[sflag:s21] =	ssyncset.done @!p0 $0x0  }
0x8d: {  	[sflag:s21] =	ssyncadd.s32 @!p0 $0xFFFFC000  }
0x8e: {  	_ =	swait.ge @!p0 [sflag:s21], $0x4000  }
0x8f: {  	[sflag:s21] =	ssyncset.done @!p0 $0x0  }
0x90: {  	[sflag:s21] =	ssyncadd.s32 @!p0 $0xFFFFC000  }
0x91: {  	_ =	swait.ge @!p0 [sflag:s21], $0x4000  }
0x92: {  	[sflag:s21] =	ssyncset.done @!p0 $0x0  }
0x93: {  	[sflag:s21] =	ssyncadd.s32 @!p0 $0xFFFFC000  }
0x94: {  	_ =	swait.ge @!p0 [sflag:s21], $0x4000  }
0x95: {  	[sflag:s21] =	ssyncset.done @!p0 $0x0  }
0x96: {  	s20 =	sshra.s32 s20, $0x2;
	[sflag:s21] =	ssyncadd.s32 @!p0 $0xFFFFC000  }
0x97: {  	[tilespmem:s12], [sflag:$0x1] =	stream.indirect.gather [hbm4b:s3+s11], $0x80, s20, s11, $0xb8;
	[tilespmem:$0x14000] =	vst v63  }
0x98: {  	s22 =	sadd.s32 $0x80, s20  }
0x99: {  	[tilespmem:s13], [sflag:$0x1] =	stream.indirect.gather [hbm4b:s3+s11], $0x80, s22, s11, $0xb8;
	[tilespmem:$0x14000] =	vst v63  }
0x9a: {  	s23 =	sadd.s32 $0x100, s20  }
0x9b: {  	[tilespmem:s14], [sflag:$0x1] =	stream.indirect.gather [hbm4b:s3+s11], $0x80, s23, s11, $0xb8;
	[tilespmem:$0x14000] =	vst v63  }
0x9c: {  	s24 =	sadd.s32 $0x180, s20  }
0x9d: {  	[tilespmem:s15], [sflag:$0x1] =	stream.indirect.gather [hbm4b:s3+s11], $0x80, s24, s11, $0xb8;
	[tilespmem:$0x14000] =	vst v63  }
0x9e: {  	_ =	swait.ge [sflag:s16], $0x4000  }
0x9f: {  	[sflag:s16] =	ssyncset.done $0x0  }
0xa0: {  	[sflag:s16] =	ssyncadd.s32 $0xFFFFC000  }
0xa1: {  	_ =	swait.ge [sflag:s16], $0x4000  }
0xa2: {  	[sflag:s16] =	ssyncset.done $0x0  }
0xa3: {  	[sflag:s16] =	ssyncadd.s32 $0xFFFFC000  }
0xa4: {  	_ =	swait.ge [sflag:s16], $0x4000  }
0xa5: {  	[sflag:s16] =	ssyncset.done $0x0  }
0xa6: {  	[sflag:s16] =	ssyncadd.s32 $0xFFFFC000  }
0xa7: {  	_ =	swait.ge [sflag:s16], $0x4000  }
0xa8: {  	[sflag:s16] =	ssyncset.done $0x0  }
0xa9: {  	s25 =	sadd.s32 $0x2000, s20;
	[sflag:s16] =	ssyncadd.s32 $0xFFFFC000  }
0xaa: {  	[tilespmem:s12], [sflag:$0x1] =	stream.indirect.gather.add.f32 [hbm:s3], $0x80, s25, s11, $0xb8;
	[tilespmem:$0x14000] =	vst v63  }
0xab: {  	s26 =	sadd.s32 $0x2080, s20  }
0xac: {  	[tilespmem:s13], [sflag:$0x1] =	stream.indirect.gather.add.f32 [hbm:s3], $0x80, s26, s11, $0xb8;
	[tilespmem:$0x14000] =	vst v63  }
0xad: {  	s28 =	sadd.s32 $0x2100, s20  }
0xae: {  	[tilespmem:s14], [sflag:$0x1] =	stream.indirect.gather.add.f32 [hbm:s3], $0x80, s28, s11, $0xb8;
	[tilespmem:$0x14000] =	vst v63  }
0xaf: {  	s20 =	sadd.s32 $0x2180, s20  }
0xb0: {  	[tilespmem:s15], [sflag:$0x1] =	stream.indirect.gather.add.f32 [hbm:s3], $0x80, s20, s11, $0xb8;
	[tilespmem:$0x14000] =	vst v63  }
0xb1: {  	_ =	swait.ge [sflag:s16], $0x4000  }
0xb2: {  	[sflag:s16] =	ssyncset.done $0x0  }
0xb3: {  	[sflag:s16] =	ssyncadd.s32 $0xFFFFC000  }
0xb4: {  	_ =	swait.ge [sflag:s16], $0x4000  }
0xb5: {  	[sflag:s16] =	ssyncset.done $0x0  }
0xb6: {  	[sflag:s16] =	ssyncadd.s32 $0xFFFFC000  }
0xb7: {  	_ =	swait.ge [sflag:s16], $0x4000  }
0xb8: {  	[sflag:s16] =	ssyncset.done $0x0  }
0xb9: {  	[sflag:s16] =	ssyncadd.s32 $0xFFFFC000  }
0xba: {  	_ =	swait.ge [sflag:s16], $0x4000  }
0xbb: {  	[sflag:s16] =	ssyncset.done $0x0  }
0xbc: {  	[sflag:s16] =	ssyncadd.s32 $0xFFFFC000  }
0xbd: {  	[hbm4b:s19+s2] =	stream.linear.scatter [tilespmem:s12], [sflag:$0x2], $0x4000, $0x38;
	[tilespmem:$0x14000] =	vst v63  }
0xbe: {  	s29 =	sadd.s32 $0x800, s19  }
0xbf: {  	[hbm4b:s29+s2] =	stream.linear.scatter [tilespmem:s13], [sflag:$0x2], $0x4000, $0x38;
	[tilespmem:$0x14000] =	vst v63  }
0xc0: {  	s30 =	sadd.s32 $0x1000, s19  }
0xc1: {  	[hbm4b:s30+s2] =	stream.linear.scatter [tilespmem:s14], [sflag:$0x2], $0x4000, $0x38;
	[tilespmem:$0x14000] =	vst v63  }
0xc2: {  	s31 =	sadd.s32 $0x1800, s19  }
0xc3: {  	[hbm4b:s31+s2] =	stream.linear.scatter [tilespmem:s15], [sflag:$0x2], $0x4000, $0x38;
	[tilespmem:$0x14000] =	vst v63  }
0xc4: {  	_ =	swait.ge [sflag:s17], $0x4000  }
0xc5: {  	[sflag:s17] =	ssyncset.done $0x0  }
0xc6: {  	[sflag:s17] =	ssyncadd.s32 $0xFFFFC000  }
0xc7: {  	_ =	swait.ge [sflag:s17], $0x4000  }
0xc8: {  	[sflag:s17] =	ssyncset.done $0x0  }
0xc9: {  	s18 =	sadd.s32 $0x1, s18;
	[sflag:s17] =	ssyncadd.s32 $0xFFFFC000  }
0xca: {  	p0 =	sne.s32 s18, s7;
	_ =	swait.ge [sflag:s17], $0x4000  }
.Ltmp3:
0xcb: {  	[sflag:s17] =	ssyncset.done $0x0;
	(pc) =	sbr.rel @p0 .LBB2_1-.Ltmp3, $4  }
.Ltmp4:
0xcc: {  	[sflag:s17] =	ssyncadd.s32 $0xFFFFC000;
	(pc) =	sbr.rel @!p0 .LBB2_6-.Ltmp4, $4  }
0xcd: {  	_ =	swait.ge [sflag:s17], $0x4000  }
0xce: {  	[sflag:s17] =	ssyncset.done $0x0  }
0xcf: {  	[sflag:s17] =	ssyncadd.s32 $0xFFFFC000  }
0xd0: {  	_ = 	snop  }
.LBB2_2:
.Ltmp5:
0xd1: {  	(pc) =	sbr.rel .LBB2_5-.Ltmp5, $2  }
0xd2: {  	_ =	sdelay $0x2  }
0xd3: {  	s20 =	simm.s32 $0x0;
	s19 =	smov.u32 s8  }
.LBB2_6:
0xd4: {  	_ =	sfence.sel $0x180000  }
0xd5: {  	[bflag:$0x0] =	sbarrier.arrive $0xFFFF  }
0xd6: {  	p0 =	sne.s32 s0, $0x0;
	_ =	strace $0x9000004A  }
0xd7: {  	s0 =	sadd.s32 @!p0 $0x100000, s1;
	[bflag:$0x2] =	sbarrier.arrive $0xFFFF  }
0xd8: {  	[sflag:s0] =	ssyncadd.tile.s32 @!p0 $0x1;
	_ =	shalt  }
.Lfunc_end2:
_tile_overlayer_lowered:
.L_overlay_start_2:
0xd9: {  	(tag) =	ssettag $0x2  }
0xda: {  	s0 =	rddreg [dreg:$0x0];
	s2 =	stileid.u32  }
0xdb: {  	s1 =	rddreg [dreg:$0x1];
	p0 =	sne.s32 s2, $0x0  }
0xdc: {  	s3 =	rddreg [dreg:$0x2];
	[bflag:$0x3] =	sbarrier.arrive $0xFFFF;
	s2 =	simm.s32 @!p0 $0x1C03  }
0xdd: {  	[timem:s3], [sflag:s2] =	dma.local @!p0 [hbm:s0], s1  }
0xde: {  	s0 =	simm.s32 @!p0 $0x3  }
0xdf: {  	_ =	swait.ge @!p0 [sflag:s0], s1  }
0xe0: {  	s1 =	ssub.s32 @!p0 $0x0, s1;
	[sflag:s0] =	ssyncset.done @!p0 $0x0  }
0xe1: {  	[sflag:s0] =	ssyncadd.s32 @!p0 s1  }
0xe2: {  	[bflag:$0x3] =	sbarrier.arrive $0xFFFF  }
0xe3: {  	_ =	shalt  }

// kernel: closed_call.23.cloned.1.call-start
scs
__scs_entry_jumppad:
0x0: {  	(pc) =	sbr.rel $0x88, $3  }
0x1: {  	(tag) =	ssettag $0x0;
	lr =	simm.s32 $0x1  }
0x2: {  	[smem:$0x3EE6] =	sst lr;
	_ =	strace $0xD0000000  }
0x3: {  	_ = 	snop  }
0x4: {  	_ = 	snop  }
0x5: {  	_ = 	snop  }
0x6: {  	_ = 	snop  }
0x7: {  	_ = 	snop  }
__scs_overlays_trampoline_lowered:
0x8: {  	[smem:$0x3EF5] =	sst s0  }
0x9: {  	[smem:$0x3EF6] =	sst s1  }
0xa: {  	[smem:$0x3EF7] =	sst s2  }
0xb: {  	[smem:$0x3EF8] =	sst s3  }
0xc: {  	[smem:$0x3EF9] =	sst s4  }
0xd: {  	[smem:$0x3EFA] =	sst s5  }
0xe: {  	[smem:$0x3EFB] =	sst s6  }
0xf: {  	[smem:$0x3EFC] =	sst s7  }
0x10: {  	[smem:$0x3EFD] =	sst s8  }
0x11: {  	[smem:$0x3EFE] =	sst s9;
	s0 =	simm.s32 @!p0 $0x0  }
0x12: {  	s1 =	sld [smem:$0x3EE4];
	s0 =	simm.s32 @p0 $0x1  }
0x13: {  	[smem:$0x3EFF] =	sst s0;
	s0 =	simm.s32 @!p1 $0x0  }
0x14: {  	s2 =	sld [smem:$0x3EE3];
	s0 =	simm.s32 @p1 $0x1  }
0x15: {  	[smem:$0x3F00] =	sst s0;
	s0 =	simm.s32 @!p2 $0x0  }
0x16: {  	s3 =	sld [smem:$0x3FDB];
	s0 =	simm.s32 @p2 $0x1  }
0x17: {  	s4 =	simm.s32 $0x1BF5;
	[smem:$0x3F02] =	sst s0  }
0x18: {  	s0 =	sld [smem:$0x3EE5];
	_ =	swait.ge [sflag:s4], $0x0  }
0x19: {  	s7 =	sld [smem:$0x3EE6]  }
0x1a: {  	s8 =	sadd.s32 $0xFFFFE003, lr  }
0x1b: {  	s9 =	sadd.s32 $0xFFFFFEF7, lr;
	s5 =	simm.s32 $0xFFFFFFFF;
	p2 =	slt.u32 s8, $0xFFFFF086  }
0x1c: {  	p1 =	slt.u32 s9, $0xF7A;
	s5 =	simm.s32 @!p2 $0x0  }
0x1d: {  	s5 =	simm.s32 @p1 $0x1;
	p0 =	seq.s32 s7, s2  }
0x1e: {  	s7 =	smul.u32 @!p0 $0xF7A, s2;
	p2 =	seq.s32 @!p0 s5, $0x0  }
0x1f: {  	s9 =	smul.u32 $0xF7A, s1;
	s8 =	simm.s32 @!p0 $0x1BF5;
	p2 =	por !p2, p0  }
0x20: {  	[sflag:s8] =	ssyncset.s32 @!p0 $0xFFFFF086;
	s6 =	sadd.s32 @!p0 s3, s7;
	s7 =	simm.s32 @!p0 $0x108  }
0x21: {  	s3 =	sadd.s32 s3, s9;
	s6 =	sadd.s32 @!p0 $0x88, s6;
	s7 =	simm.s32 @p2 $0x1082  }
0x22: {  	[simem:s7], [sflag:s8] =	dma.local @!p0 [hbm:s6], $0xF7A  }
0x23: {  	s9 =	sor.u32 $0xD0000000, s2;
	s6 =	simm.s32 $0x108;
	_ =	swait.ge @!p0 [sflag:s8], $0x0  }
0x24: {  	s3 =	sadd.s32 $0x88, s3;
	s6 =	simm.s32 @!p1 $0x1082;
	[sflag:s4] =	ssyncset.s32 $0xFFFFF086  }
0x25: {  	[simem:s6], [sflag:s4] =	dma.local [hbm:s3], $0xF7A  }
0x26: {  	[smem:$0x3EE6] =	sst s1;
	(tag) =	ssettag s2;
	_ =	strace s9  }
0x27: {  	s1 =	sld [smem:$0x3EF6]  }
0x28: {  	s2 =	sld [smem:$0x3EF7]  }
0x29: {  	s4 =	sld [smem:$0x3EF9]  }
0x2a: {  	p0 =	seq.s32 s5, $0x0;
	s5 =	sld [smem:$0x3EFA]  }
0x2b: {  	s6 =	sld [smem:$0x3EFB]  }
0x2c: {  	s7 =	sld [smem:$0x3EFC]  }
0x2d: {  	s3 =	simm.s32 $0x108;
	s8 =	sld [smem:$0x3EFD]  }
0x2e: {  	s3 =	simm.s32 @!p0 $0x1082;
	s9 =	sld [smem:$0x3EFE]  }
0x2f: {  	lr =	sadd.s32 s0, s3;
	s0 =	sld [smem:$0x3EF5]  }
0x30: {  	s3 =	sld [smem:$0x3EF8]  }
0x31: {  	[smem:$0x3F01] =	sst s10  }
0x32: {  	s10 =	sld [smem:$0x3EFF];
	_ =	sdelay $0x3  }
0x33: {  	p0 =	seq.s32 s10, $0x1;
	s10 =	sld [smem:$0x3F01];
	_ =	sdelay $0x3  }
0x34: {  	[smem:$0x3F01] =	sst s10  }
0x35: {  	s10 =	sld [smem:$0x3F00];
	_ =	sdelay $0x3  }
0x36: {  	p1 =	seq.s32 s10, $0x1;
	s10 =	sld [smem:$0x3F01];
	_ =	sdelay $0x3  }
0x37: {  	[smem:$0x3F01] =	sst s10  }
0x38: {  	s10 =	sld [smem:$0x3F02]  }
0x39: {  	_ = 	snop;
	(pc) =	sbr.ind lr, $3  }
0x3a: {  	_ = 	snop  }
0x3b: {  	_ = 	snop  }
0x3c: {  	p2 =	seq.s32 s10, $0x1;
	s10 =	sld [smem:$0x3F01]  }
0x3d: {  	_ =	shalt  }
0x3e: {  	_ =	shalt  }
0x3f: {  	_ =	shalt  }
0x40: {  	_ =	shalt  }
0x41: {  	_ =	shalt  }
0x42: {  	_ =	shalt  }
0x43: {  	_ =	shalt  }
0x44: {  	_ =	shalt  }
0x45: {  	_ =	shalt  }
0x46: {  	_ =	shalt  }
0x47: {  	_ =	shalt  }
0x48: {  	_ =	shalt  }
0x49: {  	_ =	shalt  }
0x4a: {  	_ =	shalt  }
0x4b: {  	_ =	shalt  }
0x4c: {  	_ =	shalt  }
0x4d: {  	_ =	shalt  }
0x4e: {  	_ =	shalt  }
0x4f: {  	_ =	shalt  }
0x50: {  	_ =	shalt  }
0x51: {  	_ =	shalt  }
0x52: {  	_ =	shalt  }
0x53: {  	_ =	shalt  }
0x54: {  	_ =	shalt  }
0x55: {  	_ =	shalt  }
0x56: {  	_ =	shalt  }
0x57: {  	_ =	shalt  }
0x58: {  	_ =	shalt  }
0x59: {  	_ =	shalt  }
0x5a: {  	_ =	shalt  }
0x5b: {  	_ =	shalt  }
0x5c: {  	_ =	shalt  }
0x5d: {  	_ =	shalt  }
0x5e: {  	_ =	shalt  }
0x5f: {  	_ =	shalt  }
0x60: {  	_ =	shalt  }
0x61: {  	_ =	shalt  }
0x62: {  	_ =	shalt  }
0x63: {  	_ =	shalt  }
0x64: {  	_ =	shalt  }
0x65: {  	_ =	shalt  }
0x66: {  	_ =	shalt  }
0x67: {  	_ =	shalt  }
0x68: {  	_ =	shalt  }
0x69: {  	_ =	shalt  }
0x6a: {  	_ =	shalt  }
0x6b: {  	_ =	shalt  }
0x6c: {  	_ =	shalt  }
0x6d: {  	_ =	shalt  }
0x6e: {  	_ =	shalt  }
0x6f: {  	_ =	shalt  }
0x70: {  	_ =	shalt  }
0x71: {  	_ =	shalt  }
0x72: {  	_ =	shalt  }
0x73: {  	_ =	shalt  }
0x74: {  	_ =	shalt  }
0x75: {  	_ =	shalt  }
0x76: {  	_ =	shalt  }
0x77: {  	_ =	shalt  }
0x78: {  	_ =	shalt  }
0x79: {  	_ =	shalt  }
0x7a: {  	_ =	shalt  }
0x7b: {  	_ =	shalt  }
0x7c: {  	_ =	shalt  }
0x7d: {  	_ =	shalt  }
0x7e: {  	_ =	shalt  }
0x7f: {  	_ =	shalt  }
0x80: {  	_ =	shalt  }
0x81: {  	_ =	shalt  }
0x82: {  	_ =	shalt  }
0x83: {  	_ =	shalt  }
0x84: {  	_ =	shalt  }
0x85: {  	_ =	shalt  }
0x86: {  	_ =	shalt  }
0x87: {  	_ =	shalt  }
.Lfunc_end0:
.L_simem_size_0:
called_computation.1_lowered:
.L_overlay_start_0:
0x88: {  	s2 =	sld [smem:$0x3FD9]  }
0x89: {  	s3 =	sld [smem:$0x3FFE];
	_ =	sdelay $0x1  }
0x8a: {  	s1 =	srdreg.scid  }
0x8b: {  	s0 =	sand.u32 $0x1, s1  }
0x8c: {  	s16 =	sshll.u32 s0, $0xA;
	s2 =	sadd.s32 s3, s2  }
0x8d: {  	s2 =	sadd.s32 s2, s16  }
0x8e: {  	[smem:$0x3F0D] =	sst s2  }
0x8f: {  	_ = 	snop  }
0x90: {  	(tm) =	ssettm $0x1  }
0x91: {  	s17 =	sld [smem:$0x3FFB];
	_ =	sdelay $0x3  }
0x92: {  	_ =	strace s17  }
0x93: {  	s2 =	sld [smem:$0x3FFC];
	_ =	sdelay $0x3  }
0x94: {  	_ =	strace s2  }
0x95: {  	s2 =	sld [smem:$0x3FFD];
	_ =	sdelay $0x3  }
0x96: {  	_ =	strace s2  }
0x97: {  	_ =	strace $0x8FFFFFFF  }
0x98: {  	s18 =	sld [smem:$0x3FDB];
	_ =	sdelay $0x1  }
0x99: {  	s19 =	simm.s32 $_scs_section_size  }
0x9a: {  	s4 =	simm.s32 $_size__tile_overlayer_lowered;
	s5 =	simm.s32 $_tile_overlayer_lowered  }
0x9b: {  	s22 =	simm.s32 $0x1BFF;
	s21 =	sshll.u32 s5, $0x1;
	s2 =	sadd.s32 s19, s18  }
0x9c: {  	s6 =	simm.s32 $0x0;
	s20 =	sshll.u32 s4, $0x1;
	s4 =	sadd.s32 s21, s2  }
0x9d: {  	[timem:s6], [sflag:s22] =	dma.local [hbm:s4], s20  }
0x9e: {  	_ =	swait.ge [sflag:s22], s20  }
0x9f: {  	s3 =	ssub.s32 $0x0, s20;
	[sflag:s22] =	ssyncset.done $0x0  }
0xa0: {  	[sflag:s22] =	ssyncadd.s32 s3;
	_ =	sdelay $0x1  }
0xa1: {  	s23 =	simm.s32 $0x1B8B  }
0xa2: {  	_ =	swait.ge [sflag:s23], $0x1  }
0xa3: {  	[sflag:s23] =	ssyncset.done $0x0  }
0xa4: {  	s25 =	simm.s32 $0x1B8E;
	s24 =	sld [smem:$0x3FFE];
	[sflag:s23] =	ssyncadd.s32 $0xFFFFFFFF  }
0xa5: {  	s26 =	simm.s32 $execute0_lowered;
	[smem:$0x3FD2] =	sst s25  }
0xa6: {  	s4 =	sshll.u32 s26, $0x1;
	_ =	strace $0x8000004C;
	[dreg:$0x1] =	wrdreg $0xFFFFFFFF  }
0xa7: {  	s28 =	simm.s32 $_size_execute0_lowered;
	s2 =	sadd.s32 s2, s4;
	[dreg:$0x0] =	wrdreg $0x0  }
0xa8: {  	s4 =	sshll.u32 s28, $0x1;
	[dreg:$0x2] =	wrdreg s2  }
0xa9: {  	[dreg:$0x3] =	wrdreg s4  }
0xaa: {  	[dreg:$0x4] =	wrdreg $0xC0  }
0xab: {  	_ =	task [dreg:s6], $0x5FFFF  }
0xac: {  	[dreg:$0x1] =	wrdreg $0xFFFFFFFF  }
0xad: {  	[dreg:$0x0] =	wrdreg $0x60  }
0xae: {  	[dreg:$0x2] =	wrdreg s24  }
0xaf: {  	[dreg:$0x3] =	wrdreg $0x94000  }
0xb0: {  	[dreg:$0x4] =	wrdreg $0x9  }
0xb1: {  	_ =	task.clear_ibuf [dreg:s6], $0x5FFFF;
	_ =	strace $0x9000004C  }
0xb2: {  	s29 =	simm.s32 $0x9;
	_ =	strace $0x8000004E  }
0xb3: {  	_ =	swait.ge [sflag:s29], $0x1  }
0xb4: {  	[sflag:s29] =	ssyncadd.s32 $0xFFFFFFFF  }
0xb5: {  	_ =	strace $0x9000004E  }
0xb6: {  	_ =	sfence  }
0xb7: {  	s30 =	sld [smem:$0x0];
	_ =	sdelay $0x2  }
0xb8: {  	s31 =	sshll.u32 s1, $0xD;
	s1 =	sshrl.u32 s1, $0x2  }
0xb9: {  	s3 =	sand.u32 $0x4000, s31;
	s1 =	sadd.s32 s1, s30  }
0xba: {  	s0 =	sor.u32 s3, s0;
	s1 =	sshll.u32 s1, $0x11  }
0xbb: {  	s0 =	sor.u32 s1, s0  }
0xbc: {  	s0 =	sadd.s32 $0x8F2B, s0  }
0xbd: {  	[sflag:s0] =	ssyncadd.remote.s32 $0x1  }
0xbe: {  	_ =	sfence.sel $0xFFFF  }
0xbf: {  	[dreg:$0x0] =	wrdreg $0xFFFFFFFF;
	(pc) =	sbr.abs _section_cstart, $3  }
0xc0: {  	[dreg:$0x1] =	wrdreg $0xFFFFFFFF  }
0xc1: {  	_ =	task.clear_ibuf [dreg:s6], $0x2FFFF;
	_ =	strace $0x9FFFFFFF  }
0xc2: {  	(tm) =	ssettm $0x7FFFFFFF  }
0xc3: {  	_ =	shalt  }
tec
execute0_lowered:
.L_overlay_start_1:
0x0: {  	(tag) =	ssettag $0x1  }
0x1: {  	s5 =	rddreg [dreg:$0x0];
	s1 =	srdreg.scid  }
0x2: {  	s0 =	stileid.u32;
	s2 =	rddreg [dreg:$0x1]  }
0x3: {  	s3 =	simm.s32 $0x0;
	s15 =	simm.s32 $0x1;
	s13 =	smul.u32 $0x4F000, s0  }
0x4: {  	s16 =	simm.s32 $0x80;
	s17 =	simm.s32 $0x2;
	s28 =	smul.u32 $0x28000, s0  }
0x5: {  	s6 =	sand.u32 $0x1, s1;
	s1 =	rddreg [dreg:$0x2];
	s19 =	smul.u32 $0x2780, s0  }
0x6: {  	s4 =	sshll.u32 s0, $0x1;
	[smem:$0x7FF] =	sst s3;
	s10 =	smul.u32 $0x27800, s6  }
0x7: {  	s8 =	sadd.s32 $0x31F800, s5;
	s7 =	sor.u32 s6, s4;
	s29 =	smul.u32 $0x14000, s6  }
0x8: {  	s26 =	sshll.u32 s0, $0x6;
	s11 =	ssub.s32 $0x2, s6;
	s4 =	smul.u32 $0x280, s7  }
0x9: {  	_ =	strace $0x8000004D;
	s12 =	sshrl.u32 s11, $0x1;
	s7 =	smul.u32 $0x14000, s7  }
0xa: {  	s25 =	sshrl.u32 s13, $0x2;
	s30 =	sadd.s32 s28, s8;
	s13 =	simm.s32 $0x1400  }
0xb: {  	s10 =	sadd.s32 s10, s5;
	s11 =	ssub.s32 s11, s12;
	s14 =	sadd.s32 s25, s2  }
0xc: {  	s31 =	sadd.s32 s29, s30;
	s12 =	simm.s32 $0x3;
	s9 =	sadd.s32 s4, s5  }
0xd: {  	s4 =	sadd.s32 $0x44C00, s5;
	s5 =	sor.u32 $0x1C03, s26;
	s18 =	sadd.s32 $0x93000, s10  }
0xe: {  	s7 =	sadd.s32 s8, s7;
	s8 =	smax.u32 s11, $0x1;
	s10 =	sadd.s32 $0x1800, s31  }
0xf: {  	s11 =	sshrl.u32 s14, $0x3;
	s14 =	simm.s32 $0x5400;
	s6 =	sadd.s32 $0x2EBC00, s9  }
0x10: {  	s9 =	sadd.s32 $0x800, s7;
	s18 =	sadd.s32 s19, s18;
	s19 =	simm.s32 $0x0  }
.LBB2_1:
0x11: {  	[spmem:s11], [sflag:s5] =	dma.local [hbm:s4], $0x2780  }
0x12: {  	_ =	swait.ge [sflag:s12], $0x2780  }
0x13: {  	[sflag:s12] =	ssyncset.done $0x0  }
0x14: {  	[sflag:s12] =	ssyncadd.s32 $0xFFFFD880  }
0x15: {  	[tilespmem:s3], [sflag:$0x3] =	stream.linear.gather [hbm4b:s6+s3], $0x1400, $0x38;
	[tilespmem:$0x1D000] =	vst v63  }
0x16: {  	_ =	swait.ge [sflag:s12], $0x1400  }
0x17: {  	[sflag:s12] =	ssyncset.done $0x0  }
0x18: {  	[sflag:s12] =	ssyncadd.s32 $0xFFFFEC00  }
0x19: {  	[bflag:$0x0] =	sbarrier.arrive $0xFFFF  }
0x1a: {  	[tilespmem:s13], [sflag:$0x1] =	stream.linear.gather [hbm4b:s7+s3], $0x4000, $0x38;
	[tilespmem:$0x1D000] =	vst v63  }
0x1b: {  	_ = 	snop  }
0x1c: {  	[tilespmem:s14], [sflag:$0x1] =	stream.linear.gather [hbm4b:s9+s3], $0x4000, $0x38;
	[tilespmem:$0x1D000] =	vst v63  }
0x1d: {  	_ =	swait.ge [sflag:s15], $0x4000  }
0x1e: {  	[sflag:s15] =	ssyncset.done $0x0  }
0x1f: {  	[sflag:s15] =	ssyncadd.s32 $0xFFFFC000  }
0x20: {  	_ =	swait.ge [sflag:s15], $0x4000  }
0x21: {  	[sflag:s15] =	ssyncset.done $0x0  }
0x22: {  	[sflag:s15] =	ssyncadd.s32 $0xFFFFC000  }
0x23: {  	[spmem:s2] =	stream.indirect.scatter.add.f32 [tilespmem:s13], [sflag:$0x2], $0x80, s3, s16, $0xb8;
	[tilespmem:$0x1D000] =	vst v63  }
0x24: {  	_ = 	snop  }
0x25: {  	[spmem:s2] =	stream.indirect.scatter.add.f32 [tilespmem:s14], [sflag:$0x2], $0x80, s16, s16, $0xb8;
	[tilespmem:$0x1D000] =	vst v63  }
0x26: {  	_ =	swait.ge [sflag:s17], $0x4000  }
0x27: {  	[sflag:s17] =	ssyncset.done $0x0  }
0x28: {  	[sflag:s17] =	ssyncadd.s32 $0xFFFFC000  }
0x29: {  	_ =	swait.ge [sflag:s17], $0x4000  }
0x2a: {  	[sflag:s17] =	ssyncset.done $0x0  }
0x2b: {  	s20 =	sadd.s32 $0xFFFFF800, s10;
	[sflag:s17] =	ssyncadd.s32 $0xFFFFC000  }
0x2c: {  	[tilespmem:s13], [sflag:$0x1] =	stream.linear.gather [hbm4b:s20+s3], $0x4000, $0x38;
	[tilespmem:$0x1D000] =	vst v63  }
0x2d: {  	_ = 	snop  }
0x2e: {  	[tilespmem:s14], [sflag:$0x1] =	stream.linear.gather [hbm4b:s10+s3], $0x4000, $0x38;
	[tilespmem:$0x1D000] =	vst v63  }
0x2f: {  	_ =	swait.ge [sflag:s15], $0x4000  }
0x30: {  	[sflag:s15] =	ssyncset.done $0x0  }
0x31: {  	[sflag:s15] =	ssyncadd.s32 $0xFFFFC000  }
0x32: {  	_ =	swait.ge [sflag:s15], $0x4000  }
0x33: {  	s31 =	simm.s32 $0x100;
	s22 =	simm.s32 $0x180;
	[sflag:s15] =	ssyncset.done $0x0  }
0x34: {  	s21 =	sadd.s32 $0x1000, s10;
	s20 =	simm.s32 $0x400;
	[sflag:s15] =	ssyncadd.s32 $0xFFFFC000  }
0x35: {  	[spmem:s2] =	stream.indirect.scatter.add.f32 [tilespmem:s13], [sflag:$0x2], $0x80, s31, s16, $0xb8;
	[tilespmem:$0x1D000] =	vst v63  }
.LBB2_2:
0x36: {  	[spmem:s2] =	stream.indirect.scatter.add.f32 [tilespmem:s14], [sflag:$0x2], $0x80, s22, s16, $0xb8;
	[tilespmem:$0x1D000] =	vst v63  }
0x37: {  	s22 =	smov.u32 s20  }
0x38: {  	p0 =	sne.s32 s20, $0x4800;
	s20 =	sadd.s32 $0x400, s20;
	_ =	swait.ge [sflag:s17], $0x4000  }
0x39: {  	[sflag:s17] =	ssyncset.done $0x0  }
0x3a: {  	[sflag:s17] =	ssyncadd.s32 $0xFFFFC000  }
0x3b: {  	_ =	swait.ge [sflag:s17], $0x4000  }
0x3c: {  	[sflag:s17] =	ssyncset.done $0x0  }
0x3d: {  	s23 =	sadd.s32 $0xFFFFF800, s21;
	[sflag:s17] =	ssyncadd.s32 $0xFFFFC000  }
0x3e: {  	[tilespmem:s13], [sflag:$0x1] =	stream.linear.gather [hbm4b:s23+s3], $0x4000, $0x38;
	[tilespmem:$0x1D000] =	vst v63  }
0x3f: {  	_ = 	snop  }
0x40: {  	[tilespmem:s14], [sflag:$0x1] =	stream.linear.gather [hbm4b:s21+s3], $0x4000, $0x38;
	[tilespmem:$0x1D000] =	vst v63  }
0x41: {  	_ =	swait.ge [sflag:s15], $0x4000  }
0x42: {  	[sflag:s15] =	ssyncset.done $0x0  }
0x43: {  	[sflag:s15] =	ssyncadd.s32 $0xFFFFC000  }
.Ltmp0:
0x44: {  	_ =	swait.ge [sflag:s15], $0x4000;
	(pc) =	sbr.rel @p0 .LBB2_2-.Ltmp0, $4  }
0x45: {  	s22 =	sshra.s32 s22, $0x2;
	[sflag:s15] =	ssyncset.done $0x0  }
0x46: {  	s23 =	sadd.s32 $0x100, s22;
	[sflag:s15] =	ssyncadd.s32 $0xFFFFC000  }
0x47: {  	[spmem:s2] =	stream.indirect.scatter.add.f32 [tilespmem:s13], [sflag:$0x2], $0x80, s23, s16, $0xb8;
	[tilespmem:$0x1D000] =	vst v63  }
0x48: {  	s22 =	sadd.s32 $0x180, s22;
	s21 =	sadd.s32 $0x1000, s21  }
0x49: {  	[spmem:s2] =	stream.indirect.scatter.add.f32 [tilespmem:s14], [sflag:$0x2], $0x80, s22, s16, $0xb8;
	[tilespmem:$0x1D000] =	vst v63  }
0x4a: {  	_ =	swait.ge [sflag:s17], $0x4000  }
0x4b: {  	[sflag:s17] =	ssyncset.done $0x0  }
0x4c: {  	[sflag:s17] =	ssyncadd.s32 $0xFFFFC000  }
0x4d: {  	_ =	swait.ge [sflag:s17], $0x4000  }
0x4e: {  	s19 =	sadd.s32 $0x1, s19;
	[sflag:s17] =	ssyncset.done $0x0  }
0x4f: {  	p0 =	sne.s32 s19, s8;
	[sflag:s17] =	ssyncadd.s32 $0xFFFFC000  }
.Ltmp1:
0x50: {  	[bflag:$0x0] =	sbarrier.arrive $0xFFFF;
	(pc) =	sbr.rel @p0 .LBB2_1-.Ltmp1, $4  }
0x51: {  	[hbm:s18], [sflag:s5] =	dma.local [spmem:s11], $0x2780  }
0x52: {  	_ =	swait.ge [sflag:s12], $0x2780  }
0x53: {  	[sflag:s12] =	ssyncset.done $0x0  }
0x54: {  	[sflag:s12] =	ssyncadd.s32 $0xFFFFD880  }
0x55: {  	_ =	sfence.sel $0x180000  }
0x56: {  	[bflag:$0x0] =	sbarrier.arrive $0xFFFF  }
0x57: {  	p0 =	sne.s32 s0, $0x0;
	_ =	strace $0x9000004D  }
0x58: {  	s0 =	sadd.s32 @!p0 $0x100000, s1;
	[bflag:$0x2] =	sbarrier.arrive $0xFFFF  }
0x59: {  	[sflag:s0] =	ssyncadd.tile.s32 @!p0 $0x1;
	_ =	shalt  }
.Lfunc_end2:
_tile_overlayer_lowered:
.L_overlay_start_2:
0x5a: {  	(tag) =	ssettag $0x2  }
0x5b: {  	s0 =	rddreg [dreg:$0x0];
	s2 =	stileid.u32  }
0x5c: {  	s1 =	rddreg [dreg:$0x1];
	p0 =	sne.s32 s2, $0x0  }
0x5d: {  	s3 =	rddreg [dreg:$0x2];
	[bflag:$0x3] =	sbarrier.arrive $0xFFFF;
	s2 =	simm.s32 @!p0 $0x1C03  }
0x5e: {  	[timem:s3], [sflag:s2] =	dma.local @!p0 [hbm:s0], s1  }
0x5f: {  	s0 =	simm.s32 @!p0 $0x3  }
0x60: {  	_ =	swait.ge @!p0 [sflag:s0], s1  }
0x61: {  	s1 =	ssub.s32 @!p0 $0x0, s1;
	[sflag:s0] =	ssyncset.done @!p0 $0x0  }
0x62: {  	[sflag:s0] =	ssyncadd.s32 @!p0 s1  }
0x63: {  	[bflag:$0x3] =	sbarrier.arrive $0xFFFF  }
0x64: {  	_ =	shalt  }

// kernel: kernel.6.cloned.1.call-start
scs
__scs_entry_jumppad:
0x0: {  	(pc) =	sbr.rel $0x88, $3  }
0x1: {  	(tag) =	ssettag $0x0;
	lr =	simm.s32 $0x1  }
0x2: {  	[smem:$0x3EE6] =	sst lr;
	_ =	strace $0xD0000000  }
0x3: {  	_ = 	snop  }
0x4: {  	_ = 	snop  }
0x5: {  	_ = 	snop  }
0x6: {  	_ = 	snop  }
0x7: {  	_ = 	snop  }
__scs_overlays_trampoline_lowered:
0x8: {  	[smem:$0x3EF5] =	sst s0  }
0x9: {  	[smem:$0x3EF6] =	sst s1  }
0xa: {  	[smem:$0x3EF7] =	sst s2  }
0xb: {  	[smem:$0x3EF8] =	sst s3  }
0xc: {  	[smem:$0x3EF9] =	sst s4  }
0xd: {  	[smem:$0x3EFA] =	sst s5  }
0xe: {  	[smem:$0x3EFB] =	sst s6  }
0xf: {  	[smem:$0x3EFC] =	sst s7  }
0x10: {  	[smem:$0x3EFD] =	sst s8  }
0x11: {  	[smem:$0x3EFE] =	sst s9;
	s0 =	simm.s32 @!p0 $0x0  }
0x12: {  	s1 =	sld [smem:$0x3EE4];
	s0 =	simm.s32 @p0 $0x1  }
0x13: {  	[smem:$0x3EFF] =	sst s0;
	s0 =	simm.s32 @!p1 $0x0  }
0x14: {  	s2 =	sld [smem:$0x3EE3];
	s0 =	simm.s32 @p1 $0x1  }
0x15: {  	[smem:$0x3F00] =	sst s0;
	s0 =	simm.s32 @!p2 $0x0  }
0x16: {  	s3 =	sld [smem:$0x3FDB];
	s0 =	simm.s32 @p2 $0x1  }
0x17: {  	s4 =	simm.s32 $0x1BF5;
	[smem:$0x3F02] =	sst s0  }
0x18: {  	s0 =	sld [smem:$0x3EE5];
	_ =	swait.ge [sflag:s4], $0x0  }
0x19: {  	s7 =	sld [smem:$0x3EE6]  }
0x1a: {  	s8 =	sadd.s32 $0xFFFFE003, lr  }
0x1b: {  	s9 =	sadd.s32 $0xFFFFFEF7, lr;
	s5 =	simm.s32 $0xFFFFFFFF;
	p2 =	slt.u32 s8, $0xFFFFF086  }
0x1c: {  	p1 =	slt.u32 s9, $0xF7A;
	s5 =	simm.s32 @!p2 $0x0  }
0x1d: {  	s5 =	simm.s32 @p1 $0x1;
	p0 =	seq.s32 s7, s2  }
0x1e: {  	s7 =	smul.u32 @!p0 $0xF7A, s2;
	p2 =	seq.s32 @!p0 s5, $0x0  }
0x1f: {  	s9 =	smul.u32 $0xF7A, s1;
	s8 =	simm.s32 @!p0 $0x1BF5;
	p2 =	por !p2, p0  }
0x20: {  	[sflag:s8] =	ssyncset.s32 @!p0 $0xFFFFF086;
	s6 =	sadd.s32 @!p0 s3, s7;
	s7 =	simm.s32 @!p0 $0x108  }
0x21: {  	s3 =	sadd.s32 s3, s9;
	s6 =	sadd.s32 @!p0 $0x88, s6;
	s7 =	simm.s32 @p2 $0x1082  }
0x22: {  	[simem:s7], [sflag:s8] =	dma.local @!p0 [hbm:s6], $0xF7A  }
0x23: {  	s9 =	sor.u32 $0xD0000000, s2;
	s6 =	simm.s32 $0x108;
	_ =	swait.ge @!p0 [sflag:s8], $0x0  }
0x24: {  	s3 =	sadd.s32 $0x88, s3;
	s6 =	simm.s32 @!p1 $0x1082;
	[sflag:s4] =	ssyncset.s32 $0xFFFFF086  }
0x25: {  	[simem:s6], [sflag:s4] =	dma.local [hbm:s3], $0xF7A  }
0x26: {  	[smem:$0x3EE6] =	sst s1;
	(tag) =	ssettag s2;
	_ =	strace s9  }
0x27: {  	s1 =	sld [smem:$0x3EF6]  }
0x28: {  	s2 =	sld [smem:$0x3EF7]  }
0x29: {  	s4 =	sld [smem:$0x3EF9]  }
0x2a: {  	p0 =	seq.s32 s5, $0x0;
	s5 =	sld [smem:$0x3EFA]  }
0x2b: {  	s6 =	sld [smem:$0x3EFB]  }
0x2c: {  	s7 =	sld [smem:$0x3EFC]  }
0x2d: {  	s3 =	simm.s32 $0x108;
	s8 =	sld [smem:$0x3EFD]  }
0x2e: {  	s3 =	simm.s32 @!p0 $0x1082;
	s9 =	sld [smem:$0x3EFE]  }
0x2f: {  	lr =	sadd.s32 s0, s3;
	s0 =	sld [smem:$0x3EF5]  }
0x30: {  	s3 =	sld [smem:$0x3EF8]  }
0x31: {  	[smem:$0x3F01] =	sst s10  }
0x32: {  	s10 =	sld [smem:$0x3EFF];
	_ =	sdelay $0x3  }
0x33: {  	p0 =	seq.s32 s10, $0x1;
	s10 =	sld [smem:$0x3F01];
	_ =	sdelay $0x3  }
0x34: {  	[smem:$0x3F01] =	sst s10  }
0x35: {  	s10 =	sld [smem:$0x3F00];
	_ =	sdelay $0x3  }
0x36: {  	p1 =	seq.s32 s10, $0x1;
	s10 =	sld [smem:$0x3F01];
	_ =	sdelay $0x3  }
0x37: {  	[smem:$0x3F01] =	sst s10  }
0x38: {  	s10 =	sld [smem:$0x3F02]  }
0x39: {  	_ = 	snop;
	(pc) =	sbr.ind lr, $3  }
0x3a: {  	_ = 	snop  }
0x3b: {  	_ = 	snop  }
0x3c: {  	p2 =	seq.s32 s10, $0x1;
	s10 =	sld [smem:$0x3F01]  }
0x3d: {  	_ =	shalt  }
0x3e: {  	_ =	shalt  }
0x3f: {  	_ =	shalt  }
0x40: {  	_ =	shalt  }
0x41: {  	_ =	shalt  }
0x42: {  	_ =	shalt  }
0x43: {  	_ =	shalt  }
0x44: {  	_ =	shalt  }
0x45: {  	_ =	shalt  }
0x46: {  	_ =	shalt  }
0x47: {  	_ =	shalt  }
0x48: {  	_ =	shalt  }
0x49: {  	_ =	shalt  }
0x4a: {  	_ =	shalt  }
0x4b: {  	_ =	shalt  }
0x4c: {  	_ =	shalt  }
0x4d: {  	_ =	shalt  }
0x4e: {  	_ =	shalt  }
0x4f: {  	_ =	shalt  }
0x50: {  	_ =	shalt  }
0x51: {  	_ =	shalt  }
0x52: {  	_ =	shalt  }
0x53: {  	_ =	shalt  }
0x54: {  	_ =	shalt  }
0x55: {  	_ =	shalt  }
0x56: {  	_ =	shalt  }
0x57: {  	_ =	shalt  }
0x58: {  	_ =	shalt  }
0x59: {  	_ =	shalt  }
0x5a: {  	_ =	shalt  }
0x5b: {  	_ =	shalt  }
0x5c: {  	_ =	shalt  }
0x5d: {  	_ =	shalt  }
0x5e: {  	_ =	shalt  }
0x5f: {  	_ =	shalt  }
0x60: {  	_ =	shalt  }
0x61: {  	_ =	shalt  }
0x62: {  	_ =	shalt  }
0x63: {  	_ =	shalt  }
0x64: {  	_ =	shalt  }
0x65: {  	_ =	shalt  }
0x66: {  	_ =	shalt  }
0x67: {  	_ =	shalt  }
0x68: {  	_ =	shalt  }
0x69: {  	_ =	shalt  }
0x6a: {  	_ =	shalt  }
0x6b: {  	_ =	shalt  }
0x6c: {  	_ =	shalt  }
0x6d: {  	_ =	shalt  }
0x6e: {  	_ =	shalt  }
0x6f: {  	_ =	shalt  }
0x70: {  	_ =	shalt  }
0x71: {  	_ =	shalt  }
0x72: {  	_ =	shalt  }
0x73: {  	_ =	shalt  }
0x74: {  	_ =	shalt  }
0x75: {  	_ =	shalt  }
0x76: {  	_ =	shalt  }
0x77: {  	_ =	shalt  }
0x78: {  	_ =	shalt  }
0x79: {  	_ =	shalt  }
0x7a: {  	_ =	shalt  }
0x7b: {  	_ =	shalt  }
0x7c: {  	_ =	shalt  }
0x7d: {  	_ =	shalt  }
0x7e: {  	_ =	shalt  }
0x7f: {  	_ =	shalt  }
0x80: {  	_ =	shalt  }
0x81: {  	_ =	shalt  }
0x82: {  	_ =	shalt  }
0x83: {  	_ =	shalt  }
0x84: {  	_ =	shalt  }
0x85: {  	_ =	shalt  }
0x86: {  	_ =	shalt  }
0x87: {  	_ =	shalt  }
.Lfunc_end0:
.L_simem_size_0:
called_computation.2_lowered:
.L_overlay_start_0:
0x88: {  	s2 =	sld [smem:$0x3FD9]  }
0x89: {  	s3 =	sld [smem:$0x3FFE];
	_ =	sdelay $0x1  }
0x8a: {  	s1 =	srdreg.scid  }
0x8b: {  	s0 =	sand.u32 $0x1, s1  }
0x8c: {  	s16 =	sshll.u32 s0, $0xA;
	s2 =	sadd.s32 s3, s2  }
0x8d: {  	s2 =	sadd.s32 s2, s16  }
0x8e: {  	[smem:$0x3F0D] =	sst s2  }
0x8f: {  	_ = 	snop  }
0x90: {  	(tm) =	ssettm $0x1  }
0x91: {  	s17 =	sld [smem:$0x3FFB];
	_ =	sdelay $0x3  }
0x92: {  	_ =	strace s17  }
0x93: {  	s2 =	sld [smem:$0x3FFC];
	_ =	sdelay $0x3  }
0x94: {  	_ =	strace s2  }
0x95: {  	s2 =	sld [smem:$0x3FFD];
	_ =	sdelay $0x3  }
0x96: {  	_ =	strace s2  }
0x97: {  	_ =	strace $0x8FFFFFFF  }
0x98: {  	s18 =	sld [smem:$0x3FDB];
	_ =	sdelay $0x1  }
0x99: {  	s19 =	simm.s32 $_scs_section_size  }
0x9a: {  	s4 =	simm.s32 $_size__tile_overlayer_lowered;
	s5 =	simm.s32 $_tile_overlayer_lowered  }
0x9b: {  	s22 =	simm.s32 $0x1BFF;
	s21 =	sshll.u32 s5, $0x1;
	s2 =	sadd.s32 s19, s18  }
0x9c: {  	s6 =	simm.s32 $0x0;
	s20 =	sshll.u32 s4, $0x1;
	s4 =	sadd.s32 s21, s2  }
0x9d: {  	[timem:s6], [sflag:s22] =	dma.local [hbm:s4], s20  }
0x9e: {  	_ =	swait.ge [sflag:s22], s20  }
0x9f: {  	s3 =	ssub.s32 $0x0, s20;
	[sflag:s22] =	ssyncset.done $0x0  }
0xa0: {  	[sflag:s22] =	ssyncadd.s32 s3;
	_ =	sdelay $0x1  }
0xa1: {  	s23 =	simm.s32 $0x1B8B  }
0xa2: {  	_ =	swait.ge [sflag:s23], $0x1  }
0xa3: {  	[sflag:s23] =	ssyncset.done $0x0  }
0xa4: {  	s25 =	simm.s32 $0x1B8E;
	s24 =	sld [smem:$0x3FFE];
	[sflag:s23] =	ssyncadd.s32 $0xFFFFFFFF  }
0xa5: {  	s26 =	simm.s32 $execute0_lowered;
	[smem:$0x3FD2] =	sst s25  }
0xa6: {  	s4 =	sshll.u32 s26, $0x1;
	_ =	strace $0x80000046;
	[dreg:$0x1] =	wrdreg $0xFFFFFFFF  }
0xa7: {  	s28 =	simm.s32 $_size_execute0_lowered;
	s2 =	sadd.s32 s2, s4;
	[dreg:$0x0] =	wrdreg $0x0  }
0xa8: {  	s4 =	sshll.u32 s28, $0x1;
	[dreg:$0x2] =	wrdreg s2  }
0xa9: {  	[dreg:$0x3] =	wrdreg s4  }
0xaa: {  	[dreg:$0x4] =	wrdreg $0xC0  }
0xab: {  	_ =	task [dreg:s6], $0x5FFFF  }
0xac: {  	[dreg:$0x1] =	wrdreg $0xFFFFFFFF  }
0xad: {  	[dreg:$0x0] =	wrdreg $0x60  }
0xae: {  	[dreg:$0x2] =	wrdreg s24  }
0xaf: {  	[dreg:$0x3] =	wrdreg $0x9  }
0xb0: {  	_ =	task.clear_ibuf [dreg:s6], $0x4FFFF;
	_ =	strace $0x90000046  }
0xb1: {  	s29 =	simm.s32 $0x9;
	_ =	strace $0x80000048  }
0xb2: {  	_ =	swait.ge [sflag:s29], $0x1  }
0xb3: {  	[sflag:s29] =	ssyncadd.s32 $0xFFFFFFFF  }
0xb4: {  	_ =	strace $0x90000048  }
0xb5: {  	_ =	sfence  }
0xb6: {  	s30 =	sld [smem:$0x0];
	_ =	sdelay $0x2  }
0xb7: {  	s31 =	sshll.u32 s1, $0xD;
	s1 =	sshrl.u32 s1, $0x2  }
0xb8: {  	s3 =	sand.u32 $0x4000, s31;
	s1 =	sadd.s32 s1, s30  }
0xb9: {  	s0 =	sor.u32 s3, s0;
	s1 =	sshll.u32 s1, $0x11  }
0xba: {  	s0 =	sor.u32 s1, s0  }
0xbb: {  	s0 =	sadd.s32 $0x8F2B, s0  }
0xbc: {  	[sflag:s0] =	ssyncadd.remote.s32 $0x1  }
0xbd: {  	_ =	sfence.sel $0xFFFF  }
0xbe: {  	[dreg:$0x0] =	wrdreg $0xFFFFFFFF;
	(pc) =	sbr.abs _section_cstart, $3  }
0xbf: {  	[dreg:$0x1] =	wrdreg $0xFFFFFFFF  }
0xc0: {  	_ =	task.clear_ibuf [dreg:s6], $0x2FFFF;
	_ =	strace $0x9FFFFFFF  }
0xc1: {  	(tm) =	ssettm $0x7FFFFFFF  }
tec
execute0_lowered:
.L_overlay_start_1:
0x0: {  	(tag) =	ssettag $0x1  }
0x1: {  	s1 =	srdreg.scid;
	s0 =	stileid.u32  }
0x2: {  	s4 =	rddreg [dreg:$0x0];
	s2 =	simm.s32 $0x0;
	s10 =	simm.s32 $0x2000  }
0x3: {  	s11 =	simm.s32 $0x80;
	s12 =	simm.s32 $0x4000;
	s13 =	simm.s32 $0x8000  }
0x4: {  	s14 =	simm.s32 $0xC000;
	s15 =	simm.s32 $0x10000;
	s16 =	simm.s32 $0x1  }
0x5: {  	s17 =	simm.s32 $0x2;
	s5 =	sand.u32 $0x1, s1;
	s1 =	rddreg [dreg:$0x1]  }
0x6: {  	s18 =	simm.s32 $0x0;
	s3 =	smul.u32 $0x50, s0;
	[smem:$0x7FF] =	sst s2  }
0x7: {  	s7 =	smul.u32 $0x28000, s0;
	s6 =	sshll.u32 s5, $0x6;
	_ =	strace $0x80000047  }
0x8: {  	s8 =	ssub.s32 $0x2, s5;
	p0 =	seq.s32 s5, $0x0;
	s31 =	sshll.u32 s5, $0x11  }
0x9: {  	s6 =	sadd.s32 s6, s3;
	s3 =	sadd.s32 $0x1DA00, s4;
	s9 =	sshrl.u32 s8, $0x1  }
0xa: {  	s7 =	sadd.s32 s7, s4;
	s6 =	sshll.u32 s6, $0x4;
	s8 =	ssub.s32 s8, s9  }
0xb: {  	s9 =	sadd.s32 s31, s7;
	s6 =	sadd.s32 s6, s4;
	s4 =	simm.s32 $0xFFFFFFF0  }
0xc: {  	s7 =	smax.u32 s8, $0x1;
	s8 =	sadd.s32 $0x6BC00, s9;
	s9 =	simm.s32 $0x3  }
0xd: {  	s4 =	simm.s32 @!p0 $0xFFFFFFFC;
	s5 =	sadd.s32 $0x18600, s6;
	s6 =	sadd.s32 $0x13200, s6  }
.LBB2_1:
0xe: {  	[tilespmem:s2], [sflag:$0x3] =	stream.linear.gather [hbm4b:s5+s2], $0x2000, $0x38;
	[tilespmem:$0x14000] =	vst v63  }
0xf: {  	_ =	swait.ge [sflag:s9], $0x2000  }
0x10: {  	p2 =	sne.s32 s4, $0xFFFFFFFF;
	[sflag:s9] =	ssyncset.done $0x0  }
.Ltmp0:
0x11: {  	[sflag:s9] =	ssyncadd.s32 $0xFFFFE000;
	(pc) =	sbr.rel @!p2 .LBB2_2-.Ltmp0, $4  }
0x12: {  	[tilespmem:s10], [sflag:$0x3] =	stream.linear.gather [hbm4b:s6+s2], $0x2000, $0x38;
	[tilespmem:$0x14000] =	vst v63  }
0x13: {  	_ =	swait.ge [sflag:s9], $0x2000  }
0x14: {  	p0 =	por $0x1, $0x1;
	[sflag:s9] =	ssyncset.done $0x0  }
0x15: {  	p1 =	por $0x0, $0x0;
	p0 =	por p0, p0;
	[sflag:s9] =	ssyncadd.s32 $0xFFFFE000  }
0x16: {  	s19 =	simm.s32 @!p0 $0x2  }
0x17: {  	_ =	swait.ge @!p0 [sflag:s19], $0x4000  }
0x18: {  	[sflag:s19] =	ssyncset.done @!p0 $0x0  }
0x19: {  	[sflag:s19] =	ssyncadd.s32 @!p0 $0xFFFFC000  }
0x1a: {  	_ =	swait.ge @!p0 [sflag:s19], $0x4000  }
0x1b: {  	[sflag:s19] =	ssyncset.done @!p0 $0x0  }
0x1c: {  	[sflag:s19] =	ssyncadd.s32 @!p0 $0xFFFFC000  }
0x1d: {  	_ =	swait.ge @!p0 [sflag:s19], $0x4000  }
0x1e: {  	[sflag:s19] =	ssyncset.done @!p0 $0x0  }
0x1f: {  	[sflag:s19] =	ssyncadd.s32 @!p0 $0xFFFFC000  }
0x20: {  	_ =	swait.ge @!p0 [sflag:s19], $0x4000  }
0x21: {  	[sflag:s19] =	ssyncset.done @!p0 $0x0  }
0x22: {  	s21 =	simm.s32 $0x0;
	[sflag:s19] =	ssyncadd.s32 @!p0 $0xFFFFC000  }
0x23: {  	[tilespmem:s12], [sflag:$0x1] =	stream.indirect.gather [hbm4b:s3+s11], $0x80, s21, s11, $0xb8;
	[tilespmem:$0x14000] =	vst v63  }
0x24: {  	s22 =	simm.s32 $0x80  }
0x25: {  	[tilespmem:s13], [sflag:$0x1] =	stream.indirect.gather [hbm4b:s3+s11], $0x80, s22, s11, $0xb8;
	[tilespmem:$0x14000] =	vst v63  }
0x26: {  	s23 =	simm.s32 $0x100  }
0x27: {  	[tilespmem:s14], [sflag:$0x1] =	stream.indirect.gather [hbm4b:s3+s11], $0x80, s23, s11, $0xb8;
	[tilespmem:$0x14000] =	vst v63  }
0x28: {  	s24 =	simm.s32 $0x180  }
0x29: {  	[tilespmem:s15], [sflag:$0x1] =	stream.indirect.gather [hbm4b:s3+s11], $0x80, s24, s11, $0xb8;
	[tilespmem:$0x14000] =	vst v63  }
0x2a: {  	_ =	swait.ge [sflag:s16], $0x4000  }
0x2b: {  	[sflag:s16] =	ssyncset.done $0x0  }
0x2c: {  	[sflag:s16] =	ssyncadd.s32 $0xFFFFC000  }
0x2d: {  	_ =	swait.ge [sflag:s16], $0x4000  }
0x2e: {  	[sflag:s16] =	ssyncset.done $0x0  }
0x2f: {  	[sflag:s16] =	ssyncadd.s32 $0xFFFFC000  }
0x30: {  	_ =	swait.ge [sflag:s16], $0x4000  }
0x31: {  	[sflag:s16] =	ssyncset.done $0x0  }
0x32: {  	[sflag:s16] =	ssyncadd.s32 $0xFFFFC000  }
0x33: {  	_ =	swait.ge [sflag:s16], $0x4000  }
0x34: {  	[sflag:s16] =	ssyncset.done $0x0  }
0x35: {  	s25 =	simm.s32 $0x2000;
	[sflag:s16] =	ssyncadd.s32 $0xFFFFC000  }
0x36: {  	[tilespmem:s12], [sflag:$0x1] =	stream.indirect.gather.add.f32 [hbm:s3], $0x80, s25, s11, $0xb8;
	[tilespmem:$0x14000] =	vst v63  }
0x37: {  	s26 =	simm.s32 $0x2080  }
0x38: {  	[tilespmem:s13], [sflag:$0x1] =	stream.indirect.gather.add.f32 [hbm:s3], $0x80, s26, s11, $0xb8;
	[tilespmem:$0x14000] =	vst v63  }
0x39: {  	s28 =	simm.s32 $0x2100  }
0x3a: {  	[tilespmem:s14], [sflag:$0x1] =	stream.indirect.gather.add.f32 [hbm:s3], $0x80, s28, s11, $0xb8;
	[tilespmem:$0x14000] =	vst v63  }
0x3b: {  	s29 =	simm.s32 $0x2180  }
0x3c: {  	[tilespmem:s15], [sflag:$0x1] =	stream.indirect.gather.add.f32 [hbm:s3], $0x80, s29, s11, $0xb8;
	[tilespmem:$0x14000] =	vst v63  }
0x3d: {  	_ =	swait.ge [sflag:s16], $0x4000  }
0x3e: {  	[sflag:s16] =	ssyncset.done $0x0  }
0x3f: {  	[sflag:s16] =	ssyncadd.s32 $0xFFFFC000  }
0x40: {  	_ =	swait.ge [sflag:s16], $0x4000  }
0x41: {  	[sflag:s16] =	ssyncset.done $0x0  }
0x42: {  	[sflag:s16] =	ssyncadd.s32 $0xFFFFC000  }
0x43: {  	_ =	swait.ge [sflag:s16], $0x4000  }
0x44: {  	[sflag:s16] =	ssyncset.done $0x0  }
0x45: {  	[sflag:s16] =	ssyncadd.s32 $0xFFFFC000  }
0x46: {  	_ =	swait.ge [sflag:s16], $0x4000  }
0x47: {  	[sflag:s16] =	ssyncset.done $0x0  }
0x48: {  	s30 =	sadd.s32 $0x800, s8;
	p2 =	sne.s32 s4, $0xFFFFFFFE;
	[sflag:s16] =	ssyncadd.s32 $0xFFFFC000  }
0x49: {  	[hbm4b:s8+s2] =	stream.linear.scatter [tilespmem:s12], [sflag:$0x2], $0x4000, $0x38;
	[tilespmem:$0x14000] =	vst v63  }
.Ltmp1:
0x4a: {  	p6 =	por $0x0, $0x0;
	s31 =	sadd.s32 $0x1000, s8;
	(pc) =	sbr.rel @!p2 .LBB2_5-.Ltmp1, $4  }
0x4b: {  	s20 =	simm.s32 $0x800;
	p1 =	por $0x1, $0x1;
	p0 =	por p6, p6  }
0x4c: {  	[hbm4b:s30+s2] =	stream.linear.scatter [tilespmem:s13], [sflag:$0x2], $0x4000, $0x38;
	[tilespmem:$0x14000] =	vst v63  }
0x4d: {  	s19 =	sadd.s32 $0x2000, s8;
	s21 =	simm.s32 $0xFFFFFFFE;
	s22 =	sadd.s32 $0x1800, s8  }
0x4e: {  	[hbm4b:s31+s2] =	stream.linear.scatter [tilespmem:s14], [sflag:$0x2], $0x4000, $0x38;
	[tilespmem:$0x14000] =	vst v63  }
.LBB2_4:
0x4f: {  	[hbm4b:s22+s2] =	stream.linear.scatter [tilespmem:s15], [sflag:$0x2], $0x4000, $0x38;
	[tilespmem:$0x14000] =	vst v63  }
0x50: {  	p3 =	seq.s32 s21, $0x0;
	s21 =	sadd.s32 $0xFFFFFFFF, s21;
	s22 =	simm.s32 @!p0 $0x2  }
0x51: {  	p2 =	sne.s32 s4, s21;
	_ =	swait.ge @!p0 [sflag:s22], $0x4000  }
0x52: {  	[sflag:s22] =	ssyncset.done @!p0 $0x0  }
0x53: {  	[sflag:s22] =	ssyncadd.s32 @!p0 $0xFFFFC000  }
0x54: {  	_ =	swait.ge @!p0 [sflag:s22], $0x4000  }
0x55: {  	[sflag:s22] =	ssyncset.done @!p0 $0x0  }
0x56: {  	[sflag:s22] =	ssyncadd.s32 @!p0 $0xFFFFC000  }
0x57: {  	_ =	swait.ge @!p0 [sflag:s22], $0x4000  }
0x58: {  	[sflag:s22] =	ssyncset.done @!p0 $0x0  }
0x59: {  	[sflag:s22] =	ssyncadd.s32 @!p0 $0xFFFFC000  }
0x5a: {  	_ =	swait.ge @!p0 [sflag:s22], $0x4000  }
0x5b: {  	[sflag:s22] =	ssyncset.done @!p0 $0x0  }
0x5c: {  	[sflag:s22] =	ssyncadd.s32 @!p0 $0xFFFFC000;
	s22 =	sshra.s32 s20, $0x2;
	p0 =	por p3, p3  }
0x5d: {  	[tilespmem:s12], [sflag:$0x1] =	stream.indirect.gather [hbm4b:s3+s11], $0x80, s22, s11, $0xb8;
	[tilespmem:$0x14000] =	vst v63  }
0x5e: {  	s23 =	sadd.s32 $0x80, s22  }
0x5f: {  	[tilespmem:s13], [sflag:$0x1] =	stream.indirect.gather [hbm4b:s3+s11], $0x80, s23, s11, $0xb8;
	[tilespmem:$0x14000] =	vst v63  }
0x60: {  	s23 =	sadd.s32 $0x100, s22  }
0x61: {  	[tilespmem:s14], [sflag:$0x1] =	stream.indirect.gather [hbm4b:s3+s11], $0x80, s23, s11, $0xb8;
	[tilespmem:$0x14000] =	vst v63  }
0x62: {  	s23 =	sadd.s32 $0x180, s22  }
0x63: {  	[tilespmem:s15], [sflag:$0x1] =	stream.indirect.gather [hbm4b:s3+s11], $0x80, s23, s11, $0xb8;
	[tilespmem:$0x14000] =	vst v63  }
0x64: {  	_ =	swait.ge [sflag:s16], $0x4000  }
0x65: {  	[sflag:s16] =	ssyncset.done $0x0  }
0x66: {  	[sflag:s16] =	ssyncadd.s32 $0xFFFFC000  }
0x67: {  	_ =	swait.ge [sflag:s16], $0x4000  }
0x68: {  	[sflag:s16] =	ssyncset.done $0x0  }
0x69: {  	[sflag:s16] =	ssyncadd.s32 $0xFFFFC000  }
0x6a: {  	_ =	swait.ge [sflag:s16], $0x4000  }
0x6b: {  	[sflag:s16] =	ssyncset.done $0x0  }
0x6c: {  	[sflag:s16] =	ssyncadd.s32 $0xFFFFC000  }
0x6d: {  	_ =	swait.ge [sflag:s16], $0x4000  }
0x6e: {  	[sflag:s16] =	ssyncset.done $0x0  }
0x6f: {  	s23 =	sadd.s32 $0x2000, s22;
	[sflag:s16] =	ssyncadd.s32 $0xFFFFC000  }
0x70: {  	[tilespmem:s12], [sflag:$0x1] =	stream.indirect.gather.add.f32 [hbm:s3], $0x80, s23, s11, $0xb8;
	[tilespmem:$0x14000] =	vst v63  }
0x71: {  	s23 =	sadd.s32 $0x2080, s22  }
0x72: {  	[tilespmem:s13], [sflag:$0x1] =	stream.indirect.gather.add.f32 [hbm:s3], $0x80, s23, s11, $0xb8;
	[tilespmem:$0x14000] =	vst v63  }
0x73: {  	s23 =	sadd.s32 $0x2100, s22  }
0x74: {  	[tilespmem:s14], [sflag:$0x1] =	stream.indirect.gather.add.f32 [hbm:s3], $0x80, s23, s11, $0xb8;
	[tilespmem:$0x14000] =	vst v63  }
0x75: {  	s22 =	sadd.s32 $0x2180, s22  }
0x76: {  	[tilespmem:s15], [sflag:$0x1] =	stream.indirect.gather.add.f32 [hbm:s3], $0x80, s22, s11, $0xb8;
	[tilespmem:$0x14000] =	vst v63  }
0x77: {  	_ =	swait.ge [sflag:s16], $0x4000  }
0x78: {  	[sflag:s16] =	ssyncset.done $0x0  }
0x79: {  	[sflag:s16] =	ssyncadd.s32 $0xFFFFC000  }
0x7a: {  	_ =	swait.ge [sflag:s16], $0x4000  }
0x7b: {  	[sflag:s16] =	ssyncset.done $0x0  }
0x7c: {  	[sflag:s16] =	ssyncadd.s32 $0xFFFFC000  }
0x7d: {  	_ =	swait.ge [sflag:s16], $0x4000  }
0x7e: {  	[sflag:s16] =	ssyncset.done $0x0  }
0x7f: {  	[sflag:s16] =	ssyncadd.s32 $0xFFFFC000  }
0x80: {  	_ =	swait.ge [sflag:s16], $0x4000  }
0x81: {  	[sflag:s16] =	ssyncset.done $0x0  }
0x82: {  	[sflag:s16] =	ssyncadd.s32 $0xFFFFC000  }
0x83: {  	[hbm4b:s19+s2] =	stream.linear.scatter [tilespmem:s12], [sflag:$0x2], $0x4000, $0x38;
	[tilespmem:$0x14000] =	vst v63  }
.Ltmp2:
0x84: {  	s22 =	sadd.s32 $0x800, s19;
	(pc) =	sbr.rel @p2 .LBB2_4-.Ltmp2, $4  }
0x85: {  	[hbm4b:s22+s2] =	stream.linear.scatter [tilespmem:s13], [sflag:$0x2], $0x4000, $0x38;
	[tilespmem:$0x14000] =	vst v63  }
0x86: {  	s22 =	sadd.s32 $0x1000, s19  }
0x87: {  	[hbm4b:s22+s2] =	stream.linear.scatter [tilespmem:s14], [sflag:$0x2], $0x4000, $0x38;
	[tilespmem:$0x14000] =	vst v63  }
0x88: {  	s20 =	sadd.s32 $0x800, s20;
	s22 =	sadd.s32 $0x1800, s19;
	s19 =	sadd.s32 $0x2000, s19  }
.LBB2_5:
0x89: {  	[hbm4b:s22+s2] =	stream.linear.scatter @p1 [tilespmem:s15], [sflag:$0x2], $0x4000, $0x38;
	[tilespmem:$0x14000] =	vst v63  }
0x8a: {  	s21 =	simm.s32 @!p0 $0x2  }
0x8b: {  	_ =	swait.ge @!p0 [sflag:s21], $0x4000  }
0x8c: {  	[sflag:s21] =	ssyncset.done @!p0 $0x0  }
0x8d: {  	[sflag:s21] =	ssyncadd.s32 @!p0 $0xFFFFC000  }
0x8e: {  	_ =	swait.ge @!p0 [sflag:s21], $0x4000  }
0x8f: {  	[sflag:s21] =	ssyncset.done @!p0 $0x0  }
0x90: {  	[sflag:s21] =	ssyncadd.s32 @!p0 $0xFFFFC000  }
0x91: {  	_ =	swait.ge @!p0 [sflag:s21], $0x4000  }
0x92: {  	[sflag:s21] =	ssyncset.done @!p0 $0x0  }
0x93: {  	[sflag:s21] =	ssyncadd.s32 @!p0 $0xFFFFC000  }
0x94: {  	_ =	swait.ge @!p0 [sflag:s21], $0x4000  }
0x95: {  	[sflag:s21] =	ssyncset.done @!p0 $0x0  }
0x96: {  	s20 =	sshra.s32 s20, $0x2;
	[sflag:s21] =	ssyncadd.s32 @!p0 $0xFFFFC000  }
0x97: {  	[tilespmem:s12], [sflag:$0x1] =	stream.indirect.gather [hbm4b:s3+s11], $0x80, s20, s11, $0xb8;
	[tilespmem:$0x14000] =	vst v63  }
0x98: {  	s22 =	sadd.s32 $0x80, s20  }
0x99: {  	[tilespmem:s13], [sflag:$0x1] =	stream.indirect.gather [hbm4b:s3+s11], $0x80, s22, s11, $0xb8;
	[tilespmem:$0x14000] =	vst v63  }
0x9a: {  	s23 =	sadd.s32 $0x100, s20  }
0x9b: {  	[tilespmem:s14], [sflag:$0x1] =	stream.indirect.gather [hbm4b:s3+s11], $0x80, s23, s11, $0xb8;
	[tilespmem:$0x14000] =	vst v63  }
0x9c: {  	s24 =	sadd.s32 $0x180, s20  }
0x9d: {  	[tilespmem:s15], [sflag:$0x1] =	stream.indirect.gather [hbm4b:s3+s11], $0x80, s24, s11, $0xb8;
	[tilespmem:$0x14000] =	vst v63  }
0x9e: {  	_ =	swait.ge [sflag:s16], $0x4000  }
0x9f: {  	[sflag:s16] =	ssyncset.done $0x0  }
0xa0: {  	[sflag:s16] =	ssyncadd.s32 $0xFFFFC000  }
0xa1: {  	_ =	swait.ge [sflag:s16], $0x4000  }
0xa2: {  	[sflag:s16] =	ssyncset.done $0x0  }
0xa3: {  	[sflag:s16] =	ssyncadd.s32 $0xFFFFC000  }
0xa4: {  	_ =	swait.ge [sflag:s16], $0x4000  }
0xa5: {  	[sflag:s16] =	ssyncset.done $0x0  }
0xa6: {  	[sflag:s16] =	ssyncadd.s32 $0xFFFFC000  }
0xa7: {  	_ =	swait.ge [sflag:s16], $0x4000  }
0xa8: {  	[sflag:s16] =	ssyncset.done $0x0  }
0xa9: {  	s25 =	sadd.s32 $0x2000, s20;
	[sflag:s16] =	ssyncadd.s32 $0xFFFFC000  }
0xaa: {  	[tilespmem:s12], [sflag:$0x1] =	stream.indirect.gather.add.f32 [hbm:s3], $0x80, s25, s11, $0xb8;
	[tilespmem:$0x14000] =	vst v63  }
0xab: {  	s26 =	sadd.s32 $0x2080, s20  }
0xac: {  	[tilespmem:s13], [sflag:$0x1] =	stream.indirect.gather.add.f32 [hbm:s3], $0x80, s26, s11, $0xb8;
	[tilespmem:$0x14000] =	vst v63  }
0xad: {  	s28 =	sadd.s32 $0x2100, s20  }
0xae: {  	[tilespmem:s14], [sflag:$0x1] =	stream.indirect.gather.add.f32 [hbm:s3], $0x80, s28, s11, $0xb8;
	[tilespmem:$0x14000] =	vst v63  }
0xaf: {  	s20 =	sadd.s32 $0x2180, s20  }
0xb0: {  	[tilespmem:s15], [sflag:$0x1] =	stream.indirect.gather.add.f32 [hbm:s3], $0x80, s20, s11, $0xb8;
	[tilespmem:$0x14000] =	vst v63  }
0xb1: {  	_ =	swait.ge [sflag:s16], $0x4000  }
0xb2: {  	[sflag:s16] =	ssyncset.done $0x0  }
0xb3: {  	[sflag:s16] =	ssyncadd.s32 $0xFFFFC000  }
0xb4: {  	_ =	swait.ge [sflag:s16], $0x4000  }
0xb5: {  	[sflag:s16] =	ssyncset.done $0x0  }
0xb6: {  	[sflag:s16] =	ssyncadd.s32 $0xFFFFC000  }
0xb7: {  	_ =	swait.ge [sflag:s16], $0x4000  }
0xb8: {  	[sflag:s16] =	ssyncset.done $0x0  }
0xb9: {  	[sflag:s16] =	ssyncadd.s32 $0xFFFFC000  }
0xba: {  	_ =	swait.ge [sflag:s16], $0x4000  }
0xbb: {  	[sflag:s16] =	ssyncset.done $0x0  }
0xbc: {  	[sflag:s16] =	ssyncadd.s32 $0xFFFFC000  }
0xbd: {  	[hbm4b:s19+s2] =	stream.linear.scatter [tilespmem:s12], [sflag:$0x2], $0x4000, $0x38;
	[tilespmem:$0x14000] =	vst v63  }
0xbe: {  	s29 =	sadd.s32 $0x800, s19  }
0xbf: {  	[hbm4b:s29+s2] =	stream.linear.scatter [tilespmem:s13], [sflag:$0x2], $0x4000, $0x38;
	[tilespmem:$0x14000] =	vst v63  }
0xc0: {  	s30 =	sadd.s32 $0x1000, s19  }
0xc1: {  	[hbm4b:s30+s2] =	stream.linear.scatter [tilespmem:s14], [sflag:$0x2], $0x4000, $0x38;
	[tilespmem:$0x14000] =	vst v63  }
0xc2: {  	s31 =	sadd.s32 $0x1800, s19  }
0xc3: {  	[hbm4b:s31+s2] =	stream.linear.scatter [tilespmem:s15], [sflag:$0x2], $0x4000, $0x38;
	[tilespmem:$0x14000] =	vst v63  }
0xc4: {  	_ =	swait.ge [sflag:s17], $0x4000  }
0xc5: {  	[sflag:s17] =	ssyncset.done $0x0  }
0xc6: {  	[sflag:s17] =	ssyncadd.s32 $0xFFFFC000  }
0xc7: {  	_ =	swait.ge [sflag:s17], $0x4000  }
0xc8: {  	[sflag:s17] =	ssyncset.done $0x0  }
0xc9: {  	s18 =	sadd.s32 $0x1, s18;
	[sflag:s17] =	ssyncadd.s32 $0xFFFFC000  }
0xca: {  	p0 =	sne.s32 s18, s7;
	_ =	swait.ge [sflag:s17], $0x4000  }
.Ltmp3:
0xcb: {  	[sflag:s17] =	ssyncset.done $0x0;
	(pc) =	sbr.rel @p0 .LBB2_1-.Ltmp3, $4  }
.Ltmp4:
0xcc: {  	[sflag:s17] =	ssyncadd.s32 $0xFFFFC000;
	(pc) =	sbr.rel @!p0 .LBB2_6-.Ltmp4, $4  }
0xcd: {  	_ =	swait.ge [sflag:s17], $0x4000  }
0xce: {  	[sflag:s17] =	ssyncset.done $0x0  }
0xcf: {  	[sflag:s17] =	ssyncadd.s32 $0xFFFFC000  }
0xd0: {  	_ = 	snop  }
.LBB2_2:
.Ltmp5:
0xd1: {  	(pc) =	sbr.rel .LBB2_5-.Ltmp5, $2  }
0xd2: {  	_ =	sdelay $0x2  }
0xd3: {  	s20 =	simm.s32 $0x0;
	s19 =	smov.u32 s8  }
.LBB2_6:
0xd4: {  	_ =	sfence.sel $0x180000  }
0xd5: {  	[bflag:$0x0] =	sbarrier.arrive $0xFFFF  }
0xd6: {  	p0 =	sne.s32 s0, $0x0;
	_ =	strace $0x90000047  }
0xd7: {  	s0 =	sadd.s32 @!p0 $0x100000, s1;
	[bflag:$0x2] =	sbarrier.arrive $0xFFFF  }
0xd8: {  	[sflag:s0] =	ssyncadd.tile.s32 @!p0 $0x1;
	_ =	shalt  }
.Lfunc_end2:
_tile_overlayer_lowered:
.L_overlay_start_2:
0xd9: {  	(tag) =	ssettag $0x2  }
0xda: {  	s0 =	rddreg [dreg:$0x0];
	s2 =	stileid.u32  }
0xdb: {  	s1 =	rddreg [dreg:$0x1];
	p0 =	sne.s32 s2, $0x0  }
0xdc: {  	s3 =	rddreg [dreg:$0x2];
	[bflag:$0x3] =	sbarrier.arrive $0xFFFF;
	s2 =	simm.s32 @!p0 $0x1C03  }
0xdd: {  	[timem:s3], [sflag:s2] =	dma.local @!p0 [hbm:s0], s1  }
0xde: {  	s0 =	simm.s32 @!p0 $0x3  }
0xdf: {  	_ =	swait.ge @!p0 [sflag:s0], s1  }
0xe0: {  	s1 =	ssub.s32 @!p0 $0x0, s1;
	[sflag:s0] =	ssyncset.done @!p0 $0x0  }
0xe1: {  	[sflag:s0] =	ssyncadd.s32 @!p0 s1  }
0xe2: {  	[bflag:$0x3] =	sbarrier.arrive $0xFFFF  }
0xe3: {  	_ =	shalt  }

</sc_bundles>
